<compile_context>
chip_gen: v7x
topology: tpu7x:2x2x1
jax: 0.10.2.dev20260603
libtpu: 0.0.44.dev20260713+nightly
codegen_flags: <defaults>
</compile_context>

<pallas_src>
import jax
import jax.numpy as jnp
from jax import lax
from jax.experimental import pallas as pl
from jax.experimental.pallas import tpu as pltpu
from jax.experimental.pallas import tpu_sc as plsc

CARD = 1000000
K = 16384
PAD_CARD = 1048576
NW = 32
CHUNK = PAD_CARD // NW
LOCAL_CAP = 1024
SORT_N = NW * LOCAL_CAP
INT_MIN = -2147483648


def _k1_body(freq_ref, gumbel_ref, key_ref, meta_ref, eqrow_ref):
    f = freq_ref[...]
    raw = 1.0 / (1.0 + f)
    mx = jnp.max(raw)
    e = jnp.exp(raw - mx)
    s = jnp.sum(e)
    probas = e / s
    logp = jnp.log(probas + 1e-20)
    scores = logp + gumbel_ref[...]
    b = lax.bitcast_convert_type(scores, jnp.int32)
    mkey = jnp.where(b >= 0, b, b ^ jnp.int32(0x7FFFFFFF))
    r = lax.broadcasted_iota(jnp.int32, mkey.shape, 0)
    c = lax.broadcasted_iota(jnp.int32, mkey.shape, 1)
    gidx = r * jnp.int32(mkey.shape[1]) + c
    mkey = jnp.where(gidx < CARD, mkey, jnp.int32(INT_MIN))
    key_ref[...] = mkey

    def body(t, c_acc):
        bit1 = lax.shift_left(jnp.int32(1), 31 - 2 * t)
        bit0 = lax.shift_left(jnp.int32(1), 30 - 2 * t)
        c10 = c_acc | bit1
        c11 = c10 | bit0
        c01 = c_acc | bit0
        flip = jnp.int32(INT_MIN)
        n10 = jnp.sum((mkey >= (c10 ^ flip)).astype(jnp.int32))
        n11 = jnp.sum((mkey >= (c11 ^ flip)).astype(jnp.int32))
        n01 = jnp.sum((mkey >= (c01 ^ flip)).astype(jnp.int32))
        hi = n10 >= K
        c_hi = jnp.where(hi, c10, c_acc)
        lo_cnt = jnp.where(hi, n11, n01)
        return jnp.where(lo_cnt >= K, c_hi | bit0, c_hi)

    c_final = lax.fori_loop(0, 16, body, jnp.int32(0))
    t_signed = c_final ^ jnp.int32(INT_MIN)
    m = jnp.sum((mkey > t_signed).astype(jnp.int32))
    quota = jnp.int32(K) - m
    mr = lax.broadcasted_iota(jnp.int32, meta_ref.shape, 0)
    meta_ref[...] = jnp.where(mr == 0, t_signed, quota)

    eqm = (mkey == t_signed).astype(jnp.int32)
    rows_per_chunk = CHUNK // mkey.shape[1]
    pr = lax.broadcasted_iota(jnp.int32, eqrow_ref.shape, 0)
    ptab = jnp.zeros(eqrow_ref.shape, jnp.int32)
    run = jnp.int32(0)
    for i in range(NW):
        ptab = jnp.where(pr == i, run, ptab)
        run = run + jnp.sum(eqm[i * rows_per_chunk:(i + 1) * rows_per_chunk])
    eqrow_ref[...] = ptab


def _run_k1(freq2d, gumbel2d):
    return pl.pallas_call(
        _k1_body,
        out_shape=(
            jax.ShapeDtypeStruct(freq2d.shape, jnp.int32),
            jax.ShapeDtypeStruct((8, 128), jnp.int32),
            jax.ShapeDtypeStruct((NW, 128), jnp.int32),
        ),
    )(freq2d, gumbel2d)


def _k2_body(keys_hbm, freq_hbm, tq_hbm, ptab_hbm,
             out_kv_hbm, out_iv_hbm, out_freq_hbm,
             mk_v, f_v, padk_v, padi_v, t_v, q_v, p_v, sem):
    wid = lax.axis_index("c") * 16 + lax.axis_index("s")
    base = wid * CHUNK
    lane = lax.broadcasted_iota(jnp.int32, (16,), 0)

    ck = pltpu.async_copy(keys_hbm.at[pl.ds(base, CHUNK)], mk_v, sem)
    cf = pltpu.async_copy(freq_hbm.at[pl.ds(base, CHUNK)], f_v, sem)

    pltpu.sync_copy(tq_hbm.at[0], t_v)
    pltpu.sync_copy(tq_hbm.at[1], q_v)
    pltpu.sync_copy(ptab_hbm.at[wid], p_v)
    t = t_v[pl.ds(0, 16)]
    quota = q_v[pl.ds(0, 16)]
    p_eq = p_v[pl.ds(0, 16)]

    sent_i = jnp.full((16,), PAD_CARD, jnp.int32) + wid * LOCAL_CAP + lane
    sent_k = jnp.full((16,), INT_MIN, jnp.int32)

    @plsc.parallel_loop(0, LOCAL_CAP // 16, 1, unroll=8, carry=sent_i)
    def _(j, si):
        padk_v[pl.ds(j * 16, 16)] = sent_k
        padi_v[pl.ds(j * 16, 16)] = si
        return si + 16

    ck.wait()
    cf.wait()

    one = jnp.ones((16,), jnp.float32)
    zero = jnp.zeros((16,), jnp.float32)
    base_vec = jnp.full((16,), base, jnp.int32)

    @plsc.parallel_loop(0, CHUNK // 16, 1, unroll=8,
                        carry=jnp.zeros((16,), jnp.int32))
    def _(j, sel_run):
        mk = mk_v[pl.ds(j * 16, 16)]
        sel = mk >= t
        pos = sel_run + plsc.cumsum(sel.astype(jnp.int32)) - 1
        pos = jnp.minimum(pos, LOCAL_CAP - 1)
        gidx = base_vec + j * 16 + lane
        plsc.store_scatter(padk_v, [pos], mk, mask=sel)
        plsc.store_scatter(padi_v, [pos], gidx, mask=sel)
        fv = f_v[pl.ds(j * 16, 16)]
        f_v[pl.ds(j * 16, 16)] = fv + jnp.where(mk > t, one, zero)
        return sel_run + plsc.all_reduce_population_count(sel)

    def tbody(j, eq_run):
        pk = padk_v[pl.ds(j * 16, 16)]
        em = pk == t
        tie_rank = p_eq + eq_run + plsc.cumsum(em.astype(jnp.int32)) - 1
        tsel = em & (tie_rank < quota)
        off = padi_v[pl.ds(j * 16, 16)] - base_vec
        off = jnp.clip(off, 0, CHUNK - 1)
        fg = plsc.load_gather(f_v, [off], mask=tsel)
        plsc.store_scatter(f_v, [off], fg + one, mask=tsel)
        return eq_run + plsc.all_reduce_population_count(em)

    _ = lax.fori_loop(0, LOCAL_CAP // 16, tbody, jnp.zeros((16,), jnp.int32))

    n_full = CARD // CHUNK
    rem = CARD - n_full * CHUNK

    @pl.when(wid < n_full)
    def _():
        pltpu.sync_copy(f_v, out_freq_hbm.at[pl.ds(base, CHUNK)])

    @pl.when(wid == n_full)
    def _():
        pltpu.sync_copy(f_v.at[pl.ds(0, rem)],
                        out_freq_hbm.at[pl.ds(n_full * CHUNK, rem)])

    pltpu.sync_copy(padk_v, out_kv_hbm.at[pl.ds(wid * LOCAL_CAP, LOCAL_CAP)])
    pltpu.sync_copy(padi_v, out_iv_hbm.at[pl.ds(wid * LOCAL_CAP, LOCAL_CAP)])


def _run_k2(mkeys_flat, freq_pad, tq, ptab):
    mesh = plsc.VectorSubcoreMesh(
        core_axis_name="c", subcore_axis_name="s", num_cores=2)
    fn = pl.kernel(
        _k2_body,
        compiler_params=pltpu.CompilerParams(needs_layout_passes=False),
        out_type=(
            jax.ShapeDtypeStruct((SORT_N,), jnp.int32),
            jax.ShapeDtypeStruct((SORT_N,), jnp.int32),
            jax.ShapeDtypeStruct((CARD,), jnp.float32),
        ),
        mesh=mesh,
        scratch_types=[
            pltpu.VMEM((CHUNK,), jnp.int32),
            pltpu.VMEM((CHUNK,), jnp.float32),
            pltpu.VMEM((LOCAL_CAP,), jnp.int32),
            pltpu.VMEM((LOCAL_CAP,), jnp.int32),
            pltpu.VMEM((128,), jnp.int32),
            pltpu.VMEM((128,), jnp.int32),
            pltpu.VMEM((128,), jnp.int32),
            pltpu.SemaphoreType.DMA,
        ],
    )
    return fn(mkeys_flat, freq_pad, tq, ptab)


def _k3_body(key_ref, idx_ref, out_ref):
    rows = SORT_N // 128
    xk = key_ref[...]
    xi = idx_ref[...]
    rr = lax.broadcasted_iota(jnp.int32, (rows, 128), 0)
    cc = lax.broadcasted_iota(jnp.int32, (rows, 128), 1)
    jj = rr * 128 + cc

    def cmp_exchange(xk, xi, d, p):
        if d < 128:
            ax, s, n = 1, d, 128
        else:
            ax, s, n = 0, d // 128, rows
        pk_m = pltpu.roll(xk, n - s, ax)
        pk_p = pltpu.roll(xk, s, ax)
        pi_m = pltpu.roll(xi, n - s, ax)
        pi_p = pltpu.roll(xi, s, ax)
        upper = (jj & d) != 0
        pk = jnp.where(upper, pk_p, pk_m)
        pi = jnp.where(upper, pi_p, pi_m)
        dirbit = (jj & (1 << (p + 1))) == 0
        want_small = jnp.logical_xor(upper, dirbit)
        less = (xk > pk) | ((xk == pk) & (xi < pi))
        keep = less == want_small
        return jnp.where(keep, xk, pk), jnp.where(keep, xi, pi)

    log_n = SORT_N.bit_length() - 1
    for p in range(log_n):
        for q in range(p, -1, -1):
            xk, xi = cmp_exchange(xk, xi, 1 << q, p)
    out_ref[...] = xi


def _run_k3(keys, idxs):
    rows = SORT_N // 128
    return pl.pallas_call(
        _k3_body,
        out_shape=jax.ShapeDtypeStruct((rows, 128), jnp.int32),
    )(keys.reshape(rows, 128), idxs.reshape(rows, 128))


@jax.jit
def kernel(item_id, frequencies):
    freq_pad = jnp.pad(frequencies, (0, PAD_CARD - CARD))
    freq2d = freq_pad.reshape(1024, 1024)

    skey = jax.random.key(42)
    u = jax.random.uniform(skey, (CARD,), minval=1e-9, maxval=1.0)
    gumbel = -jnp.log(-jnp.log(u))
    gumbel2d = jnp.pad(gumbel, (0, PAD_CARD - CARD)).reshape(1024, 1024)

    mkeys, tq, ptab = _run_k1(freq2d, gumbel2d)

    pad_keys, pad_idx, new_freq = _run_k2(
        mkeys.reshape(PAD_CARD), freq_pad, tq, ptab)

    sorted_idx = _run_k3(pad_keys, pad_idx)
    negatives = sorted_idx.reshape(SORT_N)[:K]
    return (item_id, negatives, new_freq)

# --- scband reference (transcript-rebuilt; emitter-appended) ---
"""Pipeline reference for scband-frequency-negative-sampling-transform-14130442403852 (READ-ONLY COPY).

The authoritative reference and input builder live on the scoring server;
editing this copy changes nothing except your own understanding.
"""

import jax, jax.numpy as jnp
import numpy as np

CARDINALITY = 1000000
NUM_NEG = 16384
BATCH = 4096
HIST = 50


def setup_inputs(seed: int = 0) -> dict:
    key = jax.random.key(seed)
    k1, = jax.random.split(key, 1)
    item_id = jax.random.randint(k1, (BATCH, HIST), 0, CARDINALITY)
    # frequencies buffer starts at zeros (torch buffer is int64; float32 is
    # numerically identical here since 1.0/(1.0+freq) is computed in float)
    frequencies = jnp.zeros((CARDINALITY,), dtype=jnp.float32)
    return {"item_id": item_id, "frequencies": frequencies}


def reference(item_id, frequencies):
    # get_probas(): raw = 1/(1+freq); softmax over vocab
    raw = 1.0 / (1.0 + frequencies)
    probas = jax.nn.softmax(raw, axis=-1)
    # torch.multinomial(replacement=False, num_samples=k) == Gumbel top-k trick
    skey = jax.random.key(42)
    u = jax.random.uniform(skey, probas.shape, minval=1e-9, maxval=1.0)
    gumbel = -jnp.log(-jnp.log(u))
    scores = jnp.log(probas + 1e-20) + gumbel
    _, negatives = jax.lax.top_k(scores, NUM_NEG)
    # update_probas(): frequencies.index_add_(-1, selected, ones)
    new_frequencies = frequencies.at[negatives].add(1.0)
    # output batch: original features passed through + negative_labels
    return (item_id, negatives, new_frequencies)

if __name__ == "__main__":
    import jax
    _d = setup_inputs()
    print(jax.jit(kernel)(*tuple(_d.values())))

</pallas_src>

<mosaic_0001>
#map = affine_map<(d0, d1) -> (0)>
#map1 = affine_map<(d0, d1) -> (0, 0)>
module attributes {stable_mosaic.version = 14 : i64} {
  func.func @_k2_body(%arg0: i32, %arg1: i32, %arg2: memref<1048576xi32, #tpu.memory_space<hbm>>, %arg3: memref<1048576xf32, #tpu.memory_space<hbm>>, %arg4: memref<8x128xi32, #tpu.memory_space<hbm>>, %arg5: memref<32x128xi32, #tpu.memory_space<hbm>>, %arg6: memref<32768xi32, #tpu.memory_space<hbm>>, %arg7: memref<32768xi32, #tpu.memory_space<hbm>>, %arg8: memref<1000000xf32, #tpu.memory_space<hbm>>, %arg9: memref<32768xi32, #tpu.memory_space<vmem>>, %arg10: memref<32768xf32, #tpu.memory_space<vmem>>, %arg11: memref<1024xi32, #tpu.memory_space<vmem>>, %arg12: memref<1024xi32, #tpu.memory_space<vmem>>, %arg13: memref<128xi32, #tpu.memory_space<vmem>>, %arg14: memref<128xi32, #tpu.memory_space<vmem>>, %arg15: memref<128xi32, #tpu.memory_space<vmem>>, %arg16: memref<!tpu.dma_semaphore, #tpu.memory_space<semaphore_mem>>) attributes {dimension_semantics = [#tpu.dimension_semantics<core_parallel>, #tpu.dimension_semantics<subcore_parallel>], iteration_bounds = array<i64: 2, 16>, scalar_prefetch = 0 : i64, scratch_operands = 8 : i64, tpu.core_type = #tpu.core_type<sc_vector_subcore>, window_params = [{transform_indices = #map}, {transform_indices = #map}, {transform_indices = #map1}, {transform_indices = #map1}, {transform_indices = #map}, {transform_indices = #map}, {transform_indices = #map}]} {
    %mul3A = arith.constant 16 : i32
    %mul3A_0 = arith.muli %arg0, %mul3A : i32
    %add3A = arith.addi %mul3A_0, %arg1 : i32
    %mul3A_1 = arith.constant 32768 : i32
    %mul3A_2 = arith.muli %add3A, %mul3A_1 : i32
    %iota3A = tpu.iota {dimensions = array<i32: 0>} : vector<16xi32>
    %dma_start3A = tpu.memref_slice %arg2[%mul3A_2] : memref<1048576xi32, #tpu.memory_space<hbm>> -> memref<32768xi32, #tpu.memory_space<hbm>>
    %dma_start3A_3 = tpu.memref_slice %arg2[%mul3A_2] : memref<1048576xi32, #tpu.memory_space<hbm>> -> memref<32768xi32, #tpu.memory_space<hbm>>
    tpu.enqueue_dma source(%dma_start3A_3 : memref<32768xi32, #tpu.memory_space<hbm>>) target(%arg9 : memref<32768xi32, #tpu.memory_space<vmem>>) target_semaphore(%arg16 : memref<!tpu.dma_semaphore, #tpu.memory_space<semaphore_mem>>)
    %dma_start3A_4 = tpu.memref_slice %arg3[%mul3A_2] : memref<1048576xf32, #tpu.memory_space<hbm>> -> memref<32768xf32, #tpu.memory_space<hbm>>
    %dma_start3A_5 = tpu.memref_slice %arg3[%mul3A_2] : memref<1048576xf32, #tpu.memory_space<hbm>> -> memref<32768xf32, #tpu.memory_space<hbm>>
    tpu.enqueue_dma source(%dma_start3A_5 : memref<32768xf32, #tpu.memory_space<hbm>>) target(%arg10 : memref<32768xf32, #tpu.memory_space<vmem>>) target_semaphore(%arg16 : memref<!tpu.dma_semaphore, #tpu.memory_space<semaphore_mem>>)
    %run_scoped3A = arith.constant 0 : i32
    "tpu.region"() ({
      %run_scoped3A_54 = tpu.sem_alloc : memref<!tpu.dma_semaphore, #tpu.memory_space<semaphore_mem>>
      %dma_start3A_55 = arith.constant 0 : i32
      %dma_start3A_56 = tpu.memref_slice %arg4[%run_scoped3A, %dma_start3A_55] : memref<8x128xi32, #tpu.memory_space<hbm>> -> memref<1x128xi32, #tpu.memory_space<hbm>>
      %dma_start3A_57 = tpu.memref_squeeze %dma_start3A_56 : memref<1x128xi32, #tpu.memory_space<hbm>> -> memref<128xi32, #tpu.memory_space<hbm>>
      %dma_start3A_58 = arith.constant 0 : i32
      %dma_start3A_59 = tpu.memref_slice %arg4[%run_scoped3A, %dma_start3A_58] : memref<8x128xi32, #tpu.memory_space<hbm>> -> memref<1x128xi32, #tpu.memory_space<hbm>>
      %dma_start3A_60 = tpu.memref_squeeze %dma_start3A_59 : memref<1x128xi32, #tpu.memory_space<hbm>> -> memref<128xi32, #tpu.memory_space<hbm>>
      tpu.enqueue_dma source(%dma_start3A_60 : memref<128xi32, #tpu.memory_space<hbm>>) target(%arg13 : memref<128xi32, #tpu.memory_space<vmem>>) target_semaphore(%run_scoped3A_54 : memref<!tpu.dma_semaphore, #tpu.memory_space<semaphore_mem>>)
      %dma_wait3A_61 = arith.constant 0 : i32
      %dma_wait3A_62 = tpu.memref_slice %arg4[%run_scoped3A, %dma_wait3A_61] : memref<8x128xi32, #tpu.memory_space<hbm>> -> memref<1x128xi32, #tpu.memory_space<hbm>>
      %dma_wait3A_63 = tpu.memref_squeeze %dma_wait3A_62 : memref<1x128xi32, #tpu.memory_space<hbm>> -> memref<128xi32, #tpu.memory_space<hbm>>
      %dma_wait3A_64 = arith.constant 0 : i32
      %dma_wait3A_65 = tpu.memref_slice %arg4[%run_scoped3A, %dma_wait3A_64] : memref<8x128xi32, #tpu.memory_space<hbm>> -> memref<1x128xi32, #tpu.memory_space<hbm>>
      %dma_wait3A_66 = tpu.memref_squeeze %dma_wait3A_65 : memref<1x128xi32, #tpu.memory_space<hbm>> -> memref<128xi32, #tpu.memory_space<hbm>>
      tpu.wait_dma2 semaphore(%run_scoped3A_54 : memref<!tpu.dma_semaphore, #tpu.memory_space<semaphore_mem>>) src(%dma_wait3A_66 : memref<128xi32, #tpu.memory_space<hbm>>) dst(%arg13 : memref<128xi32, #tpu.memory_space<vmem>>)
      tpu.yield
    }) : () -> ()
    %run_scoped3A_6 = arith.constant 1 : i32
    "tpu.region"() ({
      %run_scoped3A_54 = tpu.sem_alloc : memref<!tpu.dma_semaphore, #tpu.memory_space<semaphore_mem>>
      %dma_start3A_55 = arith.constant 0 : i32
      %dma_start3A_56 = tpu.memref_slice %arg4[%run_scoped3A_6, %dma_start3A_55] : memref<8x128xi32, #tpu.memory_space<hbm>> -> memref<1x128xi32, #tpu.memory_space<hbm>>
      %dma_start3A_57 = tpu.memref_squeeze %dma_start3A_56 : memref<1x128xi32, #tpu.memory_space<hbm>> -> memref<128xi32, #tpu.memory_space<hbm>>
      %dma_start3A_58 = arith.constant 0 : i32
      %dma_start3A_59 = tpu.memref_slice %arg4[%run_scoped3A_6, %dma_start3A_58] : memref<8x128xi32, #tpu.memory_space<hbm>> -> memref<1x128xi32, #tpu.memory_space<hbm>>
      %dma_start3A_60 = tpu.memref_squeeze %dma_start3A_59 : memref<1x128xi32, #tpu.memory_space<hbm>> -> memref<128xi32, #tpu.memory_space<hbm>>
      tpu.enqueue_dma source(%dma_start3A_60 : memref<128xi32, #tpu.memory_space<hbm>>) target(%arg14 : memref<128xi32, #tpu.memory_space<vmem>>) target_semaphore(%run_scoped3A_54 : memref<!tpu.dma_semaphore, #tpu.memory_space<semaphore_mem>>)
      %dma_wait3A_61 = arith.constant 0 : i32
      %dma_wait3A_62 = tpu.memref_slice %arg4[%run_scoped3A_6, %dma_wait3A_61] : memref<8x128xi32, #tpu.memory_space<hbm>> -> memref<1x128xi32, #tpu.memory_space<hbm>>
      %dma_wait3A_63 = tpu.memref_squeeze %dma_wait3A_62 : memref<1x128xi32, #tpu.memory_space<hbm>> -> memref<128xi32, #tpu.memory_space<hbm>>
      %dma_wait3A_64 = arith.constant 0 : i32
      %dma_wait3A_65 = tpu.memref_slice %arg4[%run_scoped3A_6, %dma_wait3A_64] : memref<8x128xi32, #tpu.memory_space<hbm>> -> memref<1x128xi32, #tpu.memory_space<hbm>>
      %dma_wait3A_66 = tpu.memref_squeeze %dma_wait3A_65 : memref<1x128xi32, #tpu.memory_space<hbm>> -> memref<128xi32, #tpu.memory_space<hbm>>
      tpu.wait_dma2 semaphore(%run_scoped3A_54 : memref<!tpu.dma_semaphore, #tpu.memory_space<semaphore_mem>>) src(%dma_wait3A_66 : memref<128xi32, #tpu.memory_space<hbm>>) dst(%arg14 : memref<128xi32, #tpu.memory_space<vmem>>)
      tpu.yield
    }) : () -> ()
    "tpu.region"() ({
      %run_scoped3A_54 = tpu.sem_alloc : memref<!tpu.dma_semaphore, #tpu.memory_space<semaphore_mem>>
      %dma_start3A_55 = arith.constant 0 : i32
      %dma_start3A_56 = tpu.memref_slice %arg5[%add3A, %dma_start3A_55] : memref<32x128xi32, #tpu.memory_space<hbm>> -> memref<1x128xi32, #tpu.memory_space<hbm>>
      %dma_start3A_57 = tpu.memref_squeeze %dma_start3A_56 : memref<1x128xi32, #tpu.memory_space<hbm>> -> memref<128xi32, #tpu.memory_space<hbm>>
      %dma_start3A_58 = arith.constant 0 : i32
      %dma_start3A_59 = tpu.memref_slice %arg5[%add3A, %dma_start3A_58] : memref<32x128xi32, #tpu.memory_space<hbm>> -> memref<1x128xi32, #tpu.memory_space<hbm>>
      %dma_start3A_60 = tpu.memref_squeeze %dma_start3A_59 : memref<1x128xi32, #tpu.memory_space<hbm>> -> memref<128xi32, #tpu.memory_space<hbm>>
      tpu.enqueue_dma source(%dma_start3A_60 : memref<128xi32, #tpu.memory_space<hbm>>) target(%arg15 : memref<128xi32, #tpu.memory_space<vmem>>) target_semaphore(%run_scoped3A_54 : memref<!tpu.dma_semaphore, #tpu.memory_space<semaphore_mem>>)
      %dma_wait3A_61 = arith.constant 0 : i32
      %dma_wait3A_62 = tpu.memref_slice %arg5[%add3A, %dma_wait3A_61] : memref<32x128xi32, #tpu.memory_space<hbm>> -> memref<1x128xi32, #tpu.memory_space<hbm>>
      %dma_wait3A_63 = tpu.memref_squeeze %dma_wait3A_62 : memref<1x128xi32, #tpu.memory_space<hbm>> -> memref<128xi32, #tpu.memory_space<hbm>>
      %dma_wait3A_64 = arith.constant 0 : i32
      %dma_wait3A_65 = tpu.memref_slice %arg5[%add3A, %dma_wait3A_64] : memref<32x128xi32, #tpu.memory_space<hbm>> -> memref<1x128xi32, #tpu.memory_space<hbm>>
      %dma_wait3A_66 = tpu.memref_squeeze %dma_wait3A_65 : memref<1x128xi32, #tpu.memory_space<hbm>> -> memref<128xi32, #tpu.memory_space<hbm>>
      tpu.wait_dma2 semaphore(%run_scoped3A_54 : memref<!tpu.dma_semaphore, #tpu.memory_space<semaphore_mem>>) src(%dma_wait3A_66 : memref<128xi32, #tpu.memory_space<hbm>>) dst(%arg15 : memref<128xi32, #tpu.memory_space<vmem>>)
      tpu.yield
    }) : () -> ()
    %get3A = arith.constant 0 : index
    %get3A_7 = tpu.vector_load %arg13[%get3A] {strides = array<i32>} : memref<128xi32, #tpu.memory_space<vmem>>, vector<16xi32>,
    %get3A_8 = arith.constant 0 : index
    %get3A_9 = tpu.vector_load %arg14[%get3A_8] {strides = array<i32>} : memref<128xi32, #tpu.memory_space<vmem>>, vector<16xi32>,
    %get3A_10 = arith.constant 0 : index
    %get3A_11 = tpu.vector_load %arg15[%get3A_10] {strides = array<i32>} : memref<128xi32, #tpu.memory_space<vmem>>, vector<16xi32>,
    %broadcast_in_dim3A = arith.constant 1048576 : i32
    %broadcast_in_dim3A_12 = vector.broadcast %broadcast_in_dim3A : i32 to vector<16xi32>
    %mul3A_13 = arith.constant 1024 : i32
    %mul3A_14 = arith.muli %add3A, %mul3A_13 : i32
    %add3A_15 = vector.broadcast %mul3A_14 : i32 to vector<16xi32>
    %add3A_16 = arith.addi %broadcast_in_dim3A_12, %add3A_15 : vector<16xi32>
    %add3A_17 = arith.addi %add3A_16, %iota3A : vector<16xi32>
    %broadcast_in_dim3A_18 = arith.constant -2147483648 : i32
    %broadcast_in_dim3A_19 = vector.broadcast %broadcast_in_dim3A_18 : i32 to vector<16xi32>
    %parallel_loop3A = arith.constant 0 : i32
    %parallel_loop3A_20 = arith.constant 64 : i32
    %parallel_loop3A_21 = arith.constant 1 : i32
    %parallel_loop3A_22 = scf.for %parallel_loop3A_54 = %parallel_loop3A to %parallel_loop3A_20 step %parallel_loop3A_21 iter_args(%parallel_loop3A_55 = %add3A_17) -> (vector<16xi32>)  : i32 {
      %parallel_loop3A_56 = arith.constant 16 : i32
      %parallel_loop3A_57 = arith.muli %parallel_loop3A_54, %parallel_loop3A_56 : i32
      %parallel_loop3A_58 = arith.index_cast %parallel_loop3A_57 : i32 to index
      %parallel_loop3A_59 = tpu.vector_load %arg11[%parallel_loop3A_58] {strides = array<i32>} : memref<1024xi32, #tpu.memory_space<vmem>>, vector<16xi32>,
      tpu.vector_store %arg11[%parallel_loop3A_58], %broadcast_in_dim3A_19 {strides = array<i32>} : memref<1024xi32, #tpu.memory_space<vmem>>, vector<16xi32>,
      %parallel_loop3A_60 = arith.constant 16 : i32
      %parallel_loop3A_61 = arith.muli %parallel_loop3A_54, %parallel_loop3A_60 : i32
      %parallel_loop3A_62 = arith.index_cast %parallel_loop3A_61 : i32 to index
      %parallel_loop3A_63 = tpu.vector_load %arg12[%parallel_loop3A_62] {strides = array<i32>} : memref<1024xi32, #tpu.memory_space<vmem>>, vector<16xi32>,
      tpu.vector_store %arg12[%parallel_loop3A_62], %parallel_loop3A_55 {strides = array<i32>} : memref<1024xi32, #tpu.memory_space<vmem>>, vector<16xi32>,
      %parallel_loop3A_64 = arith.constant 16 : i32
      %parallel_loop3A_65 = vector.broadcast %parallel_loop3A_64 : i32 to vector<16xi32>
      %parallel_loop3A_66 = arith.addi %parallel_loop3A_55, %parallel_loop3A_65 : vector<16xi32>
      scf.yield %parallel_loop3A_66 : vector<16xi32>
    } {sc.loop_unroll_factor = 8 : i64, sc.parallel_access}
    %dma_wait3A = tpu.memref_slice %arg2[%mul3A_2] : memref<1048576xi32, #tpu.memory_space<hbm>> -> memref<32768xi32, #tpu.memory_space<hbm>>
    %dma_wait3A_23 = tpu.memref_slice %arg2[%mul3A_2] : memref<1048576xi32, #tpu.memory_space<hbm>> -> memref<32768xi32, #tpu.memory_space<hbm>>
    tpu.wait_dma2 semaphore(%arg16 : memref<!tpu.dma_semaphore, #tpu.memory_space<semaphore_mem>>) src(%dma_wait3A_23 : memref<32768xi32, #tpu.memory_space<hbm>>) dst(%arg9 : memref<32768xi32, #tpu.memory_space<vmem>>)
    %dma_wait3A_24 = tpu.memref_slice %arg3[%mul3A_2] : memref<1048576xf32, #tpu.memory_space<hbm>> -> memref<32768xf32, #tpu.memory_space<hbm>>
    %dma_wait3A_25 = tpu.memref_slice %arg3[%mul3A_2] : memref<1048576xf32, #tpu.memory_space<hbm>> -> memref<32768xf32, #tpu.memory_space<hbm>>
    tpu.wait_dma2 semaphore(%arg16 : memref<!tpu.dma_semaphore, #tpu.memory_space<semaphore_mem>>) src(%dma_wait3A_25 : memref<32768xf32, #tpu.memory_space<hbm>>) dst(%arg10 : memref<32768xf32, #tpu.memory_space<vmem>>)
    %broadcast_in_dim3A_26 = arith.constant 1.000000e+00 : f32
    %broadcast_in_dim3A_27 = vector.broadcast %broadcast_in_dim3A_26 : f32 to vector<16xf32>
    %broadcast_in_dim3A_28 = arith.constant 0.000000e+00 : f32
    %broadcast_in_dim3A_29 = vector.broadcast %broadcast_in_dim3A_28 : f32 to vector<16xf32>
    %broadcast_in_dim3A_30 = vector.broadcast %mul3A_2 : i32 to vector<16xi32>
    %broadcast_in_dim3A_31 = arith.constant 0 : i32
    %broadcast_in_dim3A_32 = vector.broadcast %broadcast_in_dim3A_31 : i32 to vector<16xi32>
    %parallel_loop3A_33 = arith.constant 0 : i32
    %parallel_loop3A_34 = arith.constant 2048 : i32
    %parallel_loop3A_35 = arith.constant 1 : i32
    %parallel_loop3A_36 = scf.for %parallel_loop3A_54 = %parallel_loop3A_33 to %parallel_loop3A_34 step %parallel_loop3A_35 iter_args(%parallel_loop3A_55 = %broadcast_in_dim3A_32) -> (vector<16xi32>)  : i32 {
      %parallel_loop3A_56 = arith.constant 16 : i32
      %parallel_loop3A_57 = arith.muli %parallel_loop3A_54, %parallel_loop3A_56 : i32
      %parallel_loop3A_58 = arith.index_cast %parallel_loop3A_57 : i32 to index
      %parallel_loop3A_59 = tpu.vector_load %arg9[%parallel_loop3A_58] {strides = array<i32>} : memref<32768xi32, #tpu.memory_space<vmem>>, vector<16xi32>,
      %parallel_loop3A_60 = arith.cmpi sge, %parallel_loop3A_59, %get3A_7 : vector<16xi32>
      %parallel_loop3A_61 = arith.extui %parallel_loop3A_60 : vector<16xi1> to vector<16xi32>
      %parallel_loop3A_62 = arith.constant true
      %parallel_loop3A_63 = vector.broadcast %parallel_loop3A_62 : i1 to vector<16xi1>
      %parallel_loop3A_64 = tpu.scan <sum>, %parallel_loop3A_61 masked %parallel_loop3A_63 : vector<16xi32>, vector<16xi1> -> vector<16xi32>
      %parallel_loop3A_65 = arith.addi %parallel_loop3A_55, %parallel_loop3A_64 : vector<16xi32>
      %parallel_loop3A_66 = arith.constant 1 : i32
      %parallel_loop3A_67 = vector.broadcast %parallel_loop3A_66 : i32 to vector<16xi32>
      %parallel_loop3A_68 = arith.subi %parallel_loop3A_65, %parallel_loop3A_67 : vector<16xi32>
      %parallel_loop3A_69 = arith.constant 1023 : i32
      %parallel_loop3A_70 = vector.broadcast %parallel_loop3A_69 : i32 to vector<16xi32>
      %parallel_loop3A_71 = arith.minsi %parallel_loop3A_68, %parallel_loop3A_70 : vector<16xi32>
      %parallel_loop3A_72 = arith.constant 16 : i32
      %parallel_loop3A_73 = arith.muli %parallel_loop3A_54, %parallel_loop3A_72 : i32
      %parallel_loop3A_74 = vector.broadcast %parallel_loop3A_73 : i32 to vector<16xi32>
      %parallel_loop3A_75 = arith.addi %broadcast_in_dim3A_30, %parallel_loop3A_74 : vector<16xi32>
      %parallel_loop3A_76 = arith.addi %parallel_loop3A_75, %iota3A : vector<16xi32>
      tpu.vector_store_idx %arg11[%parallel_loop3A_71], %parallel_loop3A_59 masked %parallel_loop3A_60 : memref<1024xi32, #tpu.memory_space<vmem>>[vector<16xi32>], vector<16xi32>, vector<16xi1>
      tpu.vector_store_idx %arg12[%parallel_loop3A_71], %parallel_loop3A_76 masked %parallel_loop3A_60 : memref<1024xi32, #tpu.memory_space<vmem>>[vector<16xi32>], vector<16xi32>, vector<16xi1>
      %parallel_loop3A_77 = arith.constant 16 : i32
      %parallel_loop3A_78 = arith.muli %parallel_loop3A_54, %parallel_loop3A_77 : i32
      %parallel_loop3A_79 = arith.index_cast %parallel_loop3A_78 : i32 to index
      %parallel_loop3A_80 = tpu.vector_load %arg10[%parallel_loop3A_79] {strides = array<i32>} : memref<32768xf32, #tpu.memory_space<vmem>>, vector<16xf32>,
      %parallel_loop3A_81 = arith.cmpi sgt, %parallel_loop3A_59, %get3A_7 : vector<16xi32>
      %parallel_loop3A_82 = arith.select %parallel_loop3A_81, %broadcast_in_dim3A_27, %broadcast_in_dim3A_29 : vector<16xi1>, vector<16xf32>
      %parallel_loop3A_83 = arith.addf %parallel_loop3A_80, %parallel_loop3A_82 : vector<16xf32>
      %parallel_loop3A_84 = arith.constant 16 : i32
      %parallel_loop3A_85 = arith.muli %parallel_loop3A_54, %parallel_loop3A_84 : i32
      %parallel_loop3A_86 = arith.index_cast %parallel_loop3A_85 : i32 to index
      %parallel_loop3A_87 = tpu.vector_load %arg10[%parallel_loop3A_86] {strides = array<i32>} : memref<32768xf32, #tpu.memory_space<vmem>>, vector<16xf32>,
      tpu.vector_store %arg10[%parallel_loop3A_86], %parallel_loop3A_83 {strides = array<i32>} : memref<32768xf32, #tpu.memory_space<vmem>>, vector<16xf32>,
      %parallel_loop3A_88 = tpu.all_reduce %parallel_loop3A_60 {dim = 0 : i64, kind = #tpu.reduction_kind<sum>} : vector<16xi1> -> vector<16xi32>
      %parallel_loop3A_89 = arith.addi %parallel_loop3A_55, %parallel_loop3A_88 : vector<16xi32>
      scf.yield %parallel_loop3A_89 : vector<16xi32>
    } {sc.loop_unroll_factor = 8 : i64, sc.parallel_access}
    %broadcast_in_dim3A_37 = arith.constant 0 : i32
    %broadcast_in_dim3A_38 = vector.broadcast %broadcast_in_dim3A_37 : i32 to vector<16xi32>
    %scan3A = arith.constant 0 : i32
    %scan3A_39 = arith.constant 64 : i32
    %scan3A_40 = arith.addi %scan3A, %scan3A_39 : i32
    %scan3A_41 = arith.constant 1 : i32
    %scan3A_42 = scf.for %scan3A_54 = %scan3A to %scan3A_40 step %scan3A_41 iter_args(%scan3A_55 = %broadcast_in_dim3A_38) -> (vector<16xi32>)  : i32 {
      %mul3A_56 = arith.constant 16 : i32
      %mul3A_57 = arith.muli %scan3A_54, %mul3A_56 : i32
      %get3A_58 = arith.index_cast %mul3A_57 : i32 to index
      %get3A_59 = tpu.vector_load %arg11[%get3A_58] {strides = array<i32>} : memref<1024xi32, #tpu.memory_space<vmem>>, vector<16xi32>,
      %eq3A_60 = arith.cmpi eq, %get3A_59, %get3A_7 : vector<16xi32>
      %add3A_61 = arith.addi %get3A_11, %scan3A_55 : vector<16xi32>
      %convert_element_type3A_62 = arith.extui %eq3A_60 : vector<16xi1> to vector<16xi32>
      %broadcast_in_dim3A_63 = arith.constant true
      %broadcast_in_dim3A_64 = vector.broadcast %broadcast_in_dim3A_63 : i1 to vector<16xi1>
      %masked_cumsum3A = tpu.scan <sum>, %convert_element_type3A_62 masked %broadcast_in_dim3A_64 : vector<16xi32>, vector<16xi1> -> vector<16xi32>
      %add3A_65 = arith.addi %add3A_61, %masked_cumsum3A : vector<16xi32>
      %sub3A = arith.constant 1 : i32
      %sub3A_66 = vector.broadcast %sub3A : i32 to vector<16xi32>
      %sub3A_67 = arith.subi %add3A_65, %sub3A_66 : vector<16xi32>
      %lt3A_68 = arith.cmpi slt, %sub3A_67, %get3A_9 : vector<16xi32>
      %and3A = arith.andi %eq3A_60, %lt3A_68 : vector<16xi1>
      %mul3A_69 = arith.constant 16 : i32
      %mul3A_70 = arith.muli %scan3A_54, %mul3A_69 : i32
      %get3A_71 = arith.index_cast %mul3A_70 : i32 to index
      %get3A_72 = tpu.vector_load %arg12[%get3A_71] {strides = array<i32>} : memref<1024xi32, #tpu.memory_space<vmem>>, vector<16xi32>,
      %sub3A_73 = arith.subi %get3A_72, %broadcast_in_dim3A_30 : vector<16xi32>
      %jit3A = arith.constant 0 : i32
      %jit3A_74 = arith.constant 32767 : i32
      %max3A = vector.broadcast %jit3A : i32 to vector<16xi32>
      %max3A_75 = arith.maxsi %max3A, %sub3A_73 : vector<16xi32>
      %min3A = vector.broadcast %jit3A_74 : i32 to vector<16xi32>
      %min3A_76 = arith.minsi %min3A, %max3A_75 : vector<16xi32>
      %gather3A = tpu.vector_load_idx %arg10[%min3A_76] masked %and3A : memref<32768xf32, #tpu.memory_space<vmem>>[vector<16xi32>], vector<16xf32>, vector<16xi1>
      %add3A_77 = arith.addf %gather3A, %broadcast_in_dim3A_27 : vector<16xf32>
      tpu.vector_store_idx %arg10[%min3A_76], %add3A_77 masked %and3A : memref<32768xf32, #tpu.memory_space<vmem>>[vector<16xi32>], vector<16xf32>, vector<16xi1>
      %all_reduce_population_count3A = tpu.all_reduce %eq3A_60 {dim = 0 : i64, kind = #tpu.reduction_kind<sum>} : vector<16xi1> -> vector<16xi32>
      %add3A_78 = arith.addi %scan3A_55, %all_reduce_population_count3A : vector<16xi32>
      scf.yield %add3A_78 : vector<16xi32>
    }
    %scan3A_43 = arith.constant 64 : i32
    %lt3A = arith.constant 30 : i32
    %lt3A_44 = arith.cmpi slt, %add3A, %lt3A : i32
    %convert_element_type3A = arith.extui %lt3A_44 : i1 to i32
    %cond3A = arith.constant 0 : i32
    %cond3A_45 = arith.cmpi ne, %convert_element_type3A, %cond3A : i32
    scf.if %cond3A_45 {
      "tpu.region"() ({
        %run_scoped3A_54 = tpu.sem_alloc : memref<!tpu.dma_semaphore, #tpu.memory_space<semaphore_mem>>
        %dma_start3A_55 = tpu.memref_slice %arg8[%mul3A_2] : memref<1000000xf32, #tpu.memory_space<hbm>> -> memref<32768xf32, #tpu.memory_space<hbm>>
        %dma_start3A_56 = tpu.memref_slice %arg8[%mul3A_2] : memref<1000000xf32, #tpu.memory_space<hbm>> -> memref<32768xf32, #tpu.memory_space<hbm>>
        tpu.enqueue_dma source(%arg10 : memref<32768xf32, #tpu.memory_space<vmem>>) target(%dma_start3A_56 : memref<32768xf32, #tpu.memory_space<hbm>>) target_semaphore(%run_scoped3A_54 : memref<!tpu.dma_semaphore, #tpu.memory_space<semaphore_mem>>)
        %dma_wait3A_57 = tpu.memref_slice %arg8[%mul3A_2] : memref<1000000xf32, #tpu.memory_space<hbm>> -> memref<32768xf32, #tpu.memory_space<hbm>>
        %dma_wait3A_58 = tpu.memref_slice %arg8[%mul3A_2] : memref<1000000xf32, #tpu.memory_space<hbm>> -> memref<32768xf32, #tpu.memory_space<hbm>>
        tpu.wait_dma2 semaphore(%run_scoped3A_54 : memref<!tpu.dma_semaphore, #tpu.memory_space<semaphore_mem>>) src(%arg10 : memref<32768xf32, #tpu.memory_space<vmem>>) dst(%dma_wait3A_58 : memref<32768xf32, #tpu.memory_space<hbm>>)
        tpu.yield
      }) : () -> ()
    } else {
    }
    %eq3A = arith.constant 30 : i32
    %eq3A_46 = arith.cmpi eq, %add3A, %eq3A : i32
    %convert_element_type3A_47 = arith.extui %eq3A_46 : i1 to i32
    %cond3A_48 = arith.constant 0 : i32
    %cond3A_49 = arith.cmpi ne, %convert_element_type3A_47, %cond3A_48 : i32
    scf.if %cond3A_49 {
      "tpu.region"() ({
        %run_scoped3A_54 = tpu.sem_alloc : memref<!tpu.dma_semaphore, #tpu.memory_space<semaphore_mem>>
        %dma_start3A_55 = arith.constant 0 : i32
        %dma_start3A_56 = tpu.memref_slice %arg10[%dma_start3A_55] : memref<32768xf32, #tpu.memory_space<vmem>> -> memref<16960xf32, #tpu.memory_space<vmem>>
        %dma_start3A_57 = arith.constant 983040 : i32
        %dma_start3A_58 = tpu.memref_slice %arg8[%dma_start3A_57] : memref<1000000xf32, #tpu.memory_space<hbm>> -> memref<16960xf32, #tpu.memory_space<hbm>>
        %dma_start3A_59 = arith.constant 983040 : i32
        %dma_start3A_60 = tpu.memref_slice %arg8[%dma_start3A_59] : memref<1000000xf32, #tpu.memory_space<hbm>> -> memref<16960xf32, #tpu.memory_space<hbm>>
        %dma_start3A_61 = arith.constant 0 : i32
        %dma_start3A_62 = tpu.memref_slice %arg10[%dma_start3A_61] : memref<32768xf32, #tpu.memory_space<vmem>> -> memref<16960xf32, #tpu.memory_space<vmem>>
        tpu.enqueue_dma source(%dma_start3A_62 : memref<16960xf32, #tpu.memory_space<vmem>>) target(%dma_start3A_60 : memref<16960xf32, #tpu.memory_space<hbm>>) target_semaphore(%run_scoped3A_54 : memref<!tpu.dma_semaphore, #tpu.memory_space<semaphore_mem>>)
        %dma_wait3A_63 = arith.constant 0 : i32
        %dma_wait3A_64 = tpu.memref_slice %arg10[%dma_wait3A_63] : memref<32768xf32, #tpu.memory_space<vmem>> -> memref<16960xf32, #tpu.memory_space<vmem>>
        %dma_wait3A_65 = arith.constant 983040 : i32
        %dma_wait3A_66 = tpu.memref_slice %arg8[%dma_wait3A_65] : memref<1000000xf32, #tpu.memory_space<hbm>> -> memref<16960xf32, #tpu.memory_space<hbm>>
        %dma_wait3A_67 = arith.constant 983040 : i32
        %dma_wait3A_68 = tpu.memref_slice %arg8[%dma_wait3A_67] : memref<1000000xf32, #tpu.memory_space<hbm>> -> memref<16960xf32, #tpu.memory_space<hbm>>
        %dma_wait3A_69 = arith.constant 0 : i32
        %dma_wait3A_70 = tpu.memref_slice %arg10[%dma_wait3A_69] : memref<32768xf32, #tpu.memory_space<vmem>> -> memref<16960xf32, #tpu.memory_space<vmem>>
        tpu.wait_dma2 semaphore(%run_scoped3A_54 : memref<!tpu.dma_semaphore, #tpu.memory_space<semaphore_mem>>) src(%dma_wait3A_70 : memref<16960xf32, #tpu.memory_space<vmem>>) dst(%dma_wait3A_68 : memref<16960xf32, #tpu.memory_space<hbm>>)
        tpu.yield
      }) : () -> ()
    } else {
    }
    %mul3A_50 = arith.constant 1024 : i32
    %mul3A_51 = arith.muli %add3A, %mul3A_50 : i32
    "tpu.region"() ({
      %run_scoped3A_54 = tpu.sem_alloc : memref<!tpu.dma_semaphore, #tpu.memory_space<semaphore_mem>>
      %dma_start3A_55 = tpu.memref_slice %arg6[%mul3A_51] : memref<32768xi32, #tpu.memory_space<hbm>> -> memref<1024xi32, #tpu.memory_space<hbm>>
      %dma_start3A_56 = tpu.memref_slice %arg6[%mul3A_51] : memref<32768xi32, #tpu.memory_space<hbm>> -> memref<1024xi32, #tpu.memory_space<hbm>>
      tpu.enqueue_dma source(%arg11 : memref<1024xi32, #tpu.memory_space<vmem>>) target(%dma_start3A_56 : memref<1024xi32, #tpu.memory_space<hbm>>) target_semaphore(%run_scoped3A_54 : memref<!tpu.dma_semaphore, #tpu.memory_space<semaphore_mem>>)
      %dma_wait3A_57 = tpu.memref_slice %arg6[%mul3A_51] : memref<32768xi32, #tpu.memory_space<hbm>> -> memref<1024xi32, #tpu.memory_space<hbm>>
      %dma_wait3A_58 = tpu.memref_slice %arg6[%mul3A_51] : memref<32768xi32, #tpu.memory_space<hbm>> -> memref<1024xi32, #tpu.memory_space<hbm>>
      tpu.wait_dma2 semaphore(%run_scoped3A_54 : memref<!tpu.dma_semaphore, #tpu.memory_space<semaphore_mem>>) src(%arg11 : memref<1024xi32, #tpu.memory_space<vmem>>) dst(%dma_wait3A_58 : memref<1024xi32, #tpu.memory_space<hbm>>)
      tpu.yield
    }) : () -> ()
    %mul3A_52 = arith.constant 1024 : i32
    %mul3A_53 = arith.muli %add3A, %mul3A_52 : i32
    "tpu.region"() ({
      %run_scoped3A_54 = tpu.sem_alloc : memref<!tpu.dma_semaphore, #tpu.memory_space<semaphore_mem>>
      %dma_start3A_55 = tpu.memref_slice %arg7[%mul3A_53] : memref<32768xi32, #tpu.memory_space<hbm>> -> memref<1024xi32, #tpu.memory_space<hbm>>
      %dma_start3A_56 = tpu.memref_slice %arg7[%mul3A_53] : memref<32768xi32, #tpu.memory_space<hbm>> -> memref<1024xi32, #tpu.memory_space<hbm>>
      tpu.enqueue_dma source(%arg12 : memref<1024xi32, #tpu.memory_space<vmem>>) target(%dma_start3A_56 : memref<1024xi32, #tpu.memory_space<hbm>>) target_semaphore(%run_scoped3A_54 : memref<!tpu.dma_semaphore, #tpu.memory_space<semaphore_mem>>)
      %dma_wait3A_57 = tpu.memref_slice %arg7[%mul3A_53] : memref<32768xi32, #tpu.memory_space<hbm>> -> memref<1024xi32, #tpu.memory_space<hbm>>
      %dma_wait3A_58 = tpu.memref_slice %arg7[%mul3A_53] : memref<32768xi32, #tpu.memory_space<hbm>> -> memref<1024xi32, #tpu.memory_space<hbm>>
      tpu.wait_dma2 semaphore(%run_scoped3A_54 : memref<!tpu.dma_semaphore, #tpu.memory_space<semaphore_mem>>) src(%arg12 : memref<1024xi32, #tpu.memory_space<vmem>>) dst(%dma_wait3A_58 : memref<1024xi32, #tpu.memory_space<hbm>>)
      tpu.yield
    }) : () -> ()
    return
  }
}

module attributes {stable_mosaic.version = 14 : i64} {
  func.func @_k1_body(%arg0: memref<1024x1024xf32, #tpu.memory_space<vmem>>, %arg1: memref<1024x1024xf32, #tpu.memory_space<vmem>>, %arg2: memref<1024x1024xi32, #tpu.memory_space<vmem>>, %arg3: memref<8x128xi32, #tpu.memory_space<vmem>>, %arg4: memref<32x128xi32, #tpu.memory_space<vmem>>) attributes {dimension_semantics = [], scalar_prefetch = 0 : i64, scratch_operands = 0 : i64, tpu.core_type = #tpu.core_type<tc>} {
    %get3A = arith.constant 0 : index
    %get3A_0 = arith.constant 0 : index
    %get3A_1 = vector.load %arg0[%get3A, %get3A_0] : memref<1024x1024xf32, #tpu.memory_space<vmem>>, vector<1024x1024xf32>
    %add3A = arith.constant 1.000000e+00 : f32
    %add3A_2 = vector.broadcast %add3A : f32 to vector<1024x1024xf32>
    %add3A_3 = arith.addf %add3A_2, %get3A_1 : vector<1024x1024xf32>
    %div3A = arith.constant 1.000000e+00 : f32
    %div3A_4 = vector.broadcast %div3A : f32 to vector<1024x1024xf32>
    %div3A_5 = arith.divf %div3A_4, %add3A_3 : vector<1024x1024xf32>
    %reduce_max3A = vector.shape_cast %div3A_5 : vector<1024x1024xf32> to vector<1x1024x1024xf32>
    %reduce_max3A_6 = arith.constant dense<0xFF800000> : vector<1xf32>
    %reduce_max3A_7 = vector.multi_reduction <maximumf>, %reduce_max3A, %reduce_max3A_6 [1, 2] : vector<1x1024x1024xf32> to vector<1xf32>
    %reduce_max3A_8 = vector.shape_cast %reduce_max3A_7 : vector<1xf32> to vector<1x1x1xf32>
    %reduce_max3A_9 = vector.extract %reduce_max3A_8[0, 0, 0] : f32 from vector<1x1x1xf32>
    %sub3A = vector.broadcast %reduce_max3A_9 : f32 to vector<1024x1024xf32>
    %sub3A_10 = arith.subf %div3A_5, %sub3A : vector<1024x1024xf32>
    %exp3A = math.exp %sub3A_10 : vector<1024x1024xf32>
    %reduce_sum3A = vector.shape_cast %exp3A : vector<1024x1024xf32> to vector<1x1024x1024xf32>
    %reduce_sum3A_11 = arith.constant dense<0.000000e+00> : vector<1xf32>
    %reduce_sum3A_12 = vector.multi_reduction <add>, %reduce_sum3A, %reduce_sum3A_11 [1, 2] : vector<1x1024x1024xf32> to vector<1xf32>
    %reduce_sum3A_13 = vector.shape_cast %reduce_sum3A_12 : vector<1xf32> to vector<1x1x1xf32>
    %reduce_sum3A_14 = vector.extract %reduce_sum3A_13[0, 0, 0] : f32 from vector<1x1x1xf32>
    %div3A_15 = vector.broadcast %reduce_sum3A_14 : f32 to vector<1024x1024xf32>
    %div3A_16 = arith.divf %exp3A, %div3A_15 : vector<1024x1024xf32>
    %add3A_17 = arith.constant 9.99999968E-21 : f32
    %add3A_18 = vector.broadcast %add3A_17 : f32 to vector<1024x1024xf32>
    %add3A_19 = arith.addf %div3A_16, %add3A_18 : vector<1024x1024xf32>
    %log3A = math.log %add3A_19 : vector<1024x1024xf32>
    %get3A_20 = arith.constant 0 : index
    %get3A_21 = arith.constant 0 : index
    %get3A_22 = vector.load %arg1[%get3A_20, %get3A_21] : memref<1024x1024xf32, #tpu.memory_space<vmem>>, vector<1024x1024xf32>
    %add3A_23 = arith.addf %log3A, %get3A_22 : vector<1024x1024xf32>
    %bitcast_convert_type3A = tpu.bitcast %add3A_23 : vector<1024x1024xf32> -> vector<1024x1024xi32>
    %ge3A = arith.constant 0 : i32
    %ge3A_24 = vector.broadcast %ge3A : i32 to vector<1024x1024xi32>
    %ge3A_25 = arith.cmpi sge, %bitcast_convert_type3A, %ge3A_24 : vector<1024x1024xi32>
    %xor3A = arith.constant 2147483647 : i32
    %xor3A_26 = vector.broadcast %xor3A : i32 to vector<1024x1024xi32>
    %xor3A_27 = arith.xori %bitcast_convert_type3A, %xor3A_26 : vector<1024x1024xi32>
    %select_n3A = arith.select %ge3A_25, %bitcast_convert_type3A, %xor3A_27 : vector<1024x1024xi1>, vector<1024x1024xi32>
    %iota3A = tpu.iota {dimensions = array<i32: 0>} : vector<1024x1024xi32>
    %iota3A_28 = tpu.iota {dimensions = array<i32: 1>} : vector<1024x1024xi32>
    %mul3A = arith.constant 1024 : i32
    %mul3A_29 = vector.broadcast %mul3A : i32 to vector<1024x1024xi32>
    %mul3A_30 = arith.muli %iota3A, %mul3A_29 : vector<1024x1024xi32>
    %add3A_31 = arith.addi %mul3A_30, %iota3A_28 : vector<1024x1024xi32>
    %lt3A = arith.constant 1000000 : i32
    %lt3A_32 = vector.broadcast %lt3A : i32 to vector<1024x1024xi32>
    %lt3A_33 = arith.cmpi slt, %add3A_31, %lt3A_32 : vector<1024x1024xi32>
    %jit3A = arith.constant -2147483648 : i32
    %broadcast_in_dim3A = vector.broadcast %jit3A : i32 to vector<1024x1024xi32>
    %select_n3A_34 = arith.select %lt3A_33, %select_n3A, %broadcast_in_dim3A : vector<1024x1024xi1>, vector<1024x1024xi32>
    %swap3A = arith.constant 0 : index
    %swap3A_35 = arith.constant 0 : index
    %swap3A_36 = vector.load %arg2[%swap3A, %swap3A_35] : memref<1024x1024xi32, #tpu.memory_space<vmem>>, vector<1024x1024xi32>
    tpu.vector_store %arg2[%swap3A, %swap3A_35], %select_n3A_34 {strides = array<i32>} : memref<1024x1024xi32, #tpu.memory_space<vmem>>, vector<1024x1024xi32>,
    %scan3A = arith.constant 0 : i32
    %scan3A_37 = arith.constant 0 : i32
    %scan3A_38 = arith.constant 16 : i32
    %scan3A_39 = arith.addi %scan3A_37, %scan3A_38 : i32
    %scan3A_40 = arith.constant 1 : i32
    %scan3A_41 = scf.for %scan3A_449 = %scan3A_37 to %scan3A_39 step %scan3A_40 iter_args(%scan3A_450 = %scan3A) -> (i32)  : i32 {
      %mul3A_451 = arith.constant 2 : i32
      %mul3A_452 = arith.muli %mul3A_451, %scan3A_449 : i32
      %sub3A_453 = arith.constant 31 : i32
      %sub3A_454 = arith.subi %sub3A_453, %mul3A_452 : i32
      %shift_left3A = arith.constant 1 : i32
      %shift_left3A_455 = arith.shli %shift_left3A, %sub3A_454 : i32
      %mul3A_456 = arith.constant 2 : i32
      %mul3A_457 = arith.muli %mul3A_456, %scan3A_449 : i32
      %sub3A_458 = arith.constant 30 : i32
      %sub3A_459 = arith.subi %sub3A_458, %mul3A_457 : i32
      %shift_left3A_460 = arith.constant 1 : i32
      %shift_left3A_461 = arith.shli %shift_left3A_460, %sub3A_459 : i32
      %or3A = arith.ori %scan3A_450, %shift_left3A_455 : i32
      %or3A_462 = arith.ori %or3A, %shift_left3A_461 : i32
      %or3A_463 = arith.ori %scan3A_450, %shift_left3A_461 : i32
      %xor3A_464 = arith.constant -2147483648 : i32
      %xor3A_465 = arith.xori %or3A, %xor3A_464 : i32
      %ge3A_466 = vector.broadcast %xor3A_465 : i32 to vector<1024x1024xi32>
      %ge3A_467 = arith.cmpi sge, %select_n3A_34, %ge3A_466 : vector<1024x1024xi32>
      %convert_element_type3A_468 = arith.extui %ge3A_467 : vector<1024x1024xi1> to vector<1024x1024xi32>
      %reduce_sum3A_469 = vector.shape_cast %convert_element_type3A_468 : vector<1024x1024xi32> to vector<1x1024x1024xi32>
      %reduce_sum3A_470 = arith.constant dense<0> : vector<1xi32>
      %reduce_sum3A_471 = vector.multi_reduction <add>, %reduce_sum3A_469, %reduce_sum3A_470 [1, 2] : vector<1x1024x1024xi32> to vector<1xi32>
      %reduce_sum3A_472 = vector.shape_cast %reduce_sum3A_471 : vector<1xi32> to vector<1x1x1xi32>
      %reduce_sum3A_473 = vector.extract %reduce_sum3A_472[0, 0, 0] : i32 from vector<1x1x1xi32>
      %xor3A_474 = arith.constant -2147483648 : i32
      %xor3A_475 = arith.xori %or3A_462, %xor3A_474 : i32
      %ge3A_476 = vector.broadcast %xor3A_475 : i32 to vector<1024x1024xi32>
      %ge3A_477 = arith.cmpi sge, %select_n3A_34, %ge3A_476 : vector<1024x1024xi32>
      %convert_element_type3A_478 = arith.extui %ge3A_477 : vector<1024x1024xi1> to vector<1024x1024xi32>
      %reduce_sum3A_479 = vector.shape_cast %convert_element_type3A_478 : vector<1024x1024xi32> to vector<1x1024x1024xi32>
      %reduce_sum3A_480 = arith.constant dense<0> : vector<1xi32>
      %reduce_sum3A_481 = vector.multi_reduction <add>, %reduce_sum3A_479, %reduce_sum3A_480 [1, 2] : vector<1x1024x1024xi32> to vector<1xi32>
      %reduce_sum3A_482 = vector.shape_cast %reduce_sum3A_481 : vector<1xi32> to vector<1x1x1xi32>
      %reduce_sum3A_483 = vector.extract %reduce_sum3A_482[0, 0, 0] : i32 from vector<1x1x1xi32>
      %xor3A_484 = arith.constant -2147483648 : i32
      %xor3A_485 = arith.xori %or3A_463, %xor3A_484 : i32
      %ge3A_486 = vector.broadcast %xor3A_485 : i32 to vector<1024x1024xi32>
      %ge3A_487 = arith.cmpi sge, %select_n3A_34, %ge3A_486 : vector<1024x1024xi32>
      %convert_element_type3A_488 = arith.extui %ge3A_487 : vector<1024x1024xi1> to vector<1024x1024xi32>
      %reduce_sum3A_489 = vector.shape_cast %convert_element_type3A_488 : vector<1024x1024xi32> to vector<1x1024x1024xi32>
      %reduce_sum3A_490 = arith.constant dense<0> : vector<1xi32>
      %reduce_sum3A_491 = vector.multi_reduction <add>, %reduce_sum3A_489, %reduce_sum3A_490 [1, 2] : vector<1x1024x1024xi32> to vector<1xi32>
      %reduce_sum3A_492 = vector.shape_cast %reduce_sum3A_491 : vector<1xi32> to vector<1x1x1xi32>
      %reduce_sum3A_493 = vector.extract %reduce_sum3A_492[0, 0, 0] : i32 from vector<1x1x1xi32>
      %ge3A_494 = arith.constant 16384 : i32
      %ge3A_495 = arith.cmpi sge, %reduce_sum3A_473, %ge3A_494 : i32
      %select_n3A_496 = arith.select %ge3A_495, %or3A, %scan3A_450 : i32
      %select_n3A_497 = arith.select %ge3A_495, %reduce_sum3A_483, %reduce_sum3A_493 : i32
      %ge3A_498 = arith.constant 16384 : i32
      %ge3A_499 = arith.cmpi sge, %select_n3A_497, %ge3A_498 : i32
      %or3A_500 = arith.ori %select_n3A_496, %shift_left3A_461 : i32
      %select_n3A_501 = arith.select %ge3A_499, %or3A_500, %select_n3A_496 : i32
      scf.yield %select_n3A_501 : i32
    }
    %scan3A_42 = arith.constant 16 : i32
    %xor3A_43 = arith.constant -2147483648 : i32
    %xor3A_44 = arith.xori %scan3A_41, %xor3A_43 : i32
    %gt3A = vector.broadcast %xor3A_44 : i32 to vector<1024x1024xi32>
    %gt3A_45 = arith.cmpi sgt, %select_n3A_34, %gt3A : vector<1024x1024xi32>
    %convert_element_type3A = arith.extui %gt3A_45 : vector<1024x1024xi1> to vector<1024x1024xi32>
    %reduce_sum3A_46 = vector.shape_cast %convert_element_type3A : vector<1024x1024xi32> to vector<1x1024x1024xi32>
    %reduce_sum3A_47 = arith.constant dense<0> : vector<1xi32>
    %reduce_sum3A_48 = vector.multi_reduction <add>, %reduce_sum3A_46, %reduce_sum3A_47 [1, 2] : vector<1x1024x1024xi32> to vector<1xi32>
    %reduce_sum3A_49 = vector.shape_cast %reduce_sum3A_48 : vector<1xi32> to vector<1x1x1xi32>
    %reduce_sum3A_50 = vector.extract %reduce_sum3A_49[0, 0, 0] : i32 from vector<1x1x1xi32>
    %sub3A_51 = arith.constant 16384 : i32
    %sub3A_52 = arith.subi %sub3A_51, %reduce_sum3A_50 : i32
    %iota3A_53 = tpu.iota {dimensions = array<i32: 0>} : vector<8x128xi32>
    %eq3A = arith.constant 0 : i32
    %eq3A_54 = vector.broadcast %eq3A : i32 to vector<8x128xi32>
    %eq3A_55 = arith.cmpi eq, %iota3A_53, %eq3A_54 : vector<8x128xi32>
    %broadcast_in_dim3A_56 = vector.broadcast %xor3A_44 : i32 to vector<8x128xi32>
    %broadcast_in_dim3A_57 = vector.broadcast %sub3A_52 : i32 to vector<8x128xi32>
    %select_n3A_58 = arith.select %eq3A_55, %broadcast_in_dim3A_56, %broadcast_in_dim3A_57 : vector<8x128xi1>, vector<8x128xi32>
    %swap3A_59 = arith.constant 0 : index
    %swap3A_60 = arith.constant 0 : index
    %swap3A_61 = vector.load %arg3[%swap3A_59, %swap3A_60] : memref<8x128xi32, #tpu.memory_space<vmem>>, vector<8x128xi32>
    tpu.vector_store %arg3[%swap3A_59, %swap3A_60], %select_n3A_58 {strides = array<i32>} : memref<8x128xi32, #tpu.memory_space<vmem>>, vector<8x128xi32>,
    %eq3A_62 = vector.broadcast %xor3A_44 : i32 to vector<1024x1024xi32>
    %eq3A_63 = arith.cmpi eq, %select_n3A_34, %eq3A_62 : vector<1024x1024xi32>
    %convert_element_type3A_64 = arith.extui %eq3A_63 : vector<1024x1024xi1> to vector<1024x1024xi32>
    %iota3A_65 = tpu.iota {dimensions = array<i32: 0>} : vector<32x128xi32>
    %broadcast_in_dim3A_66 = arith.constant 0 : i32
    %broadcast_in_dim3A_67 = vector.broadcast %broadcast_in_dim3A_66 : i32 to vector<32x128xi32>
    %eq3A_68 = arith.constant 0 : i32
    %eq3A_69 = vector.broadcast %eq3A_68 : i32 to vector<32x128xi32>
    %eq3A_70 = arith.cmpi eq, %iota3A_65, %eq3A_69 : vector<32x128xi32>
    %jit3A_71 = arith.constant 0 : i32
    %broadcast_in_dim3A_72 = vector.broadcast %jit3A_71 : i32 to vector<32x128xi32>
    %select_n3A_73 = arith.select %eq3A_70, %broadcast_in_dim3A_72, %broadcast_in_dim3A_67 : vector<32x128xi1>, vector<32x128xi32>
    %slice3A = vector.extract_strided_slice %convert_element_type3A_64 {offsets = [0, 0], sizes = [32, 1024], strides = [1, 1]} : vector<1024x1024xi32> to vector<32x1024xi32>
    %reduce_sum3A_74 = vector.shape_cast %slice3A : vector<32x1024xi32> to vector<1x32x1024xi32>
    %reduce_sum3A_75 = arith.constant dense<0> : vector<1xi32>
    %reduce_sum3A_76 = vector.multi_reduction <add>, %reduce_sum3A_74, %reduce_sum3A_75 [1, 2] : vector<1x32x1024xi32> to vector<1xi32>
    %reduce_sum3A_77 = vector.shape_cast %reduce_sum3A_76 : vector<1xi32> to vector<1x1x1xi32>
    %reduce_sum3A_78 = vector.extract %reduce_sum3A_77[0, 0, 0] : i32 from vector<1x1x1xi32>
    %add3A_79 = arith.constant 0 : i32
    %add3A_80 = arith.addi %add3A_79, %reduce_sum3A_78 : i32
    %eq3A_81 = arith.constant 1 : i32
    %eq3A_82 = vector.broadcast %eq3A_81 : i32 to vector<32x128xi32>
    %eq3A_83 = arith.cmpi eq, %iota3A_65, %eq3A_82 : vector<32x128xi32>
    %broadcast_in_dim3A_84 = vector.broadcast %add3A_80 : i32 to vector<32x128xi32>
    %select_n3A_85 = arith.select %eq3A_83, %broadcast_in_dim3A_84, %select_n3A_73 : vector<32x128xi1>, vector<32x128xi32>
    %slice3A_86 = vector.extract_strided_slice %convert_element_type3A_64 {offsets = [32, 0], sizes = [32, 1024], strides = [1, 1]} : vector<1024x1024xi32> to vector<32x1024xi32>
    %reduce_sum3A_87 = vector.shape_cast %slice3A_86 : vector<32x1024xi32> to vector<1x32x1024xi32>
    %reduce_sum3A_88 = arith.constant dense<0> : vector<1xi32>
    %reduce_sum3A_89 = vector.multi_reduction <add>, %reduce_sum3A_87, %reduce_sum3A_88 [1, 2] : vector<1x32x1024xi32> to vector<1xi32>
    %reduce_sum3A_90 = vector.shape_cast %reduce_sum3A_89 : vector<1xi32> to vector<1x1x1xi32>
    %reduce_sum3A_91 = vector.extract %reduce_sum3A_90[0, 0, 0] : i32 from vector<1x1x1xi32>
    %add3A_92 = arith.addi %add3A_80, %reduce_sum3A_91 : i32
    %eq3A_93 = arith.constant 2 : i32
    %eq3A_94 = vector.broadcast %eq3A_93 : i32 to vector<32x128xi32>
    %eq3A_95 = arith.cmpi eq, %iota3A_65, %eq3A_94 : vector<32x128xi32>
    %broadcast_in_dim3A_96 = vector.broadcast %add3A_92 : i32 to vector<32x128xi32>
    %select_n3A_97 = arith.select %eq3A_95, %broadcast_in_dim3A_96, %select_n3A_85 : vector<32x128xi1>, vector<32x128xi32>
    %slice3A_98 = vector.extract_strided_slice %convert_element_type3A_64 {offsets = [64, 0], sizes = [32, 1024], strides = [1, 1]} : vector<1024x1024xi32> to vector<32x1024xi32>
    %reduce_sum3A_99 = vector.shape_cast %slice3A_98 : vector<32x1024xi32> to vector<1x32x1024xi32>
    %reduce_sum3A_100 = arith.constant dense<0> : vector<1xi32>
    %reduce_sum3A_101 = vector.multi_reduction <add>, %reduce_sum3A_99, %reduce_sum3A_100 [1, 2] : vector<1x32x1024xi32> to vector<1xi32>
    %reduce_sum3A_102 = vector.shape_cast %reduce_sum3A_101 : vector<1xi32> to vector<1x1x1xi32>
    %reduce_sum3A_103 = vector.extract %reduce_sum3A_102[0, 0, 0] : i32 from vector<1x1x1xi32>
    %add3A_104 = arith.addi %add3A_92, %reduce_sum3A_103 : i32
    %eq3A_105 = arith.constant 3 : i32
    %eq3A_106 = vector.broadcast %eq3A_105 : i32 to vector<32x128xi32>
    %eq3A_107 = arith.cmpi eq, %iota3A_65, %eq3A_106 : vector<32x128xi32>
    %broadcast_in_dim3A_108 = vector.broadcast %add3A_104 : i32 to vector<32x128xi32>
    %select_n3A_109 = arith.select %eq3A_107, %broadcast_in_dim3A_108, %select_n3A_97 : vector<32x128xi1>, vector<32x128xi32>
    %slice3A_110 = vector.extract_strided_slice %convert_element_type3A_64 {offsets = [96, 0], sizes = [32, 1024], strides = [1, 1]} : vector<1024x1024xi32> to vector<32x1024xi32>
    %reduce_sum3A_111 = vector.shape_cast %slice3A_110 : vector<32x1024xi32> to vector<1x32x1024xi32>
    %reduce_sum3A_112 = arith.constant dense<0> : vector<1xi32>
    %reduce_sum3A_113 = vector.multi_reduction <add>, %reduce_sum3A_111, %reduce_sum3A_112 [1, 2] : vector<1x32x1024xi32> to vector<1xi32>
    %reduce_sum3A_114 = vector.shape_cast %reduce_sum3A_113 : vector<1xi32> to vector<1x1x1xi32>
    %reduce_sum3A_115 = vector.extract %reduce_sum3A_114[0, 0, 0] : i32 from vector<1x1x1xi32>
    %add3A_116 = arith.addi %add3A_104, %reduce_sum3A_115 : i32
    %eq3A_117 = arith.constant 4 : i32
    %eq3A_118 = vector.broadcast %eq3A_117 : i32 to vector<32x128xi32>
    %eq3A_119 = arith.cmpi eq, %iota3A_65, %eq3A_118 : vector<32x128xi32>
    %broadcast_in_dim3A_120 = vector.broadcast %add3A_116 : i32 to vector<32x128xi32>
    %select_n3A_121 = arith.select %eq3A_119, %broadcast_in_dim3A_120, %select_n3A_109 : vector<32x128xi1>, vector<32x128xi32>
    %slice3A_122 = vector.extract_strided_slice %convert_element_type3A_64 {offsets = [128, 0], sizes = [32, 1024], strides = [1, 1]} : vector<1024x1024xi32> to vector<32x1024xi32>
    %reduce_sum3A_123 = vector.shape_cast %slice3A_122 : vector<32x1024xi32> to vector<1x32x1024xi32>
    %reduce_sum3A_124 = arith.constant dense<0> : vector<1xi32>
    %reduce_sum3A_125 = vector.multi_reduction <add>, %reduce_sum3A_123, %reduce_sum3A_124 [1, 2] : vector<1x32x1024xi32> to vector<1xi32>
    %reduce_sum3A_126 = vector.shape_cast %reduce_sum3A_125 : vector<1xi32> to vector<1x1x1xi32>
    %reduce_sum3A_127 = vector.extract %reduce_sum3A_126[0, 0, 0] : i32 from vector<1x1x1xi32>
    %add3A_128 = arith.addi %add3A_116, %reduce_sum3A_127 : i32
    %eq3A_129 = arith.constant 5 : i32
    %eq3A_130 = vector.broadcast %eq3A_129 : i32 to vector<32x128xi32>
    %eq3A_131 = arith.cmpi eq, %iota3A_65, %eq3A_130 : vector<32x128xi32>
    %broadcast_in_dim3A_132 = vector.broadcast %add3A_128 : i32 to vector<32x128xi32>
    %select_n3A_133 = arith.select %eq3A_131, %broadcast_in_dim3A_132, %select_n3A_121 : vector<32x128xi1>, vector<32x128xi32>
    %slice3A_134 = vector.extract_strided_slice %convert_element_type3A_64 {offsets = [160, 0], sizes = [32, 1024], strides = [1, 1]} : vector<1024x1024xi32> to vector<32x1024xi32>
    %reduce_sum3A_135 = vector.shape_cast %slice3A_134 : vector<32x1024xi32> to vector<1x32x1024xi32>
    %reduce_sum3A_136 = arith.constant dense<0> : vector<1xi32>
    %reduce_sum3A_137 = vector.multi_reduction <add>, %reduce_sum3A_135, %reduce_sum3A_136 [1, 2] : vector<1x32x1024xi32> to vector<1xi32>
    %reduce_sum3A_138 = vector.shape_cast %reduce_sum3A_137 : vector<1xi32> to vector<1x1x1xi32>
    %reduce_sum3A_139 = vector.extract %reduce_sum3A_138[0, 0, 0] : i32 from vector<1x1x1xi32>
    %add3A_140 = arith.addi %add3A_128, %reduce_sum3A_139 : i32
    %eq3A_141 = arith.constant 6 : i32
    %eq3A_142 = vector.broadcast %eq3A_141 : i32 to vector<32x128xi32>
    %eq3A_143 = arith.cmpi eq, %iota3A_65, %eq3A_142 : vector<32x128xi32>
    %broadcast_in_dim3A_144 = vector.broadcast %add3A_140 : i32 to vector<32x128xi32>
    %select_n3A_145 = arith.select %eq3A_143, %broadcast_in_dim3A_144, %select_n3A_133 : vector<32x128xi1>, vector<32x128xi32>
    %slice3A_146 = vector.extract_strided_slice %convert_element_type3A_64 {offsets = [192, 0], sizes = [32, 1024], strides = [1, 1]} : vector<1024x1024xi32> to vector<32x1024xi32>
    %reduce_sum3A_147 = vector.shape_cast %slice3A_146 : vector<32x1024xi32> to vector<1x32x1024xi32>
    %reduce_sum3A_148 = arith.constant dense<0> : vector<1xi32>
    %reduce_sum3A_149 = vector.multi_reduction <add>, %reduce_sum3A_147, %reduce_sum3A_148 [1, 2] : vector<1x32x1024xi32> to vector<1xi32>
    %reduce_sum3A_150 = vector.shape_cast %reduce_sum3A_149 : vector<1xi32> to vector<1x1x1xi32>
    %reduce_sum3A_151 = vector.extract %reduce_sum3A_150[0, 0, 0] : i32 from vector<1x1x1xi32>
    %add3A_152 = arith.addi %add3A_140, %reduce_sum3A_151 : i32
    %eq3A_153 = arith.constant 7 : i32
    %eq3A_154 = vector.broadcast %eq3A_153 : i32 to vector<32x128xi32>
    %eq3A_155 = arith.cmpi eq, %iota3A_65, %eq3A_154 : vector<32x128xi32>
    %broadcast_in_dim3A_156 = vector.broadcast %add3A_152 : i32 to vector<32x128xi32>
    %select_n3A_157 = arith.select %eq3A_155, %broadcast_in_dim3A_156, %select_n3A_145 : vector<32x128xi1>, vector<32x128xi32>
    %slice3A_158 = vector.extract_strided_slice %convert_element_type3A_64 {offsets = [224, 0], sizes = [32, 1024], strides = [1, 1]} : vector<1024x1024xi32> to vector<32x1024xi32>
    %reduce_sum3A_159 = vector.shape_cast %slice3A_158 : vector<32x1024xi32> to vector<1x32x1024xi32>
    %reduce_sum3A_160 = arith.constant dense<0> : vector<1xi32>
    %reduce_sum3A_161 = vector.multi_reduction <add>, %reduce_sum3A_159, %reduce_sum3A_160 [1, 2] : vector<1x32x1024xi32> to vector<1xi32>
    %reduce_sum3A_162 = vector.shape_cast %reduce_sum3A_161 : vector<1xi32> to vector<1x1x1xi32>
    %reduce_sum3A_163 = vector.extract %reduce_sum3A_162[0, 0, 0] : i32 from vector<1x1x1xi32>
    %add3A_164 = arith.addi %add3A_152, %reduce_sum3A_163 : i32
    %eq3A_165 = arith.constant 8 : i32
    %eq3A_166 = vector.broadcast %eq3A_165 : i32 to vector<32x128xi32>
    %eq3A_167 = arith.cmpi eq, %iota3A_65, %eq3A_166 : vector<32x128xi32>
    %broadcast_in_dim3A_168 = vector.broadcast %add3A_164 : i32 to vector<32x128xi32>
    %select_n3A_169 = arith.select %eq3A_167, %broadcast_in_dim3A_168, %select_n3A_157 : vector<32x128xi1>, vector<32x128xi32>
    %slice3A_170 = vector.extract_strided_slice %convert_element_type3A_64 {offsets = [256, 0], sizes = [32, 1024], strides = [1, 1]} : vector<1024x1024xi32> to vector<32x1024xi32>
    %reduce_sum3A_171 = vector.shape_cast %slice3A_170 : vector<32x1024xi32> to vector<1x32x1024xi32>
    %reduce_sum3A_172 = arith.constant dense<0> : vector<1xi32>
    %reduce_sum3A_173 = vector.multi_reduction <add>, %reduce_sum3A_171, %reduce_sum3A_172 [1, 2] : vector<1x32x1024xi32> to vector<1xi32>
    %reduce_sum3A_174 = vector.shape_cast %reduce_sum3A_173 : vector<1xi32> to vector<1x1x1xi32>
    %reduce_sum3A_175 = vector.extract %reduce_sum3A_174[0, 0, 0] : i32 from vector<1x1x1xi32>
    %add3A_176 = arith.addi %add3A_164, %reduce_sum3A_175 : i32
    %eq3A_177 = arith.constant 9 : i32
    %eq3A_178 = vector.broadcast %eq3A_177 : i32 to vector<32x128xi32>
    %eq3A_179 = arith.cmpi eq, %iota3A_65, %eq3A_178 : vector<32x128xi32>
    %broadcast_in_dim3A_180 = vector.broadcast %add3A_176 : i32 to vector<32x128xi32>
    %select_n3A_181 = arith.select %eq3A_179, %broadcast_in_dim3A_180, %select_n3A_169 : vector<32x128xi1>, vector<32x128xi32>
    %slice3A_182 = vector.extract_strided_slice %convert_element_type3A_64 {offsets = [288, 0], sizes = [32, 1024], strides = [1, 1]} : vector<1024x1024xi32> to vector<32x1024xi32>
    %reduce_sum3A_183 = vector.shape_cast %slice3A_182 : vector<32x1024xi32> to vector<1x32x1024xi32>
    %reduce_sum3A_184 = arith.constant dense<0> : vector<1xi32>
    %reduce_sum3A_185 = vector.multi_reduction <add>, %reduce_sum3A_183, %reduce_sum3A_184 [1, 2] : vector<1x32x1024xi32> to vector<1xi32>
    %reduce_sum3A_186 = vector.shape_cast %reduce_sum3A_185 : vector<1xi32> to vector<1x1x1xi32>
    %reduce_sum3A_187 = vector.extract %reduce_sum3A_186[0, 0, 0] : i32 from vector<1x1x1xi32>
    %add3A_188 = arith.addi %add3A_176, %reduce_sum3A_187 : i32
    %eq3A_189 = arith.constant 10 : i32
    %eq3A_190 = vector.broadcast %eq3A_189 : i32 to vector<32x128xi32>
    %eq3A_191 = arith.cmpi eq, %iota3A_65, %eq3A_190 : vector<32x128xi32>
    %broadcast_in_dim3A_192 = vector.broadcast %add3A_188 : i32 to vector<32x128xi32>
    %select_n3A_193 = arith.select %eq3A_191, %broadcast_in_dim3A_192, %select_n3A_181 : vector<32x128xi1>, vector<32x128xi32>
    %slice3A_194 = vector.extract_strided_slice %convert_element_type3A_64 {offsets = [320, 0], sizes = [32, 1024], strides = [1, 1]} : vector<1024x1024xi32> to vector<32x1024xi32>
    %reduce_sum3A_195 = vector.shape_cast %slice3A_194 : vector<32x1024xi32> to vector<1x32x1024xi32>
    %reduce_sum3A_196 = arith.constant dense<0> : vector<1xi32>
    %reduce_sum3A_197 = vector.multi_reduction <add>, %reduce_sum3A_195, %reduce_sum3A_196 [1, 2] : vector<1x32x1024xi32> to vector<1xi32>
    %reduce_sum3A_198 = vector.shape_cast %reduce_sum3A_197 : vector<1xi32> to vector<1x1x1xi32>
    %reduce_sum3A_199 = vector.extract %reduce_sum3A_198[0, 0, 0] : i32 from vector<1x1x1xi32>
    %add3A_200 = arith.addi %add3A_188, %reduce_sum3A_199 : i32
    %eq3A_201 = arith.constant 11 : i32
    %eq3A_202 = vector.broadcast %eq3A_201 : i32 to vector<32x128xi32>
    %eq3A_203 = arith.cmpi eq, %iota3A_65, %eq3A_202 : vector<32x128xi32>
    %broadcast_in_dim3A_204 = vector.broadcast %add3A_200 : i32 to vector<32x128xi32>
    %select_n3A_205 = arith.select %eq3A_203, %broadcast_in_dim3A_204, %select_n3A_193 : vector<32x128xi1>, vector<32x128xi32>
    %slice3A_206 = vector.extract_strided_slice %convert_element_type3A_64 {offsets = [352, 0], sizes = [32, 1024], strides = [1, 1]} : vector<1024x1024xi32> to vector<32x1024xi32>
    %reduce_sum3A_207 = vector.shape_cast %slice3A_206 : vector<32x1024xi32> to vector<1x32x1024xi32>
    %reduce_sum3A_208 = arith.constant dense<0> : vector<1xi32>
    %reduce_sum3A_209 = vector.multi_reduction <add>, %reduce_sum3A_207, %reduce_sum3A_208 [1, 2] : vector<1x32x1024xi32> to vector<1xi32>
    %reduce_sum3A_210 = vector.shape_cast %reduce_sum3A_209 : vector<1xi32> to vector<1x1x1xi32>
    %reduce_sum3A_211 = vector.extract %reduce_sum3A_210[0, 0, 0] : i32 from vector<1x1x1xi32>
    %add3A_212 = arith.addi %add3A_200, %reduce_sum3A_211 : i32
    %eq3A_213 = arith.constant 12 : i32
    %eq3A_214 = vector.broadcast %eq3A_213 : i32 to vector<32x128xi32>
    %eq3A_215 = arith.cmpi eq, %iota3A_65, %eq3A_214 : vector<32x128xi32>
    %broadcast_in_dim3A_216 = vector.broadcast %add3A_212 : i32 to vector<32x128xi32>
    %select_n3A_217 = arith.select %eq3A_215, %broadcast_in_dim3A_216, %select_n3A_205 : vector<32x128xi1>, vector<32x128xi32>
    %slice3A_218 = vector.extract_strided_slice %convert_element_type3A_64 {offsets = [384, 0], sizes = [32, 1024], strides = [1, 1]} : vector<1024x1024xi32> to vector<32x1024xi32>
    %reduce_sum3A_219 = vector.shape_cast %slice3A_218 : vector<32x1024xi32> to vector<1x32x1024xi32>
    %reduce_sum3A_220 = arith.constant dense<0> : vector<1xi32>
    %reduce_sum3A_221 = vector.multi_reduction <add>, %reduce_sum3A_219, %reduce_sum3A_220 [1, 2] : vector<1x32x1024xi32> to vector<1xi32>
    %reduce_sum3A_222 = vector.shape_cast %reduce_sum3A_221 : vector<1xi32> to vector<1x1x1xi32>
    %reduce_sum3A_223 = vector.extract %reduce_sum3A_222[0, 0, 0] : i32 from vector<1x1x1xi32>
    %add3A_224 = arith.addi %add3A_212, %reduce_sum3A_223 : i32
    %eq3A_225 = arith.constant 13 : i32
    %eq3A_226 = vector.broadcast %eq3A_225 : i32 to vector<32x128xi32>
    %eq3A_227 = arith.cmpi eq, %iota3A_65, %eq3A_226 : vector<32x128xi32>
    %broadcast_in_dim3A_228 = vector.broadcast %add3A_224 : i32 to vector<32x128xi32>
    %select_n3A_229 = arith.select %eq3A_227, %broadcast_in_dim3A_228, %select_n3A_217 : vector<32x128xi1>, vector<32x128xi32>
    %slice3A_230 = vector.extract_strided_slice %convert_element_type3A_64 {offsets = [416, 0], sizes = [32, 1024], strides = [1, 1]} : vector<1024x1024xi32> to vector<32x1024xi32>
    %reduce_sum3A_231 = vector.shape_cast %slice3A_230 : vector<32x1024xi32> to vector<1x32x1024xi32>
    %reduce_sum3A_232 = arith.constant dense<0> : vector<1xi32>
    %reduce_sum3A_233 = vector.multi_reduction <add>, %reduce_sum3A_231, %reduce_sum3A_232 [1, 2] : vector<1x32x1024xi32> to vector<1xi32>
    %reduce_sum3A_234 = vector.shape_cast %reduce_sum3A_233 : vector<1xi32> to vector<1x1x1xi32>
    %reduce_sum3A_235 = vector.extract %reduce_sum3A_234[0, 0, 0] : i32 from vector<1x1x1xi32>
    %add3A_236 = arith.addi %add3A_224, %reduce_sum3A_235 : i32
    %eq3A_237 = arith.constant 14 : i32
    %eq3A_238 = vector.broadcast %eq3A_237 : i32 to vector<32x128xi32>
    %eq3A_239 = arith.cmpi eq, %iota3A_65, %eq3A_238 : vector<32x128xi32>
    %broadcast_in_dim3A_240 = vector.broadcast %add3A_236 : i32 to vector<32x128xi32>
    %select_n3A_241 = arith.select %eq3A_239, %broadcast_in_dim3A_240, %select_n3A_229 : vector<32x128xi1>, vector<32x128xi32>
    %slice3A_242 = vector.extract_strided_slice %convert_element_type3A_64 {offsets = [448, 0], sizes = [32, 1024], strides = [1, 1]} : vector<1024x1024xi32> to vector<32x1024xi32>
    %reduce_sum3A_243 = vector.shape_cast %slice3A_242 : vector<32x1024xi32> to vector<1x32x1024xi32>
    %reduce_sum3A_244 = arith.constant dense<0> : vector<1xi32>
    %reduce_sum3A_245 = vector.multi_reduction <add>, %reduce_sum3A_243, %reduce_sum3A_244 [1, 2] : vector<1x32x1024xi32> to vector<1xi32>
    %reduce_sum3A_246 = vector.shape_cast %reduce_sum3A_245 : vector<1xi32> to vector<1x1x1xi32>
    %reduce_sum3A_247 = vector.extract %reduce_sum3A_246[0, 0, 0] : i32 from vector<1x1x1xi32>
    %add3A_248 = arith.addi %add3A_236, %reduce_sum3A_247 : i32
    %eq3A_249 = arith.constant 15 : i32
    %eq3A_250 = vector.broadcast %eq3A_249 : i32 to vector<32x128xi32>
    %eq3A_251 = arith.cmpi eq, %iota3A_65, %eq3A_250 : vector<32x128xi32>
    %broadcast_in_dim3A_252 = vector.broadcast %add3A_248 : i32 to vector<32x128xi32>
    %select_n3A_253 = arith.select %eq3A_251, %broadcast_in_dim3A_252, %select_n3A_241 : vector<32x128xi1>, vector<32x128xi32>
    %slice3A_254 = vector.extract_strided_slice %convert_element_type3A_64 {offsets = [480, 0], sizes = [32, 1024], strides = [1, 1]} : vector<1024x1024xi32> to vector<32x1024xi32>
    %reduce_sum3A_255 = vector.shape_cast %slice3A_254 : vector<32x1024xi32> to vector<1x32x1024xi32>
    %reduce_sum3A_256 = arith.constant dense<0> : vector<1xi32>
    %reduce_sum3A_257 = vector.multi_reduction <add>, %reduce_sum3A_255, %reduce_sum3A_256 [1, 2] : vector<1x32x1024xi32> to vector<1xi32>
    %reduce_sum3A_258 = vector.shape_cast %reduce_sum3A_257 : vector<1xi32> to vector<1x1x1xi32>
    %reduce_sum3A_259 = vector.extract %reduce_sum3A_258[0, 0, 0] : i32 from vector<1x1x1xi32>
    %add3A_260 = arith.addi %add3A_248, %reduce_sum3A_259 : i32
    %eq3A_261 = arith.constant 16 : i32
    %eq3A_262 = vector.broadcast %eq3A_261 : i32 to vector<32x128xi32>
    %eq3A_263 = arith.cmpi eq, %iota3A_65, %eq3A_262 : vector<32x128xi32>
    %broadcast_in_dim3A_264 = vector.broadcast %add3A_260 : i32 to vector<32x128xi32>
    %select_n3A_265 = arith.select %eq3A_263, %broadcast_in_dim3A_264, %select_n3A_253 : vector<32x128xi1>, vector<32x128xi32>
    %slice3A_266 = vector.extract_strided_slice %convert_element_type3A_64 {offsets = [512, 0], sizes = [32, 1024], strides = [1, 1]} : vector<1024x1024xi32> to vector<32x1024xi32>
    %reduce_sum3A_267 = vector.shape_cast %slice3A_266 : vector<32x1024xi32> to vector<1x32x1024xi32>
    %reduce_sum3A_268 = arith.constant dense<0> : vector<1xi32>
    %reduce_sum3A_269 = vector.multi_reduction <add>, %reduce_sum3A_267, %reduce_sum3A_268 [1, 2] : vector<1x32x1024xi32> to vector<1xi32>
    %reduce_sum3A_270 = vector.shape_cast %reduce_sum3A_269 : vector<1xi32> to vector<1x1x1xi32>
    %reduce_sum3A_271 = vector.extract %reduce_sum3A_270[0, 0, 0] : i32 from vector<1x1x1xi32>
    %add3A_272 = arith.addi %add3A_260, %reduce_sum3A_271 : i32
    %eq3A_273 = arith.constant 17 : i32
    %eq3A_274 = vector.broadcast %eq3A_273 : i32 to vector<32x128xi32>
    %eq3A_275 = arith.cmpi eq, %iota3A_65, %eq3A_274 : vector<32x128xi32>
    %broadcast_in_dim3A_276 = vector.broadcast %add3A_272 : i32 to vector<32x128xi32>
    %select_n3A_277 = arith.select %eq3A_275, %broadcast_in_dim3A_276, %select_n3A_265 : vector<32x128xi1>, vector<32x128xi32>
    %slice3A_278 = vector.extract_strided_slice %convert_element_type3A_64 {offsets = [544, 0], sizes = [32, 1024], strides = [1, 1]} : vector<1024x1024xi32> to vector<32x1024xi32>
    %reduce_sum3A_279 = vector.shape_cast %slice3A_278 : vector<32x1024xi32> to vector<1x32x1024xi32>
    %reduce_sum3A_280 = arith.constant dense<0> : vector<1xi32>
    %reduce_sum3A_281 = vector.multi_reduction <add>, %reduce_sum3A_279, %reduce_sum3A_280 [1, 2] : vector<1x32x1024xi32> to vector<1xi32>
    %reduce_sum3A_282 = vector.shape_cast %reduce_sum3A_281 : vector<1xi32> to vector<1x1x1xi32>
    %reduce_sum3A_283 = vector.extract %reduce_sum3A_282[0, 0, 0] : i32 from vector<1x1x1xi32>
    %add3A_284 = arith.addi %add3A_272, %reduce_sum3A_283 : i32
    %eq3A_285 = arith.constant 18 : i32
    %eq3A_286 = vector.broadcast %eq3A_285 : i32 to vector<32x128xi32>
    %eq3A_287 = arith.cmpi eq, %iota3A_65, %eq3A_286 : vector<32x128xi32>
    %broadcast_in_dim3A_288 = vector.broadcast %add3A_284 : i32 to vector<32x128xi32>
    %select_n3A_289 = arith.select %eq3A_287, %broadcast_in_dim3A_288, %select_n3A_277 : vector<32x128xi1>, vector<32x128xi32>
    %slice3A_290 = vector.extract_strided_slice %convert_element_type3A_64 {offsets = [576, 0], sizes = [32, 1024], strides = [1, 1]} : vector<1024x1024xi32> to vector<32x1024xi32>
    %reduce_sum3A_291 = vector.shape_cast %slice3A_290 : vector<32x1024xi32> to vector<1x32x1024xi32>
    %reduce_sum3A_292 = arith.constant dense<0> : vector<1xi32>
    %reduce_sum3A_293 = vector.multi_reduction <add>, %reduce_sum3A_291, %reduce_sum3A_292 [1, 2] : vector<1x32x1024xi32> to vector<1xi32>
    %reduce_sum3A_294 = vector.shape_cast %reduce_sum3A_293 : vector<1xi32> to vector<1x1x1xi32>
    %reduce_sum3A_295 = vector.extract %reduce_sum3A_294[0, 0, 0] : i32 from vector<1x1x1xi32>
    %add3A_296 = arith.addi %add3A_284, %reduce_sum3A_295 : i32
    %eq3A_297 = arith.constant 19 : i32
    %eq3A_298 = vector.broadcast %eq3A_297 : i32 to vector<32x128xi32>
    %eq3A_299 = arith.cmpi eq, %iota3A_65, %eq3A_298 : vector<32x128xi32>
    %broadcast_in_dim3A_300 = vector.broadcast %add3A_296 : i32 to vector<32x128xi32>
    %select_n3A_301 = arith.select %eq3A_299, %broadcast_in_dim3A_300, %select_n3A_289 : vector<32x128xi1>, vector<32x128xi32>
    %slice3A_302 = vector.extract_strided_slice %convert_element_type3A_64 {offsets = [608, 0], sizes = [32, 1024], strides = [1, 1]} : vector<1024x1024xi32> to vector<32x1024xi32>
    %reduce_sum3A_303 = vector.shape_cast %slice3A_302 : vector<32x1024xi32> to vector<1x32x1024xi32>
    %reduce_sum3A_304 = arith.constant dense<0> : vector<1xi32>
    %reduce_sum3A_305 = vector.multi_reduction <add>, %reduce_sum3A_303, %reduce_sum3A_304 [1, 2] : vector<1x32x1024xi32> to vector<1xi32>
    %reduce_sum3A_306 = vector.shape_cast %reduce_sum3A_305 : vector<1xi32> to vector<1x1x1xi32>
    %reduce_sum3A_307 = vector.extract %reduce_sum3A_306[0, 0, 0] : i32 from vector<1x1x1xi32>
    %add3A_308 = arith.addi %add3A_296, %reduce_sum3A_307 : i32
    %eq3A_309 = arith.constant 20 : i32
    %eq3A_310 = vector.broadcast %eq3A_309 : i32 to vector<32x128xi32>
    %eq3A_311 = arith.cmpi eq, %iota3A_65, %eq3A_310 : vector<32x128xi32>
    %broadcast_in_dim3A_312 = vector.broadcast %add3A_308 : i32 to vector<32x128xi32>
    %select_n3A_313 = arith.select %eq3A_311, %broadcast_in_dim3A_312, %select_n3A_301 : vector<32x128xi1>, vector<32x128xi32>
    %slice3A_314 = vector.extract_strided_slice %convert_element_type3A_64 {offsets = [640, 0], sizes = [32, 1024], strides = [1, 1]} : vector<1024x1024xi32> to vector<32x1024xi32>
    %reduce_sum3A_315 = vector.shape_cast %slice3A_314 : vector<32x1024xi32> to vector<1x32x1024xi32>
    %reduce_sum3A_316 = arith.constant dense<0> : vector<1xi32>
    %reduce_sum3A_317 = vector.multi_reduction <add>, %reduce_sum3A_315, %reduce_sum3A_316 [1, 2] : vector<1x32x1024xi32> to vector<1xi32>
    %reduce_sum3A_318 = vector.shape_cast %reduce_sum3A_317 : vector<1xi32> to vector<1x1x1xi32>
    %reduce_sum3A_319 = vector.extract %reduce_sum3A_318[0, 0, 0] : i32 from vector<1x1x1xi32>
    %add3A_320 = arith.addi %add3A_308, %reduce_sum3A_319 : i32
    %eq3A_321 = arith.constant 21 : i32
    %eq3A_322 = vector.broadcast %eq3A_321 : i32 to vector<32x128xi32>
    %eq3A_323 = arith.cmpi eq, %iota3A_65, %eq3A_322 : vector<32x128xi32>
    %broadcast_in_dim3A_324 = vector.broadcast %add3A_320 : i32 to vector<32x128xi32>
    %select_n3A_325 = arith.select %eq3A_323, %broadcast_in_dim3A_324, %select_n3A_313 : vector<32x128xi1>, vector<32x128xi32>
    %slice3A_326 = vector.extract_strided_slice %convert_element_type3A_64 {offsets = [672, 0], sizes = [32, 1024], strides = [1, 1]} : vector<1024x1024xi32> to vector<32x1024xi32>
    %reduce_sum3A_327 = vector.shape_cast %slice3A_326 : vector<32x1024xi32> to vector<1x32x1024xi32>
    %reduce_sum3A_328 = arith.constant dense<0> : vector<1xi32>
    %reduce_sum3A_329 = vector.multi_reduction <add>, %reduce_sum3A_327, %reduce_sum3A_328 [1, 2] : vector<1x32x1024xi32> to vector<1xi32>
    %reduce_sum3A_330 = vector.shape_cast %reduce_sum3A_329 : vector<1xi32> to vector<1x1x1xi32>
    %reduce_sum3A_331 = vector.extract %reduce_sum3A_330[0, 0, 0] : i32 from vector<1x1x1xi32>
    %add3A_332 = arith.addi %add3A_320, %reduce_sum3A_331 : i32
    %eq3A_333 = arith.constant 22 : i32
    %eq3A_334 = vector.broadcast %eq3A_333 : i32 to vector<32x128xi32>
    %eq3A_335 = arith.cmpi eq, %iota3A_65, %eq3A_334 : vector<32x128xi32>
    %broadcast_in_dim3A_336 = vector.broadcast %add3A_332 : i32 to vector<32x128xi32>
    %select_n3A_337 = arith.select %eq3A_335, %broadcast_in_dim3A_336, %select_n3A_325 : vector<32x128xi1>, vector<32x128xi32>
    %slice3A_338 = vector.extract_strided_slice %convert_element_type3A_64 {offsets = [704, 0], sizes = [32, 1024], strides = [1, 1]} : vector<1024x1024xi32> to vector<32x1024xi32>
    %reduce_sum3A_339 = vector.shape_cast %slice3A_338 : vector<32x1024xi32> to vector<1x32x1024xi32>
    %reduce_sum3A_340 = arith.constant dense<0> : vector<1xi32>
    %reduce_sum3A_341 = vector.multi_reduction <add>, %reduce_sum3A_339, %reduce_sum3A_340 [1, 2] : vector<1x32x1024xi32> to vector<1xi32>
    %reduce_sum3A_342 = vector.shape_cast %reduce_sum3A_341 : vector<1xi32> to vector<1x1x1xi32>
    %reduce_sum3A_343 = vector.extract %reduce_sum3A_342[0, 0, 0] : i32 from vector<1x1x1xi32>
    %add3A_344 = arith.addi %add3A_332, %reduce_sum3A_343 : i32
    %eq3A_345 = arith.constant 23 : i32
    %eq3A_346 = vector.broadcast %eq3A_345 : i32 to vector<32x128xi32>
    %eq3A_347 = arith.cmpi eq, %iota3A_65, %eq3A_346 : vector<32x128xi32>
    %broadcast_in_dim3A_348 = vector.broadcast %add3A_344 : i32 to vector<32x128xi32>
    %select_n3A_349 = arith.select %eq3A_347, %broadcast_in_dim3A_348, %select_n3A_337 : vector<32x128xi1>, vector<32x128xi32>
    %slice3A_350 = vector.extract_strided_slice %convert_element_type3A_64 {offsets = [736, 0], sizes = [32, 1024], strides = [1, 1]} : vector<1024x1024xi32> to vector<32x1024xi32>
    %reduce_sum3A_351 = vector.shape_cast %slice3A_350 : vector<32x1024xi32> to vector<1x32x1024xi32>
    %reduce_sum3A_352 = arith.constant dense<0> : vector<1xi32>
    %reduce_sum3A_353 = vector.multi_reduction <add>, %reduce_sum3A_351, %reduce_sum3A_352 [1, 2] : vector<1x32x1024xi32> to vector<1xi32>
    %reduce_sum3A_354 = vector.shape_cast %reduce_sum3A_353 : vector<1xi32> to vector<1x1x1xi32>
    %reduce_sum3A_355 = vector.extract %reduce_sum3A_354[0, 0, 0] : i32 from vector<1x1x1xi32>
    %add3A_356 = arith.addi %add3A_344, %reduce_sum3A_355 : i32
    %eq3A_357 = arith.constant 24 : i32
    %eq3A_358 = vector.broadcast %eq3A_357 : i32 to vector<32x128xi32>
    %eq3A_359 = arith.cmpi eq, %iota3A_65, %eq3A_358 : vector<32x128xi32>
    %broadcast_in_dim3A_360 = vector.broadcast %add3A_356 : i32 to vector<32x128xi32>
    %select_n3A_361 = arith.select %eq3A_359, %broadcast_in_dim3A_360, %select_n3A_349 : vector<32x128xi1>, vector<32x128xi32>
    %slice3A_362 = vector.extract_strided_slice %convert_element_type3A_64 {offsets = [768, 0], sizes = [32, 1024], strides = [1, 1]} : vector<1024x1024xi32> to vector<32x1024xi32>
    %reduce_sum3A_363 = vector.shape_cast %slice3A_362 : vector<32x1024xi32> to vector<1x32x1024xi32>
    %reduce_sum3A_364 = arith.constant dense<0> : vector<1xi32>
    %reduce_sum3A_365 = vector.multi_reduction <add>, %reduce_sum3A_363, %reduce_sum3A_364 [1, 2] : vector<1x32x1024xi32> to vector<1xi32>
    %reduce_sum3A_366 = vector.shape_cast %reduce_sum3A_365 : vector<1xi32> to vector<1x1x1xi32>
    %reduce_sum3A_367 = vector.extract %reduce_sum3A_366[0, 0, 0] : i32 from vector<1x1x1xi32>
    %add3A_368 = arith.addi %add3A_356, %reduce_sum3A_367 : i32
    %eq3A_369 = arith.constant 25 : i32
    %eq3A_370 = vector.broadcast %eq3A_369 : i32 to vector<32x128xi32>
    %eq3A_371 = arith.cmpi eq, %iota3A_65, %eq3A_370 : vector<32x128xi32>
    %broadcast_in_dim3A_372 = vector.broadcast %add3A_368 : i32 to vector<32x128xi32>
    %select_n3A_373 = arith.select %eq3A_371, %broadcast_in_dim3A_372, %select_n3A_361 : vector<32x128xi1>, vector<32x128xi32>
    %slice3A_374 = vector.extract_strided_slice %convert_element_type3A_64 {offsets = [800, 0], sizes = [32, 1024], strides = [1, 1]} : vector<1024x1024xi32> to vector<32x1024xi32>
    %reduce_sum3A_375 = vector.shape_cast %slice3A_374 : vector<32x1024xi32> to vector<1x32x1024xi32>
    %reduce_sum3A_376 = arith.constant dense<0> : vector<1xi32>
    %reduce_sum3A_377 = vector.multi_reduction <add>, %reduce_sum3A_375, %reduce_sum3A_376 [1, 2] : vector<1x32x1024xi32> to vector<1xi32>
    %reduce_sum3A_378 = vector.shape_cast %reduce_sum3A_377 : vector<1xi32> to vector<1x1x1xi32>
    %reduce_sum3A_379 = vector.extract %reduce_sum3A_378[0, 0, 0] : i32 from vector<1x1x1xi32>
    %add3A_380 = arith.addi %add3A_368, %reduce_sum3A_379 : i32
    %eq3A_381 = arith.constant 26 : i32
    %eq3A_382 = vector.broadcast %eq3A_381 : i32 to vector<32x128xi32>
    %eq3A_383 = arith.cmpi eq, %iota3A_65, %eq3A_382 : vector<32x128xi32>
    %broadcast_in_dim3A_384 = vector.broadcast %add3A_380 : i32 to vector<32x128xi32>
    %select_n3A_385 = arith.select %eq3A_383, %broadcast_in_dim3A_384, %select_n3A_373 : vector<32x128xi1>, vector<32x128xi32>
    %slice3A_386 = vector.extract_strided_slice %convert_element_type3A_64 {offsets = [832, 0], sizes = [32, 1024], strides = [1, 1]} : vector<1024x1024xi32> to vector<32x1024xi32>
    %reduce_sum3A_387 = vector.shape_cast %slice3A_386 : vector<32x1024xi32> to vector<1x32x1024xi32>
    %reduce_sum3A_388 = arith.constant dense<0> : vector<1xi32>
    %reduce_sum3A_389 = vector.multi_reduction <add>, %reduce_sum3A_387, %reduce_sum3A_388 [1, 2] : vector<1x32x1024xi32> to vector<1xi32>
    %reduce_sum3A_390 = vector.shape_cast %reduce_sum3A_389 : vector<1xi32> to vector<1x1x1xi32>
    %reduce_sum3A_391 = vector.extract %reduce_sum3A_390[0, 0, 0] : i32 from vector<1x1x1xi32>
    %add3A_392 = arith.addi %add3A_380, %reduce_sum3A_391 : i32
    %eq3A_393 = arith.constant 27 : i32
    %eq3A_394 = vector.broadcast %eq3A_393 : i32 to vector<32x128xi32>
    %eq3A_395 = arith.cmpi eq, %iota3A_65, %eq3A_394 : vector<32x128xi32>
    %broadcast_in_dim3A_396 = vector.broadcast %add3A_392 : i32 to vector<32x128xi32>
    %select_n3A_397 = arith.select %eq3A_395, %broadcast_in_dim3A_396, %select_n3A_385 : vector<32x128xi1>, vector<32x128xi32>
    %slice3A_398 = vector.extract_strided_slice %convert_element_type3A_64 {offsets = [864, 0], sizes = [32, 1024], strides = [1, 1]} : vector<1024x1024xi32> to vector<32x1024xi32>
    %reduce_sum3A_399 = vector.shape_cast %slice3A_398 : vector<32x1024xi32> to vector<1x32x1024xi32>
    %reduce_sum3A_400 = arith.constant dense<0> : vector<1xi32>
    %reduce_sum3A_401 = vector.multi_reduction <add>, %reduce_sum3A_399, %reduce_sum3A_400 [1, 2] : vector<1x32x1024xi32> to vector<1xi32>
    %reduce_sum3A_402 = vector.shape_cast %reduce_sum3A_401 : vector<1xi32> to vector<1x1x1xi32>
    %reduce_sum3A_403 = vector.extract %reduce_sum3A_402[0, 0, 0] : i32 from vector<1x1x1xi32>
    %add3A_404 = arith.addi %add3A_392, %reduce_sum3A_403 : i32
    %eq3A_405 = arith.constant 28 : i32
    %eq3A_406 = vector.broadcast %eq3A_405 : i32 to vector<32x128xi32>
    %eq3A_407 = arith.cmpi eq, %iota3A_65, %eq3A_406 : vector<32x128xi32>
    %broadcast_in_dim3A_408 = vector.broadcast %add3A_404 : i32 to vector<32x128xi32>
    %select_n3A_409 = arith.select %eq3A_407, %broadcast_in_dim3A_408, %select_n3A_397 : vector<32x128xi1>, vector<32x128xi32>
    %slice3A_410 = vector.extract_strided_slice %convert_element_type3A_64 {offsets = [896, 0], sizes = [32, 1024], strides = [1, 1]} : vector<1024x1024xi32> to vector<32x1024xi32>
    %reduce_sum3A_411 = vector.shape_cast %slice3A_410 : vector<32x1024xi32> to vector<1x32x1024xi32>
    %reduce_sum3A_412 = arith.constant dense<0> : vector<1xi32>
    %reduce_sum3A_413 = vector.multi_reduction <add>, %reduce_sum3A_411, %reduce_sum3A_412 [1, 2] : vector<1x32x1024xi32> to vector<1xi32>
    %reduce_sum3A_414 = vector.shape_cast %reduce_sum3A_413 : vector<1xi32> to vector<1x1x1xi32>
    %reduce_sum3A_415 = vector.extract %reduce_sum3A_414[0, 0, 0] : i32 from vector<1x1x1xi32>
    %add3A_416 = arith.addi %add3A_404, %reduce_sum3A_415 : i32
    %eq3A_417 = arith.constant 29 : i32
    %eq3A_418 = vector.broadcast %eq3A_417 : i32 to vector<32x128xi32>
    %eq3A_419 = arith.cmpi eq, %iota3A_65, %eq3A_418 : vector<32x128xi32>
    %broadcast_in_dim3A_420 = vector.broadcast %add3A_416 : i32 to vector<32x128xi32>
    %select_n3A_421 = arith.select %eq3A_419, %broadcast_in_dim3A_420, %select_n3A_409 : vector<32x128xi1>, vector<32x128xi32>
    %slice3A_422 = vector.extract_strided_slice %convert_element_type3A_64 {offsets = [928, 0], sizes = [32, 1024], strides = [1, 1]} : vector<1024x1024xi32> to vector<32x1024xi32>
    %reduce_sum3A_423 = vector.shape_cast %slice3A_422 : vector<32x1024xi32> to vector<1x32x1024xi32>
    %reduce_sum3A_424 = arith.constant dense<0> : vector<1xi32>
    %reduce_sum3A_425 = vector.multi_reduction <add>, %reduce_sum3A_423, %reduce_sum3A_424 [1, 2] : vector<1x32x1024xi32> to vector<1xi32>
    %reduce_sum3A_426 = vector.shape_cast %reduce_sum3A_425 : vector<1xi32> to vector<1x1x1xi32>
    %reduce_sum3A_427 = vector.extract %reduce_sum3A_426[0, 0, 0] : i32 from vector<1x1x1xi32>
    %add3A_428 = arith.addi %add3A_416, %reduce_sum3A_427 : i32
    %eq3A_429 = arith.constant 30 : i32
    %eq3A_430 = vector.broadcast %eq3A_429 : i32 to vector<32x128xi32>
    %eq3A_431 = arith.cmpi eq, %iota3A_65, %eq3A_430 : vector<32x128xi32>
    %broadcast_in_dim3A_432 = vector.broadcast %add3A_428 : i32 to vector<32x128xi32>
    %select_n3A_433 = arith.select %eq3A_431, %broadcast_in_dim3A_432, %select_n3A_421 : vector<32x128xi1>, vector<32x128xi32>
    %slice3A_434 = vector.extract_strided_slice %convert_element_type3A_64 {offsets = [960, 0], sizes = [32, 1024], strides = [1, 1]} : vector<1024x1024xi32> to vector<32x1024xi32>
    %reduce_sum3A_435 = vector.shape_cast %slice3A_434 : vector<32x1024xi32> to vector<1x32x1024xi32>
    %reduce_sum3A_436 = arith.constant dense<0> : vector<1xi32>
    %reduce_sum3A_437 = vector.multi_reduction <add>, %reduce_sum3A_435, %reduce_sum3A_436 [1, 2] : vector<1x32x1024xi32> to vector<1xi32>
    %reduce_sum3A_438 = vector.shape_cast %reduce_sum3A_437 : vector<1xi32> to vector<1x1x1xi32>
    %reduce_sum3A_439 = vector.extract %reduce_sum3A_438[0, 0, 0] : i32 from vector<1x1x1xi32>
    %add3A_440 = arith.addi %add3A_428, %reduce_sum3A_439 : i32
    %eq3A_441 = arith.constant 31 : i32
    %eq3A_442 = vector.broadcast %eq3A_441 : i32 to vector<32x128xi32>
    %eq3A_443 = arith.cmpi eq, %iota3A_65, %eq3A_442 : vector<32x128xi32>
    %broadcast_in_dim3A_444 = vector.broadcast %add3A_440 : i32 to vector<32x128xi32>
    %select_n3A_445 = arith.select %eq3A_443, %broadcast_in_dim3A_444, %select_n3A_433 : vector<32x128xi1>, vector<32x128xi32>
    %swap3A_446 = arith.constant 0 : index
    %swap3A_447 = arith.constant 0 : index
    %swap3A_448 = vector.load %arg4[%swap3A_446, %swap3A_447] : memref<32x128xi32, #tpu.memory_space<vmem>>, vector<32x128xi32>
    tpu.vector_store %arg4[%swap3A_446, %swap3A_447], %select_n3A_445 {strides = array<i32>} : memref<32x128xi32, #tpu.memory_space<vmem>>, vector<32x128xi32>,
    return
  }
}

module attributes {stable_mosaic.version = 14 : i64} {
  func.func @_k3_body(%arg0: memref<256x128xi32, #tpu.memory_space<vmem>>, %arg1: memref<256x128xi32, #tpu.memory_space<vmem>>, %arg2: memref<256x128xi32, #tpu.memory_space<vmem>>) attributes {dimension_semantics = [], scalar_prefetch = 0 : i64, scratch_operands = 0 : i64, tpu.core_type = #tpu.core_type<tc>} {
    %get3A = arith.constant 0 : index
    %get3A_0 = arith.constant 0 : index
    %get3A_1 = vector.load %arg0[%get3A, %get3A_0] : memref<256x128xi32, #tpu.memory_space<vmem>>, vector<256x128xi32>
    %get3A_2 = arith.constant 0 : index
    %get3A_3 = arith.constant 0 : index
    %get3A_4 = vector.load %arg1[%get3A_2, %get3A_3] : memref<256x128xi32, #tpu.memory_space<vmem>>, vector<256x128xi32>
    %iota3A = tpu.iota {dimensions = array<i32: 0>} : vector<256x128xi32>
    %iota3A_5 = tpu.iota {dimensions = array<i32: 1>} : vector<256x128xi32>
    %mul3A = arith.constant 128 : i32
    %mul3A_6 = vector.broadcast %mul3A : i32 to vector<256x128xi32>
    %mul3A_7 = arith.muli %iota3A, %mul3A_6 : vector<256x128xi32>
    %add3A = arith.addi %mul3A_7, %iota3A_5 : vector<256x128xi32>
    %roll3A = arith.constant 127 : i32
    %roll3A_8 = tpu.dynamic_rotate %get3A_1 by %roll3A dim 1 : vector<256x128xi32>, i32 -> vector<256x128xi32>
    %roll3A_9 = arith.constant 1 : i32
    %roll3A_10 = tpu.dynamic_rotate %get3A_1 by %roll3A_9 dim 1 : vector<256x128xi32>, i32 -> vector<256x128xi32>
    %roll3A_11 = arith.constant 127 : i32
    %roll3A_12 = tpu.dynamic_rotate %get3A_4 by %roll3A_11 dim 1 : vector<256x128xi32>, i32 -> vector<256x128xi32>
    %roll3A_13 = arith.constant 1 : i32
    %roll3A_14 = tpu.dynamic_rotate %get3A_4 by %roll3A_13 dim 1 : vector<256x128xi32>, i32 -> vector<256x128xi32>
    %and3A = arith.constant 1 : i32
    %and3A_15 = vector.broadcast %and3A : i32 to vector<256x128xi32>
    %and3A_16 = arith.andi %add3A, %and3A_15 : vector<256x128xi32>
    %ne3A = arith.constant 0 : i32
    %ne3A_17 = vector.broadcast %ne3A : i32 to vector<256x128xi32>
    %ne3A_18 = arith.cmpi ne, %and3A_16, %ne3A_17 : vector<256x128xi32>
    %select_n3A = arith.select %ne3A_18, %roll3A_10, %roll3A_8 : vector<256x128xi1>, vector<256x128xi32>
    %select_n3A_19 = arith.select %ne3A_18, %roll3A_14, %roll3A_12 : vector<256x128xi1>, vector<256x128xi32>
    %and3A_20 = arith.constant 2 : i32
    %and3A_21 = vector.broadcast %and3A_20 : i32 to vector<256x128xi32>
    %and3A_22 = arith.andi %add3A, %and3A_21 : vector<256x128xi32>
    %eq3A = arith.constant 0 : i32
    %eq3A_23 = vector.broadcast %eq3A : i32 to vector<256x128xi32>
    %eq3A_24 = arith.cmpi eq, %and3A_22, %eq3A_23 : vector<256x128xi32>
    %xor3A = arith.xori %ne3A_18, %eq3A_24 : vector<256x128xi1>
    %gt3A = arith.cmpi sgt, %get3A_1, %select_n3A : vector<256x128xi32>
    %eq3A_25 = arith.cmpi eq, %get3A_1, %select_n3A : vector<256x128xi32>
    %lt3A = arith.cmpi slt, %get3A_4, %select_n3A_19 : vector<256x128xi32>
    %and3A_26 = arith.andi %eq3A_25, %lt3A : vector<256x128xi1>
    %or3A = arith.ori %gt3A, %and3A_26 : vector<256x128xi1>
    %eq3A_27 = arith.xori %or3A, %xor3A : vector<256x128xi1>
    %eq3A_28 = arith.constant dense<true> : vector<256x128xi1>
    %eq3A_29 = arith.xori %eq3A_27, %eq3A_28 : vector<256x128xi1>
    %select_n3A_30 = arith.select %eq3A_29, %get3A_1, %select_n3A : vector<256x128xi1>, vector<256x128xi32>
    %select_n3A_31 = arith.select %eq3A_29, %get3A_4, %select_n3A_19 : vector<256x128xi1>, vector<256x128xi32>
    %roll3A_32 = arith.constant 126 : i32
    %roll3A_33 = tpu.dynamic_rotate %select_n3A_30 by %roll3A_32 dim 1 : vector<256x128xi32>, i32 -> vector<256x128xi32>
    %roll3A_34 = arith.constant 2 : i32
    %roll3A_35 = tpu.dynamic_rotate %select_n3A_30 by %roll3A_34 dim 1 : vector<256x128xi32>, i32 -> vector<256x128xi32>
    %roll3A_36 = arith.constant 126 : i32
    %roll3A_37 = tpu.dynamic_rotate %select_n3A_31 by %roll3A_36 dim 1 : vector<256x128xi32>, i32 -> vector<256x128xi32>
    %roll3A_38 = arith.constant 2 : i32
    %roll3A_39 = tpu.dynamic_rotate %select_n3A_31 by %roll3A_38 dim 1 : vector<256x128xi32>, i32 -> vector<256x128xi32>
    %and3A_40 = arith.constant 2 : i32
    %and3A_41 = vector.broadcast %and3A_40 : i32 to vector<256x128xi32>
    %and3A_42 = arith.andi %add3A, %and3A_41 : vector<256x128xi32>
    %ne3A_43 = arith.constant 0 : i32
    %ne3A_44 = vector.broadcast %ne3A_43 : i32 to vector<256x128xi32>
    %ne3A_45 = arith.cmpi ne, %and3A_42, %ne3A_44 : vector<256x128xi32>
    %select_n3A_46 = arith.select %ne3A_45, %roll3A_35, %roll3A_33 : vector<256x128xi1>, vector<256x128xi32>
    %select_n3A_47 = arith.select %ne3A_45, %roll3A_39, %roll3A_37 : vector<256x128xi1>, vector<256x128xi32>
    %and3A_48 = arith.constant 4 : i32
    %and3A_49 = vector.broadcast %and3A_48 : i32 to vector<256x128xi32>
    %and3A_50 = arith.andi %add3A, %and3A_49 : vector<256x128xi32>
    %eq3A_51 = arith.constant 0 : i32
    %eq3A_52 = vector.broadcast %eq3A_51 : i32 to vector<256x128xi32>
    %eq3A_53 = arith.cmpi eq, %and3A_50, %eq3A_52 : vector<256x128xi32>
    %xor3A_54 = arith.xori %ne3A_45, %eq3A_53 : vector<256x128xi1>
    %gt3A_55 = arith.cmpi sgt, %select_n3A_30, %select_n3A_46 : vector<256x128xi32>
    %eq3A_56 = arith.cmpi eq, %select_n3A_30, %select_n3A_46 : vector<256x128xi32>
    %lt3A_57 = arith.cmpi slt, %select_n3A_31, %select_n3A_47 : vector<256x128xi32>
    %and3A_58 = arith.andi %eq3A_56, %lt3A_57 : vector<256x128xi1>
    %or3A_59 = arith.ori %gt3A_55, %and3A_58 : vector<256x128xi1>
    %eq3A_60 = arith.xori %or3A_59, %xor3A_54 : vector<256x128xi1>
    %eq3A_61 = arith.constant dense<true> : vector<256x128xi1>
    %eq3A_62 = arith.xori %eq3A_60, %eq3A_61 : vector<256x128xi1>
    %select_n3A_63 = arith.select %eq3A_62, %select_n3A_30, %select_n3A_46 : vector<256x128xi1>, vector<256x128xi32>
    %select_n3A_64 = arith.select %eq3A_62, %select_n3A_31, %select_n3A_47 : vector<256x128xi1>, vector<256x128xi32>
    %roll3A_65 = arith.constant 127 : i32
    %roll3A_66 = tpu.dynamic_rotate %select_n3A_63 by %roll3A_65 dim 1 : vector<256x128xi32>, i32 -> vector<256x128xi32>
    %roll3A_67 = arith.constant 1 : i32
    %roll3A_68 = tpu.dynamic_rotate %select_n3A_63 by %roll3A_67 dim 1 : vector<256x128xi32>, i32 -> vector<256x128xi32>
    %roll3A_69 = arith.constant 127 : i32
    %roll3A_70 = tpu.dynamic_rotate %select_n3A_64 by %roll3A_69 dim 1 : vector<256x128xi32>, i32 -> vector<256x128xi32>
    %roll3A_71 = arith.constant 1 : i32
    %roll3A_72 = tpu.dynamic_rotate %select_n3A_64 by %roll3A_71 dim 1 : vector<256x128xi32>, i32 -> vector<256x128xi32>
    %and3A_73 = arith.constant 1 : i32
    %and3A_74 = vector.broadcast %and3A_73 : i32 to vector<256x128xi32>
    %and3A_75 = arith.andi %add3A, %and3A_74 : vector<256x128xi32>
    %ne3A_76 = arith.constant 0 : i32
    %ne3A_77 = vector.broadcast %ne3A_76 : i32 to vector<256x128xi32>
    %ne3A_78 = arith.cmpi ne, %and3A_75, %ne3A_77 : vector<256x128xi32>
    %select_n3A_79 = arith.select %ne3A_78, %roll3A_68, %roll3A_66 : vector<256x128xi1>, vector<256x128xi32>
    %select_n3A_80 = arith.select %ne3A_78, %roll3A_72, %roll3A_70 : vector<256x128xi1>, vector<256x128xi32>
    %and3A_81 = arith.constant 4 : i32
    %and3A_82 = vector.broadcast %and3A_81 : i32 to vector<256x128xi32>
    %and3A_83 = arith.andi %add3A, %and3A_82 : vector<256x128xi32>
    %eq3A_84 = arith.constant 0 : i32
    %eq3A_85 = vector.broadcast %eq3A_84 : i32 to vector<256x128xi32>
    %eq3A_86 = arith.cmpi eq, %and3A_83, %eq3A_85 : vector<256x128xi32>
    %xor3A_87 = arith.xori %ne3A_78, %eq3A_86 : vector<256x128xi1>
    %gt3A_88 = arith.cmpi sgt, %select_n3A_63, %select_n3A_79 : vector<256x128xi32>
    %eq3A_89 = arith.cmpi eq, %select_n3A_63, %select_n3A_79 : vector<256x128xi32>
    %lt3A_90 = arith.cmpi slt, %select_n3A_64, %select_n3A_80 : vector<256x128xi32>
    %and3A_91 = arith.andi %eq3A_89, %lt3A_90 : vector<256x128xi1>
    %or3A_92 = arith.ori %gt3A_88, %and3A_91 : vector<256x128xi1>
    %eq3A_93 = arith.xori %or3A_92, %xor3A_87 : vector<256x128xi1>
    %eq3A_94 = arith.constant dense<true> : vector<256x128xi1>
    %eq3A_95 = arith.xori %eq3A_93, %eq3A_94 : vector<256x128xi1>
    %select_n3A_96 = arith.select %eq3A_95, %select_n3A_63, %select_n3A_79 : vector<256x128xi1>, vector<256x128xi32>
    %select_n3A_97 = arith.select %eq3A_95, %select_n3A_64, %select_n3A_80 : vector<256x128xi1>, vector<256x128xi32>
    %roll3A_98 = arith.constant 124 : i32
    %roll3A_99 = tpu.dynamic_rotate %select_n3A_96 by %roll3A_98 dim 1 : vector<256x128xi32>, i32 -> vector<256x128xi32>
    %roll3A_100 = arith.constant 4 : i32
    %roll3A_101 = tpu.dynamic_rotate %select_n3A_96 by %roll3A_100 dim 1 : vector<256x128xi32>, i32 -> vector<256x128xi32>
    %roll3A_102 = arith.constant 124 : i32
    %roll3A_103 = tpu.dynamic_rotate %select_n3A_97 by %roll3A_102 dim 1 : vector<256x128xi32>, i32 -> vector<256x128xi32>
    %roll3A_104 = arith.constant 4 : i32
    %roll3A_105 = tpu.dynamic_rotate %select_n3A_97 by %roll3A_104 dim 1 : vector<256x128xi32>, i32 -> vector<256x128xi32>
    %and3A_106 = arith.constant 4 : i32
    %and3A_107 = vector.broadcast %and3A_106 : i32 to vector<256x128xi32>
    %and3A_108 = arith.andi %add3A, %and3A_107 : vector<256x128xi32>
    %ne3A_109 = arith.constant 0 : i32
    %ne3A_110 = vector.broadcast %ne3A_109 : i32 to vector<256x128xi32>
    %ne3A_111 = arith.cmpi ne, %and3A_108, %ne3A_110 : vector<256x128xi32>
    %select_n3A_112 = arith.select %ne3A_111, %roll3A_101, %roll3A_99 : vector<256x128xi1>, vector<256x128xi32>
    %select_n3A_113 = arith.select %ne3A_111, %roll3A_105, %roll3A_103 : vector<256x128xi1>, vector<256x128xi32>
    %and3A_114 = arith.constant 8 : i32
    %and3A_115 = vector.broadcast %and3A_114 : i32 to vector<256x128xi32>
    %and3A_116 = arith.andi %add3A, %and3A_115 : vector<256x128xi32>
    %eq3A_117 = arith.constant 0 : i32
    %eq3A_118 = vector.broadcast %eq3A_117 : i32 to vector<256x128xi32>
    %eq3A_119 = arith.cmpi eq, %and3A_116, %eq3A_118 : vector<256x128xi32>
    %xor3A_120 = arith.xori %ne3A_111, %eq3A_119 : vector<256x128xi1>
    %gt3A_121 = arith.cmpi sgt, %select_n3A_96, %select_n3A_112 : vector<256x128xi32>
    %eq3A_122 = arith.cmpi eq, %select_n3A_96, %select_n3A_112 : vector<256x128xi32>
    %lt3A_123 = arith.cmpi slt, %select_n3A_97, %select_n3A_113 : vector<256x128xi32>
    %and3A_124 = arith.andi %eq3A_122, %lt3A_123 : vector<256x128xi1>
    %or3A_125 = arith.ori %gt3A_121, %and3A_124 : vector<256x128xi1>
    %eq3A_126 = arith.xori %or3A_125, %xor3A_120 : vector<256x128xi1>
    %eq3A_127 = arith.constant dense<true> : vector<256x128xi1>
    %eq3A_128 = arith.xori %eq3A_126, %eq3A_127 : vector<256x128xi1>
    %select_n3A_129 = arith.select %eq3A_128, %select_n3A_96, %select_n3A_112 : vector<256x128xi1>, vector<256x128xi32>
    %select_n3A_130 = arith.select %eq3A_128, %select_n3A_97, %select_n3A_113 : vector<256x128xi1>, vector<256x128xi32>
    %roll3A_131 = arith.constant 126 : i32
    %roll3A_132 = tpu.dynamic_rotate %select_n3A_129 by %roll3A_131 dim 1 : vector<256x128xi32>, i32 -> vector<256x128xi32>
    %roll3A_133 = arith.constant 2 : i32
    %roll3A_134 = tpu.dynamic_rotate %select_n3A_129 by %roll3A_133 dim 1 : vector<256x128xi32>, i32 -> vector<256x128xi32>
    %roll3A_135 = arith.constant 126 : i32
    %roll3A_136 = tpu.dynamic_rotate %select_n3A_130 by %roll3A_135 dim 1 : vector<256x128xi32>, i32 -> vector<256x128xi32>
    %roll3A_137 = arith.constant 2 : i32
    %roll3A_138 = tpu.dynamic_rotate %select_n3A_130 by %roll3A_137 dim 1 : vector<256x128xi32>, i32 -> vector<256x128xi32>
    %and3A_139 = arith.constant 2 : i32
    %and3A_140 = vector.broadcast %and3A_139 : i32 to vector<256x128xi32>
    %and3A_141 = arith.andi %add3A, %and3A_140 : vector<256x128xi32>
    %ne3A_142 = arith.constant 0 : i32
    %ne3A_143 = vector.broadcast %ne3A_142 : i32 to vector<256x128xi32>
    %ne3A_144 = arith.cmpi ne, %and3A_141, %ne3A_143 : vector<256x128xi32>
    %select_n3A_145 = arith.select %ne3A_144, %roll3A_134, %roll3A_132 : vector<256x128xi1>, vector<256x128xi32>
    %select_n3A_146 = arith.select %ne3A_144, %roll3A_138, %roll3A_136 : vector<256x128xi1>, vector<256x128xi32>
    %and3A_147 = arith.constant 8 : i32
    %and3A_148 = vector.broadcast %and3A_147 : i32 to vector<256x128xi32>
    %and3A_149 = arith.andi %add3A, %and3A_148 : vector<256x128xi32>
    %eq3A_150 = arith.constant 0 : i32
    %eq3A_151 = vector.broadcast %eq3A_150 : i32 to vector<256x128xi32>
    %eq3A_152 = arith.cmpi eq, %and3A_149, %eq3A_151 : vector<256x128xi32>
    %xor3A_153 = arith.xori %ne3A_144, %eq3A_152 : vector<256x128xi1>
    %gt3A_154 = arith.cmpi sgt, %select_n3A_129, %select_n3A_145 : vector<256x128xi32>
    %eq3A_155 = arith.cmpi eq, %select_n3A_129, %select_n3A_145 : vector<256x128xi32>
    %lt3A_156 = arith.cmpi slt, %select_n3A_130, %select_n3A_146 : vector<256x128xi32>
    %and3A_157 = arith.andi %eq3A_155, %lt3A_156 : vector<256x128xi1>
    %or3A_158 = arith.ori %gt3A_154, %and3A_157 : vector<256x128xi1>
    %eq3A_159 = arith.xori %or3A_158, %xor3A_153 : vector<256x128xi1>
    %eq3A_160 = arith.constant dense<true> : vector<256x128xi1>
    %eq3A_161 = arith.xori %eq3A_159, %eq3A_160 : vector<256x128xi1>
    %select_n3A_162 = arith.select %eq3A_161, %select_n3A_129, %select_n3A_145 : vector<256x128xi1>, vector<256x128xi32>
    %select_n3A_163 = arith.select %eq3A_161, %select_n3A_130, %select_n3A_146 : vector<256x128xi1>, vector<256x128xi32>
    %roll3A_164 = arith.constant 127 : i32
    %roll3A_165 = tpu.dynamic_rotate %select_n3A_162 by %roll3A_164 dim 1 : vector<256x128xi32>, i32 -> vector<256x128xi32>
    %roll3A_166 = arith.constant 1 : i32
    %roll3A_167 = tpu.dynamic_rotate %select_n3A_162 by %roll3A_166 dim 1 : vector<256x128xi32>, i32 -> vector<256x128xi32>
    %roll3A_168 = arith.constant 127 : i32
    %roll3A_169 = tpu.dynamic_rotate %select_n3A_163 by %roll3A_168 dim 1 : vector<256x128xi32>, i32 -> vector<256x128xi32>
    %roll3A_170 = arith.constant 1 : i32
    %roll3A_171 = tpu.dynamic_rotate %select_n3A_163 by %roll3A_170 dim 1 : vector<256x128xi32>, i32 -> vector<256x128xi32>
    %and3A_172 = arith.constant 1 : i32
    %and3A_173 = vector.broadcast %and3A_172 : i32 to vector<256x128xi32>
    %and3A_174 = arith.andi %add3A, %and3A_173 : vector<256x128xi32>
    %ne3A_175 = arith.constant 0 : i32
    %ne3A_176 = vector.broadcast %ne3A_175 : i32 to vector<256x128xi32>
    %ne3A_177 = arith.cmpi ne, %and3A_174, %ne3A_176 : vector<256x128xi32>
    %select_n3A_178 = arith.select %ne3A_177, %roll3A_167, %roll3A_165 : vector<256x128xi1>, vector<256x128xi32>
    %select_n3A_179 = arith.select %ne3A_177, %roll3A_171, %roll3A_169 : vector<256x128xi1>, vector<256x128xi32>
    %and3A_180 = arith.constant 8 : i32
    %and3A_181 = vector.broadcast %and3A_180 : i32 to vector<256x128xi32>
    %and3A_182 = arith.andi %add3A, %and3A_181 : vector<256x128xi32>
    %eq3A_183 = arith.constant 0 : i32
    %eq3A_184 = vector.broadcast %eq3A_183 : i32 to vector<256x128xi32>
    %eq3A_185 = arith.cmpi eq, %and3A_182, %eq3A_184 : vector<256x128xi32>
    %xor3A_186 = arith.xori %ne3A_177, %eq3A_185 : vector<256x128xi1>
    %gt3A_187 = arith.cmpi sgt, %select_n3A_162, %select_n3A_178 : vector<256x128xi32>
    %eq3A_188 = arith.cmpi eq, %select_n3A_162, %select_n3A_178 : vector<256x128xi32>
    %lt3A_189 = arith.cmpi slt, %select_n3A_163, %select_n3A_179 : vector<256x128xi32>
    %and3A_190 = arith.andi %eq3A_188, %lt3A_189 : vector<256x128xi1>
    %or3A_191 = arith.ori %gt3A_187, %and3A_190 : vector<256x128xi1>
    %eq3A_192 = arith.xori %or3A_191, %xor3A_186 : vector<256x128xi1>
    %eq3A_193 = arith.constant dense<true> : vector<256x128xi1>
    %eq3A_194 = arith.xori %eq3A_192, %eq3A_193 : vector<256x128xi1>
    %select_n3A_195 = arith.select %eq3A_194, %select_n3A_162, %select_n3A_178 : vector<256x128xi1>, vector<256x128xi32>
    %select_n3A_196 = arith.select %eq3A_194, %select_n3A_163, %select_n3A_179 : vector<256x128xi1>, vector<256x128xi32>
    %roll3A_197 = arith.constant 120 : i32
    %roll3A_198 = tpu.dynamic_rotate %select_n3A_195 by %roll3A_197 dim 1 : vector<256x128xi32>, i32 -> vector<256x128xi32>
    %roll3A_199 = arith.constant 8 : i32
    %roll3A_200 = tpu.dynamic_rotate %select_n3A_195 by %roll3A_199 dim 1 : vector<256x128xi32>, i32 -> vector<256x128xi32>
    %roll3A_201 = arith.constant 120 : i32
    %roll3A_202 = tpu.dynamic_rotate %select_n3A_196 by %roll3A_201 dim 1 : vector<256x128xi32>, i32 -> vector<256x128xi32>
    %roll3A_203 = arith.constant 8 : i32
    %roll3A_204 = tpu.dynamic_rotate %select_n3A_196 by %roll3A_203 dim 1 : vector<256x128xi32>, i32 -> vector<256x128xi32>
    %and3A_205 = arith.constant 8 : i32
    %and3A_206 = vector.broadcast %and3A_205 : i32 to vector<256x128xi32>
    %and3A_207 = arith.andi %add3A, %and3A_206 : vector<256x128xi32>
    %ne3A_208 = arith.constant 0 : i32
    %ne3A_209 = vector.broadcast %ne3A_208 : i32 to vector<256x128xi32>
    %ne3A_210 = arith.cmpi ne, %and3A_207, %ne3A_209 : vector<256x128xi32>
    %select_n3A_211 = arith.select %ne3A_210, %roll3A_200, %roll3A_198 : vector<256x128xi1>, vector<256x128xi32>
    %select_n3A_212 = arith.select %ne3A_210, %roll3A_204, %roll3A_202 : vector<256x128xi1>, vector<256x128xi32>
    %and3A_213 = arith.constant 16 : i32
    %and3A_214 = vector.broadcast %and3A_213 : i32 to vector<256x128xi32>
    %and3A_215 = arith.andi %add3A, %and3A_214 : vector<256x128xi32>
    %eq3A_216 = arith.constant 0 : i32
    %eq3A_217 = vector.broadcast %eq3A_216 : i32 to vector<256x128xi32>
    %eq3A_218 = arith.cmpi eq, %and3A_215, %eq3A_217 : vector<256x128xi32>
    %xor3A_219 = arith.xori %ne3A_210, %eq3A_218 : vector<256x128xi1>
    %gt3A_220 = arith.cmpi sgt, %select_n3A_195, %select_n3A_211 : vector<256x128xi32>
    %eq3A_221 = arith.cmpi eq, %select_n3A_195, %select_n3A_211 : vector<256x128xi32>
    %lt3A_222 = arith.cmpi slt, %select_n3A_196, %select_n3A_212 : vector<256x128xi32>
    %and3A_223 = arith.andi %eq3A_221, %lt3A_222 : vector<256x128xi1>
    %or3A_224 = arith.ori %gt3A_220, %and3A_223 : vector<256x128xi1>
    %eq3A_225 = arith.xori %or3A_224, %xor3A_219 : vector<256x128xi1>
    %eq3A_226 = arith.constant dense<true> : vector<256x128xi1>
    %eq3A_227 = arith.xori %eq3A_225, %eq3A_226 : vector<256x128xi1>
    %select_n3A_228 = arith.select %eq3A_227, %select_n3A_195, %select_n3A_211 : vector<256x128xi1>, vector<256x128xi32>
    %select_n3A_229 = arith.select %eq3A_227, %select_n3A_196, %select_n3A_212 : vector<256x128xi1>, vector<256x128xi32>
    %roll3A_230 = arith.constant 124 : i32
    %roll3A_231 = tpu.dynamic_rotate %select_n3A_228 by %roll3A_230 dim 1 : vector<256x128xi32>, i32 -> vector<256x128xi32>
    %roll3A_232 = arith.constant 4 : i32
    %roll3A_233 = tpu.dynamic_rotate %select_n3A_228 by %roll3A_232 dim 1 : vector<256x128xi32>, i32 -> vector<256x128xi32>
    %roll3A_234 = arith.constant 124 : i32
    %roll3A_235 = tpu.dynamic_rotate %select_n3A_229 by %roll3A_234 dim 1 : vector<256x128xi32>, i32 -> vector<256x128xi32>
    %roll3A_236 = arith.constant 4 : i32
    %roll3A_237 = tpu.dynamic_rotate %select_n3A_229 by %roll3A_236 dim 1 : vector<256x128xi32>, i32 -> vector<256x128xi32>
    %and3A_238 = arith.constant 4 : i32
    %and3A_239 = vector.broadcast %and3A_238 : i32 to vector<256x128xi32>
    %and3A_240 = arith.andi %add3A, %and3A_239 : vector<256x128xi32>
    %ne3A_241 = arith.constant 0 : i32
    %ne3A_242 = vector.broadcast %ne3A_241 : i32 to vector<256x128xi32>
    %ne3A_243 = arith.cmpi ne, %and3A_240, %ne3A_242 : vector<256x128xi32>
    %select_n3A_244 = arith.select %ne3A_243, %roll3A_233, %roll3A_231 : vector<256x128xi1>, vector<256x128xi32>
    %select_n3A_245 = arith.select %ne3A_243, %roll3A_237, %roll3A_235 : vector<256x128xi1>, vector<256x128xi32>
    %and3A_246 = arith.constant 16 : i32
    %and3A_247 = vector.broadcast %and3A_246 : i32 to vector<256x128xi32>
    %and3A_248 = arith.andi %add3A, %and3A_247 : vector<256x128xi32>
    %eq3A_249 = arith.constant 0 : i32
    %eq3A_250 = vector.broadcast %eq3A_249 : i32 to vector<256x128xi32>
    %eq3A_251 = arith.cmpi eq, %and3A_248, %eq3A_250 : vector<256x128xi32>
    %xor3A_252 = arith.xori %ne3A_243, %eq3A_251 : vector<256x128xi1>
    %gt3A_253 = arith.cmpi sgt, %select_n3A_228, %select_n3A_244 : vector<256x128xi32>
    %eq3A_254 = arith.cmpi eq, %select_n3A_228, %select_n3A_244 : vector<256x128xi32>
    %lt3A_255 = arith.cmpi slt, %select_n3A_229, %select_n3A_245 : vector<256x128xi32>
    %and3A_256 = arith.andi %eq3A_254, %lt3A_255 : vector<256x128xi1>
    %or3A_257 = arith.ori %gt3A_253, %and3A_256 : vector<256x128xi1>
    %eq3A_258 = arith.xori %or3A_257, %xor3A_252 : vector<256x128xi1>
    %eq3A_259 = arith.constant dense<true> : vector<256x128xi1>
    %eq3A_260 = arith.xori %eq3A_258, %eq3A_259 : vector<256x128xi1>
    %select_n3A_261 = arith.select %eq3A_260, %select_n3A_228, %select_n3A_244 : vector<256x128xi1>, vector<256x128xi32>
    %select_n3A_262 = arith.select %eq3A_260, %select_n3A_229, %select_n3A_245 : vector<256x128xi1>, vector<256x128xi32>
    %roll3A_263 = arith.constant 126 : i32
    %roll3A_264 = tpu.dynamic_rotate %select_n3A_261 by %roll3A_263 dim 1 : vector<256x128xi32>, i32 -> vector<256x128xi32>
    %roll3A_265 = arith.constant 2 : i32
    %roll3A_266 = tpu.dynamic_rotate %select_n3A_261 by %roll3A_265 dim 1 : vector<256x128xi32>, i32 -> vector<256x128xi32>
    %roll3A_267 = arith.constant 126 : i32
    %roll3A_268 = tpu.dynamic_rotate %select_n3A_262 by %roll3A_267 dim 1 : vector<256x128xi32>, i32 -> vector<256x128xi32>
    %roll3A_269 = arith.constant 2 : i32
    %roll3A_270 = tpu.dynamic_rotate %select_n3A_262 by %roll3A_269 dim 1 : vector<256x128xi32>, i32 -> vector<256x128xi32>
    %and3A_271 = arith.constant 2 : i32
    %and3A_272 = vector.broadcast %and3A_271 : i32 to vector<256x128xi32>
    %and3A_273 = arith.andi %add3A, %and3A_272 : vector<256x128xi32>
    %ne3A_274 = arith.constant 0 : i32
    %ne3A_275 = vector.broadcast %ne3A_274 : i32 to vector<256x128xi32>
    %ne3A_276 = arith.cmpi ne, %and3A_273, %ne3A_275 : vector<256x128xi32>
    %select_n3A_277 = arith.select %ne3A_276, %roll3A_266, %roll3A_264 : vector<256x128xi1>, vector<256x128xi32>
    %select_n3A_278 = arith.select %ne3A_276, %roll3A_270, %roll3A_268 : vector<256x128xi1>, vector<256x128xi32>
    %and3A_279 = arith.constant 16 : i32
    %and3A_280 = vector.broadcast %and3A_279 : i32 to vector<256x128xi32>
    %and3A_281 = arith.andi %add3A, %and3A_280 : vector<256x128xi32>
    %eq3A_282 = arith.constant 0 : i32
    %eq3A_283 = vector.broadcast %eq3A_282 : i32 to vector<256x128xi32>
    %eq3A_284 = arith.cmpi eq, %and3A_281, %eq3A_283 : vector<256x128xi32>
    %xor3A_285 = arith.xori %ne3A_276, %eq3A_284 : vector<256x128xi1>
    %gt3A_286 = arith.cmpi sgt, %select_n3A_261, %select_n3A_277 : vector<256x128xi32>
    %eq3A_287 = arith.cmpi eq, %select_n3A_261, %select_n3A_277 : vector<256x128xi32>
    %lt3A_288 = arith.cmpi slt, %select_n3A_262, %select_n3A_278 : vector<256x128xi32>
    %and3A_289 = arith.andi %eq3A_287, %lt3A_288 : vector<256x128xi1>
    %or3A_290 = arith.ori %gt3A_286, %and3A_289 : vector<256x128xi1>
    %eq3A_291 = arith.xori %or3A_290, %xor3A_285 : vector<256x128xi1>
    %eq3A_292 = arith.constant dense<true> : vector<256x128xi1>
    %eq3A_293 = arith.xori %eq3A_291, %eq3A_292 : vector<256x128xi1>
    %select_n3A_294 = arith.select %eq3A_293, %select_n3A_261, %select_n3A_277 : vector<256x128xi1>, vector<256x128xi32>
    %select_n3A_295 = arith.select %eq3A_293, %select_n3A_262, %select_n3A_278 : vector<256x128xi1>, vector<256x128xi32>
    %roll3A_296 = arith.constant 127 : i32
    %roll3A_297 = tpu.dynamic_rotate %select_n3A_294 by %roll3A_296 dim 1 : vector<256x128xi32>, i32 -> vector<256x128xi32>
    %roll3A_298 = arith.constant 1 : i32
    %roll3A_299 = tpu.dynamic_rotate %select_n3A_294 by %roll3A_298 dim 1 : vector<256x128xi32>, i32 -> vector<256x128xi32>
    %roll3A_300 = arith.constant 127 : i32
    %roll3A_301 = tpu.dynamic_rotate %select_n3A_295 by %roll3A_300 dim 1 : vector<256x128xi32>, i32 -> vector<256x128xi32>
    %roll3A_302 = arith.constant 1 : i32
    %roll3A_303 = tpu.dynamic_rotate %select_n3A_295 by %roll3A_302 dim 1 : vector<256x128xi32>, i32 -> vector<256x128xi32>
    %and3A_304 = arith.constant 1 : i32
    %and3A_305 = vector.broadcast %and3A_304 : i32 to vector<256x128xi32>
    %and3A_306 = arith.andi %add3A, %and3A_305 : vector<256x128xi32>
    %ne3A_307 = arith.constant 0 : i32
    %ne3A_308 = vector.broadcast %ne3A_307 : i32 to vector<256x128xi32>
    %ne3A_309 = arith.cmpi ne, %and3A_306, %ne3A_308 : vector<256x128xi32>
    %select_n3A_310 = arith.select %ne3A_309, %roll3A_299, %roll3A_297 : vector<256x128xi1>, vector<256x128xi32>
    %select_n3A_311 = arith.select %ne3A_309, %roll3A_303, %roll3A_301 : vector<256x128xi1>, vector<256x128xi32>
    %and3A_312 = arith.constant 16 : i32
    %and3A_313 = vector.broadcast %and3A_312 : i32 to vector<256x128xi32>
    %and3A_314 = arith.andi %add3A, %and3A_313 : vector<256x128xi32>
    %eq3A_315 = arith.constant 0 : i32
    %eq3A_316 = vector.broadcast %eq3A_315 : i32 to vector<256x128xi32>
    %eq3A_317 = arith.cmpi eq, %and3A_314, %eq3A_316 : vector<256x128xi32>
    %xor3A_318 = arith.xori %ne3A_309, %eq3A_317 : vector<256x128xi1>
    %gt3A_319 = arith.cmpi sgt, %select_n3A_294, %select_n3A_310 : vector<256x128xi32>
    %eq3A_320 = arith.cmpi eq, %select_n3A_294, %select_n3A_310 : vector<256x128xi32>
    %lt3A_321 = arith.cmpi slt, %select_n3A_295, %select_n3A_311 : vector<256x128xi32>
    %and3A_322 = arith.andi %eq3A_320, %lt3A_321 : vector<256x128xi1>
    %or3A_323 = arith.ori %gt3A_319, %and3A_322 : vector<256x128xi1>
    %eq3A_324 = arith.xori %or3A_323, %xor3A_318 : vector<256x128xi1>
    %eq3A_325 = arith.constant dense<true> : vector<256x128xi1>
    %eq3A_326 = arith.xori %eq3A_324, %eq3A_325 : vector<256x128xi1>
    %select_n3A_327 = arith.select %eq3A_326, %select_n3A_294, %select_n3A_310 : vector<256x128xi1>, vector<256x128xi32>
    %select_n3A_328 = arith.select %eq3A_326, %select_n3A_295, %select_n3A_311 : vector<256x128xi1>, vector<256x128xi32>
    %roll3A_329 = arith.constant 112 : i32
    %roll3A_330 = tpu.dynamic_rotate %select_n3A_327 by %roll3A_329 dim 1 : vector<256x128xi32>, i32 -> vector<256x128xi32>
    %roll3A_331 = arith.constant 16 : i32
    %roll3A_332 = tpu.dynamic_rotate %select_n3A_327 by %roll3A_331 dim 1 : vector<256x128xi32>, i32 -> vector<256x128xi32>
    %roll3A_333 = arith.constant 112 : i32
    %roll3A_334 = tpu.dynamic_rotate %select_n3A_328 by %roll3A_333 dim 1 : vector<256x128xi32>, i32 -> vector<256x128xi32>
    %roll3A_335 = arith.constant 16 : i32
    %roll3A_336 = tpu.dynamic_rotate %select_n3A_328 by %roll3A_335 dim 1 : vector<256x128xi32>, i32 -> vector<256x128xi32>
    %and3A_337 = arith.constant 16 : i32
    %and3A_338 = vector.broadcast %and3A_337 : i32 to vector<256x128xi32>
    %and3A_339 = arith.andi %add3A, %and3A_338 : vector<256x128xi32>
    %ne3A_340 = arith.constant 0 : i32
    %ne3A_341 = vector.broadcast %ne3A_340 : i32 to vector<256x128xi32>
    %ne3A_342 = arith.cmpi ne, %and3A_339, %ne3A_341 : vector<256x128xi32>
    %select_n3A_343 = arith.select %ne3A_342, %roll3A_332, %roll3A_330 : vector<256x128xi1>, vector<256x128xi32>
    %select_n3A_344 = arith.select %ne3A_342, %roll3A_336, %roll3A_334 : vector<256x128xi1>, vector<256x128xi32>
    %and3A_345 = arith.constant 32 : i32
    %and3A_346 = vector.broadcast %and3A_345 : i32 to vector<256x128xi32>
    %and3A_347 = arith.andi %add3A, %and3A_346 : vector<256x128xi32>
    %eq3A_348 = arith.constant 0 : i32
    %eq3A_349 = vector.broadcast %eq3A_348 : i32 to vector<256x128xi32>
    %eq3A_350 = arith.cmpi eq, %and3A_347, %eq3A_349 : vector<256x128xi32>
    %xor3A_351 = arith.xori %ne3A_342, %eq3A_350 : vector<256x128xi1>
    %gt3A_352 = arith.cmpi sgt, %select_n3A_327, %select_n3A_343 : vector<256x128xi32>
    %eq3A_353 = arith.cmpi eq, %select_n3A_327, %select_n3A_343 : vector<256x128xi32>
    %lt3A_354 = arith.cmpi slt, %select_n3A_328, %select_n3A_344 : vector<256x128xi32>
    %and3A_355 = arith.andi %eq3A_353, %lt3A_354 : vector<256x128xi1>
    %or3A_356 = arith.ori %gt3A_352, %and3A_355 : vector<256x128xi1>
    %eq3A_357 = arith.xori %or3A_356, %xor3A_351 : vector<256x128xi1>
    %eq3A_358 = arith.constant dense<true> : vector<256x128xi1>
    %eq3A_359 = arith.xori %eq3A_357, %eq3A_358 : vector<256x128xi1>
    %select_n3A_360 = arith.select %eq3A_359, %select_n3A_327, %select_n3A_343 : vector<256x128xi1>, vector<256x128xi32>
    %select_n3A_361 = arith.select %eq3A_359, %select_n3A_328, %select_n3A_344 : vector<256x128xi1>, vector<256x128xi32>
    %roll3A_362 = arith.constant 120 : i32
    %roll3A_363 = tpu.dynamic_rotate %select_n3A_360 by %roll3A_362 dim 1 : vector<256x128xi32>, i32 -> vector<256x128xi32>
    %roll3A_364 = arith.constant 8 : i32
    %roll3A_365 = tpu.dynamic_rotate %select_n3A_360 by %roll3A_364 dim 1 : vector<256x128xi32>, i32 -> vector<256x128xi32>
    %roll3A_366 = arith.constant 120 : i32
    %roll3A_367 = tpu.dynamic_rotate %select_n3A_361 by %roll3A_366 dim 1 : vector<256x128xi32>, i32 -> vector<256x128xi32>
    %roll3A_368 = arith.constant 8 : i32
    %roll3A_369 = tpu.dynamic_rotate %select_n3A_361 by %roll3A_368 dim 1 : vector<256x128xi32>, i32 -> vector<256x128xi32>
    %and3A_370 = arith.constant 8 : i32
    %and3A_371 = vector.broadcast %and3A_370 : i32 to vector<256x128xi32>
    %and3A_372 = arith.andi %add3A, %and3A_371 : vector<256x128xi32>
    %ne3A_373 = arith.constant 0 : i32
    %ne3A_374 = vector.broadcast %ne3A_373 : i32 to vector<256x128xi32>
    %ne3A_375 = arith.cmpi ne, %and3A_372, %ne3A_374 : vector<256x128xi32>
    %select_n3A_376 = arith.select %ne3A_375, %roll3A_365, %roll3A_363 : vector<256x128xi1>, vector<256x128xi32>
    %select_n3A_377 = arith.select %ne3A_375, %roll3A_369, %roll3A_367 : vector<256x128xi1>, vector<256x128xi32>
    %and3A_378 = arith.constant 32 : i32
    %and3A_379 = vector.broadcast %and3A_378 : i32 to vector<256x128xi32>
    %and3A_380 = arith.andi %add3A, %and3A_379 : vector<256x128xi32>
    %eq3A_381 = arith.constant 0 : i32
    %eq3A_382 = vector.broadcast %eq3A_381 : i32 to vector<256x128xi32>
    %eq3A_383 = arith.cmpi eq, %and3A_380, %eq3A_382 : vector<256x128xi32>
    %xor3A_384 = arith.xori %ne3A_375, %eq3A_383 : vector<256x128xi1>
    %gt3A_385 = arith.cmpi sgt, %select_n3A_360, %select_n3A_376 : vector<256x128xi32>
    %eq3A_386 = arith.cmpi eq, %select_n3A_360, %select_n3A_376 : vector<256x128xi32>
    %lt3A_387 = arith.cmpi slt, %select_n3A_361, %select_n3A_377 : vector<256x128xi32>
    %and3A_388 = arith.andi %eq3A_386, %lt3A_387 : vector<256x128xi1>
    %or3A_389 = arith.ori %gt3A_385, %and3A_388 : vector<256x128xi1>
    %eq3A_390 = arith.xori %or3A_389, %xor3A_384 : vector<256x128xi1>
    %eq3A_391 = arith.constant dense<true> : vector<256x128xi1>
    %eq3A_392 = arith.xori %eq3A_390, %eq3A_391 : vector<256x128xi1>
    %select_n3A_393 = arith.select %eq3A_392, %select_n3A_360, %select_n3A_376 : vector<256x128xi1>, vector<256x128xi32>
    %select_n3A_394 = arith.select %eq3A_392, %select_n3A_361, %select_n3A_377 : vector<256x128xi1>, vector<256x128xi32>
    %roll3A_395 = arith.constant 124 : i32
    %roll3A_396 = tpu.dynamic_rotate %select_n3A_393 by %roll3A_395 dim 1 : vector<256x128xi32>, i32 -> vector<256x128xi32>
    %roll3A_397 = arith.constant 4 : i32
    %roll3A_398 = tpu.dynamic_rotate %select_n3A_393 by %roll3A_397 dim 1 : vector<256x128xi32>, i32 -> vector<256x128xi32>
    %roll3A_399 = arith.constant 124 : i32
    %roll3A_400 = tpu.dynamic_rotate %select_n3A_394 by %roll3A_399 dim 1 : vector<256x128xi32>, i32 -> vector<256x128xi32>
    %roll3A_401 = arith.constant 4 : i32
    %roll3A_402 = tpu.dynamic_rotate %select_n3A_394 by %roll3A_401 dim 1 : vector<256x128xi32>, i32 -> vector<256x128xi32>
    %and3A_403 = arith.constant 4 : i32
    %and3A_404 = vector.broadcast %and3A_403 : i32 to vector<256x128xi32>
    %and3A_405 = arith.andi %add3A, %and3A_404 : vector<256x128xi32>
    %ne3A_406 = arith.constant 0 : i32
    %ne3A_407 = vector.broadcast %ne3A_406 : i32 to vector<256x128xi32>
    %ne3A_408 = arith.cmpi ne, %and3A_405, %ne3A_407 : vector<256x128xi32>
    %select_n3A_409 = arith.select %ne3A_408, %roll3A_398, %roll3A_396 : vector<256x128xi1>, vector<256x128xi32>
    %select_n3A_410 = arith.select %ne3A_408, %roll3A_402, %roll3A_400 : vector<256x128xi1>, vector<256x128xi32>
    %and3A_411 = arith.constant 32 : i32
    %and3A_412 = vector.broadcast %and3A_411 : i32 to vector<256x128xi32>
    %and3A_413 = arith.andi %add3A, %and3A_412 : vector<256x128xi32>
    %eq3A_414 = arith.constant 0 : i32
    %eq3A_415 = vector.broadcast %eq3A_414 : i32 to vector<256x128xi32>
    %eq3A_416 = arith.cmpi eq, %and3A_413, %eq3A_415 : vector<256x128xi32>
    %xor3A_417 = arith.xori %ne3A_408, %eq3A_416 : vector<256x128xi1>
    %gt3A_418 = arith.cmpi sgt, %select_n3A_393, %select_n3A_409 : vector<256x128xi32>
    %eq3A_419 = arith.cmpi eq, %select_n3A_393, %select_n3A_409 : vector<256x128xi32>
    %lt3A_420 = arith.cmpi slt, %select_n3A_394, %select_n3A_410 : vector<256x128xi32>
    %and3A_421 = arith.andi %eq3A_419, %lt3A_420 : vector<256x128xi1>
    %or3A_422 = arith.ori %gt3A_418, %and3A_421 : vector<256x128xi1>
    %eq3A_423 = arith.xori %or3A_422, %xor3A_417 : vector<256x128xi1>
    %eq3A_424 = arith.constant dense<true> : vector<256x128xi1>
    %eq3A_425 = arith.xori %eq3A_423, %eq3A_424 : vector<256x128xi1>
    %select_n3A_426 = arith.select %eq3A_425, %select_n3A_393, %select_n3A_409 : vector<256x128xi1>, vector<256x128xi32>
    %select_n3A_427 = arith.select %eq3A_425, %select_n3A_394, %select_n3A_410 : vector<256x128xi1>, vector<256x128xi32>
    %roll3A_428 = arith.constant 126 : i32
    %roll3A_429 = tpu.dynamic_rotate %select_n3A_426 by %roll3A_428 dim 1 : vector<256x128xi32>, i32 -> vector<256x128xi32>
    %roll3A_430 = arith.constant 2 : i32
    %roll3A_431 = tpu.dynamic_rotate %select_n3A_426 by %roll3A_430 dim 1 : vector<256x128xi32>, i32 -> vector<256x128xi32>
    %roll3A_432 = arith.constant 126 : i32
    %roll3A_433 = tpu.dynamic_rotate %select_n3A_427 by %roll3A_432 dim 1 : vector<256x128xi32>, i32 -> vector<256x128xi32>
    %roll3A_434 = arith.constant 2 : i32
    %roll3A_435 = tpu.dynamic_rotate %select_n3A_427 by %roll3A_434 dim 1 : vector<256x128xi32>, i32 -> vector<256x128xi32>
    %and3A_436 = arith.constant 2 : i32
    %and3A_437 = vector.broadcast %and3A_436 : i32 to vector<256x128xi32>
    %and3A_438 = arith.andi %add3A, %and3A_437 : vector<256x128xi32>
    %ne3A_439 = arith.constant 0 : i32
    %ne3A_440 = vector.broadcast %ne3A_439 : i32 to vector<256x128xi32>
    %ne3A_441 = arith.cmpi ne, %and3A_438, %ne3A_440 : vector<256x128xi32>
    %select_n3A_442 = arith.select %ne3A_441, %roll3A_431, %roll3A_429 : vector<256x128xi1>, vector<256x128xi32>
    %select_n3A_443 = arith.select %ne3A_441, %roll3A_435, %roll3A_433 : vector<256x128xi1>, vector<256x128xi32>
    %and3A_444 = arith.constant 32 : i32
    %and3A_445 = vector.broadcast %and3A_444 : i32 to vector<256x128xi32>
    %and3A_446 = arith.andi %add3A, %and3A_445 : vector<256x128xi32>
    %eq3A_447 = arith.constant 0 : i32
    %eq3A_448 = vector.broadcast %eq3A_447 : i32 to vector<256x128xi32>
    %eq3A_449 = arith.cmpi eq, %and3A_446, %eq3A_448 : vector<256x128xi32>
    %xor3A_450 = arith.xori %ne3A_441, %eq3A_449 : vector<256x128xi1>
    %gt3A_451 = arith.cmpi sgt, %select_n3A_426, %select_n3A_442 : vector<256x128xi32>
    %eq3A_452 = arith.cmpi eq, %select_n3A_426, %select_n3A_442 : vector<256x128xi32>
    %lt3A_453 = arith.cmpi slt, %select_n3A_427, %select_n3A_443 : vector<256x128xi32>
    %and3A_454 = arith.andi %eq3A_452, %lt3A_453 : vector<256x128xi1>
    %or3A_455 = arith.ori %gt3A_451, %and3A_454 : vector<256x128xi1>
    %eq3A_456 = arith.xori %or3A_455, %xor3A_450 : vector<256x128xi1>
    %eq3A_457 = arith.constant dense<true> : vector<256x128xi1>
    %eq3A_458 = arith.xori %eq3A_456, %eq3A_457 : vector<256x128xi1>
    %select_n3A_459 = arith.select %eq3A_458, %select_n3A_426, %select_n3A_442 : vector<256x128xi1>, vector<256x128xi32>
    %select_n3A_460 = arith.select %eq3A_458, %select_n3A_427, %select_n3A_443 : vector<256x128xi1>, vector<256x128xi32>
    %roll3A_461 = arith.constant 127 : i32
    %roll3A_462 = tpu.dynamic_rotate %select_n3A_459 by %roll3A_461 dim 1 : vector<256x128xi32>, i32 -> vector<256x128xi32>
    %roll3A_463 = arith.constant 1 : i32
    %roll3A_464 = tpu.dynamic_rotate %select_n3A_459 by %roll3A_463 dim 1 : vector<256x128xi32>, i32 -> vector<256x128xi32>
    %roll3A_465 = arith.constant 127 : i32
    %roll3A_466 = tpu.dynamic_rotate %select_n3A_460 by %roll3A_465 dim 1 : vector<256x128xi32>, i32 -> vector<256x128xi32>
    %roll3A_467 = arith.constant 1 : i32
    %roll3A_468 = tpu.dynamic_rotate %select_n3A_460 by %roll3A_467 dim 1 : vector<256x128xi32>, i32 -> vector<256x128xi32>
    %and3A_469 = arith.constant 1 : i32
    %and3A_470 = vector.broadcast %and3A_469 : i32 to vector<256x128xi32>
    %and3A_471 = arith.andi %add3A, %and3A_470 : vector<256x128xi32>
    %ne3A_472 = arith.constant 0 : i32
    %ne3A_473 = vector.broadcast %ne3A_472 : i32 to vector<256x128xi32>
    %ne3A_474 = arith.cmpi ne, %and3A_471, %ne3A_473 : vector<256x128xi32>
    %select_n3A_475 = arith.select %ne3A_474, %roll3A_464, %roll3A_462 : vector<256x128xi1>, vector<256x128xi32>
    %select_n3A_476 = arith.select %ne3A_474, %roll3A_468, %roll3A_466 : vector<256x128xi1>, vector<256x128xi32>
    %and3A_477 = arith.constant 32 : i32
    %and3A_478 = vector.broadcast %and3A_477 : i32 to vector<256x128xi32>
    %and3A_479 = arith.andi %add3A, %and3A_478 : vector<256x128xi32>
    %eq3A_480 = arith.constant 0 : i32
    %eq3A_481 = vector.broadcast %eq3A_480 : i32 to vector<256x128xi32>
    %eq3A_482 = arith.cmpi eq, %and3A_479, %eq3A_481 : vector<256x128xi32>
    %xor3A_483 = arith.xori %ne3A_474, %eq3A_482 : vector<256x128xi1>
    %gt3A_484 = arith.cmpi sgt, %select_n3A_459, %select_n3A_475 : vector<256x128xi32>
    %eq3A_485 = arith.cmpi eq, %select_n3A_459, %select_n3A_475 : vector<256x128xi32>
    %lt3A_486 = arith.cmpi slt, %select_n3A_460, %select_n3A_476 : vector<256x128xi32>
    %and3A_487 = arith.andi %eq3A_485, %lt3A_486 : vector<256x128xi1>
    %or3A_488 = arith.ori %gt3A_484, %and3A_487 : vector<256x128xi1>
    %eq3A_489 = arith.xori %or3A_488, %xor3A_483 : vector<256x128xi1>
    %eq3A_490 = arith.constant dense<true> : vector<256x128xi1>
    %eq3A_491 = arith.xori %eq3A_489, %eq3A_490 : vector<256x128xi1>
    %select_n3A_492 = arith.select %eq3A_491, %select_n3A_459, %select_n3A_475 : vector<256x128xi1>, vector<256x128xi32>
    %select_n3A_493 = arith.select %eq3A_491, %select_n3A_460, %select_n3A_476 : vector<256x128xi1>, vector<256x128xi32>
    %roll3A_494 = arith.constant 96 : i32
    %roll3A_495 = tpu.dynamic_rotate %select_n3A_492 by %roll3A_494 dim 1 : vector<256x128xi32>, i32 -> vector<256x128xi32>
    %roll3A_496 = arith.constant 32 : i32
    %roll3A_497 = tpu.dynamic_rotate %select_n3A_492 by %roll3A_496 dim 1 : vector<256x128xi32>, i32 -> vector<256x128xi32>
    %roll3A_498 = arith.constant 96 : i32
    %roll3A_499 = tpu.dynamic_rotate %select_n3A_493 by %roll3A_498 dim 1 : vector<256x128xi32>, i32 -> vector<256x128xi32>
    %roll3A_500 = arith.constant 32 : i32
    %roll3A_501 = tpu.dynamic_rotate %select_n3A_493 by %roll3A_500 dim 1 : vector<256x128xi32>, i32 -> vector<256x128xi32>
    %and3A_502 = arith.constant 32 : i32
    %and3A_503 = vector.broadcast %and3A_502 : i32 to vector<256x128xi32>
    %and3A_504 = arith.andi %add3A, %and3A_503 : vector<256x128xi32>
    %ne3A_505 = arith.constant 0 : i32
    %ne3A_506 = vector.broadcast %ne3A_505 : i32 to vector<256x128xi32>
    %ne3A_507 = arith.cmpi ne, %and3A_504, %ne3A_506 : vector<256x128xi32>
    %select_n3A_508 = arith.select %ne3A_507, %roll3A_497, %roll3A_495 : vector<256x128xi1>, vector<256x128xi32>
    %select_n3A_509 = arith.select %ne3A_507, %roll3A_501, %roll3A_499 : vector<256x128xi1>, vector<256x128xi32>
    %and3A_510 = arith.constant 64 : i32
    %and3A_511 = vector.broadcast %and3A_510 : i32 to vector<256x128xi32>
    %and3A_512 = arith.andi %add3A, %and3A_511 : vector<256x128xi32>
    %eq3A_513 = arith.constant 0 : i32
    %eq3A_514 = vector.broadcast %eq3A_513 : i32 to vector<256x128xi32>
    %eq3A_515 = arith.cmpi eq, %and3A_512, %eq3A_514 : vector<256x128xi32>
    %xor3A_516 = arith.xori %ne3A_507, %eq3A_515 : vector<256x128xi1>
    %gt3A_517 = arith.cmpi sgt, %select_n3A_492, %select_n3A_508 : vector<256x128xi32>
    %eq3A_518 = arith.cmpi eq, %select_n3A_492, %select_n3A_508 : vector<256x128xi32>
    %lt3A_519 = arith.cmpi slt, %select_n3A_493, %select_n3A_509 : vector<256x128xi32>
    %and3A_520 = arith.andi %eq3A_518, %lt3A_519 : vector<256x128xi1>
    %or3A_521 = arith.ori %gt3A_517, %and3A_520 : vector<256x128xi1>
    %eq3A_522 = arith.xori %or3A_521, %xor3A_516 : vector<256x128xi1>
    %eq3A_523 = arith.constant dense<true> : vector<256x128xi1>
    %eq3A_524 = arith.xori %eq3A_522, %eq3A_523 : vector<256x128xi1>
    %select_n3A_525 = arith.select %eq3A_524, %select_n3A_492, %select_n3A_508 : vector<256x128xi1>, vector<256x128xi32>
    %select_n3A_526 = arith.select %eq3A_524, %select_n3A_493, %select_n3A_509 : vector<256x128xi1>, vector<256x128xi32>
    %roll3A_527 = arith.constant 112 : i32
    %roll3A_528 = tpu.dynamic_rotate %select_n3A_525 by %roll3A_527 dim 1 : vector<256x128xi32>, i32 -> vector<256x128xi32>
    %roll3A_529 = arith.constant 16 : i32
    %roll3A_530 = tpu.dynamic_rotate %select_n3A_525 by %roll3A_529 dim 1 : vector<256x128xi32>, i32 -> vector<256x128xi32>
    %roll3A_531 = arith.constant 112 : i32
    %roll3A_532 = tpu.dynamic_rotate %select_n3A_526 by %roll3A_531 dim 1 : vector<256x128xi32>, i32 -> vector<256x128xi32>
    %roll3A_533 = arith.constant 16 : i32
    %roll3A_534 = tpu.dynamic_rotate %select_n3A_526 by %roll3A_533 dim 1 : vector<256x128xi32>, i32 -> vector<256x128xi32>
    %and3A_535 = arith.constant 16 : i32
    %and3A_536 = vector.broadcast %and3A_535 : i32 to vector<256x128xi32>
    %and3A_537 = arith.andi %add3A, %and3A_536 : vector<256x128xi32>
    %ne3A_538 = arith.constant 0 : i32
    %ne3A_539 = vector.broadcast %ne3A_538 : i32 to vector<256x128xi32>
    %ne3A_540 = arith.cmpi ne, %and3A_537, %ne3A_539 : vector<256x128xi32>
    %select_n3A_541 = arith.select %ne3A_540, %roll3A_530, %roll3A_528 : vector<256x128xi1>, vector<256x128xi32>
    %select_n3A_542 = arith.select %ne3A_540, %roll3A_534, %roll3A_532 : vector<256x128xi1>, vector<256x128xi32>
    %and3A_543 = arith.constant 64 : i32
    %and3A_544 = vector.broadcast %and3A_543 : i32 to vector<256x128xi32>
    %and3A_545 = arith.andi %add3A, %and3A_544 : vector<256x128xi32>
    %eq3A_546 = arith.constant 0 : i32
    %eq3A_547 = vector.broadcast %eq3A_546 : i32 to vector<256x128xi32>
    %eq3A_548 = arith.cmpi eq, %and3A_545, %eq3A_547 : vector<256x128xi32>
    %xor3A_549 = arith.xori %ne3A_540, %eq3A_548 : vector<256x128xi1>
    %gt3A_550 = arith.cmpi sgt, %select_n3A_525, %select_n3A_541 : vector<256x128xi32>
    %eq3A_551 = arith.cmpi eq, %select_n3A_525, %select_n3A_541 : vector<256x128xi32>
    %lt3A_552 = arith.cmpi slt, %select_n3A_526, %select_n3A_542 : vector<256x128xi32>
    %and3A_553 = arith.andi %eq3A_551, %lt3A_552 : vector<256x128xi1>
    %or3A_554 = arith.ori %gt3A_550, %and3A_553 : vector<256x128xi1>
    %eq3A_555 = arith.xori %or3A_554, %xor3A_549 : vector<256x128xi1>
    %eq3A_556 = arith.constant dense<true> : vector<256x128xi1>
    %eq3A_557 = arith.xori %eq3A_555, %eq3A_556 : vector<256x128xi1>
    %select_n3A_558 = arith.select %eq3A_557, %select_n3A_525, %select_n3A_541 : vector<256x128xi1>, vector<256x128xi32>
    %select_n3A_559 = arith.select %eq3A_557, %select_n3A_526, %select_n3A_542 : vector<256x128xi1>, vector<256x128xi32>
    %roll3A_560 = arith.constant 120 : i32
    %roll3A_561 = tpu.dynamic_rotate %select_n3A_558 by %roll3A_560 dim 1 : vector<256x128xi32>, i32 -> vector<256x128xi32>
    %roll3A_562 = arith.constant 8 : i32
    %roll3A_563 = tpu.dynamic_rotate %select_n3A_558 by %roll3A_562 dim 1 : vector<256x128xi32>, i32 -> vector<256x128xi32>
    %roll3A_564 = arith.constant 120 : i32
    %roll3A_565 = tpu.dynamic_rotate %select_n3A_559 by %roll3A_564 dim 1 : vector<256x128xi32>, i32 -> vector<256x128xi32>
    %roll3A_566 = arith.constant 8 : i32
    %roll3A_567 = tpu.dynamic_rotate %select_n3A_559 by %roll3A_566 dim 1 : vector<256x128xi32>, i32 -> vector<256x128xi32>
    %and3A_568 = arith.constant 8 : i32
    %and3A_569 = vector.broadcast %and3A_568 : i32 to vector<256x128xi32>
    %and3A_570 = arith.andi %add3A, %and3A_569 : vector<256x128xi32>
    %ne3A_571 = arith.constant 0 : i32
    %ne3A_572 = vector.broadcast %ne3A_571 : i32 to vector<256x128xi32>
    %ne3A_573 = arith.cmpi ne, %and3A_570, %ne3A_572 : vector<256x128xi32>
    %select_n3A_574 = arith.select %ne3A_573, %roll3A_563, %roll3A_561 : vector<256x128xi1>, vector<256x128xi32>
    %select_n3A_575 = arith.select %ne3A_573, %roll3A_567, %roll3A_565 : vector<256x128xi1>, vector<256x128xi32>
    %and3A_576 = arith.constant 64 : i32
    %and3A_577 = vector.broadcast %and3A_576 : i32 to vector<256x128xi32>
    %and3A_578 = arith.andi %add3A, %and3A_577 : vector<256x128xi32>
    %eq3A_579 = arith.constant 0 : i32
    %eq3A_580 = vector.broadcast %eq3A_579 : i32 to vector<256x128xi32>
    %eq3A_581 = arith.cmpi eq, %and3A_578, %eq3A_580 : vector<256x128xi32>
    %xor3A_582 = arith.xori %ne3A_573, %eq3A_581 : vector<256x128xi1>
    %gt3A_583 = arith.cmpi sgt, %select_n3A_558, %select_n3A_574 : vector<256x128xi32>
    %eq3A_584 = arith.cmpi eq, %select_n3A_558, %select_n3A_574 : vector<256x128xi32>
    %lt3A_585 = arith.cmpi slt, %select_n3A_559, %select_n3A_575 : vector<256x128xi32>
    %and3A_586 = arith.andi %eq3A_584, %lt3A_585 : vector<256x128xi1>
    %or3A_587 = arith.ori %gt3A_583, %and3A_586 : vector<256x128xi1>
    %eq3A_588 = arith.xori %or3A_587, %xor3A_582 : vector<256x128xi1>
    %eq3A_589 = arith.constant dense<true> : vector<256x128xi1>
    %eq3A_590 = arith.xori %eq3A_588, %eq3A_589 : vector<256x128xi1>
    %select_n3A_591 = arith.select %eq3A_590, %select_n3A_558, %select_n3A_574 : vector<256x128xi1>, vector<256x128xi32>
    %select_n3A_592 = arith.select %eq3A_590, %select_n3A_559, %select_n3A_575 : vector<256x128xi1>, vector<256x128xi32>
    %roll3A_593 = arith.constant 124 : i32
    %roll3A_594 = tpu.dynamic_rotate %select_n3A_591 by %roll3A_593 dim 1 : vector<256x128xi32>, i32 -> vector<256x128xi32>
    %roll3A_595 = arith.constant 4 : i32
    %roll3A_596 = tpu.dynamic_rotate %select_n3A_591 by %roll3A_595 dim 1 : vector<256x128xi32>, i32 -> vector<256x128xi32>
    %roll3A_597 = arith.constant 124 : i32
    %roll3A_598 = tpu.dynamic_rotate %select_n3A_592 by %roll3A_597 dim 1 : vector<256x128xi32>, i32 -> vector<256x128xi32>
    %roll3A_599 = arith.constant 4 : i32
    %roll3A_600 = tpu.dynamic_rotate %select_n3A_592 by %roll3A_599 dim 1 : vector<256x128xi32>, i32 -> vector<256x128xi32>
    %and3A_601 = arith.constant 4 : i32
    %and3A_602 = vector.broadcast %and3A_601 : i32 to vector<256x128xi32>
    %and3A_603 = arith.andi %add3A, %and3A_602 : vector<256x128xi32>
    %ne3A_604 = arith.constant 0 : i32
    %ne3A_605 = vector.broadcast %ne3A_604 : i32 to vector<256x128xi32>
    %ne3A_606 = arith.cmpi ne, %and3A_603, %ne3A_605 : vector<256x128xi32>
    %select_n3A_607 = arith.select %ne3A_606, %roll3A_596, %roll3A_594 : vector<256x128xi1>, vector<256x128xi32>
    %select_n3A_608 = arith.select %ne3A_606, %roll3A_600, %roll3A_598 : vector<256x128xi1>, vector<256x128xi32>
    %and3A_609 = arith.constant 64 : i32
    %and3A_610 = vector.broadcast %and3A_609 : i32 to vector<256x128xi32>
    %and3A_611 = arith.andi %add3A, %and3A_610 : vector<256x128xi32>
    %eq3A_612 = arith.constant 0 : i32
    %eq3A_613 = vector.broadcast %eq3A_612 : i32 to vector<256x128xi32>
    %eq3A_614 = arith.cmpi eq, %and3A_611, %eq3A_613 : vector<256x128xi32>
    %xor3A_615 = arith.xori %ne3A_606, %eq3A_614 : vector<256x128xi1>
    %gt3A_616 = arith.cmpi sgt, %select_n3A_591, %select_n3A_607 : vector<256x128xi32>
    %eq3A_617 = arith.cmpi eq, %select_n3A_591, %select_n3A_607 : vector<256x128xi32>
    %lt3A_618 = arith.cmpi slt, %select_n3A_592, %select_n3A_608 : vector<256x128xi32>
    %and3A_619 = arith.andi %eq3A_617, %lt3A_618 : vector<256x128xi1>
    %or3A_620 = arith.ori %gt3A_616, %and3A_619 : vector<256x128xi1>
    %eq3A_621 = arith.xori %or3A_620, %xor3A_615 : vector<256x128xi1>
    %eq3A_622 = arith.constant dense<true> : vector<256x128xi1>
    %eq3A_623 = arith.xori %eq3A_621, %eq3A_622 : vector<256x128xi1>
    %select_n3A_624 = arith.select %eq3A_623, %select_n3A_591, %select_n3A_607 : vector<256x128xi1>, vector<256x128xi32>
    %select_n3A_625 = arith.select %eq3A_623, %select_n3A_592, %select_n3A_608 : vector<256x128xi1>, vector<256x128xi32>
    %roll3A_626 = arith.constant 126 : i32
    %roll3A_627 = tpu.dynamic_rotate %select_n3A_624 by %roll3A_626 dim 1 : vector<256x128xi32>, i32 -> vector<256x128xi32>
    %roll3A_628 = arith.constant 2 : i32
    %roll3A_629 = tpu.dynamic_rotate %select_n3A_624 by %roll3A_628 dim 1 : vector<256x128xi32>, i32 -> vector<256x128xi32>
    %roll3A_630 = arith.constant 126 : i32
    %roll3A_631 = tpu.dynamic_rotate %select_n3A_625 by %roll3A_630 dim 1 : vector<256x128xi32>, i32 -> vector<256x128xi32>
    %roll3A_632 = arith.constant 2 : i32
    %roll3A_633 = tpu.dynamic_rotate %select_n3A_625 by %roll3A_632 dim 1 : vector<256x128xi32>, i32 -> vector<256x128xi32>
    %and3A_634 = arith.constant 2 : i32
    %and3A_635 = vector.broadcast %and3A_634 : i32 to vector<256x128xi32>
    %and3A_636 = arith.andi %add3A, %and3A_635 : vector<256x128xi32>
    %ne3A_637 = arith.constant 0 : i32
    %ne3A_638 = vector.broadcast %ne3A_637 : i32 to vector<256x128xi32>
    %ne3A_639 = arith.cmpi ne, %and3A_636, %ne3A_638 : vector<256x128xi32>
    %select_n3A_640 = arith.select %ne3A_639, %roll3A_629, %roll3A_627 : vector<256x128xi1>, vector<256x128xi32>
    %select_n3A_641 = arith.select %ne3A_639, %roll3A_633, %roll3A_631 : vector<256x128xi1>, vector<256x128xi32>
    %and3A_642 = arith.constant 64 : i32
    %and3A_643 = vector.broadcast %and3A_642 : i32 to vector<256x128xi32>
    %and3A_644 = arith.andi %add3A, %and3A_643 : vector<256x128xi32>
    %eq3A_645 = arith.constant 0 : i32
    %eq3A_646 = vector.broadcast %eq3A_645 : i32 to vector<256x128xi32>
    %eq3A_647 = arith.cmpi eq, %and3A_644, %eq3A_646 : vector<256x128xi32>
    %xor3A_648 = arith.xori %ne3A_639, %eq3A_647 : vector<256x128xi1>
    %gt3A_649 = arith.cmpi sgt, %select_n3A_624, %select_n3A_640 : vector<256x128xi32>
    %eq3A_650 = arith.cmpi eq, %select_n3A_624, %select_n3A_640 : vector<256x128xi32>
    %lt3A_651 = arith.cmpi slt, %select_n3A_625, %select_n3A_641 : vector<256x128xi32>
    %and3A_652 = arith.andi %eq3A_650, %lt3A_651 : vector<256x128xi1>
    %or3A_653 = arith.ori %gt3A_649, %and3A_652 : vector<256x128xi1>
    %eq3A_654 = arith.xori %or3A_653, %xor3A_648 : vector<256x128xi1>
    %eq3A_655 = arith.constant dense<true> : vector<256x128xi1>
    %eq3A_656 = arith.xori %eq3A_654, %eq3A_655 : vector<256x128xi1>
    %select_n3A_657 = arith.select %eq3A_656, %select_n3A_624, %select_n3A_640 : vector<256x128xi1>, vector<256x128xi32>
    %select_n3A_658 = arith.select %eq3A_656, %select_n3A_625, %select_n3A_641 : vector<256x128xi1>, vector<256x128xi32>
    %roll3A_659 = arith.constant 127 : i32
    %roll3A_660 = tpu.dynamic_rotate %select_n3A_657 by %roll3A_659 dim 1 : vector<256x128xi32>, i32 -> vector<256x128xi32>
    %roll3A_661 = arith.constant 1 : i32
    %roll3A_662 = tpu.dynamic_rotate %select_n3A_657 by %roll3A_661 dim 1 : vector<256x128xi32>, i32 -> vector<256x128xi32>
    %roll3A_663 = arith.constant 127 : i32
    %roll3A_664 = tpu.dynamic_rotate %select_n3A_658 by %roll3A_663 dim 1 : vector<256x128xi32>, i32 -> vector<256x128xi32>
    %roll3A_665 = arith.constant 1 : i32
    %roll3A_666 = tpu.dynamic_rotate %select_n3A_658 by %roll3A_665 dim 1 : vector<256x128xi32>, i32 -> vector<256x128xi32>
    %and3A_667 = arith.constant 1 : i32
    %and3A_668 = vector.broadcast %and3A_667 : i32 to vector<256x128xi32>
    %and3A_669 = arith.andi %add3A, %and3A_668 : vector<256x128xi32>
    %ne3A_670 = arith.constant 0 : i32
    %ne3A_671 = vector.broadcast %ne3A_670 : i32 to vector<256x128xi32>
    %ne3A_672 = arith.cmpi ne, %and3A_669, %ne3A_671 : vector<256x128xi32>
    %select_n3A_673 = arith.select %ne3A_672, %roll3A_662, %roll3A_660 : vector<256x128xi1>, vector<256x128xi32>
    %select_n3A_674 = arith.select %ne3A_672, %roll3A_666, %roll3A_664 : vector<256x128xi1>, vector<256x128xi32>
    %and3A_675 = arith.constant 64 : i32
    %and3A_676 = vector.broadcast %and3A_675 : i32 to vector<256x128xi32>
    %and3A_677 = arith.andi %add3A, %and3A_676 : vector<256x128xi32>
    %eq3A_678 = arith.constant 0 : i32
    %eq3A_679 = vector.broadcast %eq3A_678 : i32 to vector<256x128xi32>
    %eq3A_680 = arith.cmpi eq, %and3A_677, %eq3A_679 : vector<256x128xi32>
    %xor3A_681 = arith.xori %ne3A_672, %eq3A_680 : vector<256x128xi1>
    %gt3A_682 = arith.cmpi sgt, %select_n3A_657, %select_n3A_673 : vector<256x128xi32>
    %eq3A_683 = arith.cmpi eq, %select_n3A_657, %select_n3A_673 : vector<256x128xi32>
    %lt3A_684 = arith.cmpi slt, %select_n3A_658, %select_n3A_674 : vector<256x128xi32>
    %and3A_685 = arith.andi %eq3A_683, %lt3A_684 : vector<256x128xi1>
    %or3A_686 = arith.ori %gt3A_682, %and3A_685 : vector<256x128xi1>
    %eq3A_687 = arith.xori %or3A_686, %xor3A_681 : vector<256x128xi1>
    %eq3A_688 = arith.constant dense<true> : vector<256x128xi1>
    %eq3A_689 = arith.xori %eq3A_687, %eq3A_688 : vector<256x128xi1>
    %select_n3A_690 = arith.select %eq3A_689, %select_n3A_657, %select_n3A_673 : vector<256x128xi1>, vector<256x128xi32>
    %select_n3A_691 = arith.select %eq3A_689, %select_n3A_658, %select_n3A_674 : vector<256x128xi1>, vector<256x128xi32>
    %roll3A_692 = arith.constant 64 : i32
    %roll3A_693 = tpu.dynamic_rotate %select_n3A_690 by %roll3A_692 dim 1 : vector<256x128xi32>, i32 -> vector<256x128xi32>
    %roll3A_694 = arith.constant 64 : i32
    %roll3A_695 = tpu.dynamic_rotate %select_n3A_690 by %roll3A_694 dim 1 : vector<256x128xi32>, i32 -> vector<256x128xi32>
    %roll3A_696 = arith.constant 64 : i32
    %roll3A_697 = tpu.dynamic_rotate %select_n3A_691 by %roll3A_696 dim 1 : vector<256x128xi32>, i32 -> vector<256x128xi32>
    %roll3A_698 = arith.constant 64 : i32
    %roll3A_699 = tpu.dynamic_rotate %select_n3A_691 by %roll3A_698 dim 1 : vector<256x128xi32>, i32 -> vector<256x128xi32>
    %and3A_700 = arith.constant 64 : i32
    %and3A_701 = vector.broadcast %and3A_700 : i32 to vector<256x128xi32>
    %and3A_702 = arith.andi %add3A, %and3A_701 : vector<256x128xi32>
    %ne3A_703 = arith.constant 0 : i32
    %ne3A_704 = vector.broadcast %ne3A_703 : i32 to vector<256x128xi32>
    %ne3A_705 = arith.cmpi ne, %and3A_702, %ne3A_704 : vector<256x128xi32>
    %select_n3A_706 = arith.select %ne3A_705, %roll3A_695, %roll3A_693 : vector<256x128xi1>, vector<256x128xi32>
    %select_n3A_707 = arith.select %ne3A_705, %roll3A_699, %roll3A_697 : vector<256x128xi1>, vector<256x128xi32>
    %and3A_708 = arith.constant 128 : i32
    %and3A_709 = vector.broadcast %and3A_708 : i32 to vector<256x128xi32>
    %and3A_710 = arith.andi %add3A, %and3A_709 : vector<256x128xi32>
    %eq3A_711 = arith.constant 0 : i32
    %eq3A_712 = vector.broadcast %eq3A_711 : i32 to vector<256x128xi32>
    %eq3A_713 = arith.cmpi eq, %and3A_710, %eq3A_712 : vector<256x128xi32>
    %xor3A_714 = arith.xori %ne3A_705, %eq3A_713 : vector<256x128xi1>
    %gt3A_715 = arith.cmpi sgt, %select_n3A_690, %select_n3A_706 : vector<256x128xi32>
    %eq3A_716 = arith.cmpi eq, %select_n3A_690, %select_n3A_706 : vector<256x128xi32>
    %lt3A_717 = arith.cmpi slt, %select_n3A_691, %select_n3A_707 : vector<256x128xi32>
    %and3A_718 = arith.andi %eq3A_716, %lt3A_717 : vector<256x128xi1>
    %or3A_719 = arith.ori %gt3A_715, %and3A_718 : vector<256x128xi1>
    %eq3A_720 = arith.xori %or3A_719, %xor3A_714 : vector<256x128xi1>
    %eq3A_721 = arith.constant dense<true> : vector<256x128xi1>
    %eq3A_722 = arith.xori %eq3A_720, %eq3A_721 : vector<256x128xi1>
    %select_n3A_723 = arith.select %eq3A_722, %select_n3A_690, %select_n3A_706 : vector<256x128xi1>, vector<256x128xi32>
    %select_n3A_724 = arith.select %eq3A_722, %select_n3A_691, %select_n3A_707 : vector<256x128xi1>, vector<256x128xi32>
    %roll3A_725 = arith.constant 96 : i32
    %roll3A_726 = tpu.dynamic_rotate %select_n3A_723 by %roll3A_725 dim 1 : vector<256x128xi32>, i32 -> vector<256x128xi32>
    %roll3A_727 = arith.constant 32 : i32
    %roll3A_728 = tpu.dynamic_rotate %select_n3A_723 by %roll3A_727 dim 1 : vector<256x128xi32>, i32 -> vector<256x128xi32>
    %roll3A_729 = arith.constant 96 : i32
    %roll3A_730 = tpu.dynamic_rotate %select_n3A_724 by %roll3A_729 dim 1 : vector<256x128xi32>, i32 -> vector<256x128xi32>
    %roll3A_731 = arith.constant 32 : i32
    %roll3A_732 = tpu.dynamic_rotate %select_n3A_724 by %roll3A_731 dim 1 : vector<256x128xi32>, i32 -> vector<256x128xi32>
    %and3A_733 = arith.constant 32 : i32
    %and3A_734 = vector.broadcast %and3A_733 : i32 to vector<256x128xi32>
    %and3A_735 = arith.andi %add3A, %and3A_734 : vector<256x128xi32>
    %ne3A_736 = arith.constant 0 : i32
    %ne3A_737 = vector.broadcast %ne3A_736 : i32 to vector<256x128xi32>
    %ne3A_738 = arith.cmpi ne, %and3A_735, %ne3A_737 : vector<256x128xi32>
    %select_n3A_739 = arith.select %ne3A_738, %roll3A_728, %roll3A_726 : vector<256x128xi1>, vector<256x128xi32>
    %select_n3A_740 = arith.select %ne3A_738, %roll3A_732, %roll3A_730 : vector<256x128xi1>, vector<256x128xi32>
    %and3A_741 = arith.constant 128 : i32
    %and3A_742 = vector.broadcast %and3A_741 : i32 to vector<256x128xi32>
    %and3A_743 = arith.andi %add3A, %and3A_742 : vector<256x128xi32>
    %eq3A_744 = arith.constant 0 : i32
    %eq3A_745 = vector.broadcast %eq3A_744 : i32 to vector<256x128xi32>
    %eq3A_746 = arith.cmpi eq, %and3A_743, %eq3A_745 : vector<256x128xi32>
    %xor3A_747 = arith.xori %ne3A_738, %eq3A_746 : vector<256x128xi1>
    %gt3A_748 = arith.cmpi sgt, %select_n3A_723, %select_n3A_739 : vector<256x128xi32>
    %eq3A_749 = arith.cmpi eq, %select_n3A_723, %select_n3A_739 : vector<256x128xi32>
    %lt3A_750 = arith.cmpi slt, %select_n3A_724, %select_n3A_740 : vector<256x128xi32>
    %and3A_751 = arith.andi %eq3A_749, %lt3A_750 : vector<256x128xi1>
    %or3A_752 = arith.ori %gt3A_748, %and3A_751 : vector<256x128xi1>
    %eq3A_753 = arith.xori %or3A_752, %xor3A_747 : vector<256x128xi1>
    %eq3A_754 = arith.constant dense<true> : vector<256x128xi1>
    %eq3A_755 = arith.xori %eq3A_753, %eq3A_754 : vector<256x128xi1>
    %select_n3A_756 = arith.select %eq3A_755, %select_n3A_723, %select_n3A_739 : vector<256x128xi1>, vector<256x128xi32>
    %select_n3A_757 = arith.select %eq3A_755, %select_n3A_724, %select_n3A_740 : vector<256x128xi1>, vector<256x128xi32>
    %roll3A_758 = arith.constant 112 : i32
    %roll3A_759 = tpu.dynamic_rotate %select_n3A_756 by %roll3A_758 dim 1 : vector<256x128xi32>, i32 -> vector<256x128xi32>
    %roll3A_760 = arith.constant 16 : i32
    %roll3A_761 = tpu.dynamic_rotate %select_n3A_756 by %roll3A_760 dim 1 : vector<256x128xi32>, i32 -> vector<256x128xi32>
    %roll3A_762 = arith.constant 112 : i32
    %roll3A_763 = tpu.dynamic_rotate %select_n3A_757 by %roll3A_762 dim 1 : vector<256x128xi32>, i32 -> vector<256x128xi32>
    %roll3A_764 = arith.constant 16 : i32
    %roll3A_765 = tpu.dynamic_rotate %select_n3A_757 by %roll3A_764 dim 1 : vector<256x128xi32>, i32 -> vector<256x128xi32>
    %and3A_766 = arith.constant 16 : i32
    %and3A_767 = vector.broadcast %and3A_766 : i32 to vector<256x128xi32>
    %and3A_768 = arith.andi %add3A, %and3A_767 : vector<256x128xi32>
    %ne3A_769 = arith.constant 0 : i32
    %ne3A_770 = vector.broadcast %ne3A_769 : i32 to vector<256x128xi32>
    %ne3A_771 = arith.cmpi ne, %and3A_768, %ne3A_770 : vector<256x128xi32>
    %select_n3A_772 = arith.select %ne3A_771, %roll3A_761, %roll3A_759 : vector<256x128xi1>, vector<256x128xi32>
    %select_n3A_773 = arith.select %ne3A_771, %roll3A_765, %roll3A_763 : vector<256x128xi1>, vector<256x128xi32>
    %and3A_774 = arith.constant 128 : i32
    %and3A_775 = vector.broadcast %and3A_774 : i32 to vector<256x128xi32>
    %and3A_776 = arith.andi %add3A, %and3A_775 : vector<256x128xi32>
    %eq3A_777 = arith.constant 0 : i32
    %eq3A_778 = vector.broadcast %eq3A_777 : i32 to vector<256x128xi32>
    %eq3A_779 = arith.cmpi eq, %and3A_776, %eq3A_778 : vector<256x128xi32>
    %xor3A_780 = arith.xori %ne3A_771, %eq3A_779 : vector<256x128xi1>
    %gt3A_781 = arith.cmpi sgt, %select_n3A_756, %select_n3A_772 : vector<256x128xi32>
    %eq3A_782 = arith.cmpi eq, %select_n3A_756, %select_n3A_772 : vector<256x128xi32>
    %lt3A_783 = arith.cmpi slt, %select_n3A_757, %select_n3A_773 : vector<256x128xi32>
    %and3A_784 = arith.andi %eq3A_782, %lt3A_783 : vector<256x128xi1>
    %or3A_785 = arith.ori %gt3A_781, %and3A_784 : vector<256x128xi1>
    %eq3A_786 = arith.xori %or3A_785, %xor3A_780 : vector<256x128xi1>
    %eq3A_787 = arith.constant dense<true> : vector<256x128xi1>
    %eq3A_788 = arith.xori %eq3A_786, %eq3A_787 : vector<256x128xi1>
    %select_n3A_789 = arith.select %eq3A_788, %select_n3A_756, %select_n3A_772 : vector<256x128xi1>, vector<256x128xi32>
    %select_n3A_790 = arith.select %eq3A_788, %select_n3A_757, %select_n3A_773 : vector<256x128xi1>, vector<256x128xi32>
    %roll3A_791 = arith.constant 120 : i32
    %roll3A_792 = tpu.dynamic_rotate %select_n3A_789 by %roll3A_791 dim 1 : vector<256x128xi32>, i32 -> vector<256x128xi32>
    %roll3A_793 = arith.constant 8 : i32
    %roll3A_794 = tpu.dynamic_rotate %select_n3A_789 by %roll3A_793 dim 1 : vector<256x128xi32>, i32 -> vector<256x128xi32>
    %roll3A_795 = arith.constant 120 : i32
    %roll3A_796 = tpu.dynamic_rotate %select_n3A_790 by %roll3A_795 dim 1 : vector<256x128xi32>, i32 -> vector<256x128xi32>
    %roll3A_797 = arith.constant 8 : i32
    %roll3A_798 = tpu.dynamic_rotate %select_n3A_790 by %roll3A_797 dim 1 : vector<256x128xi32>, i32 -> vector<256x128xi32>
    %and3A_799 = arith.constant 8 : i32
    %and3A_800 = vector.broadcast %and3A_799 : i32 to vector<256x128xi32>
    %and3A_801 = arith.andi %add3A, %and3A_800 : vector<256x128xi32>
    %ne3A_802 = arith.constant 0 : i32
    %ne3A_803 = vector.broadcast %ne3A_802 : i32 to vector<256x128xi32>
    %ne3A_804 = arith.cmpi ne, %and3A_801, %ne3A_803 : vector<256x128xi32>
    %select_n3A_805 = arith.select %ne3A_804, %roll3A_794, %roll3A_792 : vector<256x128xi1>, vector<256x128xi32>
    %select_n3A_806 = arith.select %ne3A_804, %roll3A_798, %roll3A_796 : vector<256x128xi1>, vector<256x128xi32>
    %and3A_807 = arith.constant 128 : i32
    %and3A_808 = vector.broadcast %and3A_807 : i32 to vector<256x128xi32>
    %and3A_809 = arith.andi %add3A, %and3A_808 : vector<256x128xi32>
    %eq3A_810 = arith.constant 0 : i32
    %eq3A_811 = vector.broadcast %eq3A_810 : i32 to vector<256x128xi32>
    %eq3A_812 = arith.cmpi eq, %and3A_809, %eq3A_811 : vector<256x128xi32>
    %xor3A_813 = arith.xori %ne3A_804, %eq3A_812 : vector<256x128xi1>
    %gt3A_814 = arith.cmpi sgt, %select_n3A_789, %select_n3A_805 : vector<256x128xi32>
    %eq3A_815 = arith.cmpi eq, %select_n3A_789, %select_n3A_805 : vector<256x128xi32>
    %lt3A_816 = arith.cmpi slt, %select_n3A_790, %select_n3A_806 : vector<256x128xi32>
    %and3A_817 = arith.andi %eq3A_815, %lt3A_816 : vector<256x128xi1>
    %or3A_818 = arith.ori %gt3A_814, %and3A_817 : vector<256x128xi1>
    %eq3A_819 = arith.xori %or3A_818, %xor3A_813 : vector<256x128xi1>
    %eq3A_820 = arith.constant dense<true> : vector<256x128xi1>
    %eq3A_821 = arith.xori %eq3A_819, %eq3A_820 : vector<256x128xi1>
    %select_n3A_822 = arith.select %eq3A_821, %select_n3A_789, %select_n3A_805 : vector<256x128xi1>, vector<256x128xi32>
    %select_n3A_823 = arith.select %eq3A_821, %select_n3A_790, %select_n3A_806 : vector<256x128xi1>, vector<256x128xi32>
    %roll3A_824 = arith.constant 124 : i32
    %roll3A_825 = tpu.dynamic_rotate %select_n3A_822 by %roll3A_824 dim 1 : vector<256x128xi32>, i32 -> vector<256x128xi32>
    %roll3A_826 = arith.constant 4 : i32
    %roll3A_827 = tpu.dynamic_rotate %select_n3A_822 by %roll3A_826 dim 1 : vector<256x128xi32>, i32 -> vector<256x128xi32>
    %roll3A_828 = arith.constant 124 : i32
    %roll3A_829 = tpu.dynamic_rotate %select_n3A_823 by %roll3A_828 dim 1 : vector<256x128xi32>, i32 -> vector<256x128xi32>
    %roll3A_830 = arith.constant 4 : i32
    %roll3A_831 = tpu.dynamic_rotate %select_n3A_823 by %roll3A_830 dim 1 : vector<256x128xi32>, i32 -> vector<256x128xi32>
    %and3A_832 = arith.constant 4 : i32
    %and3A_833 = vector.broadcast %and3A_832 : i32 to vector<256x128xi32>
    %and3A_834 = arith.andi %add3A, %and3A_833 : vector<256x128xi32>
    %ne3A_835 = arith.constant 0 : i32
    %ne3A_836 = vector.broadcast %ne3A_835 : i32 to vector<256x128xi32>
    %ne3A_837 = arith.cmpi ne, %and3A_834, %ne3A_836 : vector<256x128xi32>
    %select_n3A_838 = arith.select %ne3A_837, %roll3A_827, %roll3A_825 : vector<256x128xi1>, vector<256x128xi32>
    %select_n3A_839 = arith.select %ne3A_837, %roll3A_831, %roll3A_829 : vector<256x128xi1>, vector<256x128xi32>
    %and3A_840 = arith.constant 128 : i32
    %and3A_841 = vector.broadcast %and3A_840 : i32 to vector<256x128xi32>
    %and3A_842 = arith.andi %add3A, %and3A_841 : vector<256x128xi32>
    %eq3A_843 = arith.constant 0 : i32
    %eq3A_844 = vector.broadcast %eq3A_843 : i32 to vector<256x128xi32>
    %eq3A_845 = arith.cmpi eq, %and3A_842, %eq3A_844 : vector<256x128xi32>
    %xor3A_846 = arith.xori %ne3A_837, %eq3A_845 : vector<256x128xi1>
    %gt3A_847 = arith.cmpi sgt, %select_n3A_822, %select_n3A_838 : vector<256x128xi32>
    %eq3A_848 = arith.cmpi eq, %select_n3A_822, %select_n3A_838 : vector<256x128xi32>
    %lt3A_849 = arith.cmpi slt, %select_n3A_823, %select_n3A_839 : vector<256x128xi32>
    %and3A_850 = arith.andi %eq3A_848, %lt3A_849 : vector<256x128xi1>
    %or3A_851 = arith.ori %gt3A_847, %and3A_850 : vector<256x128xi1>
    %eq3A_852 = arith.xori %or3A_851, %xor3A_846 : vector<256x128xi1>
    %eq3A_853 = arith.constant dense<true> : vector<256x128xi1>
    %eq3A_854 = arith.xori %eq3A_852, %eq3A_853 : vector<256x128xi1>
    %select_n3A_855 = arith.select %eq3A_854, %select_n3A_822, %select_n3A_838 : vector<256x128xi1>, vector<256x128xi32>
    %select_n3A_856 = arith.select %eq3A_854, %select_n3A_823, %select_n3A_839 : vector<256x128xi1>, vector<256x128xi32>
    %roll3A_857 = arith.constant 126 : i32
    %roll3A_858 = tpu.dynamic_rotate %select_n3A_855 by %roll3A_857 dim 1 : vector<256x128xi32>, i32 -> vector<256x128xi32>
    %roll3A_859 = arith.constant 2 : i32
    %roll3A_860 = tpu.dynamic_rotate %select_n3A_855 by %roll3A_859 dim 1 : vector<256x128xi32>, i32 -> vector<256x128xi32>
    %roll3A_861 = arith.constant 126 : i32
    %roll3A_862 = tpu.dynamic_rotate %select_n3A_856 by %roll3A_861 dim 1 : vector<256x128xi32>, i32 -> vector<256x128xi32>
    %roll3A_863 = arith.constant 2 : i32
    %roll3A_864 = tpu.dynamic_rotate %select_n3A_856 by %roll3A_863 dim 1 : vector<256x128xi32>, i32 -> vector<256x128xi32>
    %and3A_865 = arith.constant 2 : i32
    %and3A_866 = vector.broadcast %and3A_865 : i32 to vector<256x128xi32>
    %and3A_867 = arith.andi %add3A, %and3A_866 : vector<256x128xi32>
    %ne3A_868 = arith.constant 0 : i32
    %ne3A_869 = vector.broadcast %ne3A_868 : i32 to vector<256x128xi32>
    %ne3A_870 = arith.cmpi ne, %and3A_867, %ne3A_869 : vector<256x128xi32>
    %select_n3A_871 = arith.select %ne3A_870, %roll3A_860, %roll3A_858 : vector<256x128xi1>, vector<256x128xi32>
    %select_n3A_872 = arith.select %ne3A_870, %roll3A_864, %roll3A_862 : vector<256x128xi1>, vector<256x128xi32>
    %and3A_873 = arith.constant 128 : i32
    %and3A_874 = vector.broadcast %and3A_873 : i32 to vector<256x128xi32>
    %and3A_875 = arith.andi %add3A, %and3A_874 : vector<256x128xi32>
    %eq3A_876 = arith.constant 0 : i32
    %eq3A_877 = vector.broadcast %eq3A_876 : i32 to vector<256x128xi32>
    %eq3A_878 = arith.cmpi eq, %and3A_875, %eq3A_877 : vector<256x128xi32>
    %xor3A_879 = arith.xori %ne3A_870, %eq3A_878 : vector<256x128xi1>
    %gt3A_880 = arith.cmpi sgt, %select_n3A_855, %select_n3A_871 : vector<256x128xi32>
    %eq3A_881 = arith.cmpi eq, %select_n3A_855, %select_n3A_871 : vector<256x128xi32>
    %lt3A_882 = arith.cmpi slt, %select_n3A_856, %select_n3A_872 : vector<256x128xi32>
    %and3A_883 = arith.andi %eq3A_881, %lt3A_882 : vector<256x128xi1>
    %or3A_884 = arith.ori %gt3A_880, %and3A_883 : vector<256x128xi1>
    %eq3A_885 = arith.xori %or3A_884, %xor3A_879 : vector<256x128xi1>
    %eq3A_886 = arith.constant dense<true> : vector<256x128xi1>
    %eq3A_887 = arith.xori %eq3A_885, %eq3A_886 : vector<256x128xi1>
    %select_n3A_888 = arith.select %eq3A_887, %select_n3A_855, %select_n3A_871 : vector<256x128xi1>, vector<256x128xi32>
    %select_n3A_889 = arith.select %eq3A_887, %select_n3A_856, %select_n3A_872 : vector<256x128xi1>, vector<256x128xi32>
    %roll3A_890 = arith.constant 127 : i32
    %roll3A_891 = tpu.dynamic_rotate %select_n3A_888 by %roll3A_890 dim 1 : vector<256x128xi32>, i32 -> vector<256x128xi32>
    %roll3A_892 = arith.constant 1 : i32
    %roll3A_893 = tpu.dynamic_rotate %select_n3A_888 by %roll3A_892 dim 1 : vector<256x128xi32>, i32 -> vector<256x128xi32>
    %roll3A_894 = arith.constant 127 : i32
    %roll3A_895 = tpu.dynamic_rotate %select_n3A_889 by %roll3A_894 dim 1 : vector<256x128xi32>, i32 -> vector<256x128xi32>
    %roll3A_896 = arith.constant 1 : i32
    %roll3A_897 = tpu.dynamic_rotate %select_n3A_889 by %roll3A_896 dim 1 : vector<256x128xi32>, i32 -> vector<256x128xi32>
    %and3A_898 = arith.constant 1 : i32
    %and3A_899 = vector.broadcast %and3A_898 : i32 to vector<256x128xi32>
    %and3A_900 = arith.andi %add3A, %and3A_899 : vector<256x128xi32>
    %ne3A_901 = arith.constant 0 : i32
    %ne3A_902 = vector.broadcast %ne3A_901 : i32 to vector<256x128xi32>
    %ne3A_903 = arith.cmpi ne, %and3A_900, %ne3A_902 : vector<256x128xi32>
    %select_n3A_904 = arith.select %ne3A_903, %roll3A_893, %roll3A_891 : vector<256x128xi1>, vector<256x128xi32>
    %select_n3A_905 = arith.select %ne3A_903, %roll3A_897, %roll3A_895 : vector<256x128xi1>, vector<256x128xi32>
    %and3A_906 = arith.constant 128 : i32
    %and3A_907 = vector.broadcast %and3A_906 : i32 to vector<256x128xi32>
    %and3A_908 = arith.andi %add3A, %and3A_907 : vector<256x128xi32>
    %eq3A_909 = arith.constant 0 : i32
    %eq3A_910 = vector.broadcast %eq3A_909 : i32 to vector<256x128xi32>
    %eq3A_911 = arith.cmpi eq, %and3A_908, %eq3A_910 : vector<256x128xi32>
    %xor3A_912 = arith.xori %ne3A_903, %eq3A_911 : vector<256x128xi1>
    %gt3A_913 = arith.cmpi sgt, %select_n3A_888, %select_n3A_904 : vector<256x128xi32>
    %eq3A_914 = arith.cmpi eq, %select_n3A_888, %select_n3A_904 : vector<256x128xi32>
    %lt3A_915 = arith.cmpi slt, %select_n3A_889, %select_n3A_905 : vector<256x128xi32>
    %and3A_916 = arith.andi %eq3A_914, %lt3A_915 : vector<256x128xi1>
    %or3A_917 = arith.ori %gt3A_913, %and3A_916 : vector<256x128xi1>
    %eq3A_918 = arith.xori %or3A_917, %xor3A_912 : vector<256x128xi1>
    %eq3A_919 = arith.constant dense<true> : vector<256x128xi1>
    %eq3A_920 = arith.xori %eq3A_918, %eq3A_919 : vector<256x128xi1>
    %select_n3A_921 = arith.select %eq3A_920, %select_n3A_888, %select_n3A_904 : vector<256x128xi1>, vector<256x128xi32>
    %select_n3A_922 = arith.select %eq3A_920, %select_n3A_889, %select_n3A_905 : vector<256x128xi1>, vector<256x128xi32>
    %roll3A_923 = arith.constant 255 : i32
    %roll3A_924 = tpu.dynamic_rotate %select_n3A_921 by %roll3A_923 dim 0 : vector<256x128xi32>, i32 -> vector<256x128xi32>
    %roll3A_925 = arith.constant 1 : i32
    %roll3A_926 = tpu.dynamic_rotate %select_n3A_921 by %roll3A_925 dim 0 : vector<256x128xi32>, i32 -> vector<256x128xi32>
    %roll3A_927 = arith.constant 255 : i32
    %roll3A_928 = tpu.dynamic_rotate %select_n3A_922 by %roll3A_927 dim 0 : vector<256x128xi32>, i32 -> vector<256x128xi32>
    %roll3A_929 = arith.constant 1 : i32
    %roll3A_930 = tpu.dynamic_rotate %select_n3A_922 by %roll3A_929 dim 0 : vector<256x128xi32>, i32 -> vector<256x128xi32>
    %and3A_931 = arith.constant 128 : i32
    %and3A_932 = vector.broadcast %and3A_931 : i32 to vector<256x128xi32>
    %and3A_933 = arith.andi %add3A, %and3A_932 : vector<256x128xi32>
    %ne3A_934 = arith.constant 0 : i32
    %ne3A_935 = vector.broadcast %ne3A_934 : i32 to vector<256x128xi32>
    %ne3A_936 = arith.cmpi ne, %and3A_933, %ne3A_935 : vector<256x128xi32>
    %select_n3A_937 = arith.select %ne3A_936, %roll3A_926, %roll3A_924 : vector<256x128xi1>, vector<256x128xi32>
    %select_n3A_938 = arith.select %ne3A_936, %roll3A_930, %roll3A_928 : vector<256x128xi1>, vector<256x128xi32>
    %and3A_939 = arith.constant 256 : i32
    %and3A_940 = vector.broadcast %and3A_939 : i32 to vector<256x128xi32>
    %and3A_941 = arith.andi %add3A, %and3A_940 : vector<256x128xi32>
    %eq3A_942 = arith.constant 0 : i32
    %eq3A_943 = vector.broadcast %eq3A_942 : i32 to vector<256x128xi32>
    %eq3A_944 = arith.cmpi eq, %and3A_941, %eq3A_943 : vector<256x128xi32>
    %xor3A_945 = arith.xori %ne3A_936, %eq3A_944 : vector<256x128xi1>
    %gt3A_946 = arith.cmpi sgt, %select_n3A_921, %select_n3A_937 : vector<256x128xi32>
    %eq3A_947 = arith.cmpi eq, %select_n3A_921, %select_n3A_937 : vector<256x128xi32>
    %lt3A_948 = arith.cmpi slt, %select_n3A_922, %select_n3A_938 : vector<256x128xi32>
    %and3A_949 = arith.andi %eq3A_947, %lt3A_948 : vector<256x128xi1>
    %or3A_950 = arith.ori %gt3A_946, %and3A_949 : vector<256x128xi1>
    %eq3A_951 = arith.xori %or3A_950, %xor3A_945 : vector<256x128xi1>
    %eq3A_952 = arith.constant dense<true> : vector<256x128xi1>
    %eq3A_953 = arith.xori %eq3A_951, %eq3A_952 : vector<256x128xi1>
    %select_n3A_954 = arith.select %eq3A_953, %select_n3A_921, %select_n3A_937 : vector<256x128xi1>, vector<256x128xi32>
    %select_n3A_955 = arith.select %eq3A_953, %select_n3A_922, %select_n3A_938 : vector<256x128xi1>, vector<256x128xi32>
    %roll3A_956 = arith.constant 64 : i32
    %roll3A_957 = tpu.dynamic_rotate %select_n3A_954 by %roll3A_956 dim 1 : vector<256x128xi32>, i32 -> vector<256x128xi32>
    %roll3A_958 = arith.constant 64 : i32
    %roll3A_959 = tpu.dynamic_rotate %select_n3A_954 by %roll3A_958 dim 1 : vector<256x128xi32>, i32 -> vector<256x128xi32>
    %roll3A_960 = arith.constant 64 : i32
    %roll3A_961 = tpu.dynamic_rotate %select_n3A_955 by %roll3A_960 dim 1 : vector<256x128xi32>, i32 -> vector<256x128xi32>
    %roll3A_962 = arith.constant 64 : i32
    %roll3A_963 = tpu.dynamic_rotate %select_n3A_955 by %roll3A_962 dim 1 : vector<256x128xi32>, i32 -> vector<256x128xi32>
    %and3A_964 = arith.constant 64 : i32
    %and3A_965 = vector.broadcast %and3A_964 : i32 to vector<256x128xi32>
    %and3A_966 = arith.andi %add3A, %and3A_965 : vector<256x128xi32>
    %ne3A_967 = arith.constant 0 : i32
    %ne3A_968 = vector.broadcast %ne3A_967 : i32 to vector<256x128xi32>
    %ne3A_969 = arith.cmpi ne, %and3A_966, %ne3A_968 : vector<256x128xi32>
    %select_n3A_970 = arith.select %ne3A_969, %roll3A_959, %roll3A_957 : vector<256x128xi1>, vector<256x128xi32>
    %select_n3A_971 = arith.select %ne3A_969, %roll3A_963, %roll3A_961 : vector<256x128xi1>, vector<256x128xi32>
    %and3A_972 = arith.constant 256 : i32
    %and3A_973 = vector.broadcast %and3A_972 : i32 to vector<256x128xi32>
    %and3A_974 = arith.andi %add3A, %and3A_973 : vector<256x128xi32>
    %eq3A_975 = arith.constant 0 : i32
    %eq3A_976 = vector.broadcast %eq3A_975 : i32 to vector<256x128xi32>
    %eq3A_977 = arith.cmpi eq, %and3A_974, %eq3A_976 : vector<256x128xi32>
    %xor3A_978 = arith.xori %ne3A_969, %eq3A_977 : vector<256x128xi1>
    %gt3A_979 = arith.cmpi sgt, %select_n3A_954, %select_n3A_970 : vector<256x128xi32>
    %eq3A_980 = arith.cmpi eq, %select_n3A_954, %select_n3A_970 : vector<256x128xi32>
    %lt3A_981 = arith.cmpi slt, %select_n3A_955, %select_n3A_971 : vector<256x128xi32>
    %and3A_982 = arith.andi %eq3A_980, %lt3A_981 : vector<256x128xi1>
    %or3A_983 = arith.ori %gt3A_979, %and3A_982 : vector<256x128xi1>
    %eq3A_984 = arith.xori %or3A_983, %xor3A_978 : vector<256x128xi1>
    %eq3A_985 = arith.constant dense<true> : vector<256x128xi1>
    %eq3A_986 = arith.xori %eq3A_984, %eq3A_985 : vector<256x128xi1>
    %select_n3A_987 = arith.select %eq3A_986, %select_n3A_954, %select_n3A_970 : vector<256x128xi1>, vector<256x128xi32>
    %select_n3A_988 = arith.select %eq3A_986, %select_n3A_955, %select_n3A_971 : vector<256x128xi1>, vector<256x128xi32>
    %roll3A_989 = arith.constant 96 : i32
    %roll3A_990 = tpu.dynamic_rotate %select_n3A_987 by %roll3A_989 dim 1 : vector<256x128xi32>, i32 -> vector<256x128xi32>
    %roll3A_991 = arith.constant 32 : i32
    %roll3A_992 = tpu.dynamic_rotate %select_n3A_987 by %roll3A_991 dim 1 : vector<256x128xi32>, i32 -> vector<256x128xi32>
    %roll3A_993 = arith.constant 96 : i32
    %roll3A_994 = tpu.dynamic_rotate %select_n3A_988 by %roll3A_993 dim 1 : vector<256x128xi32>, i32 -> vector<256x128xi32>
    %roll3A_995 = arith.constant 32 : i32
    %roll3A_996 = tpu.dynamic_rotate %select_n3A_988 by %roll3A_995 dim 1 : vector<256x128xi32>, i32 -> vector<256x128xi32>
    %and3A_997 = arith.constant 32 : i32
    %and3A_998 = vector.broadcast %and3A_997 : i32 to vector<256x128xi32>
    %and3A_999 = arith.andi %add3A, %and3A_998 : vector<256x128xi32>
    %ne3A_1000 = arith.constant 0 : i32
    %ne3A_1001 = vector.broadcast %ne3A_1000 : i32 to vector<256x128xi32>
    %ne3A_1002 = arith.cmpi ne, %and3A_999, %ne3A_1001 : vector<256x128xi32>
    %select_n3A_1003 = arith.select %ne3A_1002, %roll3A_992, %roll3A_990 : vector<256x128xi1>, vector<256x128xi32>
    %select_n3A_1004 = arith.select %ne3A_1002, %roll3A_996, %roll3A_994 : vector<256x128xi1>, vector<256x128xi32>
    %and3A_1005 = arith.constant 256 : i32
    %and3A_1006 = vector.broadcast %and3A_1005 : i32 to vector<256x128xi32>
    %and3A_1007 = arith.andi %add3A, %and3A_1006 : vector<256x128xi32>
    %eq3A_1008 = arith.constant 0 : i32
    %eq3A_1009 = vector.broadcast %eq3A_1008 : i32 to vector<256x128xi32>
    %eq3A_1010 = arith.cmpi eq, %and3A_1007, %eq3A_1009 : vector<256x128xi32>
    %xor3A_1011 = arith.xori %ne3A_1002, %eq3A_1010 : vector<256x128xi1>
    %gt3A_1012 = arith.cmpi sgt, %select_n3A_987, %select_n3A_1003 : vector<256x128xi32>
    %eq3A_1013 = arith.cmpi eq, %select_n3A_987, %select_n3A_1003 : vector<256x128xi32>
    %lt3A_1014 = arith.cmpi slt, %select_n3A_988, %select_n3A_1004 : vector<256x128xi32>
    %and3A_1015 = arith.andi %eq3A_1013, %lt3A_1014 : vector<256x128xi1>
    %or3A_1016 = arith.ori %gt3A_1012, %and3A_1015 : vector<256x128xi1>
    %eq3A_1017 = arith.xori %or3A_1016, %xor3A_1011 : vector<256x128xi1>
    %eq3A_1018 = arith.constant dense<true> : vector<256x128xi1>
    %eq3A_1019 = arith.xori %eq3A_1017, %eq3A_1018 : vector<256x128xi1>
    %select_n3A_1020 = arith.select %eq3A_1019, %select_n3A_987, %select_n3A_1003 : vector<256x128xi1>, vector<256x128xi32>
    %select_n3A_1021 = arith.select %eq3A_1019, %select_n3A_988, %select_n3A_1004 : vector<256x128xi1>, vector<256x128xi32>
    %roll3A_1022 = arith.constant 112 : i32
    %roll3A_1023 = tpu.dynamic_rotate %select_n3A_1020 by %roll3A_1022 dim 1 : vector<256x128xi32>, i32 -> vector<256x128xi32>
    %roll3A_1024 = arith.constant 16 : i32
    %roll3A_1025 = tpu.dynamic_rotate %select_n3A_1020 by %roll3A_1024 dim 1 : vector<256x128xi32>, i32 -> vector<256x128xi32>
    %roll3A_1026 = arith.constant 112 : i32
    %roll3A_1027 = tpu.dynamic_rotate %select_n3A_1021 by %roll3A_1026 dim 1 : vector<256x128xi32>, i32 -> vector<256x128xi32>
    %roll3A_1028 = arith.constant 16 : i32
    %roll3A_1029 = tpu.dynamic_rotate %select_n3A_1021 by %roll3A_1028 dim 1 : vector<256x128xi32>, i32 -> vector<256x128xi32>
    %and3A_1030 = arith.constant 16 : i32
    %and3A_1031 = vector.broadcast %and3A_1030 : i32 to vector<256x128xi32>
    %and3A_1032 = arith.andi %add3A, %and3A_1031 : vector<256x128xi32>
    %ne3A_1033 = arith.constant 0 : i32
    %ne3A_1034 = vector.broadcast %ne3A_1033 : i32 to vector<256x128xi32>
    %ne3A_1035 = arith.cmpi ne, %and3A_1032, %ne3A_1034 : vector<256x128xi32>
    %select_n3A_1036 = arith.select %ne3A_1035, %roll3A_1025, %roll3A_1023 : vector<256x128xi1>, vector<256x128xi32>
    %select_n3A_1037 = arith.select %ne3A_1035, %roll3A_1029, %roll3A_1027 : vector<256x128xi1>, vector<256x128xi32>
    %and3A_1038 = arith.constant 256 : i32
    %and3A_1039 = vector.broadcast %and3A_1038 : i32 to vector<256x128xi32>
    %and3A_1040 = arith.andi %add3A, %and3A_1039 : vector<256x128xi32>
    %eq3A_1041 = arith.constant 0 : i32
    %eq3A_1042 = vector.broadcast %eq3A_1041 : i32 to vector<256x128xi32>
    %eq3A_1043 = arith.cmpi eq, %and3A_1040, %eq3A_1042 : vector<256x128xi32>
    %xor3A_1044 = arith.xori %ne3A_1035, %eq3A_1043 : vector<256x128xi1>
    %gt3A_1045 = arith.cmpi sgt, %select_n3A_1020, %select_n3A_1036 : vector<256x128xi32>
    %eq3A_1046 = arith.cmpi eq, %select_n3A_1020, %select_n3A_1036 : vector<256x128xi32>
    %lt3A_1047 = arith.cmpi slt, %select_n3A_1021, %select_n3A_1037 : vector<256x128xi32>
    %and3A_1048 = arith.andi %eq3A_1046, %lt3A_1047 : vector<256x128xi1>
    %or3A_1049 = arith.ori %gt3A_1045, %and3A_1048 : vector<256x128xi1>
    %eq3A_1050 = arith.xori %or3A_1049, %xor3A_1044 : vector<256x128xi1>
    %eq3A_1051 = arith.constant dense<true> : vector<256x128xi1>
    %eq3A_1052 = arith.xori %eq3A_1050, %eq3A_1051 : vector<256x128xi1>
    %select_n3A_1053 = arith.select %eq3A_1052, %select_n3A_1020, %select_n3A_1036 : vector<256x128xi1>, vector<256x128xi32>
    %select_n3A_1054 = arith.select %eq3A_1052, %select_n3A_1021, %select_n3A_1037 : vector<256x128xi1>, vector<256x128xi32>
    %roll3A_1055 = arith.constant 120 : i32
    %roll3A_1056 = tpu.dynamic_rotate %select_n3A_1053 by %roll3A_1055 dim 1 : vector<256x128xi32>, i32 -> vector<256x128xi32>
    %roll3A_1057 = arith.constant 8 : i32
    %roll3A_1058 = tpu.dynamic_rotate %select_n3A_1053 by %roll3A_1057 dim 1 : vector<256x128xi32>, i32 -> vector<256x128xi32>
    %roll3A_1059 = arith.constant 120 : i32
    %roll3A_1060 = tpu.dynamic_rotate %select_n3A_1054 by %roll3A_1059 dim 1 : vector<256x128xi32>, i32 -> vector<256x128xi32>
    %roll3A_1061 = arith.constant 8 : i32
    %roll3A_1062 = tpu.dynamic_rotate %select_n3A_1054 by %roll3A_1061 dim 1 : vector<256x128xi32>, i32 -> vector<256x128xi32>
    %and3A_1063 = arith.constant 8 : i32
    %and3A_1064 = vector.broadcast %and3A_1063 : i32 to vector<256x128xi32>
    %and3A_1065 = arith.andi %add3A, %and3A_1064 : vector<256x128xi32>
    %ne3A_1066 = arith.constant 0 : i32
    %ne3A_1067 = vector.broadcast %ne3A_1066 : i32 to vector<256x128xi32>
    %ne3A_1068 = arith.cmpi ne, %and3A_1065, %ne3A_1067 : vector<256x128xi32>
    %select_n3A_1069 = arith.select %ne3A_1068, %roll3A_1058, %roll3A_1056 : vector<256x128xi1>, vector<256x128xi32>
    %select_n3A_1070 = arith.select %ne3A_1068, %roll3A_1062, %roll3A_1060 : vector<256x128xi1>, vector<256x128xi32>
    %and3A_1071 = arith.constant 256 : i32
    %and3A_1072 = vector.broadcast %and3A_1071 : i32 to vector<256x128xi32>
    %and3A_1073 = arith.andi %add3A, %and3A_1072 : vector<256x128xi32>
    %eq3A_1074 = arith.constant 0 : i32
    %eq3A_1075 = vector.broadcast %eq3A_1074 : i32 to vector<256x128xi32>
    %eq3A_1076 = arith.cmpi eq, %and3A_1073, %eq3A_1075 : vector<256x128xi32>
    %xor3A_1077 = arith.xori %ne3A_1068, %eq3A_1076 : vector<256x128xi1>
    %gt3A_1078 = arith.cmpi sgt, %select_n3A_1053, %select_n3A_1069 : vector<256x128xi32>
    %eq3A_1079 = arith.cmpi eq, %select_n3A_1053, %select_n3A_1069 : vector<256x128xi32>
    %lt3A_1080 = arith.cmpi slt, %select_n3A_1054, %select_n3A_1070 : vector<256x128xi32>
    %and3A_1081 = arith.andi %eq3A_1079, %lt3A_1080 : vector<256x128xi1>
    %or3A_1082 = arith.ori %gt3A_1078, %and3A_1081 : vector<256x128xi1>
    %eq3A_1083 = arith.xori %or3A_1082, %xor3A_1077 : vector<256x128xi1>
    %eq3A_1084 = arith.constant dense<true> : vector<256x128xi1>
    %eq3A_1085 = arith.xori %eq3A_1083, %eq3A_1084 : vector<256x128xi1>
    %select_n3A_1086 = arith.select %eq3A_1085, %select_n3A_1053, %select_n3A_1069 : vector<256x128xi1>, vector<256x128xi32>
    %select_n3A_1087 = arith.select %eq3A_1085, %select_n3A_1054, %select_n3A_1070 : vector<256x128xi1>, vector<256x128xi32>
    %roll3A_1088 = arith.constant 124 : i32
    %roll3A_1089 = tpu.dynamic_rotate %select_n3A_1086 by %roll3A_1088 dim 1 : vector<256x128xi32>, i32 -> vector<256x128xi32>
    %roll3A_1090 = arith.constant 4 : i32
    %roll3A_1091 = tpu.dynamic_rotate %select_n3A_1086 by %roll3A_1090 dim 1 : vector<256x128xi32>, i32 -> vector<256x128xi32>
    %roll3A_1092 = arith.constant 124 : i32
    %roll3A_1093 = tpu.dynamic_rotate %select_n3A_1087 by %roll3A_1092 dim 1 : vector<256x128xi32>, i32 -> vector<256x128xi32>
    %roll3A_1094 = arith.constant 4 : i32
    %roll3A_1095 = tpu.dynamic_rotate %select_n3A_1087 by %roll3A_1094 dim 1 : vector<256x128xi32>, i32 -> vector<256x128xi32>
    %and3A_1096 = arith.constant 4 : i32
    %and3A_1097 = vector.broadcast %and3A_1096 : i32 to vector<256x128xi32>
    %and3A_1098 = arith.andi %add3A, %and3A_1097 : vector<256x128xi32>
    %ne3A_1099 = arith.constant 0 : i32
    %ne3A_1100 = vector.broadcast %ne3A_1099 : i32 to vector<256x128xi32>
    %ne3A_1101 = arith.cmpi ne, %and3A_1098, %ne3A_1100 : vector<256x128xi32>
    %select_n3A_1102 = arith.select %ne3A_1101, %roll3A_1091, %roll3A_1089 : vector<256x128xi1>, vector<256x128xi32>
    %select_n3A_1103 = arith.select %ne3A_1101, %roll3A_1095, %roll3A_1093 : vector<256x128xi1>, vector<256x128xi32>
    %and3A_1104 = arith.constant 256 : i32
    %and3A_1105 = vector.broadcast %and3A_1104 : i32 to vector<256x128xi32>
    %and3A_1106 = arith.andi %add3A, %and3A_1105 : vector<256x128xi32>
    %eq3A_1107 = arith.constant 0 : i32
    %eq3A_1108 = vector.broadcast %eq3A_1107 : i32 to vector<256x128xi32>
    %eq3A_1109 = arith.cmpi eq, %and3A_1106, %eq3A_1108 : vector<256x128xi32>
    %xor3A_1110 = arith.xori %ne3A_1101, %eq3A_1109 : vector<256x128xi1>
    %gt3A_1111 = arith.cmpi sgt, %select_n3A_1086, %select_n3A_1102 : vector<256x128xi32>
    %eq3A_1112 = arith.cmpi eq, %select_n3A_1086, %select_n3A_1102 : vector<256x128xi32>
    %lt3A_1113 = arith.cmpi slt, %select_n3A_1087, %select_n3A_1103 : vector<256x128xi32>
    %and3A_1114 = arith.andi %eq3A_1112, %lt3A_1113 : vector<256x128xi1>
    %or3A_1115 = arith.ori %gt3A_1111, %and3A_1114 : vector<256x128xi1>
    %eq3A_1116 = arith.xori %or3A_1115, %xor3A_1110 : vector<256x128xi1>
    %eq3A_1117 = arith.constant dense<true> : vector<256x128xi1>
    %eq3A_1118 = arith.xori %eq3A_1116, %eq3A_1117 : vector<256x128xi1>
    %select_n3A_1119 = arith.select %eq3A_1118, %select_n3A_1086, %select_n3A_1102 : vector<256x128xi1>, vector<256x128xi32>
    %select_n3A_1120 = arith.select %eq3A_1118, %select_n3A_1087, %select_n3A_1103 : vector<256x128xi1>, vector<256x128xi32>
    %roll3A_1121 = arith.constant 126 : i32
    %roll3A_1122 = tpu.dynamic_rotate %select_n3A_1119 by %roll3A_1121 dim 1 : vector<256x128xi32>, i32 -> vector<256x128xi32>
    %roll3A_1123 = arith.constant 2 : i32
    %roll3A_1124 = tpu.dynamic_rotate %select_n3A_1119 by %roll3A_1123 dim 1 : vector<256x128xi32>, i32 -> vector<256x128xi32>
    %roll3A_1125 = arith.constant 126 : i32
    %roll3A_1126 = tpu.dynamic_rotate %select_n3A_1120 by %roll3A_1125 dim 1 : vector<256x128xi32>, i32 -> vector<256x128xi32>
    %roll3A_1127 = arith.constant 2 : i32
    %roll3A_1128 = tpu.dynamic_rotate %select_n3A_1120 by %roll3A_1127 dim 1 : vector<256x128xi32>, i32 -> vector<256x128xi32>
    %and3A_1129 = arith.constant 2 : i32
    %and3A_1130 = vector.broadcast %and3A_1129 : i32 to vector<256x128xi32>
    %and3A_1131 = arith.andi %add3A, %and3A_1130 : vector<256x128xi32>
    %ne3A_1132 = arith.constant 0 : i32
    %ne3A_1133 = vector.broadcast %ne3A_1132 : i32 to vector<256x128xi32>
    %ne3A_1134 = arith.cmpi ne, %and3A_1131, %ne3A_1133 : vector<256x128xi32>
    %select_n3A_1135 = arith.select %ne3A_1134, %roll3A_1124, %roll3A_1122 : vector<256x128xi1>, vector<256x128xi32>
    %select_n3A_1136 = arith.select %ne3A_1134, %roll3A_1128, %roll3A_1126 : vector<256x128xi1>, vector<256x128xi32>
    %and3A_1137 = arith.constant 256 : i32
    %and3A_1138 = vector.broadcast %and3A_1137 : i32 to vector<256x128xi32>
    %and3A_1139 = arith.andi %add3A, %and3A_1138 : vector<256x128xi32>
    %eq3A_1140 = arith.constant 0 : i32
    %eq3A_1141 = vector.broadcast %eq3A_1140 : i32 to vector<256x128xi32>
    %eq3A_1142 = arith.cmpi eq, %and3A_1139, %eq3A_1141 : vector<256x128xi32>
    %xor3A_1143 = arith.xori %ne3A_1134, %eq3A_1142 : vector<256x128xi1>
    %gt3A_1144 = arith.cmpi sgt, %select_n3A_1119, %select_n3A_1135 : vector<256x128xi32>
    %eq3A_1145 = arith.cmpi eq, %select_n3A_1119, %select_n3A_1135 : vector<256x128xi32>
    %lt3A_1146 = arith.cmpi slt, %select_n3A_1120, %select_n3A_1136 : vector<256x128xi32>
    %and3A_1147 = arith.andi %eq3A_1145, %lt3A_1146 : vector<256x128xi1>
    %or3A_1148 = arith.ori %gt3A_1144, %and3A_1147 : vector<256x128xi1>
    %eq3A_1149 = arith.xori %or3A_1148, %xor3A_1143 : vector<256x128xi1>
    %eq3A_1150 = arith.constant dense<true> : vector<256x128xi1>
    %eq3A_1151 = arith.xori %eq3A_1149, %eq3A_1150 : vector<256x128xi1>
    %select_n3A_1152 = arith.select %eq3A_1151, %select_n3A_1119, %select_n3A_1135 : vector<256x128xi1>, vector<256x128xi32>
    %select_n3A_1153 = arith.select %eq3A_1151, %select_n3A_1120, %select_n3A_1136 : vector<256x128xi1>, vector<256x128xi32>
    %roll3A_1154 = arith.constant 127 : i32
    %roll3A_1155 = tpu.dynamic_rotate %select_n3A_1152 by %roll3A_1154 dim 1 : vector<256x128xi32>, i32 -> vector<256x128xi32>
    %roll3A_1156 = arith.constant 1 : i32
    %roll3A_1157 = tpu.dynamic_rotate %select_n3A_1152 by %roll3A_1156 dim 1 : vector<256x128xi32>, i32 -> vector<256x128xi32>
    %roll3A_1158 = arith.constant 127 : i32
    %roll3A_1159 = tpu.dynamic_rotate %select_n3A_1153 by %roll3A_1158 dim 1 : vector<256x128xi32>, i32 -> vector<256x128xi32>
    %roll3A_1160 = arith.constant 1 : i32
    %roll3A_1161 = tpu.dynamic_rotate %select_n3A_1153 by %roll3A_1160 dim 1 : vector<256x128xi32>, i32 -> vector<256x128xi32>
    %and3A_1162 = arith.constant 1 : i32
    %and3A_1163 = vector.broadcast %and3A_1162 : i32 to vector<256x128xi32>
    %and3A_1164 = arith.andi %add3A, %and3A_1163 : vector<256x128xi32>
    %ne3A_1165 = arith.constant 0 : i32
    %ne3A_1166 = vector.broadcast %ne3A_1165 : i32 to vector<256x128xi32>
    %ne3A_1167 = arith.cmpi ne, %and3A_1164, %ne3A_1166 : vector<256x128xi32>
    %select_n3A_1168 = arith.select %ne3A_1167, %roll3A_1157, %roll3A_1155 : vector<256x128xi1>, vector<256x128xi32>
    %select_n3A_1169 = arith.select %ne3A_1167, %roll3A_1161, %roll3A_1159 : vector<256x128xi1>, vector<256x128xi32>
    %and3A_1170 = arith.constant 256 : i32
    %and3A_1171 = vector.broadcast %and3A_1170 : i32 to vector<256x128xi32>
    %and3A_1172 = arith.andi %add3A, %and3A_1171 : vector<256x128xi32>
    %eq3A_1173 = arith.constant 0 : i32
    %eq3A_1174 = vector.broadcast %eq3A_1173 : i32 to vector<256x128xi32>
    %eq3A_1175 = arith.cmpi eq, %and3A_1172, %eq3A_1174 : vector<256x128xi32>
    %xor3A_1176 = arith.xori %ne3A_1167, %eq3A_1175 : vector<256x128xi1>
    %gt3A_1177 = arith.cmpi sgt, %select_n3A_1152, %select_n3A_1168 : vector<256x128xi32>
    %eq3A_1178 = arith.cmpi eq, %select_n3A_1152, %select_n3A_1168 : vector<256x128xi32>
    %lt3A_1179 = arith.cmpi slt, %select_n3A_1153, %select_n3A_1169 : vector<256x128xi32>
    %and3A_1180 = arith.andi %eq3A_1178, %lt3A_1179 : vector<256x128xi1>
    %or3A_1181 = arith.ori %gt3A_1177, %and3A_1180 : vector<256x128xi1>
    %eq3A_1182 = arith.xori %or3A_1181, %xor3A_1176 : vector<256x128xi1>
    %eq3A_1183 = arith.constant dense<true> : vector<256x128xi1>
    %eq3A_1184 = arith.xori %eq3A_1182, %eq3A_1183 : vector<256x128xi1>
    %select_n3A_1185 = arith.select %eq3A_1184, %select_n3A_1152, %select_n3A_1168 : vector<256x128xi1>, vector<256x128xi32>
    %select_n3A_1186 = arith.select %eq3A_1184, %select_n3A_1153, %select_n3A_1169 : vector<256x128xi1>, vector<256x128xi32>
    %roll3A_1187 = arith.constant 254 : i32
    %roll3A_1188 = tpu.dynamic_rotate %select_n3A_1185 by %roll3A_1187 dim 0 : vector<256x128xi32>, i32 -> vector<256x128xi32>
    %roll3A_1189 = arith.constant 2 : i32
    %roll3A_1190 = tpu.dynamic_rotate %select_n3A_1185 by %roll3A_1189 dim 0 : vector<256x128xi32>, i32 -> vector<256x128xi32>
    %roll3A_1191 = arith.constant 254 : i32
    %roll3A_1192 = tpu.dynamic_rotate %select_n3A_1186 by %roll3A_1191 dim 0 : vector<256x128xi32>, i32 -> vector<256x128xi32>
    %roll3A_1193 = arith.constant 2 : i32
    %roll3A_1194 = tpu.dynamic_rotate %select_n3A_1186 by %roll3A_1193 dim 0 : vector<256x128xi32>, i32 -> vector<256x128xi32>
    %and3A_1195 = arith.constant 256 : i32
    %and3A_1196 = vector.broadcast %and3A_1195 : i32 to vector<256x128xi32>
    %and3A_1197 = arith.andi %add3A, %and3A_1196 : vector<256x128xi32>
    %ne3A_1198 = arith.constant 0 : i32
    %ne3A_1199 = vector.broadcast %ne3A_1198 : i32 to vector<256x128xi32>
    %ne3A_1200 = arith.cmpi ne, %and3A_1197, %ne3A_1199 : vector<256x128xi32>
    %select_n3A_1201 = arith.select %ne3A_1200, %roll3A_1190, %roll3A_1188 : vector<256x128xi1>, vector<256x128xi32>
    %select_n3A_1202 = arith.select %ne3A_1200, %roll3A_1194, %roll3A_1192 : vector<256x128xi1>, vector<256x128xi32>
    %and3A_1203 = arith.constant 512 : i32
    %and3A_1204 = vector.broadcast %and3A_1203 : i32 to vector<256x128xi32>
    %and3A_1205 = arith.andi %add3A, %and3A_1204 : vector<256x128xi32>
    %eq3A_1206 = arith.constant 0 : i32
    %eq3A_1207 = vector.broadcast %eq3A_1206 : i32 to vector<256x128xi32>
    %eq3A_1208 = arith.cmpi eq, %and3A_1205, %eq3A_1207 : vector<256x128xi32>
    %xor3A_1209 = arith.xori %ne3A_1200, %eq3A_1208 : vector<256x128xi1>
    %gt3A_1210 = arith.cmpi sgt, %select_n3A_1185, %select_n3A_1201 : vector<256x128xi32>
    %eq3A_1211 = arith.cmpi eq, %select_n3A_1185, %select_n3A_1201 : vector<256x128xi32>
    %lt3A_1212 = arith.cmpi slt, %select_n3A_1186, %select_n3A_1202 : vector<256x128xi32>
    %and3A_1213 = arith.andi %eq3A_1211, %lt3A_1212 : vector<256x128xi1>
    %or3A_1214 = arith.ori %gt3A_1210, %and3A_1213 : vector<256x128xi1>
    %eq3A_1215 = arith.xori %or3A_1214, %xor3A_1209 : vector<256x128xi1>
    %eq3A_1216 = arith.constant dense<true> : vector<256x128xi1>
    %eq3A_1217 = arith.xori %eq3A_1215, %eq3A_1216 : vector<256x128xi1>
    %select_n3A_1218 = arith.select %eq3A_1217, %select_n3A_1185, %select_n3A_1201 : vector<256x128xi1>, vector<256x128xi32>
    %select_n3A_1219 = arith.select %eq3A_1217, %select_n3A_1186, %select_n3A_1202 : vector<256x128xi1>, vector<256x128xi32>
    %roll3A_1220 = arith.constant 255 : i32
    %roll3A_1221 = tpu.dynamic_rotate %select_n3A_1218 by %roll3A_1220 dim 0 : vector<256x128xi32>, i32 -> vector<256x128xi32>
    %roll3A_1222 = arith.constant 1 : i32
    %roll3A_1223 = tpu.dynamic_rotate %select_n3A_1218 by %roll3A_1222 dim 0 : vector<256x128xi32>, i32 -> vector<256x128xi32>
    %roll3A_1224 = arith.constant 255 : i32
    %roll3A_1225 = tpu.dynamic_rotate %select_n3A_1219 by %roll3A_1224 dim 0 : vector<256x128xi32>, i32 -> vector<256x128xi32>
    %roll3A_1226 = arith.constant 1 : i32
    %roll3A_1227 = tpu.dynamic_rotate %select_n3A_1219 by %roll3A_1226 dim 0 : vector<256x128xi32>, i32 -> vector<256x128xi32>
    %and3A_1228 = arith.constant 128 : i32
    %and3A_1229 = vector.broadcast %and3A_1228 : i32 to vector<256x128xi32>
    %and3A_1230 = arith.andi %add3A, %and3A_1229 : vector<256x128xi32>
    %ne3A_1231 = arith.constant 0 : i32
    %ne3A_1232 = vector.broadcast %ne3A_1231 : i32 to vector<256x128xi32>
    %ne3A_1233 = arith.cmpi ne, %and3A_1230, %ne3A_1232 : vector<256x128xi32>
    %select_n3A_1234 = arith.select %ne3A_1233, %roll3A_1223, %roll3A_1221 : vector<256x128xi1>, vector<256x128xi32>
    %select_n3A_1235 = arith.select %ne3A_1233, %roll3A_1227, %roll3A_1225 : vector<256x128xi1>, vector<256x128xi32>
    %and3A_1236 = arith.constant 512 : i32
    %and3A_1237 = vector.broadcast %and3A_1236 : i32 to vector<256x128xi32>
    %and3A_1238 = arith.andi %add3A, %and3A_1237 : vector<256x128xi32>
    %eq3A_1239 = arith.constant 0 : i32
    %eq3A_1240 = vector.broadcast %eq3A_1239 : i32 to vector<256x128xi32>
    %eq3A_1241 = arith.cmpi eq, %and3A_1238, %eq3A_1240 : vector<256x128xi32>
    %xor3A_1242 = arith.xori %ne3A_1233, %eq3A_1241 : vector<256x128xi1>
    %gt3A_1243 = arith.cmpi sgt, %select_n3A_1218, %select_n3A_1234 : vector<256x128xi32>
    %eq3A_1244 = arith.cmpi eq, %select_n3A_1218, %select_n3A_1234 : vector<256x128xi32>
    %lt3A_1245 = arith.cmpi slt, %select_n3A_1219, %select_n3A_1235 : vector<256x128xi32>
    %and3A_1246 = arith.andi %eq3A_1244, %lt3A_1245 : vector<256x128xi1>
    %or3A_1247 = arith.ori %gt3A_1243, %and3A_1246 : vector<256x128xi1>
    %eq3A_1248 = arith.xori %or3A_1247, %xor3A_1242 : vector<256x128xi1>
    %eq3A_1249 = arith.constant dense<true> : vector<256x128xi1>
    %eq3A_1250 = arith.xori %eq3A_1248, %eq3A_1249 : vector<256x128xi1>
    %select_n3A_1251 = arith.select %eq3A_1250, %select_n3A_1218, %select_n3A_1234 : vector<256x128xi1>, vector<256x128xi32>
    %select_n3A_1252 = arith.select %eq3A_1250, %select_n3A_1219, %select_n3A_1235 : vector<256x128xi1>, vector<256x128xi32>
    %roll3A_1253 = arith.constant 64 : i32
    %roll3A_1254 = tpu.dynamic_rotate %select_n3A_1251 by %roll3A_1253 dim 1 : vector<256x128xi32>, i32 -> vector<256x128xi32>
    %roll3A_1255 = arith.constant 64 : i32
    %roll3A_1256 = tpu.dynamic_rotate %select_n3A_1251 by %roll3A_1255 dim 1 : vector<256x128xi32>, i32 -> vector<256x128xi32>
    %roll3A_1257 = arith.constant 64 : i32
    %roll3A_1258 = tpu.dynamic_rotate %select_n3A_1252 by %roll3A_1257 dim 1 : vector<256x128xi32>, i32 -> vector<256x128xi32>
    %roll3A_1259 = arith.constant 64 : i32
    %roll3A_1260 = tpu.dynamic_rotate %select_n3A_1252 by %roll3A_1259 dim 1 : vector<256x128xi32>, i32 -> vector<256x128xi32>
    %and3A_1261 = arith.constant 64 : i32
    %and3A_1262 = vector.broadcast %and3A_1261 : i32 to vector<256x128xi32>
    %and3A_1263 = arith.andi %add3A, %and3A_1262 : vector<256x128xi32>
    %ne3A_1264 = arith.constant 0 : i32
    %ne3A_1265 = vector.broadcast %ne3A_1264 : i32 to vector<256x128xi32>
    %ne3A_1266 = arith.cmpi ne, %and3A_1263, %ne3A_1265 : vector<256x128xi32>
    %select_n3A_1267 = arith.select %ne3A_1266, %roll3A_1256, %roll3A_1254 : vector<256x128xi1>, vector<256x128xi32>
    %select_n3A_1268 = arith.select %ne3A_1266, %roll3A_1260, %roll3A_1258 : vector<256x128xi1>, vector<256x128xi32>
    %and3A_1269 = arith.constant 512 : i32
    %and3A_1270 = vector.broadcast %and3A_1269 : i32 to vector<256x128xi32>
    %and3A_1271 = arith.andi %add3A, %and3A_1270 : vector<256x128xi32>
    %eq3A_1272 = arith.constant 0 : i32
    %eq3A_1273 = vector.broadcast %eq3A_1272 : i32 to vector<256x128xi32>
    %eq3A_1274 = arith.cmpi eq, %and3A_1271, %eq3A_1273 : vector<256x128xi32>
    %xor3A_1275 = arith.xori %ne3A_1266, %eq3A_1274 : vector<256x128xi1>
    %gt3A_1276 = arith.cmpi sgt, %select_n3A_1251, %select_n3A_1267 : vector<256x128xi32>
    %eq3A_1277 = arith.cmpi eq, %select_n3A_1251, %select_n3A_1267 : vector<256x128xi32>
    %lt3A_1278 = arith.cmpi slt, %select_n3A_1252, %select_n3A_1268 : vector<256x128xi32>
    %and3A_1279 = arith.andi %eq3A_1277, %lt3A_1278 : vector<256x128xi1>
    %or3A_1280 = arith.ori %gt3A_1276, %and3A_1279 : vector<256x128xi1>
    %eq3A_1281 = arith.xori %or3A_1280, %xor3A_1275 : vector<256x128xi1>
    %eq3A_1282 = arith.constant dense<true> : vector<256x128xi1>
    %eq3A_1283 = arith.xori %eq3A_1281, %eq3A_1282 : vector<256x128xi1>
    %select_n3A_1284 = arith.select %eq3A_1283, %select_n3A_1251, %select_n3A_1267 : vector<256x128xi1>, vector<256x128xi32>
    %select_n3A_1285 = arith.select %eq3A_1283, %select_n3A_1252, %select_n3A_1268 : vector<256x128xi1>, vector<256x128xi32>
    %roll3A_1286 = arith.constant 96 : i32
    %roll3A_1287 = tpu.dynamic_rotate %select_n3A_1284 by %roll3A_1286 dim 1 : vector<256x128xi32>, i32 -> vector<256x128xi32>
    %roll3A_1288 = arith.constant 32 : i32
    %roll3A_1289 = tpu.dynamic_rotate %select_n3A_1284 by %roll3A_1288 dim 1 : vector<256x128xi32>, i32 -> vector<256x128xi32>
    %roll3A_1290 = arith.constant 96 : i32
    %roll3A_1291 = tpu.dynamic_rotate %select_n3A_1285 by %roll3A_1290 dim 1 : vector<256x128xi32>, i32 -> vector<256x128xi32>
    %roll3A_1292 = arith.constant 32 : i32
    %roll3A_1293 = tpu.dynamic_rotate %select_n3A_1285 by %roll3A_1292 dim 1 : vector<256x128xi32>, i32 -> vector<256x128xi32>
    %and3A_1294 = arith.constant 32 : i32
    %and3A_1295 = vector.broadcast %and3A_1294 : i32 to vector<256x128xi32>
    %and3A_1296 = arith.andi %add3A, %and3A_1295 : vector<256x128xi32>
    %ne3A_1297 = arith.constant 0 : i32
    %ne3A_1298 = vector.broadcast %ne3A_1297 : i32 to vector<256x128xi32>
    %ne3A_1299 = arith.cmpi ne, %and3A_1296, %ne3A_1298 : vector<256x128xi32>
    %select_n3A_1300 = arith.select %ne3A_1299, %roll3A_1289, %roll3A_1287 : vector<256x128xi1>, vector<256x128xi32>
    %select_n3A_1301 = arith.select %ne3A_1299, %roll3A_1293, %roll3A_1291 : vector<256x128xi1>, vector<256x128xi32>
    %and3A_1302 = arith.constant 512 : i32
    %and3A_1303 = vector.broadcast %and3A_1302 : i32 to vector<256x128xi32>
    %and3A_1304 = arith.andi %add3A, %and3A_1303 : vector<256x128xi32>
    %eq3A_1305 = arith.constant 0 : i32
    %eq3A_1306 = vector.broadcast %eq3A_1305 : i32 to vector<256x128xi32>
    %eq3A_1307 = arith.cmpi eq, %and3A_1304, %eq3A_1306 : vector<256x128xi32>
    %xor3A_1308 = arith.xori %ne3A_1299, %eq3A_1307 : vector<256x128xi1>
    %gt3A_1309 = arith.cmpi sgt, %select_n3A_1284, %select_n3A_1300 : vector<256x128xi32>
    %eq3A_1310 = arith.cmpi eq, %select_n3A_1284, %select_n3A_1300 : vector<256x128xi32>
    %lt3A_1311 = arith.cmpi slt, %select_n3A_1285, %select_n3A_1301 : vector<256x128xi32>
    %and3A_1312 = arith.andi %eq3A_1310, %lt3A_1311 : vector<256x128xi1>
    %or3A_1313 = arith.ori %gt3A_1309, %and3A_1312 : vector<256x128xi1>
    %eq3A_1314 = arith.xori %or3A_1313, %xor3A_1308 : vector<256x128xi1>
    %eq3A_1315 = arith.constant dense<true> : vector<256x128xi1>
    %eq3A_1316 = arith.xori %eq3A_1314, %eq3A_1315 : vector<256x128xi1>
    %select_n3A_1317 = arith.select %eq3A_1316, %select_n3A_1284, %select_n3A_1300 : vector<256x128xi1>, vector<256x128xi32>
    %select_n3A_1318 = arith.select %eq3A_1316, %select_n3A_1285, %select_n3A_1301 : vector<256x128xi1>, vector<256x128xi32>
    %roll3A_1319 = arith.constant 112 : i32
    %roll3A_1320 = tpu.dynamic_rotate %select_n3A_1317 by %roll3A_1319 dim 1 : vector<256x128xi32>, i32 -> vector<256x128xi32>
    %roll3A_1321 = arith.constant 16 : i32
    %roll3A_1322 = tpu.dynamic_rotate %select_n3A_1317 by %roll3A_1321 dim 1 : vector<256x128xi32>, i32 -> vector<256x128xi32>
    %roll3A_1323 = arith.constant 112 : i32
    %roll3A_1324 = tpu.dynamic_rotate %select_n3A_1318 by %roll3A_1323 dim 1 : vector<256x128xi32>, i32 -> vector<256x128xi32>
    %roll3A_1325 = arith.constant 16 : i32
    %roll3A_1326 = tpu.dynamic_rotate %select_n3A_1318 by %roll3A_1325 dim 1 : vector<256x128xi32>, i32 -> vector<256x128xi32>
    %and3A_1327 = arith.constant 16 : i32
    %and3A_1328 = vector.broadcast %and3A_1327 : i32 to vector<256x128xi32>
    %and3A_1329 = arith.andi %add3A, %and3A_1328 : vector<256x128xi32>
    %ne3A_1330 = arith.constant 0 : i32
    %ne3A_1331 = vector.broadcast %ne3A_1330 : i32 to vector<256x128xi32>
    %ne3A_1332 = arith.cmpi ne, %and3A_1329, %ne3A_1331 : vector<256x128xi32>
    %select_n3A_1333 = arith.select %ne3A_1332, %roll3A_1322, %roll3A_1320 : vector<256x128xi1>, vector<256x128xi32>
    %select_n3A_1334 = arith.select %ne3A_1332, %roll3A_1326, %roll3A_1324 : vector<256x128xi1>, vector<256x128xi32>
    %and3A_1335 = arith.constant 512 : i32
    %and3A_1336 = vector.broadcast %and3A_1335 : i32 to vector<256x128xi32>
    %and3A_1337 = arith.andi %add3A, %and3A_1336 : vector<256x128xi32>
    %eq3A_1338 = arith.constant 0 : i32
    %eq3A_1339 = vector.broadcast %eq3A_1338 : i32 to vector<256x128xi32>
    %eq3A_1340 = arith.cmpi eq, %and3A_1337, %eq3A_1339 : vector<256x128xi32>
    %xor3A_1341 = arith.xori %ne3A_1332, %eq3A_1340 : vector<256x128xi1>
    %gt3A_1342 = arith.cmpi sgt, %select_n3A_1317, %select_n3A_1333 : vector<256x128xi32>
    %eq3A_1343 = arith.cmpi eq, %select_n3A_1317, %select_n3A_1333 : vector<256x128xi32>
    %lt3A_1344 = arith.cmpi slt, %select_n3A_1318, %select_n3A_1334 : vector<256x128xi32>
    %and3A_1345 = arith.andi %eq3A_1343, %lt3A_1344 : vector<256x128xi1>
    %or3A_1346 = arith.ori %gt3A_1342, %and3A_1345 : vector<256x128xi1>
    %eq3A_1347 = arith.xori %or3A_1346, %xor3A_1341 : vector<256x128xi1>
    %eq3A_1348 = arith.constant dense<true> : vector<256x128xi1>
    %eq3A_1349 = arith.xori %eq3A_1347, %eq3A_1348 : vector<256x128xi1>
    %select_n3A_1350 = arith.select %eq3A_1349, %select_n3A_1317, %select_n3A_1333 : vector<256x128xi1>, vector<256x128xi32>
    %select_n3A_1351 = arith.select %eq3A_1349, %select_n3A_1318, %select_n3A_1334 : vector<256x128xi1>, vector<256x128xi32>
    %roll3A_1352 = arith.constant 120 : i32
    %roll3A_1353 = tpu.dynamic_rotate %select_n3A_1350 by %roll3A_1352 dim 1 : vector<256x128xi32>, i32 -> vector<256x128xi32>
    %roll3A_1354 = arith.constant 8 : i32
    %roll3A_1355 = tpu.dynamic_rotate %select_n3A_1350 by %roll3A_1354 dim 1 : vector<256x128xi32>, i32 -> vector<256x128xi32>
    %roll3A_1356 = arith.constant 120 : i32
    %roll3A_1357 = tpu.dynamic_rotate %select_n3A_1351 by %roll3A_1356 dim 1 : vector<256x128xi32>, i32 -> vector<256x128xi32>
    %roll3A_1358 = arith.constant 8 : i32
    %roll3A_1359 = tpu.dynamic_rotate %select_n3A_1351 by %roll3A_1358 dim 1 : vector<256x128xi32>, i32 -> vector<256x128xi32>
    %and3A_1360 = arith.constant 8 : i32
    %and3A_1361 = vector.broadcast %and3A_1360 : i32 to vector<256x128xi32>
    %and3A_1362 = arith.andi %add3A, %and3A_1361 : vector<256x128xi32>
    %ne3A_1363 = arith.constant 0 : i32
    %ne3A_1364 = vector.broadcast %ne3A_1363 : i32 to vector<256x128xi32>
    %ne3A_1365 = arith.cmpi ne, %and3A_1362, %ne3A_1364 : vector<256x128xi32>
    %select_n3A_1366 = arith.select %ne3A_1365, %roll3A_1355, %roll3A_1353 : vector<256x128xi1>, vector<256x128xi32>
    %select_n3A_1367 = arith.select %ne3A_1365, %roll3A_1359, %roll3A_1357 : vector<256x128xi1>, vector<256x128xi32>
    %and3A_1368 = arith.constant 512 : i32
    %and3A_1369 = vector.broadcast %and3A_1368 : i32 to vector<256x128xi32>
    %and3A_1370 = arith.andi %add3A, %and3A_1369 : vector<256x128xi32>
    %eq3A_1371 = arith.constant 0 : i32
    %eq3A_1372 = vector.broadcast %eq3A_1371 : i32 to vector<256x128xi32>
    %eq3A_1373 = arith.cmpi eq, %and3A_1370, %eq3A_1372 : vector<256x128xi32>
    %xor3A_1374 = arith.xori %ne3A_1365, %eq3A_1373 : vector<256x128xi1>
    %gt3A_1375 = arith.cmpi sgt, %select_n3A_1350, %select_n3A_1366 : vector<256x128xi32>
    %eq3A_1376 = arith.cmpi eq, %select_n3A_1350, %select_n3A_1366 : vector<256x128xi32>
    %lt3A_1377 = arith.cmpi slt, %select_n3A_1351, %select_n3A_1367 : vector<256x128xi32>
    %and3A_1378 = arith.andi %eq3A_1376, %lt3A_1377 : vector<256x128xi1>
    %or3A_1379 = arith.ori %gt3A_1375, %and3A_1378 : vector<256x128xi1>
    %eq3A_1380 = arith.xori %or3A_1379, %xor3A_1374 : vector<256x128xi1>
    %eq3A_1381 = arith.constant dense<true> : vector<256x128xi1>
    %eq3A_1382 = arith.xori %eq3A_1380, %eq3A_1381 : vector<256x128xi1>
    %select_n3A_1383 = arith.select %eq3A_1382, %select_n3A_1350, %select_n3A_1366 : vector<256x128xi1>, vector<256x128xi32>
    %select_n3A_1384 = arith.select %eq3A_1382, %select_n3A_1351, %select_n3A_1367 : vector<256x128xi1>, vector<256x128xi32>
    %roll3A_1385 = arith.constant 124 : i32
    %roll3A_1386 = tpu.dynamic_rotate %select_n3A_1383 by %roll3A_1385 dim 1 : vector<256x128xi32>, i32 -> vector<256x128xi32>
    %roll3A_1387 = arith.constant 4 : i32
    %roll3A_1388 = tpu.dynamic_rotate %select_n3A_1383 by %roll3A_1387 dim 1 : vector<256x128xi32>, i32 -> vector<256x128xi32>
    %roll3A_1389 = arith.constant 124 : i32
    %roll3A_1390 = tpu.dynamic_rotate %select_n3A_1384 by %roll3A_1389 dim 1 : vector<256x128xi32>, i32 -> vector<256x128xi32>
    %roll3A_1391 = arith.constant 4 : i32
    %roll3A_1392 = tpu.dynamic_rotate %select_n3A_1384 by %roll3A_1391 dim 1 : vector<256x128xi32>, i32 -> vector<256x128xi32>
    %and3A_1393 = arith.constant 4 : i32
    %and3A_1394 = vector.broadcast %and3A_1393 : i32 to vector<256x128xi32>
    %and3A_1395 = arith.andi %add3A, %and3A_1394 : vector<256x128xi32>
    %ne3A_1396 = arith.constant 0 : i32
    %ne3A_1397 = vector.broadcast %ne3A_1396 : i32 to vector<256x128xi32>
    %ne3A_1398 = arith.cmpi ne, %and3A_1395, %ne3A_1397 : vector<256x128xi32>
    %select_n3A_1399 = arith.select %ne3A_1398, %roll3A_1388, %roll3A_1386 : vector<256x128xi1>, vector<256x128xi32>
    %select_n3A_1400 = arith.select %ne3A_1398, %roll3A_1392, %roll3A_1390 : vector<256x128xi1>, vector<256x128xi32>
    %and3A_1401 = arith.constant 512 : i32
    %and3A_1402 = vector.broadcast %and3A_1401 : i32 to vector<256x128xi32>
    %and3A_1403 = arith.andi %add3A, %and3A_1402 : vector<256x128xi32>
    %eq3A_1404 = arith.constant 0 : i32
    %eq3A_1405 = vector.broadcast %eq3A_1404 : i32 to vector<256x128xi32>
    %eq3A_1406 = arith.cmpi eq, %and3A_1403, %eq3A_1405 : vector<256x128xi32>
    %xor3A_1407 = arith.xori %ne3A_1398, %eq3A_1406 : vector<256x128xi1>
    %gt3A_1408 = arith.cmpi sgt, %select_n3A_1383, %select_n3A_1399 : vector<256x128xi32>
    %eq3A_1409 = arith.cmpi eq, %select_n3A_1383, %select_n3A_1399 : vector<256x128xi32>
    %lt3A_1410 = arith.cmpi slt, %select_n3A_1384, %select_n3A_1400 : vector<256x128xi32>
    %and3A_1411 = arith.andi %eq3A_1409, %lt3A_1410 : vector<256x128xi1>
    %or3A_1412 = arith.ori %gt3A_1408, %and3A_1411 : vector<256x128xi1>
    %eq3A_1413 = arith.xori %or3A_1412, %xor3A_1407 : vector<256x128xi1>
    %eq3A_1414 = arith.constant dense<true> : vector<256x128xi1>
    %eq3A_1415 = arith.xori %eq3A_1413, %eq3A_1414 : vector<256x128xi1>
    %select_n3A_1416 = arith.select %eq3A_1415, %select_n3A_1383, %select_n3A_1399 : vector<256x128xi1>, vector<256x128xi32>
    %select_n3A_1417 = arith.select %eq3A_1415, %select_n3A_1384, %select_n3A_1400 : vector<256x128xi1>, vector<256x128xi32>
    %roll3A_1418 = arith.constant 126 : i32
    %roll3A_1419 = tpu.dynamic_rotate %select_n3A_1416 by %roll3A_1418 dim 1 : vector<256x128xi32>, i32 -> vector<256x128xi32>
    %roll3A_1420 = arith.constant 2 : i32
    %roll3A_1421 = tpu.dynamic_rotate %select_n3A_1416 by %roll3A_1420 dim 1 : vector<256x128xi32>, i32 -> vector<256x128xi32>
    %roll3A_1422 = arith.constant 126 : i32
    %roll3A_1423 = tpu.dynamic_rotate %select_n3A_1417 by %roll3A_1422 dim 1 : vector<256x128xi32>, i32 -> vector<256x128xi32>
    %roll3A_1424 = arith.constant 2 : i32
    %roll3A_1425 = tpu.dynamic_rotate %select_n3A_1417 by %roll3A_1424 dim 1 : vector<256x128xi32>, i32 -> vector<256x128xi32>
    %and3A_1426 = arith.constant 2 : i32
    %and3A_1427 = vector.broadcast %and3A_1426 : i32 to vector<256x128xi32>
    %and3A_1428 = arith.andi %add3A, %and3A_1427 : vector<256x128xi32>
    %ne3A_1429 = arith.constant 0 : i32
    %ne3A_1430 = vector.broadcast %ne3A_1429 : i32 to vector<256x128xi32>
    %ne3A_1431 = arith.cmpi ne, %and3A_1428, %ne3A_1430 : vector<256x128xi32>
    %select_n3A_1432 = arith.select %ne3A_1431, %roll3A_1421, %roll3A_1419 : vector<256x128xi1>, vector<256x128xi32>
    %select_n3A_1433 = arith.select %ne3A_1431, %roll3A_1425, %roll3A_1423 : vector<256x128xi1>, vector<256x128xi32>
    %and3A_1434 = arith.constant 512 : i32
    %and3A_1435 = vector.broadcast %and3A_1434 : i32 to vector<256x128xi32>
    %and3A_1436 = arith.andi %add3A, %and3A_1435 : vector<256x128xi32>
    %eq3A_1437 = arith.constant 0 : i32
    %eq3A_1438 = vector.broadcast %eq3A_1437 : i32 to vector<256x128xi32>
    %eq3A_1439 = arith.cmpi eq, %and3A_1436, %eq3A_1438 : vector<256x128xi32>
    %xor3A_1440 = arith.xori %ne3A_1431, %eq3A_1439 : vector<256x128xi1>
    %gt3A_1441 = arith.cmpi sgt, %select_n3A_1416, %select_n3A_1432 : vector<256x128xi32>
    %eq3A_1442 = arith.cmpi eq, %select_n3A_1416, %select_n3A_1432 : vector<256x128xi32>
    %lt3A_1443 = arith.cmpi slt, %select_n3A_1417, %select_n3A_1433 : vector<256x128xi32>
    %and3A_1444 = arith.andi %eq3A_1442, %lt3A_1443 : vector<256x128xi1>
    %or3A_1445 = arith.ori %gt3A_1441, %and3A_1444 : vector<256x128xi1>
    %eq3A_1446 = arith.xori %or3A_1445, %xor3A_1440 : vector<256x128xi1>
    %eq3A_1447 = arith.constant dense<true> : vector<256x128xi1>
    %eq3A_1448 = arith.xori %eq3A_1446, %eq3A_1447 : vector<256x128xi1>
    %select_n3A_1449 = arith.select %eq3A_1448, %select_n3A_1416, %select_n3A_1432 : vector<256x128xi1>, vector<256x128xi32>
    %select_n3A_1450 = arith.select %eq3A_1448, %select_n3A_1417, %select_n3A_1433 : vector<256x128xi1>, vector<256x128xi32>
    %roll3A_1451 = arith.constant 127 : i32
    %roll3A_1452 = tpu.dynamic_rotate %select_n3A_1449 by %roll3A_1451 dim 1 : vector<256x128xi32>, i32 -> vector<256x128xi32>
    %roll3A_1453 = arith.constant 1 : i32
    %roll3A_1454 = tpu.dynamic_rotate %select_n3A_1449 by %roll3A_1453 dim 1 : vector<256x128xi32>, i32 -> vector<256x128xi32>
    %roll3A_1455 = arith.constant 127 : i32
    %roll3A_1456 = tpu.dynamic_rotate %select_n3A_1450 by %roll3A_1455 dim 1 : vector<256x128xi32>, i32 -> vector<256x128xi32>
    %roll3A_1457 = arith.constant 1 : i32
    %roll3A_1458 = tpu.dynamic_rotate %select_n3A_1450 by %roll3A_1457 dim 1 : vector<256x128xi32>, i32 -> vector<256x128xi32>
    %and3A_1459 = arith.constant 1 : i32
    %and3A_1460 = vector.broadcast %and3A_1459 : i32 to vector<256x128xi32>
    %and3A_1461 = arith.andi %add3A, %and3A_1460 : vector<256x128xi32>
    %ne3A_1462 = arith.constant 0 : i32
    %ne3A_1463 = vector.broadcast %ne3A_1462 : i32 to vector<256x128xi32>
    %ne3A_1464 = arith.cmpi ne, %and3A_1461, %ne3A_1463 : vector<256x128xi32>
    %select_n3A_1465 = arith.select %ne3A_1464, %roll3A_1454, %roll3A_1452 : vector<256x128xi1>, vector<256x128xi32>
    %select_n3A_1466 = arith.select %ne3A_1464, %roll3A_1458, %roll3A_1456 : vector<256x128xi1>, vector<256x128xi32>
    %and3A_1467 = arith.constant 512 : i32
    %and3A_1468 = vector.broadcast %and3A_1467 : i32 to vector<256x128xi32>
    %and3A_1469 = arith.andi %add3A, %and3A_1468 : vector<256x128xi32>
    %eq3A_1470 = arith.constant 0 : i32
    %eq3A_1471 = vector.broadcast %eq3A_1470 : i32 to vector<256x128xi32>
    %eq3A_1472 = arith.cmpi eq, %and3A_1469, %eq3A_1471 : vector<256x128xi32>
    %xor3A_1473 = arith.xori %ne3A_1464, %eq3A_1472 : vector<256x128xi1>
    %gt3A_1474 = arith.cmpi sgt, %select_n3A_1449, %select_n3A_1465 : vector<256x128xi32>
    %eq3A_1475 = arith.cmpi eq, %select_n3A_1449, %select_n3A_1465 : vector<256x128xi32>
    %lt3A_1476 = arith.cmpi slt, %select_n3A_1450, %select_n3A_1466 : vector<256x128xi32>
    %and3A_1477 = arith.andi %eq3A_1475, %lt3A_1476 : vector<256x128xi1>
    %or3A_1478 = arith.ori %gt3A_1474, %and3A_1477 : vector<256x128xi1>
    %eq3A_1479 = arith.xori %or3A_1478, %xor3A_1473 : vector<256x128xi1>
    %eq3A_1480 = arith.constant dense<true> : vector<256x128xi1>
    %eq3A_1481 = arith.xori %eq3A_1479, %eq3A_1480 : vector<256x128xi1>
    %select_n3A_1482 = arith.select %eq3A_1481, %select_n3A_1449, %select_n3A_1465 : vector<256x128xi1>, vector<256x128xi32>
    %select_n3A_1483 = arith.select %eq3A_1481, %select_n3A_1450, %select_n3A_1466 : vector<256x128xi1>, vector<256x128xi32>
    %roll3A_1484 = arith.constant 252 : i32
    %roll3A_1485 = tpu.dynamic_rotate %select_n3A_1482 by %roll3A_1484 dim 0 : vector<256x128xi32>, i32 -> vector<256x128xi32>
    %roll3A_1486 = arith.constant 4 : i32
    %roll3A_1487 = tpu.dynamic_rotate %select_n3A_1482 by %roll3A_1486 dim 0 : vector<256x128xi32>, i32 -> vector<256x128xi32>
    %roll3A_1488 = arith.constant 252 : i32
    %roll3A_1489 = tpu.dynamic_rotate %select_n3A_1483 by %roll3A_1488 dim 0 : vector<256x128xi32>, i32 -> vector<256x128xi32>
    %roll3A_1490 = arith.constant 4 : i32
    %roll3A_1491 = tpu.dynamic_rotate %select_n3A_1483 by %roll3A_1490 dim 0 : vector<256x128xi32>, i32 -> vector<256x128xi32>
    %and3A_1492 = arith.constant 512 : i32
    %and3A_1493 = vector.broadcast %and3A_1492 : i32 to vector<256x128xi32>
    %and3A_1494 = arith.andi %add3A, %and3A_1493 : vector<256x128xi32>
    %ne3A_1495 = arith.constant 0 : i32
    %ne3A_1496 = vector.broadcast %ne3A_1495 : i32 to vector<256x128xi32>
    %ne3A_1497 = arith.cmpi ne, %and3A_1494, %ne3A_1496 : vector<256x128xi32>
    %select_n3A_1498 = arith.select %ne3A_1497, %roll3A_1487, %roll3A_1485 : vector<256x128xi1>, vector<256x128xi32>
    %select_n3A_1499 = arith.select %ne3A_1497, %roll3A_1491, %roll3A_1489 : vector<256x128xi1>, vector<256x128xi32>
    %and3A_1500 = arith.constant 1024 : i32
    %and3A_1501 = vector.broadcast %and3A_1500 : i32 to vector<256x128xi32>
    %and3A_1502 = arith.andi %add3A, %and3A_1501 : vector<256x128xi32>
    %eq3A_1503 = arith.constant 0 : i32
    %eq3A_1504 = vector.broadcast %eq3A_1503 : i32 to vector<256x128xi32>
    %eq3A_1505 = arith.cmpi eq, %and3A_1502, %eq3A_1504 : vector<256x128xi32>
    %xor3A_1506 = arith.xori %ne3A_1497, %eq3A_1505 : vector<256x128xi1>
    %gt3A_1507 = arith.cmpi sgt, %select_n3A_1482, %select_n3A_1498 : vector<256x128xi32>
    %eq3A_1508 = arith.cmpi eq, %select_n3A_1482, %select_n3A_1498 : vector<256x128xi32>
    %lt3A_1509 = arith.cmpi slt, %select_n3A_1483, %select_n3A_1499 : vector<256x128xi32>
    %and3A_1510 = arith.andi %eq3A_1508, %lt3A_1509 : vector<256x128xi1>
    %or3A_1511 = arith.ori %gt3A_1507, %and3A_1510 : vector<256x128xi1>
    %eq3A_1512 = arith.xori %or3A_1511, %xor3A_1506 : vector<256x128xi1>
    %eq3A_1513 = arith.constant dense<true> : vector<256x128xi1>
    %eq3A_1514 = arith.xori %eq3A_1512, %eq3A_1513 : vector<256x128xi1>
    %select_n3A_1515 = arith.select %eq3A_1514, %select_n3A_1482, %select_n3A_1498 : vector<256x128xi1>, vector<256x128xi32>
    %select_n3A_1516 = arith.select %eq3A_1514, %select_n3A_1483, %select_n3A_1499 : vector<256x128xi1>, vector<256x128xi32>
    %roll3A_1517 = arith.constant 254 : i32
    %roll3A_1518 = tpu.dynamic_rotate %select_n3A_1515 by %roll3A_1517 dim 0 : vector<256x128xi32>, i32 -> vector<256x128xi32>
    %roll3A_1519 = arith.constant 2 : i32
    %roll3A_1520 = tpu.dynamic_rotate %select_n3A_1515 by %roll3A_1519 dim 0 : vector<256x128xi32>, i32 -> vector<256x128xi32>
    %roll3A_1521 = arith.constant 254 : i32
    %roll3A_1522 = tpu.dynamic_rotate %select_n3A_1516 by %roll3A_1521 dim 0 : vector<256x128xi32>, i32 -> vector<256x128xi32>
    %roll3A_1523 = arith.constant 2 : i32
    %roll3A_1524 = tpu.dynamic_rotate %select_n3A_1516 by %roll3A_1523 dim 0 : vector<256x128xi32>, i32 -> vector<256x128xi32>
    %and3A_1525 = arith.constant 256 : i32
    %and3A_1526 = vector.broadcast %and3A_1525 : i32 to vector<256x128xi32>
    %and3A_1527 = arith.andi %add3A, %and3A_1526 : vector<256x128xi32>
    %ne3A_1528 = arith.constant 0 : i32
    %ne3A_1529 = vector.broadcast %ne3A_1528 : i32 to vector<256x128xi32>
    %ne3A_1530 = arith.cmpi ne, %and3A_1527, %ne3A_1529 : vector<256x128xi32>
    %select_n3A_1531 = arith.select %ne3A_1530, %roll3A_1520, %roll3A_1518 : vector<256x128xi1>, vector<256x128xi32>
    %select_n3A_1532 = arith.select %ne3A_1530, %roll3A_1524, %roll3A_1522 : vector<256x128xi1>, vector<256x128xi32>
    %and3A_1533 = arith.constant 1024 : i32
    %and3A_1534 = vector.broadcast %and3A_1533 : i32 to vector<256x128xi32>
    %and3A_1535 = arith.andi %add3A, %and3A_1534 : vector<256x128xi32>
    %eq3A_1536 = arith.constant 0 : i32
    %eq3A_1537 = vector.broadcast %eq3A_1536 : i32 to vector<256x128xi32>
    %eq3A_1538 = arith.cmpi eq, %and3A_1535, %eq3A_1537 : vector<256x128xi32>
    %xor3A_1539 = arith.xori %ne3A_1530, %eq3A_1538 : vector<256x128xi1>
    %gt3A_1540 = arith.cmpi sgt, %select_n3A_1515, %select_n3A_1531 : vector<256x128xi32>
    %eq3A_1541 = arith.cmpi eq, %select_n3A_1515, %select_n3A_1531 : vector<256x128xi32>
    %lt3A_1542 = arith.cmpi slt, %select_n3A_1516, %select_n3A_1532 : vector<256x128xi32>
    %and3A_1543 = arith.andi %eq3A_1541, %lt3A_1542 : vector<256x128xi1>
    %or3A_1544 = arith.ori %gt3A_1540, %and3A_1543 : vector<256x128xi1>
    %eq3A_1545 = arith.xori %or3A_1544, %xor3A_1539 : vector<256x128xi1>
    %eq3A_1546 = arith.constant dense<true> : vector<256x128xi1>
    %eq3A_1547 = arith.xori %eq3A_1545, %eq3A_1546 : vector<256x128xi1>
    %select_n3A_1548 = arith.select %eq3A_1547, %select_n3A_1515, %select_n3A_1531 : vector<256x128xi1>, vector<256x128xi32>
    %select_n3A_1549 = arith.select %eq3A_1547, %select_n3A_1516, %select_n3A_1532 : vector<256x128xi1>, vector<256x128xi32>
    %roll3A_1550 = arith.constant 255 : i32
    %roll3A_1551 = tpu.dynamic_rotate %select_n3A_1548 by %roll3A_1550 dim 0 : vector<256x128xi32>, i32 -> vector<256x128xi32>
    %roll3A_1552 = arith.constant 1 : i32
    %roll3A_1553 = tpu.dynamic_rotate %select_n3A_1548 by %roll3A_1552 dim 0 : vector<256x128xi32>, i32 -> vector<256x128xi32>
    %roll3A_1554 = arith.constant 255 : i32
    %roll3A_1555 = tpu.dynamic_rotate %select_n3A_1549 by %roll3A_1554 dim 0 : vector<256x128xi32>, i32 -> vector<256x128xi32>
    %roll3A_1556 = arith.constant 1 : i32
    %roll3A_1557 = tpu.dynamic_rotate %select_n3A_1549 by %roll3A_1556 dim 0 : vector<256x128xi32>, i32 -> vector<256x128xi32>
    %and3A_1558 = arith.constant 128 : i32
    %and3A_1559 = vector.broadcast %and3A_1558 : i32 to vector<256x128xi32>
    %and3A_1560 = arith.andi %add3A, %and3A_1559 : vector<256x128xi32>
    %ne3A_1561 = arith.constant 0 : i32
    %ne3A_1562 = vector.broadcast %ne3A_1561 : i32 to vector<256x128xi32>
    %ne3A_1563 = arith.cmpi ne, %and3A_1560, %ne3A_1562 : vector<256x128xi32>
    %select_n3A_1564 = arith.select %ne3A_1563, %roll3A_1553, %roll3A_1551 : vector<256x128xi1>, vector<256x128xi32>
    %select_n3A_1565 = arith.select %ne3A_1563, %roll3A_1557, %roll3A_1555 : vector<256x128xi1>, vector<256x128xi32>
    %and3A_1566 = arith.constant 1024 : i32
    %and3A_1567 = vector.broadcast %and3A_1566 : i32 to vector<256x128xi32>
    %and3A_1568 = arith.andi %add3A, %and3A_1567 : vector<256x128xi32>
    %eq3A_1569 = arith.constant 0 : i32
    %eq3A_1570 = vector.broadcast %eq3A_1569 : i32 to vector<256x128xi32>
    %eq3A_1571 = arith.cmpi eq, %and3A_1568, %eq3A_1570 : vector<256x128xi32>
    %xor3A_1572 = arith.xori %ne3A_1563, %eq3A_1571 : vector<256x128xi1>
    %gt3A_1573 = arith.cmpi sgt, %select_n3A_1548, %select_n3A_1564 : vector<256x128xi32>
    %eq3A_1574 = arith.cmpi eq, %select_n3A_1548, %select_n3A_1564 : vector<256x128xi32>
    %lt3A_1575 = arith.cmpi slt, %select_n3A_1549, %select_n3A_1565 : vector<256x128xi32>
    %and3A_1576 = arith.andi %eq3A_1574, %lt3A_1575 : vector<256x128xi1>
    %or3A_1577 = arith.ori %gt3A_1573, %and3A_1576 : vector<256x128xi1>
    %eq3A_1578 = arith.xori %or3A_1577, %xor3A_1572 : vector<256x128xi1>
    %eq3A_1579 = arith.constant dense<true> : vector<256x128xi1>
    %eq3A_1580 = arith.xori %eq3A_1578, %eq3A_1579 : vector<256x128xi1>
    %select_n3A_1581 = arith.select %eq3A_1580, %select_n3A_1548, %select_n3A_1564 : vector<256x128xi1>, vector<256x128xi32>
    %select_n3A_1582 = arith.select %eq3A_1580, %select_n3A_1549, %select_n3A_1565 : vector<256x128xi1>, vector<256x128xi32>
    %roll3A_1583 = arith.constant 64 : i32
    %roll3A_1584 = tpu.dynamic_rotate %select_n3A_1581 by %roll3A_1583 dim 1 : vector<256x128xi32>, i32 -> vector<256x128xi32>
    %roll3A_1585 = arith.constant 64 : i32
    %roll3A_1586 = tpu.dynamic_rotate %select_n3A_1581 by %roll3A_1585 dim 1 : vector<256x128xi32>, i32 -> vector<256x128xi32>
    %roll3A_1587 = arith.constant 64 : i32
    %roll3A_1588 = tpu.dynamic_rotate %select_n3A_1582 by %roll3A_1587 dim 1 : vector<256x128xi32>, i32 -> vector<256x128xi32>
    %roll3A_1589 = arith.constant 64 : i32
    %roll3A_1590 = tpu.dynamic_rotate %select_n3A_1582 by %roll3A_1589 dim 1 : vector<256x128xi32>, i32 -> vector<256x128xi32>
    %and3A_1591 = arith.constant 64 : i32
    %and3A_1592 = vector.broadcast %and3A_1591 : i32 to vector<256x128xi32>
    %and3A_1593 = arith.andi %add3A, %and3A_1592 : vector<256x128xi32>
    %ne3A_1594 = arith.constant 0 : i32
    %ne3A_1595 = vector.broadcast %ne3A_1594 : i32 to vector<256x128xi32>
    %ne3A_1596 = arith.cmpi ne, %and3A_1593, %ne3A_1595 : vector<256x128xi32>
    %select_n3A_1597 = arith.select %ne3A_1596, %roll3A_1586, %roll3A_1584 : vector<256x128xi1>, vector<256x128xi32>
    %select_n3A_1598 = arith.select %ne3A_1596, %roll3A_1590, %roll3A_1588 : vector<256x128xi1>, vector<256x128xi32>
    %and3A_1599 = arith.constant 1024 : i32
    %and3A_1600 = vector.broadcast %and3A_1599 : i32 to vector<256x128xi32>
    %and3A_1601 = arith.andi %add3A, %and3A_1600 : vector<256x128xi32>
    %eq3A_1602 = arith.constant 0 : i32
    %eq3A_1603 = vector.broadcast %eq3A_1602 : i32 to vector<256x128xi32>
    %eq3A_1604 = arith.cmpi eq, %and3A_1601, %eq3A_1603 : vector<256x128xi32>
    %xor3A_1605 = arith.xori %ne3A_1596, %eq3A_1604 : vector<256x128xi1>
    %gt3A_1606 = arith.cmpi sgt, %select_n3A_1581, %select_n3A_1597 : vector<256x128xi32>
    %eq3A_1607 = arith.cmpi eq, %select_n3A_1581, %select_n3A_1597 : vector<256x128xi32>
    %lt3A_1608 = arith.cmpi slt, %select_n3A_1582, %select_n3A_1598 : vector<256x128xi32>
    %and3A_1609 = arith.andi %eq3A_1607, %lt3A_1608 : vector<256x128xi1>
    %or3A_1610 = arith.ori %gt3A_1606, %and3A_1609 : vector<256x128xi1>
    %eq3A_1611 = arith.xori %or3A_1610, %xor3A_1605 : vector<256x128xi1>
    %eq3A_1612 = arith.constant dense<true> : vector<256x128xi1>
    %eq3A_1613 = arith.xori %eq3A_1611, %eq3A_1612 : vector<256x128xi1>
    %select_n3A_1614 = arith.select %eq3A_1613, %select_n3A_1581, %select_n3A_1597 : vector<256x128xi1>, vector<256x128xi32>
    %select_n3A_1615 = arith.select %eq3A_1613, %select_n3A_1582, %select_n3A_1598 : vector<256x128xi1>, vector<256x128xi32>
    %roll3A_1616 = arith.constant 96 : i32
    %roll3A_1617 = tpu.dynamic_rotate %select_n3A_1614 by %roll3A_1616 dim 1 : vector<256x128xi32>, i32 -> vector<256x128xi32>
    %roll3A_1618 = arith.constant 32 : i32
    %roll3A_1619 = tpu.dynamic_rotate %select_n3A_1614 by %roll3A_1618 dim 1 : vector<256x128xi32>, i32 -> vector<256x128xi32>
    %roll3A_1620 = arith.constant 96 : i32
    %roll3A_1621 = tpu.dynamic_rotate %select_n3A_1615 by %roll3A_1620 dim 1 : vector<256x128xi32>, i32 -> vector<256x128xi32>
    %roll3A_1622 = arith.constant 32 : i32
    %roll3A_1623 = tpu.dynamic_rotate %select_n3A_1615 by %roll3A_1622 dim 1 : vector<256x128xi32>, i32 -> vector<256x128xi32>
    %and3A_1624 = arith.constant 32 : i32
    %and3A_1625 = vector.broadcast %and3A_1624 : i32 to vector<256x128xi32>
    %and3A_1626 = arith.andi %add3A, %and3A_1625 : vector<256x128xi32>
    %ne3A_1627 = arith.constant 0 : i32
    %ne3A_1628 = vector.broadcast %ne3A_1627 : i32 to vector<256x128xi32>
    %ne3A_1629 = arith.cmpi ne, %and3A_1626, %ne3A_1628 : vector<256x128xi32>
    %select_n3A_1630 = arith.select %ne3A_1629, %roll3A_1619, %roll3A_1617 : vector<256x128xi1>, vector<256x128xi32>
    %select_n3A_1631 = arith.select %ne3A_1629, %roll3A_1623, %roll3A_1621 : vector<256x128xi1>, vector<256x128xi32>
    %and3A_1632 = arith.constant 1024 : i32
    %and3A_1633 = vector.broadcast %and3A_1632 : i32 to vector<256x128xi32>
    %and3A_1634 = arith.andi %add3A, %and3A_1633 : vector<256x128xi32>
    %eq3A_1635 = arith.constant 0 : i32
    %eq3A_1636 = vector.broadcast %eq3A_1635 : i32 to vector<256x128xi32>
    %eq3A_1637 = arith.cmpi eq, %and3A_1634, %eq3A_1636 : vector<256x128xi32>
    %xor3A_1638 = arith.xori %ne3A_1629, %eq3A_1637 : vector<256x128xi1>
    %gt3A_1639 = arith.cmpi sgt, %select_n3A_1614, %select_n3A_1630 : vector<256x128xi32>
    %eq3A_1640 = arith.cmpi eq, %select_n3A_1614, %select_n3A_1630 : vector<256x128xi32>
    %lt3A_1641 = arith.cmpi slt, %select_n3A_1615, %select_n3A_1631 : vector<256x128xi32>
    %and3A_1642 = arith.andi %eq3A_1640, %lt3A_1641 : vector<256x128xi1>
    %or3A_1643 = arith.ori %gt3A_1639, %and3A_1642 : vector<256x128xi1>
    %eq3A_1644 = arith.xori %or3A_1643, %xor3A_1638 : vector<256x128xi1>
    %eq3A_1645 = arith.constant dense<true> : vector<256x128xi1>
    %eq3A_1646 = arith.xori %eq3A_1644, %eq3A_1645 : vector<256x128xi1>
    %select_n3A_1647 = arith.select %eq3A_1646, %select_n3A_1614, %select_n3A_1630 : vector<256x128xi1>, vector<256x128xi32>
    %select_n3A_1648 = arith.select %eq3A_1646, %select_n3A_1615, %select_n3A_1631 : vector<256x128xi1>, vector<256x128xi32>
    %roll3A_1649 = arith.constant 112 : i32
    %roll3A_1650 = tpu.dynamic_rotate %select_n3A_1647 by %roll3A_1649 dim 1 : vector<256x128xi32>, i32 -> vector<256x128xi32>
    %roll3A_1651 = arith.constant 16 : i32
    %roll3A_1652 = tpu.dynamic_rotate %select_n3A_1647 by %roll3A_1651 dim 1 : vector<256x128xi32>, i32 -> vector<256x128xi32>
    %roll3A_1653 = arith.constant 112 : i32
    %roll3A_1654 = tpu.dynamic_rotate %select_n3A_1648 by %roll3A_1653 dim 1 : vector<256x128xi32>, i32 -> vector<256x128xi32>
    %roll3A_1655 = arith.constant 16 : i32
    %roll3A_1656 = tpu.dynamic_rotate %select_n3A_1648 by %roll3A_1655 dim 1 : vector<256x128xi32>, i32 -> vector<256x128xi32>
    %and3A_1657 = arith.constant 16 : i32
    %and3A_1658 = vector.broadcast %and3A_1657 : i32 to vector<256x128xi32>
    %and3A_1659 = arith.andi %add3A, %and3A_1658 : vector<256x128xi32>
    %ne3A_1660 = arith.constant 0 : i32
    %ne3A_1661 = vector.broadcast %ne3A_1660 : i32 to vector<256x128xi32>
    %ne3A_1662 = arith.cmpi ne, %and3A_1659, %ne3A_1661 : vector<256x128xi32>
    %select_n3A_1663 = arith.select %ne3A_1662, %roll3A_1652, %roll3A_1650 : vector<256x128xi1>, vector<256x128xi32>
    %select_n3A_1664 = arith.select %ne3A_1662, %roll3A_1656, %roll3A_1654 : vector<256x128xi1>, vector<256x128xi32>
    %and3A_1665 = arith.constant 1024 : i32
    %and3A_1666 = vector.broadcast %and3A_1665 : i32 to vector<256x128xi32>
    %and3A_1667 = arith.andi %add3A, %and3A_1666 : vector<256x128xi32>
    %eq3A_1668 = arith.constant 0 : i32
    %eq3A_1669 = vector.broadcast %eq3A_1668 : i32 to vector<256x128xi32>
    %eq3A_1670 = arith.cmpi eq, %and3A_1667, %eq3A_1669 : vector<256x128xi32>
    %xor3A_1671 = arith.xori %ne3A_1662, %eq3A_1670 : vector<256x128xi1>
    %gt3A_1672 = arith.cmpi sgt, %select_n3A_1647, %select_n3A_1663 : vector<256x128xi32>
    %eq3A_1673 = arith.cmpi eq, %select_n3A_1647, %select_n3A_1663 : vector<256x128xi32>
    %lt3A_1674 = arith.cmpi slt, %select_n3A_1648, %select_n3A_1664 : vector<256x128xi32>
    %and3A_1675 = arith.andi %eq3A_1673, %lt3A_1674 : vector<256x128xi1>
    %or3A_1676 = arith.ori %gt3A_1672, %and3A_1675 : vector<256x128xi1>
    %eq3A_1677 = arith.xori %or3A_1676, %xor3A_1671 : vector<256x128xi1>
    %eq3A_1678 = arith.constant dense<true> : vector<256x128xi1>
    %eq3A_1679 = arith.xori %eq3A_1677, %eq3A_1678 : vector<256x128xi1>
    %select_n3A_1680 = arith.select %eq3A_1679, %select_n3A_1647, %select_n3A_1663 : vector<256x128xi1>, vector<256x128xi32>
    %select_n3A_1681 = arith.select %eq3A_1679, %select_n3A_1648, %select_n3A_1664 : vector<256x128xi1>, vector<256x128xi32>
    %roll3A_1682 = arith.constant 120 : i32
    %roll3A_1683 = tpu.dynamic_rotate %select_n3A_1680 by %roll3A_1682 dim 1 : vector<256x128xi32>, i32 -> vector<256x128xi32>
    %roll3A_1684 = arith.constant 8 : i32
    %roll3A_1685 = tpu.dynamic_rotate %select_n3A_1680 by %roll3A_1684 dim 1 : vector<256x128xi32>, i32 -> vector<256x128xi32>
    %roll3A_1686 = arith.constant 120 : i32
    %roll3A_1687 = tpu.dynamic_rotate %select_n3A_1681 by %roll3A_1686 dim 1 : vector<256x128xi32>, i32 -> vector<256x128xi32>
    %roll3A_1688 = arith.constant 8 : i32
    %roll3A_1689 = tpu.dynamic_rotate %select_n3A_1681 by %roll3A_1688 dim 1 : vector<256x128xi32>, i32 -> vector<256x128xi32>
    %and3A_1690 = arith.constant 8 : i32
    %and3A_1691 = vector.broadcast %and3A_1690 : i32 to vector<256x128xi32>
    %and3A_1692 = arith.andi %add3A, %and3A_1691 : vector<256x128xi32>
    %ne3A_1693 = arith.constant 0 : i32
    %ne3A_1694 = vector.broadcast %ne3A_1693 : i32 to vector<256x128xi32>
    %ne3A_1695 = arith.cmpi ne, %and3A_1692, %ne3A_1694 : vector<256x128xi32>
    %select_n3A_1696 = arith.select %ne3A_1695, %roll3A_1685, %roll3A_1683 : vector<256x128xi1>, vector<256x128xi32>
    %select_n3A_1697 = arith.select %ne3A_1695, %roll3A_1689, %roll3A_1687 : vector<256x128xi1>, vector<256x128xi32>
    %and3A_1698 = arith.constant 1024 : i32
    %and3A_1699 = vector.broadcast %and3A_1698 : i32 to vector<256x128xi32>
    %and3A_1700 = arith.andi %add3A, %and3A_1699 : vector<256x128xi32>
    %eq3A_1701 = arith.constant 0 : i32
    %eq3A_1702 = vector.broadcast %eq3A_1701 : i32 to vector<256x128xi32>
    %eq3A_1703 = arith.cmpi eq, %and3A_1700, %eq3A_1702 : vector<256x128xi32>
    %xor3A_1704 = arith.xori %ne3A_1695, %eq3A_1703 : vector<256x128xi1>
    %gt3A_1705 = arith.cmpi sgt, %select_n3A_1680, %select_n3A_1696 : vector<256x128xi32>
    %eq3A_1706 = arith.cmpi eq, %select_n3A_1680, %select_n3A_1696 : vector<256x128xi32>
    %lt3A_1707 = arith.cmpi slt, %select_n3A_1681, %select_n3A_1697 : vector<256x128xi32>
    %and3A_1708 = arith.andi %eq3A_1706, %lt3A_1707 : vector<256x128xi1>
    %or3A_1709 = arith.ori %gt3A_1705, %and3A_1708 : vector<256x128xi1>
    %eq3A_1710 = arith.xori %or3A_1709, %xor3A_1704 : vector<256x128xi1>
    %eq3A_1711 = arith.constant dense<true> : vector<256x128xi1>
    %eq3A_1712 = arith.xori %eq3A_1710, %eq3A_1711 : vector<256x128xi1>
    %select_n3A_1713 = arith.select %eq3A_1712, %select_n3A_1680, %select_n3A_1696 : vector<256x128xi1>, vector<256x128xi32>
    %select_n3A_1714 = arith.select %eq3A_1712, %select_n3A_1681, %select_n3A_1697 : vector<256x128xi1>, vector<256x128xi32>
    %roll3A_1715 = arith.constant 124 : i32
    %roll3A_1716 = tpu.dynamic_rotate %select_n3A_1713 by %roll3A_1715 dim 1 : vector<256x128xi32>, i32 -> vector<256x128xi32>
    %roll3A_1717 = arith.constant 4 : i32
    %roll3A_1718 = tpu.dynamic_rotate %select_n3A_1713 by %roll3A_1717 dim 1 : vector<256x128xi32>, i32 -> vector<256x128xi32>
    %roll3A_1719 = arith.constant 124 : i32
    %roll3A_1720 = tpu.dynamic_rotate %select_n3A_1714 by %roll3A_1719 dim 1 : vector<256x128xi32>, i32 -> vector<256x128xi32>
    %roll3A_1721 = arith.constant 4 : i32
    %roll3A_1722 = tpu.dynamic_rotate %select_n3A_1714 by %roll3A_1721 dim 1 : vector<256x128xi32>, i32 -> vector<256x128xi32>
    %and3A_1723 = arith.constant 4 : i32
    %and3A_1724 = vector.broadcast %and3A_1723 : i32 to vector<256x128xi32>
    %and3A_1725 = arith.andi %add3A, %and3A_1724 : vector<256x128xi32>
    %ne3A_1726 = arith.constant 0 : i32
    %ne3A_1727 = vector.broadcast %ne3A_1726 : i32 to vector<256x128xi32>
    %ne3A_1728 = arith.cmpi ne, %and3A_1725, %ne3A_1727 : vector<256x128xi32>
    %select_n3A_1729 = arith.select %ne3A_1728, %roll3A_1718, %roll3A_1716 : vector<256x128xi1>, vector<256x128xi32>
    %select_n3A_1730 = arith.select %ne3A_1728, %roll3A_1722, %roll3A_1720 : vector<256x128xi1>, vector<256x128xi32>
    %and3A_1731 = arith.constant 1024 : i32
    %and3A_1732 = vector.broadcast %and3A_1731 : i32 to vector<256x128xi32>
    %and3A_1733 = arith.andi %add3A, %and3A_1732 : vector<256x128xi32>
    %eq3A_1734 = arith.constant 0 : i32
    %eq3A_1735 = vector.broadcast %eq3A_1734 : i32 to vector<256x128xi32>
    %eq3A_1736 = arith.cmpi eq, %and3A_1733, %eq3A_1735 : vector<256x128xi32>
    %xor3A_1737 = arith.xori %ne3A_1728, %eq3A_1736 : vector<256x128xi1>
    %gt3A_1738 = arith.cmpi sgt, %select_n3A_1713, %select_n3A_1729 : vector<256x128xi32>
    %eq3A_1739 = arith.cmpi eq, %select_n3A_1713, %select_n3A_1729 : vector<256x128xi32>
    %lt3A_1740 = arith.cmpi slt, %select_n3A_1714, %select_n3A_1730 : vector<256x128xi32>
    %and3A_1741 = arith.andi %eq3A_1739, %lt3A_1740 : vector<256x128xi1>
    %or3A_1742 = arith.ori %gt3A_1738, %and3A_1741 : vector<256x128xi1>
    %eq3A_1743 = arith.xori %or3A_1742, %xor3A_1737 : vector<256x128xi1>
    %eq3A_1744 = arith.constant dense<true> : vector<256x128xi1>
    %eq3A_1745 = arith.xori %eq3A_1743, %eq3A_1744 : vector<256x128xi1>
    %select_n3A_1746 = arith.select %eq3A_1745, %select_n3A_1713, %select_n3A_1729 : vector<256x128xi1>, vector<256x128xi32>
    %select_n3A_1747 = arith.select %eq3A_1745, %select_n3A_1714, %select_n3A_1730 : vector<256x128xi1>, vector<256x128xi32>
    %roll3A_1748 = arith.constant 126 : i32
    %roll3A_1749 = tpu.dynamic_rotate %select_n3A_1746 by %roll3A_1748 dim 1 : vector<256x128xi32>, i32 -> vector<256x128xi32>
    %roll3A_1750 = arith.constant 2 : i32
    %roll3A_1751 = tpu.dynamic_rotate %select_n3A_1746 by %roll3A_1750 dim 1 : vector<256x128xi32>, i32 -> vector<256x128xi32>
    %roll3A_1752 = arith.constant 126 : i32
    %roll3A_1753 = tpu.dynamic_rotate %select_n3A_1747 by %roll3A_1752 dim 1 : vector<256x128xi32>, i32 -> vector<256x128xi32>
    %roll3A_1754 = arith.constant 2 : i32
    %roll3A_1755 = tpu.dynamic_rotate %select_n3A_1747 by %roll3A_1754 dim 1 : vector<256x128xi32>, i32 -> vector<256x128xi32>
    %and3A_1756 = arith.constant 2 : i32
    %and3A_1757 = vector.broadcast %and3A_1756 : i32 to vector<256x128xi32>
    %and3A_1758 = arith.andi %add3A, %and3A_1757 : vector<256x128xi32>
    %ne3A_1759 = arith.constant 0 : i32
    %ne3A_1760 = vector.broadcast %ne3A_1759 : i32 to vector<256x128xi32>
    %ne3A_1761 = arith.cmpi ne, %and3A_1758, %ne3A_1760 : vector<256x128xi32>
    %select_n3A_1762 = arith.select %ne3A_1761, %roll3A_1751, %roll3A_1749 : vector<256x128xi1>, vector<256x128xi32>
    %select_n3A_1763 = arith.select %ne3A_1761, %roll3A_1755, %roll3A_1753 : vector<256x128xi1>, vector<256x128xi32>
    %and3A_1764 = arith.constant 1024 : i32
    %and3A_1765 = vector.broadcast %and3A_1764 : i32 to vector<256x128xi32>
    %and3A_1766 = arith.andi %add3A, %and3A_1765 : vector<256x128xi32>
    %eq3A_1767 = arith.constant 0 : i32
    %eq3A_1768 = vector.broadcast %eq3A_1767 : i32 to vector<256x128xi32>
    %eq3A_1769 = arith.cmpi eq, %and3A_1766, %eq3A_1768 : vector<256x128xi32>
    %xor3A_1770 = arith.xori %ne3A_1761, %eq3A_1769 : vector<256x128xi1>
    %gt3A_1771 = arith.cmpi sgt, %select_n3A_1746, %select_n3A_1762 : vector<256x128xi32>
    %eq3A_1772 = arith.cmpi eq, %select_n3A_1746, %select_n3A_1762 : vector<256x128xi32>
    %lt3A_1773 = arith.cmpi slt, %select_n3A_1747, %select_n3A_1763 : vector<256x128xi32>
    %and3A_1774 = arith.andi %eq3A_1772, %lt3A_1773 : vector<256x128xi1>
    %or3A_1775 = arith.ori %gt3A_1771, %and3A_1774 : vector<256x128xi1>
    %eq3A_1776 = arith.xori %or3A_1775, %xor3A_1770 : vector<256x128xi1>
    %eq3A_1777 = arith.constant dense<true> : vector<256x128xi1>
    %eq3A_1778 = arith.xori %eq3A_1776, %eq3A_1777 : vector<256x128xi1>
    %select_n3A_1779 = arith.select %eq3A_1778, %select_n3A_1746, %select_n3A_1762 : vector<256x128xi1>, vector<256x128xi32>
    %select_n3A_1780 = arith.select %eq3A_1778, %select_n3A_1747, %select_n3A_1763 : vector<256x128xi1>, vector<256x128xi32>
    %roll3A_1781 = arith.constant 127 : i32
    %roll3A_1782 = tpu.dynamic_rotate %select_n3A_1779 by %roll3A_1781 dim 1 : vector<256x128xi32>, i32 -> vector<256x128xi32>
    %roll3A_1783 = arith.constant 1 : i32
    %roll3A_1784 = tpu.dynamic_rotate %select_n3A_1779 by %roll3A_1783 dim 1 : vector<256x128xi32>, i32 -> vector<256x128xi32>
    %roll3A_1785 = arith.constant 127 : i32
    %roll3A_1786 = tpu.dynamic_rotate %select_n3A_1780 by %roll3A_1785 dim 1 : vector<256x128xi32>, i32 -> vector<256x128xi32>
    %roll3A_1787 = arith.constant 1 : i32
    %roll3A_1788 = tpu.dynamic_rotate %select_n3A_1780 by %roll3A_1787 dim 1 : vector<256x128xi32>, i32 -> vector<256x128xi32>
    %and3A_1789 = arith.constant 1 : i32
    %and3A_1790 = vector.broadcast %and3A_1789 : i32 to vector<256x128xi32>
    %and3A_1791 = arith.andi %add3A, %and3A_1790 : vector<256x128xi32>
    %ne3A_1792 = arith.constant 0 : i32
    %ne3A_1793 = vector.broadcast %ne3A_1792 : i32 to vector<256x128xi32>
    %ne3A_1794 = arith.cmpi ne, %and3A_1791, %ne3A_1793 : vector<256x128xi32>
    %select_n3A_1795 = arith.select %ne3A_1794, %roll3A_1784, %roll3A_1782 : vector<256x128xi1>, vector<256x128xi32>
    %select_n3A_1796 = arith.select %ne3A_1794, %roll3A_1788, %roll3A_1786 : vector<256x128xi1>, vector<256x128xi32>
    %and3A_1797 = arith.constant 1024 : i32
    %and3A_1798 = vector.broadcast %and3A_1797 : i32 to vector<256x128xi32>
    %and3A_1799 = arith.andi %add3A, %and3A_1798 : vector<256x128xi32>
    %eq3A_1800 = arith.constant 0 : i32
    %eq3A_1801 = vector.broadcast %eq3A_1800 : i32 to vector<256x128xi32>
    %eq3A_1802 = arith.cmpi eq, %and3A_1799, %eq3A_1801 : vector<256x128xi32>
    %xor3A_1803 = arith.xori %ne3A_1794, %eq3A_1802 : vector<256x128xi1>
    %gt3A_1804 = arith.cmpi sgt, %select_n3A_1779, %select_n3A_1795 : vector<256x128xi32>
    %eq3A_1805 = arith.cmpi eq, %select_n3A_1779, %select_n3A_1795 : vector<256x128xi32>
    %lt3A_1806 = arith.cmpi slt, %select_n3A_1780, %select_n3A_1796 : vector<256x128xi32>
    %and3A_1807 = arith.andi %eq3A_1805, %lt3A_1806 : vector<256x128xi1>
    %or3A_1808 = arith.ori %gt3A_1804, %and3A_1807 : vector<256x128xi1>
    %eq3A_1809 = arith.xori %or3A_1808, %xor3A_1803 : vector<256x128xi1>
    %eq3A_1810 = arith.constant dense<true> : vector<256x128xi1>
    %eq3A_1811 = arith.xori %eq3A_1809, %eq3A_1810 : vector<256x128xi1>
    %select_n3A_1812 = arith.select %eq3A_1811, %select_n3A_1779, %select_n3A_1795 : vector<256x128xi1>, vector<256x128xi32>
    %select_n3A_1813 = arith.select %eq3A_1811, %select_n3A_1780, %select_n3A_1796 : vector<256x128xi1>, vector<256x128xi32>
    %roll3A_1814 = arith.constant 248 : i32
    %roll3A_1815 = tpu.dynamic_rotate %select_n3A_1812 by %roll3A_1814 dim 0 : vector<256x128xi32>, i32 -> vector<256x128xi32>
    %roll3A_1816 = arith.constant 8 : i32
    %roll3A_1817 = tpu.dynamic_rotate %select_n3A_1812 by %roll3A_1816 dim 0 : vector<256x128xi32>, i32 -> vector<256x128xi32>
    %roll3A_1818 = arith.constant 248 : i32
    %roll3A_1819 = tpu.dynamic_rotate %select_n3A_1813 by %roll3A_1818 dim 0 : vector<256x128xi32>, i32 -> vector<256x128xi32>
    %roll3A_1820 = arith.constant 8 : i32
    %roll3A_1821 = tpu.dynamic_rotate %select_n3A_1813 by %roll3A_1820 dim 0 : vector<256x128xi32>, i32 -> vector<256x128xi32>
    %and3A_1822 = arith.constant 1024 : i32
    %and3A_1823 = vector.broadcast %and3A_1822 : i32 to vector<256x128xi32>
    %and3A_1824 = arith.andi %add3A, %and3A_1823 : vector<256x128xi32>
    %ne3A_1825 = arith.constant 0 : i32
    %ne3A_1826 = vector.broadcast %ne3A_1825 : i32 to vector<256x128xi32>
    %ne3A_1827 = arith.cmpi ne, %and3A_1824, %ne3A_1826 : vector<256x128xi32>
    %select_n3A_1828 = arith.select %ne3A_1827, %roll3A_1817, %roll3A_1815 : vector<256x128xi1>, vector<256x128xi32>
    %select_n3A_1829 = arith.select %ne3A_1827, %roll3A_1821, %roll3A_1819 : vector<256x128xi1>, vector<256x128xi32>
    %and3A_1830 = arith.constant 2048 : i32
    %and3A_1831 = vector.broadcast %and3A_1830 : i32 to vector<256x128xi32>
    %and3A_1832 = arith.andi %add3A, %and3A_1831 : vector<256x128xi32>
    %eq3A_1833 = arith.constant 0 : i32
    %eq3A_1834 = vector.broadcast %eq3A_1833 : i32 to vector<256x128xi32>
    %eq3A_1835 = arith.cmpi eq, %and3A_1832, %eq3A_1834 : vector<256x128xi32>
    %xor3A_1836 = arith.xori %ne3A_1827, %eq3A_1835 : vector<256x128xi1>
    %gt3A_1837 = arith.cmpi sgt, %select_n3A_1812, %select_n3A_1828 : vector<256x128xi32>
    %eq3A_1838 = arith.cmpi eq, %select_n3A_1812, %select_n3A_1828 : vector<256x128xi32>
    %lt3A_1839 = arith.cmpi slt, %select_n3A_1813, %select_n3A_1829 : vector<256x128xi32>
    %and3A_1840 = arith.andi %eq3A_1838, %lt3A_1839 : vector<256x128xi1>
    %or3A_1841 = arith.ori %gt3A_1837, %and3A_1840 : vector<256x128xi1>
    %eq3A_1842 = arith.xori %or3A_1841, %xor3A_1836 : vector<256x128xi1>
    %eq3A_1843 = arith.constant dense<true> : vector<256x128xi1>
    %eq3A_1844 = arith.xori %eq3A_1842, %eq3A_1843 : vector<256x128xi1>
    %select_n3A_1845 = arith.select %eq3A_1844, %select_n3A_1812, %select_n3A_1828 : vector<256x128xi1>, vector<256x128xi32>
    %select_n3A_1846 = arith.select %eq3A_1844, %select_n3A_1813, %select_n3A_1829 : vector<256x128xi1>, vector<256x128xi32>
    %roll3A_1847 = arith.constant 252 : i32
    %roll3A_1848 = tpu.dynamic_rotate %select_n3A_1845 by %roll3A_1847 dim 0 : vector<256x128xi32>, i32 -> vector<256x128xi32>
    %roll3A_1849 = arith.constant 4 : i32
    %roll3A_1850 = tpu.dynamic_rotate %select_n3A_1845 by %roll3A_1849 dim 0 : vector<256x128xi32>, i32 -> vector<256x128xi32>
    %roll3A_1851 = arith.constant 252 : i32
    %roll3A_1852 = tpu.dynamic_rotate %select_n3A_1846 by %roll3A_1851 dim 0 : vector<256x128xi32>, i32 -> vector<256x128xi32>
    %roll3A_1853 = arith.constant 4 : i32
    %roll3A_1854 = tpu.dynamic_rotate %select_n3A_1846 by %roll3A_1853 dim 0 : vector<256x128xi32>, i32 -> vector<256x128xi32>
    %and3A_1855 = arith.constant 512 : i32
    %and3A_1856 = vector.broadcast %and3A_1855 : i32 to vector<256x128xi32>
    %and3A_1857 = arith.andi %add3A, %and3A_1856 : vector<256x128xi32>
    %ne3A_1858 = arith.constant 0 : i32
    %ne3A_1859 = vector.broadcast %ne3A_1858 : i32 to vector<256x128xi32>
    %ne3A_1860 = arith.cmpi ne, %and3A_1857, %ne3A_1859 : vector<256x128xi32>
    %select_n3A_1861 = arith.select %ne3A_1860, %roll3A_1850, %roll3A_1848 : vector<256x128xi1>, vector<256x128xi32>
    %select_n3A_1862 = arith.select %ne3A_1860, %roll3A_1854, %roll3A_1852 : vector<256x128xi1>, vector<256x128xi32>
    %and3A_1863 = arith.constant 2048 : i32
    %and3A_1864 = vector.broadcast %and3A_1863 : i32 to vector<256x128xi32>
    %and3A_1865 = arith.andi %add3A, %and3A_1864 : vector<256x128xi32>
    %eq3A_1866 = arith.constant 0 : i32
    %eq3A_1867 = vector.broadcast %eq3A_1866 : i32 to vector<256x128xi32>
    %eq3A_1868 = arith.cmpi eq, %and3A_1865, %eq3A_1867 : vector<256x128xi32>
    %xor3A_1869 = arith.xori %ne3A_1860, %eq3A_1868 : vector<256x128xi1>
    %gt3A_1870 = arith.cmpi sgt, %select_n3A_1845, %select_n3A_1861 : vector<256x128xi32>
    %eq3A_1871 = arith.cmpi eq, %select_n3A_1845, %select_n3A_1861 : vector<256x128xi32>
    %lt3A_1872 = arith.cmpi slt, %select_n3A_1846, %select_n3A_1862 : vector<256x128xi32>
    %and3A_1873 = arith.andi %eq3A_1871, %lt3A_1872 : vector<256x128xi1>
    %or3A_1874 = arith.ori %gt3A_1870, %and3A_1873 : vector<256x128xi1>
    %eq3A_1875 = arith.xori %or3A_1874, %xor3A_1869 : vector<256x128xi1>
    %eq3A_1876 = arith.constant dense<true> : vector<256x128xi1>
    %eq3A_1877 = arith.xori %eq3A_1875, %eq3A_1876 : vector<256x128xi1>
    %select_n3A_1878 = arith.select %eq3A_1877, %select_n3A_1845, %select_n3A_1861 : vector<256x128xi1>, vector<256x128xi32>
    %select_n3A_1879 = arith.select %eq3A_1877, %select_n3A_1846, %select_n3A_1862 : vector<256x128xi1>, vector<256x128xi32>
    %roll3A_1880 = arith.constant 254 : i32
    %roll3A_1881 = tpu.dynamic_rotate %select_n3A_1878 by %roll3A_1880 dim 0 : vector<256x128xi32>, i32 -> vector<256x128xi32>
    %roll3A_1882 = arith.constant 2 : i32
    %roll3A_1883 = tpu.dynamic_rotate %select_n3A_1878 by %roll3A_1882 dim 0 : vector<256x128xi32>, i32 -> vector<256x128xi32>
    %roll3A_1884 = arith.constant 254 : i32
    %roll3A_1885 = tpu.dynamic_rotate %select_n3A_1879 by %roll3A_1884 dim 0 : vector<256x128xi32>, i32 -> vector<256x128xi32>
    %roll3A_1886 = arith.constant 2 : i32
    %roll3A_1887 = tpu.dynamic_rotate %select_n3A_1879 by %roll3A_1886 dim 0 : vector<256x128xi32>, i32 -> vector<256x128xi32>
    %and3A_1888 = arith.constant 256 : i32
    %and3A_1889 = vector.broadcast %and3A_1888 : i32 to vector<256x128xi32>
    %and3A_1890 = arith.andi %add3A, %and3A_1889 : vector<256x128xi32>
    %ne3A_1891 = arith.constant 0 : i32
    %ne3A_1892 = vector.broadcast %ne3A_1891 : i32 to vector<256x128xi32>
    %ne3A_1893 = arith.cmpi ne, %and3A_1890, %ne3A_1892 : vector<256x128xi32>
    %select_n3A_1894 = arith.select %ne3A_1893, %roll3A_1883, %roll3A_1881 : vector<256x128xi1>, vector<256x128xi32>
    %select_n3A_1895 = arith.select %ne3A_1893, %roll3A_1887, %roll3A_1885 : vector<256x128xi1>, vector<256x128xi32>
    %and3A_1896 = arith.constant 2048 : i32
    %and3A_1897 = vector.broadcast %and3A_1896 : i32 to vector<256x128xi32>
    %and3A_1898 = arith.andi %add3A, %and3A_1897 : vector<256x128xi32>
    %eq3A_1899 = arith.constant 0 : i32
    %eq3A_1900 = vector.broadcast %eq3A_1899 : i32 to vector<256x128xi32>
    %eq3A_1901 = arith.cmpi eq, %and3A_1898, %eq3A_1900 : vector<256x128xi32>
    %xor3A_1902 = arith.xori %ne3A_1893, %eq3A_1901 : vector<256x128xi1>
    %gt3A_1903 = arith.cmpi sgt, %select_n3A_1878, %select_n3A_1894 : vector<256x128xi32>
    %eq3A_1904 = arith.cmpi eq, %select_n3A_1878, %select_n3A_1894 : vector<256x128xi32>
    %lt3A_1905 = arith.cmpi slt, %select_n3A_1879, %select_n3A_1895 : vector<256x128xi32>
    %and3A_1906 = arith.andi %eq3A_1904, %lt3A_1905 : vector<256x128xi1>
    %or3A_1907 = arith.ori %gt3A_1903, %and3A_1906 : vector<256x128xi1>
    %eq3A_1908 = arith.xori %or3A_1907, %xor3A_1902 : vector<256x128xi1>
    %eq3A_1909 = arith.constant dense<true> : vector<256x128xi1>
    %eq3A_1910 = arith.xori %eq3A_1908, %eq3A_1909 : vector<256x128xi1>
    %select_n3A_1911 = arith.select %eq3A_1910, %select_n3A_1878, %select_n3A_1894 : vector<256x128xi1>, vector<256x128xi32>
    %select_n3A_1912 = arith.select %eq3A_1910, %select_n3A_1879, %select_n3A_1895 : vector<256x128xi1>, vector<256x128xi32>
    %roll3A_1913 = arith.constant 255 : i32
    %roll3A_1914 = tpu.dynamic_rotate %select_n3A_1911 by %roll3A_1913 dim 0 : vector<256x128xi32>, i32 -> vector<256x128xi32>
    %roll3A_1915 = arith.constant 1 : i32
    %roll3A_1916 = tpu.dynamic_rotate %select_n3A_1911 by %roll3A_1915 dim 0 : vector<256x128xi32>, i32 -> vector<256x128xi32>
    %roll3A_1917 = arith.constant 255 : i32
    %roll3A_1918 = tpu.dynamic_rotate %select_n3A_1912 by %roll3A_1917 dim 0 : vector<256x128xi32>, i32 -> vector<256x128xi32>
    %roll3A_1919 = arith.constant 1 : i32
    %roll3A_1920 = tpu.dynamic_rotate %select_n3A_1912 by %roll3A_1919 dim 0 : vector<256x128xi32>, i32 -> vector<256x128xi32>
    %and3A_1921 = arith.constant 128 : i32
    %and3A_1922 = vector.broadcast %and3A_1921 : i32 to vector<256x128xi32>
    %and3A_1923 = arith.andi %add3A, %and3A_1922 : vector<256x128xi32>
    %ne3A_1924 = arith.constant 0 : i32
    %ne3A_1925 = vector.broadcast %ne3A_1924 : i32 to vector<256x128xi32>
    %ne3A_1926 = arith.cmpi ne, %and3A_1923, %ne3A_1925 : vector<256x128xi32>
    %select_n3A_1927 = arith.select %ne3A_1926, %roll3A_1916, %roll3A_1914 : vector<256x128xi1>, vector<256x128xi32>
    %select_n3A_1928 = arith.select %ne3A_1926, %roll3A_1920, %roll3A_1918 : vector<256x128xi1>, vector<256x128xi32>
    %and3A_1929 = arith.constant 2048 : i32
    %and3A_1930 = vector.broadcast %and3A_1929 : i32 to vector<256x128xi32>
    %and3A_1931 = arith.andi %add3A, %and3A_1930 : vector<256x128xi32>
    %eq3A_1932 = arith.constant 0 : i32
    %eq3A_1933 = vector.broadcast %eq3A_1932 : i32 to vector<256x128xi32>
    %eq3A_1934 = arith.cmpi eq, %and3A_1931, %eq3A_1933 : vector<256x128xi32>
    %xor3A_1935 = arith.xori %ne3A_1926, %eq3A_1934 : vector<256x128xi1>
    %gt3A_1936 = arith.cmpi sgt, %select_n3A_1911, %select_n3A_1927 : vector<256x128xi32>
    %eq3A_1937 = arith.cmpi eq, %select_n3A_1911, %select_n3A_1927 : vector<256x128xi32>
    %lt3A_1938 = arith.cmpi slt, %select_n3A_1912, %select_n3A_1928 : vector<256x128xi32>
    %and3A_1939 = arith.andi %eq3A_1937, %lt3A_1938 : vector<256x128xi1>
    %or3A_1940 = arith.ori %gt3A_1936, %and3A_1939 : vector<256x128xi1>
    %eq3A_1941 = arith.xori %or3A_1940, %xor3A_1935 : vector<256x128xi1>
    %eq3A_1942 = arith.constant dense<true> : vector<256x128xi1>
    %eq3A_1943 = arith.xori %eq3A_1941, %eq3A_1942 : vector<256x128xi1>
    %select_n3A_1944 = arith.select %eq3A_1943, %select_n3A_1911, %select_n3A_1927 : vector<256x128xi1>, vector<256x128xi32>
    %select_n3A_1945 = arith.select %eq3A_1943, %select_n3A_1912, %select_n3A_1928 : vector<256x128xi1>, vector<256x128xi32>
    %roll3A_1946 = arith.constant 64 : i32
    %roll3A_1947 = tpu.dynamic_rotate %select_n3A_1944 by %roll3A_1946 dim 1 : vector<256x128xi32>, i32 -> vector<256x128xi32>
    %roll3A_1948 = arith.constant 64 : i32
    %roll3A_1949 = tpu.dynamic_rotate %select_n3A_1944 by %roll3A_1948 dim 1 : vector<256x128xi32>, i32 -> vector<256x128xi32>
    %roll3A_1950 = arith.constant 64 : i32
    %roll3A_1951 = tpu.dynamic_rotate %select_n3A_1945 by %roll3A_1950 dim 1 : vector<256x128xi32>, i32 -> vector<256x128xi32>
    %roll3A_1952 = arith.constant 64 : i32
    %roll3A_1953 = tpu.dynamic_rotate %select_n3A_1945 by %roll3A_1952 dim 1 : vector<256x128xi32>, i32 -> vector<256x128xi32>
    %and3A_1954 = arith.constant 64 : i32
    %and3A_1955 = vector.broadcast %and3A_1954 : i32 to vector<256x128xi32>
    %and3A_1956 = arith.andi %add3A, %and3A_1955 : vector<256x128xi32>
    %ne3A_1957 = arith.constant 0 : i32
    %ne3A_1958 = vector.broadcast %ne3A_1957 : i32 to vector<256x128xi32>
    %ne3A_1959 = arith.cmpi ne, %and3A_1956, %ne3A_1958 : vector<256x128xi32>
    %select_n3A_1960 = arith.select %ne3A_1959, %roll3A_1949, %roll3A_1947 : vector<256x128xi1>, vector<256x128xi32>
    %select_n3A_1961 = arith.select %ne3A_1959, %roll3A_1953, %roll3A_1951 : vector<256x128xi1>, vector<256x128xi32>
    %and3A_1962 = arith.constant 2048 : i32
    %and3A_1963 = vector.broadcast %and3A_1962 : i32 to vector<256x128xi32>
    %and3A_1964 = arith.andi %add3A, %and3A_1963 : vector<256x128xi32>
    %eq3A_1965 = arith.constant 0 : i32
    %eq3A_1966 = vector.broadcast %eq3A_1965 : i32 to vector<256x128xi32>
    %eq3A_1967 = arith.cmpi eq, %and3A_1964, %eq3A_1966 : vector<256x128xi32>
    %xor3A_1968 = arith.xori %ne3A_1959, %eq3A_1967 : vector<256x128xi1>
    %gt3A_1969 = arith.cmpi sgt, %select_n3A_1944, %select_n3A_1960 : vector<256x128xi32>
    %eq3A_1970 = arith.cmpi eq, %select_n3A_1944, %select_n3A_1960 : vector<256x128xi32>
    %lt3A_1971 = arith.cmpi slt, %select_n3A_1945, %select_n3A_1961 : vector<256x128xi32>
    %and3A_1972 = arith.andi %eq3A_1970, %lt3A_1971 : vector<256x128xi1>
    %or3A_1973 = arith.ori %gt3A_1969, %and3A_1972 : vector<256x128xi1>
    %eq3A_1974 = arith.xori %or3A_1973, %xor3A_1968 : vector<256x128xi1>
    %eq3A_1975 = arith.constant dense<true> : vector<256x128xi1>
    %eq3A_1976 = arith.xori %eq3A_1974, %eq3A_1975 : vector<256x128xi1>
    %select_n3A_1977 = arith.select %eq3A_1976, %select_n3A_1944, %select_n3A_1960 : vector<256x128xi1>, vector<256x128xi32>
    %select_n3A_1978 = arith.select %eq3A_1976, %select_n3A_1945, %select_n3A_1961 : vector<256x128xi1>, vector<256x128xi32>
    %roll3A_1979 = arith.constant 96 : i32
    %roll3A_1980 = tpu.dynamic_rotate %select_n3A_1977 by %roll3A_1979 dim 1 : vector<256x128xi32>, i32 -> vector<256x128xi32>
    %roll3A_1981 = arith.constant 32 : i32
    %roll3A_1982 = tpu.dynamic_rotate %select_n3A_1977 by %roll3A_1981 dim 1 : vector<256x128xi32>, i32 -> vector<256x128xi32>
    %roll3A_1983 = arith.constant 96 : i32
    %roll3A_1984 = tpu.dynamic_rotate %select_n3A_1978 by %roll3A_1983 dim 1 : vector<256x128xi32>, i32 -> vector<256x128xi32>
    %roll3A_1985 = arith.constant 32 : i32
    %roll3A_1986 = tpu.dynamic_rotate %select_n3A_1978 by %roll3A_1985 dim 1 : vector<256x128xi32>, i32 -> vector<256x128xi32>
    %and3A_1987 = arith.constant 32 : i32
    %and3A_1988 = vector.broadcast %and3A_1987 : i32 to vector<256x128xi32>
    %and3A_1989 = arith.andi %add3A, %and3A_1988 : vector<256x128xi32>
    %ne3A_1990 = arith.constant 0 : i32
    %ne3A_1991 = vector.broadcast %ne3A_1990 : i32 to vector<256x128xi32>
    %ne3A_1992 = arith.cmpi ne, %and3A_1989, %ne3A_1991 : vector<256x128xi32>
    %select_n3A_1993 = arith.select %ne3A_1992, %roll3A_1982, %roll3A_1980 : vector<256x128xi1>, vector<256x128xi32>
    %select_n3A_1994 = arith.select %ne3A_1992, %roll3A_1986, %roll3A_1984 : vector<256x128xi1>, vector<256x128xi32>
    %and3A_1995 = arith.constant 2048 : i32
    %and3A_1996 = vector.broadcast %and3A_1995 : i32 to vector<256x128xi32>
    %and3A_1997 = arith.andi %add3A, %and3A_1996 : vector<256x128xi32>
    %eq3A_1998 = arith.constant 0 : i32
    %eq3A_1999 = vector.broadcast %eq3A_1998 : i32 to vector<256x128xi32>
    %eq3A_2000 = arith.cmpi eq, %and3A_1997, %eq3A_1999 : vector<256x128xi32>
    %xor3A_2001 = arith.xori %ne3A_1992, %eq3A_2000 : vector<256x128xi1>
    %gt3A_2002 = arith.cmpi sgt, %select_n3A_1977, %select_n3A_1993 : vector<256x128xi32>
    %eq3A_2003 = arith.cmpi eq, %select_n3A_1977, %select_n3A_1993 : vector<256x128xi32>
    %lt3A_2004 = arith.cmpi slt, %select_n3A_1978, %select_n3A_1994 : vector<256x128xi32>
    %and3A_2005 = arith.andi %eq3A_2003, %lt3A_2004 : vector<256x128xi1>
    %or3A_2006 = arith.ori %gt3A_2002, %and3A_2005 : vector<256x128xi1>
    %eq3A_2007 = arith.xori %or3A_2006, %xor3A_2001 : vector<256x128xi1>
    %eq3A_2008 = arith.constant dense<true> : vector<256x128xi1>
    %eq3A_2009 = arith.xori %eq3A_2007, %eq3A_2008 : vector<256x128xi1>
    %select_n3A_2010 = arith.select %eq3A_2009, %select_n3A_1977, %select_n3A_1993 : vector<256x128xi1>, vector<256x128xi32>
    %select_n3A_2011 = arith.select %eq3A_2009, %select_n3A_1978, %select_n3A_1994 : vector<256x128xi1>, vector<256x128xi32>
    %roll3A_2012 = arith.constant 112 : i32
    %roll3A_2013 = tpu.dynamic_rotate %select_n3A_2010 by %roll3A_2012 dim 1 : vector<256x128xi32>, i32 -> vector<256x128xi32>
    %roll3A_2014 = arith.constant 16 : i32
    %roll3A_2015 = tpu.dynamic_rotate %select_n3A_2010 by %roll3A_2014 dim 1 : vector<256x128xi32>, i32 -> vector<256x128xi32>
    %roll3A_2016 = arith.constant 112 : i32
    %roll3A_2017 = tpu.dynamic_rotate %select_n3A_2011 by %roll3A_2016 dim 1 : vector<256x128xi32>, i32 -> vector<256x128xi32>
    %roll3A_2018 = arith.constant 16 : i32
    %roll3A_2019 = tpu.dynamic_rotate %select_n3A_2011 by %roll3A_2018 dim 1 : vector<256x128xi32>, i32 -> vector<256x128xi32>
    %and3A_2020 = arith.constant 16 : i32
    %and3A_2021 = vector.broadcast %and3A_2020 : i32 to vector<256x128xi32>
    %and3A_2022 = arith.andi %add3A, %and3A_2021 : vector<256x128xi32>
    %ne3A_2023 = arith.constant 0 : i32
    %ne3A_2024 = vector.broadcast %ne3A_2023 : i32 to vector<256x128xi32>
    %ne3A_2025 = arith.cmpi ne, %and3A_2022, %ne3A_2024 : vector<256x128xi32>
    %select_n3A_2026 = arith.select %ne3A_2025, %roll3A_2015, %roll3A_2013 : vector<256x128xi1>, vector<256x128xi32>
    %select_n3A_2027 = arith.select %ne3A_2025, %roll3A_2019, %roll3A_2017 : vector<256x128xi1>, vector<256x128xi32>
    %and3A_2028 = arith.constant 2048 : i32
    %and3A_2029 = vector.broadcast %and3A_2028 : i32 to vector<256x128xi32>
    %and3A_2030 = arith.andi %add3A, %and3A_2029 : vector<256x128xi32>
    %eq3A_2031 = arith.constant 0 : i32
    %eq3A_2032 = vector.broadcast %eq3A_2031 : i32 to vector<256x128xi32>
    %eq3A_2033 = arith.cmpi eq, %and3A_2030, %eq3A_2032 : vector<256x128xi32>
    %xor3A_2034 = arith.xori %ne3A_2025, %eq3A_2033 : vector<256x128xi1>
    %gt3A_2035 = arith.cmpi sgt, %select_n3A_2010, %select_n3A_2026 : vector<256x128xi32>
    %eq3A_2036 = arith.cmpi eq, %select_n3A_2010, %select_n3A_2026 : vector<256x128xi32>
    %lt3A_2037 = arith.cmpi slt, %select_n3A_2011, %select_n3A_2027 : vector<256x128xi32>
    %and3A_2038 = arith.andi %eq3A_2036, %lt3A_2037 : vector<256x128xi1>
    %or3A_2039 = arith.ori %gt3A_2035, %and3A_2038 : vector<256x128xi1>
    %eq3A_2040 = arith.xori %or3A_2039, %xor3A_2034 : vector<256x128xi1>
    %eq3A_2041 = arith.constant dense<true> : vector<256x128xi1>
    %eq3A_2042 = arith.xori %eq3A_2040, %eq3A_2041 : vector<256x128xi1>
    %select_n3A_2043 = arith.select %eq3A_2042, %select_n3A_2010, %select_n3A_2026 : vector<256x128xi1>, vector<256x128xi32>
    %select_n3A_2044 = arith.select %eq3A_2042, %select_n3A_2011, %select_n3A_2027 : vector<256x128xi1>, vector<256x128xi32>
    %roll3A_2045 = arith.constant 120 : i32
    %roll3A_2046 = tpu.dynamic_rotate %select_n3A_2043 by %roll3A_2045 dim 1 : vector<256x128xi32>, i32 -> vector<256x128xi32>
    %roll3A_2047 = arith.constant 8 : i32
    %roll3A_2048 = tpu.dynamic_rotate %select_n3A_2043 by %roll3A_2047 dim 1 : vector<256x128xi32>, i32 -> vector<256x128xi32>
    %roll3A_2049 = arith.constant 120 : i32
    %roll3A_2050 = tpu.dynamic_rotate %select_n3A_2044 by %roll3A_2049 dim 1 : vector<256x128xi32>, i32 -> vector<256x128xi32>
    %roll3A_2051 = arith.constant 8 : i32
    %roll3A_2052 = tpu.dynamic_rotate %select_n3A_2044 by %roll3A_2051 dim 1 : vector<256x128xi32>, i32 -> vector<256x128xi32>
    %and3A_2053 = arith.constant 8 : i32
    %and3A_2054 = vector.broadcast %and3A_2053 : i32 to vector<256x128xi32>
    %and3A_2055 = arith.andi %add3A, %and3A_2054 : vector<256x128xi32>
    %ne3A_2056 = arith.constant 0 : i32
    %ne3A_2057 = vector.broadcast %ne3A_2056 : i32 to vector<256x128xi32>
    %ne3A_2058 = arith.cmpi ne, %and3A_2055, %ne3A_2057 : vector<256x128xi32>
    %select_n3A_2059 = arith.select %ne3A_2058, %roll3A_2048, %roll3A_2046 : vector<256x128xi1>, vector<256x128xi32>
    %select_n3A_2060 = arith.select %ne3A_2058, %roll3A_2052, %roll3A_2050 : vector<256x128xi1>, vector<256x128xi32>
    %and3A_2061 = arith.constant 2048 : i32
    %and3A_2062 = vector.broadcast %and3A_2061 : i32 to vector<256x128xi32>
    %and3A_2063 = arith.andi %add3A, %and3A_2062 : vector<256x128xi32>
    %eq3A_2064 = arith.constant 0 : i32
    %eq3A_2065 = vector.broadcast %eq3A_2064 : i32 to vector<256x128xi32>
    %eq3A_2066 = arith.cmpi eq, %and3A_2063, %eq3A_2065 : vector<256x128xi32>
    %xor3A_2067 = arith.xori %ne3A_2058, %eq3A_2066 : vector<256x128xi1>
    %gt3A_2068 = arith.cmpi sgt, %select_n3A_2043, %select_n3A_2059 : vector<256x128xi32>
    %eq3A_2069 = arith.cmpi eq, %select_n3A_2043, %select_n3A_2059 : vector<256x128xi32>
    %lt3A_2070 = arith.cmpi slt, %select_n3A_2044, %select_n3A_2060 : vector<256x128xi32>
    %and3A_2071 = arith.andi %eq3A_2069, %lt3A_2070 : vector<256x128xi1>
    %or3A_2072 = arith.ori %gt3A_2068, %and3A_2071 : vector<256x128xi1>
    %eq3A_2073 = arith.xori %or3A_2072, %xor3A_2067 : vector<256x128xi1>
    %eq3A_2074 = arith.constant dense<true> : vector<256x128xi1>
    %eq3A_2075 = arith.xori %eq3A_2073, %eq3A_2074 : vector<256x128xi1>
    %select_n3A_2076 = arith.select %eq3A_2075, %select_n3A_2043, %select_n3A_2059 : vector<256x128xi1>, vector<256x128xi32>
    %select_n3A_2077 = arith.select %eq3A_2075, %select_n3A_2044, %select_n3A_2060 : vector<256x128xi1>, vector<256x128xi32>
    %roll3A_2078 = arith.constant 124 : i32
    %roll3A_2079 = tpu.dynamic_rotate %select_n3A_2076 by %roll3A_2078 dim 1 : vector<256x128xi32>, i32 -> vector<256x128xi32>
    %roll3A_2080 = arith.constant 4 : i32
    %roll3A_2081 = tpu.dynamic_rotate %select_n3A_2076 by %roll3A_2080 dim 1 : vector<256x128xi32>, i32 -> vector<256x128xi32>
    %roll3A_2082 = arith.constant 124 : i32
    %roll3A_2083 = tpu.dynamic_rotate %select_n3A_2077 by %roll3A_2082 dim 1 : vector<256x128xi32>, i32 -> vector<256x128xi32>
    %roll3A_2084 = arith.constant 4 : i32
    %roll3A_2085 = tpu.dynamic_rotate %select_n3A_2077 by %roll3A_2084 dim 1 : vector<256x128xi32>, i32 -> vector<256x128xi32>
    %and3A_2086 = arith.constant 4 : i32
    %and3A_2087 = vector.broadcast %and3A_2086 : i32 to vector<256x128xi32>
    %and3A_2088 = arith.andi %add3A, %and3A_2087 : vector<256x128xi32>
    %ne3A_2089 = arith.constant 0 : i32
    %ne3A_2090 = vector.broadcast %ne3A_2089 : i32 to vector<256x128xi32>
    %ne3A_2091 = arith.cmpi ne, %and3A_2088, %ne3A_2090 : vector<256x128xi32>
    %select_n3A_2092 = arith.select %ne3A_2091, %roll3A_2081, %roll3A_2079 : vector<256x128xi1>, vector<256x128xi32>
    %select_n3A_2093 = arith.select %ne3A_2091, %roll3A_2085, %roll3A_2083 : vector<256x128xi1>, vector<256x128xi32>
    %and3A_2094 = arith.constant 2048 : i32
    %and3A_2095 = vector.broadcast %and3A_2094 : i32 to vector<256x128xi32>
    %and3A_2096 = arith.andi %add3A, %and3A_2095 : vector<256x128xi32>
    %eq3A_2097 = arith.constant 0 : i32
    %eq3A_2098 = vector.broadcast %eq3A_2097 : i32 to vector<256x128xi32>
    %eq3A_2099 = arith.cmpi eq, %and3A_2096, %eq3A_2098 : vector<256x128xi32>
    %xor3A_2100 = arith.xori %ne3A_2091, %eq3A_2099 : vector<256x128xi1>
    %gt3A_2101 = arith.cmpi sgt, %select_n3A_2076, %select_n3A_2092 : vector<256x128xi32>
    %eq3A_2102 = arith.cmpi eq, %select_n3A_2076, %select_n3A_2092 : vector<256x128xi32>
    %lt3A_2103 = arith.cmpi slt, %select_n3A_2077, %select_n3A_2093 : vector<256x128xi32>
    %and3A_2104 = arith.andi %eq3A_2102, %lt3A_2103 : vector<256x128xi1>
    %or3A_2105 = arith.ori %gt3A_2101, %and3A_2104 : vector<256x128xi1>
    %eq3A_2106 = arith.xori %or3A_2105, %xor3A_2100 : vector<256x128xi1>
    %eq3A_2107 = arith.constant dense<true> : vector<256x128xi1>
    %eq3A_2108 = arith.xori %eq3A_2106, %eq3A_2107 : vector<256x128xi1>
    %select_n3A_2109 = arith.select %eq3A_2108, %select_n3A_2076, %select_n3A_2092 : vector<256x128xi1>, vector<256x128xi32>
    %select_n3A_2110 = arith.select %eq3A_2108, %select_n3A_2077, %select_n3A_2093 : vector<256x128xi1>, vector<256x128xi32>
    %roll3A_2111 = arith.constant 126 : i32
    %roll3A_2112 = tpu.dynamic_rotate %select_n3A_2109 by %roll3A_2111 dim 1 : vector<256x128xi32>, i32 -> vector<256x128xi32>
    %roll3A_2113 = arith.constant 2 : i32
    %roll3A_2114 = tpu.dynamic_rotate %select_n3A_2109 by %roll3A_2113 dim 1 : vector<256x128xi32>, i32 -> vector<256x128xi32>
    %roll3A_2115 = arith.constant 126 : i32
    %roll3A_2116 = tpu.dynamic_rotate %select_n3A_2110 by %roll3A_2115 dim 1 : vector<256x128xi32>, i32 -> vector<256x128xi32>
    %roll3A_2117 = arith.constant 2 : i32
    %roll3A_2118 = tpu.dynamic_rotate %select_n3A_2110 by %roll3A_2117 dim 1 : vector<256x128xi32>, i32 -> vector<256x128xi32>
    %and3A_2119 = arith.constant 2 : i32
    %and3A_2120 = vector.broadcast %and3A_2119 : i32 to vector<256x128xi32>
    %and3A_2121 = arith.andi %add3A, %and3A_2120 : vector<256x128xi32>
    %ne3A_2122 = arith.constant 0 : i32
    %ne3A_2123 = vector.broadcast %ne3A_2122 : i32 to vector<256x128xi32>
    %ne3A_2124 = arith.cmpi ne, %and3A_2121, %ne3A_2123 : vector<256x128xi32>
    %select_n3A_2125 = arith.select %ne3A_2124, %roll3A_2114, %roll3A_2112 : vector<256x128xi1>, vector<256x128xi32>
    %select_n3A_2126 = arith.select %ne3A_2124, %roll3A_2118, %roll3A_2116 : vector<256x128xi1>, vector<256x128xi32>
    %and3A_2127 = arith.constant 2048 : i32
    %and3A_2128 = vector.broadcast %and3A_2127 : i32 to vector<256x128xi32>
    %and3A_2129 = arith.andi %add3A, %and3A_2128 : vector<256x128xi32>
    %eq3A_2130 = arith.constant 0 : i32
    %eq3A_2131 = vector.broadcast %eq3A_2130 : i32 to vector<256x128xi32>
    %eq3A_2132 = arith.cmpi eq, %and3A_2129, %eq3A_2131 : vector<256x128xi32>
    %xor3A_2133 = arith.xori %ne3A_2124, %eq3A_2132 : vector<256x128xi1>
    %gt3A_2134 = arith.cmpi sgt, %select_n3A_2109, %select_n3A_2125 : vector<256x128xi32>
    %eq3A_2135 = arith.cmpi eq, %select_n3A_2109, %select_n3A_2125 : vector<256x128xi32>
    %lt3A_2136 = arith.cmpi slt, %select_n3A_2110, %select_n3A_2126 : vector<256x128xi32>
    %and3A_2137 = arith.andi %eq3A_2135, %lt3A_2136 : vector<256x128xi1>
    %or3A_2138 = arith.ori %gt3A_2134, %and3A_2137 : vector<256x128xi1>
    %eq3A_2139 = arith.xori %or3A_2138, %xor3A_2133 : vector<256x128xi1>
    %eq3A_2140 = arith.constant dense<true> : vector<256x128xi1>
    %eq3A_2141 = arith.xori %eq3A_2139, %eq3A_2140 : vector<256x128xi1>
    %select_n3A_2142 = arith.select %eq3A_2141, %select_n3A_2109, %select_n3A_2125 : vector<256x128xi1>, vector<256x128xi32>
    %select_n3A_2143 = arith.select %eq3A_2141, %select_n3A_2110, %select_n3A_2126 : vector<256x128xi1>, vector<256x128xi32>
    %roll3A_2144 = arith.constant 127 : i32
    %roll3A_2145 = tpu.dynamic_rotate %select_n3A_2142 by %roll3A_2144 dim 1 : vector<256x128xi32>, i32 -> vector<256x128xi32>
    %roll3A_2146 = arith.constant 1 : i32
    %roll3A_2147 = tpu.dynamic_rotate %select_n3A_2142 by %roll3A_2146 dim 1 : vector<256x128xi32>, i32 -> vector<256x128xi32>
    %roll3A_2148 = arith.constant 127 : i32
    %roll3A_2149 = tpu.dynamic_rotate %select_n3A_2143 by %roll3A_2148 dim 1 : vector<256x128xi32>, i32 -> vector<256x128xi32>
    %roll3A_2150 = arith.constant 1 : i32
    %roll3A_2151 = tpu.dynamic_rotate %select_n3A_2143 by %roll3A_2150 dim 1 : vector<256x128xi32>, i32 -> vector<256x128xi32>
    %and3A_2152 = arith.constant 1 : i32
    %and3A_2153 = vector.broadcast %and3A_2152 : i32 to vector<256x128xi32>
    %and3A_2154 = arith.andi %add3A, %and3A_2153 : vector<256x128xi32>
    %ne3A_2155 = arith.constant 0 : i32
    %ne3A_2156 = vector.broadcast %ne3A_2155 : i32 to vector<256x128xi32>
    %ne3A_2157 = arith.cmpi ne, %and3A_2154, %ne3A_2156 : vector<256x128xi32>
    %select_n3A_2158 = arith.select %ne3A_2157, %roll3A_2147, %roll3A_2145 : vector<256x128xi1>, vector<256x128xi32>
    %select_n3A_2159 = arith.select %ne3A_2157, %roll3A_2151, %roll3A_2149 : vector<256x128xi1>, vector<256x128xi32>
    %and3A_2160 = arith.constant 2048 : i32
    %and3A_2161 = vector.broadcast %and3A_2160 : i32 to vector<256x128xi32>
    %and3A_2162 = arith.andi %add3A, %and3A_2161 : vector<256x128xi32>
    %eq3A_2163 = arith.constant 0 : i32
    %eq3A_2164 = vector.broadcast %eq3A_2163 : i32 to vector<256x128xi32>
    %eq3A_2165 = arith.cmpi eq, %and3A_2162, %eq3A_2164 : vector<256x128xi32>
    %xor3A_2166 = arith.xori %ne3A_2157, %eq3A_2165 : vector<256x128xi1>
    %gt3A_2167 = arith.cmpi sgt, %select_n3A_2142, %select_n3A_2158 : vector<256x128xi32>
    %eq3A_2168 = arith.cmpi eq, %select_n3A_2142, %select_n3A_2158 : vector<256x128xi32>
    %lt3A_2169 = arith.cmpi slt, %select_n3A_2143, %select_n3A_2159 : vector<256x128xi32>
    %and3A_2170 = arith.andi %eq3A_2168, %lt3A_2169 : vector<256x128xi1>
    %or3A_2171 = arith.ori %gt3A_2167, %and3A_2170 : vector<256x128xi1>
    %eq3A_2172 = arith.xori %or3A_2171, %xor3A_2166 : vector<256x128xi1>
    %eq3A_2173 = arith.constant dense<true> : vector<256x128xi1>
    %eq3A_2174 = arith.xori %eq3A_2172, %eq3A_2173 : vector<256x128xi1>
    %select_n3A_2175 = arith.select %eq3A_2174, %select_n3A_2142, %select_n3A_2158 : vector<256x128xi1>, vector<256x128xi32>
    %select_n3A_2176 = arith.select %eq3A_2174, %select_n3A_2143, %select_n3A_2159 : vector<256x128xi1>, vector<256x128xi32>
    %roll3A_2177 = arith.constant 240 : i32
    %roll3A_2178 = tpu.dynamic_rotate %select_n3A_2175 by %roll3A_2177 dim 0 : vector<256x128xi32>, i32 -> vector<256x128xi32>
    %roll3A_2179 = arith.constant 16 : i32
    %roll3A_2180 = tpu.dynamic_rotate %select_n3A_2175 by %roll3A_2179 dim 0 : vector<256x128xi32>, i32 -> vector<256x128xi32>
    %roll3A_2181 = arith.constant 240 : i32
    %roll3A_2182 = tpu.dynamic_rotate %select_n3A_2176 by %roll3A_2181 dim 0 : vector<256x128xi32>, i32 -> vector<256x128xi32>
    %roll3A_2183 = arith.constant 16 : i32
    %roll3A_2184 = tpu.dynamic_rotate %select_n3A_2176 by %roll3A_2183 dim 0 : vector<256x128xi32>, i32 -> vector<256x128xi32>
    %and3A_2185 = arith.constant 2048 : i32
    %and3A_2186 = vector.broadcast %and3A_2185 : i32 to vector<256x128xi32>
    %and3A_2187 = arith.andi %add3A, %and3A_2186 : vector<256x128xi32>
    %ne3A_2188 = arith.constant 0 : i32
    %ne3A_2189 = vector.broadcast %ne3A_2188 : i32 to vector<256x128xi32>
    %ne3A_2190 = arith.cmpi ne, %and3A_2187, %ne3A_2189 : vector<256x128xi32>
    %select_n3A_2191 = arith.select %ne3A_2190, %roll3A_2180, %roll3A_2178 : vector<256x128xi1>, vector<256x128xi32>
    %select_n3A_2192 = arith.select %ne3A_2190, %roll3A_2184, %roll3A_2182 : vector<256x128xi1>, vector<256x128xi32>
    %and3A_2193 = arith.constant 4096 : i32
    %and3A_2194 = vector.broadcast %and3A_2193 : i32 to vector<256x128xi32>
    %and3A_2195 = arith.andi %add3A, %and3A_2194 : vector<256x128xi32>
    %eq3A_2196 = arith.constant 0 : i32
    %eq3A_2197 = vector.broadcast %eq3A_2196 : i32 to vector<256x128xi32>
    %eq3A_2198 = arith.cmpi eq, %and3A_2195, %eq3A_2197 : vector<256x128xi32>
    %xor3A_2199 = arith.xori %ne3A_2190, %eq3A_2198 : vector<256x128xi1>
    %gt3A_2200 = arith.cmpi sgt, %select_n3A_2175, %select_n3A_2191 : vector<256x128xi32>
    %eq3A_2201 = arith.cmpi eq, %select_n3A_2175, %select_n3A_2191 : vector<256x128xi32>
    %lt3A_2202 = arith.cmpi slt, %select_n3A_2176, %select_n3A_2192 : vector<256x128xi32>
    %and3A_2203 = arith.andi %eq3A_2201, %lt3A_2202 : vector<256x128xi1>
    %or3A_2204 = arith.ori %gt3A_2200, %and3A_2203 : vector<256x128xi1>
    %eq3A_2205 = arith.xori %or3A_2204, %xor3A_2199 : vector<256x128xi1>
    %eq3A_2206 = arith.constant dense<true> : vector<256x128xi1>
    %eq3A_2207 = arith.xori %eq3A_2205, %eq3A_2206 : vector<256x128xi1>
    %select_n3A_2208 = arith.select %eq3A_2207, %select_n3A_2175, %select_n3A_2191 : vector<256x128xi1>, vector<256x128xi32>
    %select_n3A_2209 = arith.select %eq3A_2207, %select_n3A_2176, %select_n3A_2192 : vector<256x128xi1>, vector<256x128xi32>
    %roll3A_2210 = arith.constant 248 : i32
    %roll3A_2211 = tpu.dynamic_rotate %select_n3A_2208 by %roll3A_2210 dim 0 : vector<256x128xi32>, i32 -> vector<256x128xi32>
    %roll3A_2212 = arith.constant 8 : i32
    %roll3A_2213 = tpu.dynamic_rotate %select_n3A_2208 by %roll3A_2212 dim 0 : vector<256x128xi32>, i32 -> vector<256x128xi32>
    %roll3A_2214 = arith.constant 248 : i32
    %roll3A_2215 = tpu.dynamic_rotate %select_n3A_2209 by %roll3A_2214 dim 0 : vector<256x128xi32>, i32 -> vector<256x128xi32>
    %roll3A_2216 = arith.constant 8 : i32
    %roll3A_2217 = tpu.dynamic_rotate %select_n3A_2209 by %roll3A_2216 dim 0 : vector<256x128xi32>, i32 -> vector<256x128xi32>
    %and3A_2218 = arith.constant 1024 : i32
    %and3A_2219 = vector.broadcast %and3A_2218 : i32 to vector<256x128xi32>
    %and3A_2220 = arith.andi %add3A, %and3A_2219 : vector<256x128xi32>
    %ne3A_2221 = arith.constant 0 : i32
    %ne3A_2222 = vector.broadcast %ne3A_2221 : i32 to vector<256x128xi32>
    %ne3A_2223 = arith.cmpi ne, %and3A_2220, %ne3A_2222 : vector<256x128xi32>
    %select_n3A_2224 = arith.select %ne3A_2223, %roll3A_2213, %roll3A_2211 : vector<256x128xi1>, vector<256x128xi32>
    %select_n3A_2225 = arith.select %ne3A_2223, %roll3A_2217, %roll3A_2215 : vector<256x128xi1>, vector<256x128xi32>
    %and3A_2226 = arith.constant 4096 : i32
    %and3A_2227 = vector.broadcast %and3A_2226 : i32 to vector<256x128xi32>
    %and3A_2228 = arith.andi %add3A, %and3A_2227 : vector<256x128xi32>
    %eq3A_2229 = arith.constant 0 : i32
    %eq3A_2230 = vector.broadcast %eq3A_2229 : i32 to vector<256x128xi32>
    %eq3A_2231 = arith.cmpi eq, %and3A_2228, %eq3A_2230 : vector<256x128xi32>
    %xor3A_2232 = arith.xori %ne3A_2223, %eq3A_2231 : vector<256x128xi1>
    %gt3A_2233 = arith.cmpi sgt, %select_n3A_2208, %select_n3A_2224 : vector<256x128xi32>
    %eq3A_2234 = arith.cmpi eq, %select_n3A_2208, %select_n3A_2224 : vector<256x128xi32>
    %lt3A_2235 = arith.cmpi slt, %select_n3A_2209, %select_n3A_2225 : vector<256x128xi32>
    %and3A_2236 = arith.andi %eq3A_2234, %lt3A_2235 : vector<256x128xi1>
    %or3A_2237 = arith.ori %gt3A_2233, %and3A_2236 : vector<256x128xi1>
    %eq3A_2238 = arith.xori %or3A_2237, %xor3A_2232 : vector<256x128xi1>
    %eq3A_2239 = arith.constant dense<true> : vector<256x128xi1>
    %eq3A_2240 = arith.xori %eq3A_2238, %eq3A_2239 : vector<256x128xi1>
    %select_n3A_2241 = arith.select %eq3A_2240, %select_n3A_2208, %select_n3A_2224 : vector<256x128xi1>, vector<256x128xi32>
    %select_n3A_2242 = arith.select %eq3A_2240, %select_n3A_2209, %select_n3A_2225 : vector<256x128xi1>, vector<256x128xi32>
    %roll3A_2243 = arith.constant 252 : i32
    %roll3A_2244 = tpu.dynamic_rotate %select_n3A_2241 by %roll3A_2243 dim 0 : vector<256x128xi32>, i32 -> vector<256x128xi32>
    %roll3A_2245 = arith.constant 4 : i32
    %roll3A_2246 = tpu.dynamic_rotate %select_n3A_2241 by %roll3A_2245 dim 0 : vector<256x128xi32>, i32 -> vector<256x128xi32>
    %roll3A_2247 = arith.constant 252 : i32
    %roll3A_2248 = tpu.dynamic_rotate %select_n3A_2242 by %roll3A_2247 dim 0 : vector<256x128xi32>, i32 -> vector<256x128xi32>
    %roll3A_2249 = arith.constant 4 : i32
    %roll3A_2250 = tpu.dynamic_rotate %select_n3A_2242 by %roll3A_2249 dim 0 : vector<256x128xi32>, i32 -> vector<256x128xi32>
    %and3A_2251 = arith.constant 512 : i32
    %and3A_2252 = vector.broadcast %and3A_2251 : i32 to vector<256x128xi32>
    %and3A_2253 = arith.andi %add3A, %and3A_2252 : vector<256x128xi32>
    %ne3A_2254 = arith.constant 0 : i32
    %ne3A_2255 = vector.broadcast %ne3A_2254 : i32 to vector<256x128xi32>
    %ne3A_2256 = arith.cmpi ne, %and3A_2253, %ne3A_2255 : vector<256x128xi32>
    %select_n3A_2257 = arith.select %ne3A_2256, %roll3A_2246, %roll3A_2244 : vector<256x128xi1>, vector<256x128xi32>
    %select_n3A_2258 = arith.select %ne3A_2256, %roll3A_2250, %roll3A_2248 : vector<256x128xi1>, vector<256x128xi32>
    %and3A_2259 = arith.constant 4096 : i32
    %and3A_2260 = vector.broadcast %and3A_2259 : i32 to vector<256x128xi32>
    %and3A_2261 = arith.andi %add3A, %and3A_2260 : vector<256x128xi32>
    %eq3A_2262 = arith.constant 0 : i32
    %eq3A_2263 = vector.broadcast %eq3A_2262 : i32 to vector<256x128xi32>
    %eq3A_2264 = arith.cmpi eq, %and3A_2261, %eq3A_2263 : vector<256x128xi32>
    %xor3A_2265 = arith.xori %ne3A_2256, %eq3A_2264 : vector<256x128xi1>
    %gt3A_2266 = arith.cmpi sgt, %select_n3A_2241, %select_n3A_2257 : vector<256x128xi32>
    %eq3A_2267 = arith.cmpi eq, %select_n3A_2241, %select_n3A_2257 : vector<256x128xi32>
    %lt3A_2268 = arith.cmpi slt, %select_n3A_2242, %select_n3A_2258 : vector<256x128xi32>
    %and3A_2269 = arith.andi %eq3A_2267, %lt3A_2268 : vector<256x128xi1>
    %or3A_2270 = arith.ori %gt3A_2266, %and3A_2269 : vector<256x128xi1>
    %eq3A_2271 = arith.xori %or3A_2270, %xor3A_2265 : vector<256x128xi1>
    %eq3A_2272 = arith.constant dense<true> : vector<256x128xi1>
    %eq3A_2273 = arith.xori %eq3A_2271, %eq3A_2272 : vector<256x128xi1>
    %select_n3A_2274 = arith.select %eq3A_2273, %select_n3A_2241, %select_n3A_2257 : vector<256x128xi1>, vector<256x128xi32>
    %select_n3A_2275 = arith.select %eq3A_2273, %select_n3A_2242, %select_n3A_2258 : vector<256x128xi1>, vector<256x128xi32>
    %roll3A_2276 = arith.constant 254 : i32
    %roll3A_2277 = tpu.dynamic_rotate %select_n3A_2274 by %roll3A_2276 dim 0 : vector<256x128xi32>, i32 -> vector<256x128xi32>
    %roll3A_2278 = arith.constant 2 : i32
    %roll3A_2279 = tpu.dynamic_rotate %select_n3A_2274 by %roll3A_2278 dim 0 : vector<256x128xi32>, i32 -> vector<256x128xi32>
    %roll3A_2280 = arith.constant 254 : i32
    %roll3A_2281 = tpu.dynamic_rotate %select_n3A_2275 by %roll3A_2280 dim 0 : vector<256x128xi32>, i32 -> vector<256x128xi32>
    %roll3A_2282 = arith.constant 2 : i32
    %roll3A_2283 = tpu.dynamic_rotate %select_n3A_2275 by %roll3A_2282 dim 0 : vector<256x128xi32>, i32 -> vector<256x128xi32>
    %and3A_2284 = arith.constant 256 : i32
    %and3A_2285 = vector.broadcast %and3A_2284 : i32 to vector<256x128xi32>
    %and3A_2286 = arith.andi %add3A, %and3A_2285 : vector<256x128xi32>
    %ne3A_2287 = arith.constant 0 : i32
    %ne3A_2288 = vector.broadcast %ne3A_2287 : i32 to vector<256x128xi32>
    %ne3A_2289 = arith.cmpi ne, %and3A_2286, %ne3A_2288 : vector<256x128xi32>
    %select_n3A_2290 = arith.select %ne3A_2289, %roll3A_2279, %roll3A_2277 : vector<256x128xi1>, vector<256x128xi32>
    %select_n3A_2291 = arith.select %ne3A_2289, %roll3A_2283, %roll3A_2281 : vector<256x128xi1>, vector<256x128xi32>
    %and3A_2292 = arith.constant 4096 : i32
    %and3A_2293 = vector.broadcast %and3A_2292 : i32 to vector<256x128xi32>
    %and3A_2294 = arith.andi %add3A, %and3A_2293 : vector<256x128xi32>
    %eq3A_2295 = arith.constant 0 : i32
    %eq3A_2296 = vector.broadcast %eq3A_2295 : i32 to vector<256x128xi32>
    %eq3A_2297 = arith.cmpi eq, %and3A_2294, %eq3A_2296 : vector<256x128xi32>
    %xor3A_2298 = arith.xori %ne3A_2289, %eq3A_2297 : vector<256x128xi1>
    %gt3A_2299 = arith.cmpi sgt, %select_n3A_2274, %select_n3A_2290 : vector<256x128xi32>
    %eq3A_2300 = arith.cmpi eq, %select_n3A_2274, %select_n3A_2290 : vector<256x128xi32>
    %lt3A_2301 = arith.cmpi slt, %select_n3A_2275, %select_n3A_2291 : vector<256x128xi32>
    %and3A_2302 = arith.andi %eq3A_2300, %lt3A_2301 : vector<256x128xi1>
    %or3A_2303 = arith.ori %gt3A_2299, %and3A_2302 : vector<256x128xi1>
    %eq3A_2304 = arith.xori %or3A_2303, %xor3A_2298 : vector<256x128xi1>
    %eq3A_2305 = arith.constant dense<true> : vector<256x128xi1>
    %eq3A_2306 = arith.xori %eq3A_2304, %eq3A_2305 : vector<256x128xi1>
    %select_n3A_2307 = arith.select %eq3A_2306, %select_n3A_2274, %select_n3A_2290 : vector<256x128xi1>, vector<256x128xi32>
    %select_n3A_2308 = arith.select %eq3A_2306, %select_n3A_2275, %select_n3A_2291 : vector<256x128xi1>, vector<256x128xi32>
    %roll3A_2309 = arith.constant 255 : i32
    %roll3A_2310 = tpu.dynamic_rotate %select_n3A_2307 by %roll3A_2309 dim 0 : vector<256x128xi32>, i32 -> vector<256x128xi32>
    %roll3A_2311 = arith.constant 1 : i32
    %roll3A_2312 = tpu.dynamic_rotate %select_n3A_2307 by %roll3A_2311 dim 0 : vector<256x128xi32>, i32 -> vector<256x128xi32>
    %roll3A_2313 = arith.constant 255 : i32
    %roll3A_2314 = tpu.dynamic_rotate %select_n3A_2308 by %roll3A_2313 dim 0 : vector<256x128xi32>, i32 -> vector<256x128xi32>
    %roll3A_2315 = arith.constant 1 : i32
    %roll3A_2316 = tpu.dynamic_rotate %select_n3A_2308 by %roll3A_2315 dim 0 : vector<256x128xi32>, i32 -> vector<256x128xi32>
    %and3A_2317 = arith.constant 128 : i32
    %and3A_2318 = vector.broadcast %and3A_2317 : i32 to vector<256x128xi32>
    %and3A_2319 = arith.andi %add3A, %and3A_2318 : vector<256x128xi32>
    %ne3A_2320 = arith.constant 0 : i32
    %ne3A_2321 = vector.broadcast %ne3A_2320 : i32 to vector<256x128xi32>
    %ne3A_2322 = arith.cmpi ne, %and3A_2319, %ne3A_2321 : vector<256x128xi32>
    %select_n3A_2323 = arith.select %ne3A_2322, %roll3A_2312, %roll3A_2310 : vector<256x128xi1>, vector<256x128xi32>
    %select_n3A_2324 = arith.select %ne3A_2322, %roll3A_2316, %roll3A_2314 : vector<256x128xi1>, vector<256x128xi32>
    %and3A_2325 = arith.constant 4096 : i32
    %and3A_2326 = vector.broadcast %and3A_2325 : i32 to vector<256x128xi32>
    %and3A_2327 = arith.andi %add3A, %and3A_2326 : vector<256x128xi32>
    %eq3A_2328 = arith.constant 0 : i32
    %eq3A_2329 = vector.broadcast %eq3A_2328 : i32 to vector<256x128xi32>
    %eq3A_2330 = arith.cmpi eq, %and3A_2327, %eq3A_2329 : vector<256x128xi32>
    %xor3A_2331 = arith.xori %ne3A_2322, %eq3A_2330 : vector<256x128xi1>
    %gt3A_2332 = arith.cmpi sgt, %select_n3A_2307, %select_n3A_2323 : vector<256x128xi32>
    %eq3A_2333 = arith.cmpi eq, %select_n3A_2307, %select_n3A_2323 : vector<256x128xi32>
    %lt3A_2334 = arith.cmpi slt, %select_n3A_2308, %select_n3A_2324 : vector<256x128xi32>
    %and3A_2335 = arith.andi %eq3A_2333, %lt3A_2334 : vector<256x128xi1>
    %or3A_2336 = arith.ori %gt3A_2332, %and3A_2335 : vector<256x128xi1>
    %eq3A_2337 = arith.xori %or3A_2336, %xor3A_2331 : vector<256x128xi1>
    %eq3A_2338 = arith.constant dense<true> : vector<256x128xi1>
    %eq3A_2339 = arith.xori %eq3A_2337, %eq3A_2338 : vector<256x128xi1>
    %select_n3A_2340 = arith.select %eq3A_2339, %select_n3A_2307, %select_n3A_2323 : vector<256x128xi1>, vector<256x128xi32>
    %select_n3A_2341 = arith.select %eq3A_2339, %select_n3A_2308, %select_n3A_2324 : vector<256x128xi1>, vector<256x128xi32>
    %roll3A_2342 = arith.constant 64 : i32
    %roll3A_2343 = tpu.dynamic_rotate %select_n3A_2340 by %roll3A_2342 dim 1 : vector<256x128xi32>, i32 -> vector<256x128xi32>
    %roll3A_2344 = arith.constant 64 : i32
    %roll3A_2345 = tpu.dynamic_rotate %select_n3A_2340 by %roll3A_2344 dim 1 : vector<256x128xi32>, i32 -> vector<256x128xi32>
    %roll3A_2346 = arith.constant 64 : i32
    %roll3A_2347 = tpu.dynamic_rotate %select_n3A_2341 by %roll3A_2346 dim 1 : vector<256x128xi32>, i32 -> vector<256x128xi32>
    %roll3A_2348 = arith.constant 64 : i32
    %roll3A_2349 = tpu.dynamic_rotate %select_n3A_2341 by %roll3A_2348 dim 1 : vector<256x128xi32>, i32 -> vector<256x128xi32>
    %and3A_2350 = arith.constant 64 : i32
    %and3A_2351 = vector.broadcast %and3A_2350 : i32 to vector<256x128xi32>
    %and3A_2352 = arith.andi %add3A, %and3A_2351 : vector<256x128xi32>
    %ne3A_2353 = arith.constant 0 : i32
    %ne3A_2354 = vector.broadcast %ne3A_2353 : i32 to vector<256x128xi32>
    %ne3A_2355 = arith.cmpi ne, %and3A_2352, %ne3A_2354 : vector<256x128xi32>
    %select_n3A_2356 = arith.select %ne3A_2355, %roll3A_2345, %roll3A_2343 : vector<256x128xi1>, vector<256x128xi32>
    %select_n3A_2357 = arith.select %ne3A_2355, %roll3A_2349, %roll3A_2347 : vector<256x128xi1>, vector<256x128xi32>
    %and3A_2358 = arith.constant 4096 : i32
    %and3A_2359 = vector.broadcast %and3A_2358 : i32 to vector<256x128xi32>
    %and3A_2360 = arith.andi %add3A, %and3A_2359 : vector<256x128xi32>
    %eq3A_2361 = arith.constant 0 : i32
    %eq3A_2362 = vector.broadcast %eq3A_2361 : i32 to vector<256x128xi32>
    %eq3A_2363 = arith.cmpi eq, %and3A_2360, %eq3A_2362 : vector<256x128xi32>
    %xor3A_2364 = arith.xori %ne3A_2355, %eq3A_2363 : vector<256x128xi1>
    %gt3A_2365 = arith.cmpi sgt, %select_n3A_2340, %select_n3A_2356 : vector<256x128xi32>
    %eq3A_2366 = arith.cmpi eq, %select_n3A_2340, %select_n3A_2356 : vector<256x128xi32>
    %lt3A_2367 = arith.cmpi slt, %select_n3A_2341, %select_n3A_2357 : vector<256x128xi32>
    %and3A_2368 = arith.andi %eq3A_2366, %lt3A_2367 : vector<256x128xi1>
    %or3A_2369 = arith.ori %gt3A_2365, %and3A_2368 : vector<256x128xi1>
    %eq3A_2370 = arith.xori %or3A_2369, %xor3A_2364 : vector<256x128xi1>
    %eq3A_2371 = arith.constant dense<true> : vector<256x128xi1>
    %eq3A_2372 = arith.xori %eq3A_2370, %eq3A_2371 : vector<256x128xi1>
    %select_n3A_2373 = arith.select %eq3A_2372, %select_n3A_2340, %select_n3A_2356 : vector<256x128xi1>, vector<256x128xi32>
    %select_n3A_2374 = arith.select %eq3A_2372, %select_n3A_2341, %select_n3A_2357 : vector<256x128xi1>, vector<256x128xi32>
    %roll3A_2375 = arith.constant 96 : i32
    %roll3A_2376 = tpu.dynamic_rotate %select_n3A_2373 by %roll3A_2375 dim 1 : vector<256x128xi32>, i32 -> vector<256x128xi32>
    %roll3A_2377 = arith.constant 32 : i32
    %roll3A_2378 = tpu.dynamic_rotate %select_n3A_2373 by %roll3A_2377 dim 1 : vector<256x128xi32>, i32 -> vector<256x128xi32>
    %roll3A_2379 = arith.constant 96 : i32
    %roll3A_2380 = tpu.dynamic_rotate %select_n3A_2374 by %roll3A_2379 dim 1 : vector<256x128xi32>, i32 -> vector<256x128xi32>
    %roll3A_2381 = arith.constant 32 : i32
    %roll3A_2382 = tpu.dynamic_rotate %select_n3A_2374 by %roll3A_2381 dim 1 : vector<256x128xi32>, i32 -> vector<256x128xi32>
    %and3A_2383 = arith.constant 32 : i32
    %and3A_2384 = vector.broadcast %and3A_2383 : i32 to vector<256x128xi32>
    %and3A_2385 = arith.andi %add3A, %and3A_2384 : vector<256x128xi32>
    %ne3A_2386 = arith.constant 0 : i32
    %ne3A_2387 = vector.broadcast %ne3A_2386 : i32 to vector<256x128xi32>
    %ne3A_2388 = arith.cmpi ne, %and3A_2385, %ne3A_2387 : vector<256x128xi32>
    %select_n3A_2389 = arith.select %ne3A_2388, %roll3A_2378, %roll3A_2376 : vector<256x128xi1>, vector<256x128xi32>
    %select_n3A_2390 = arith.select %ne3A_2388, %roll3A_2382, %roll3A_2380 : vector<256x128xi1>, vector<256x128xi32>
    %and3A_2391 = arith.constant 4096 : i32
    %and3A_2392 = vector.broadcast %and3A_2391 : i32 to vector<256x128xi32>
    %and3A_2393 = arith.andi %add3A, %and3A_2392 : vector<256x128xi32>
    %eq3A_2394 = arith.constant 0 : i32
    %eq3A_2395 = vector.broadcast %eq3A_2394 : i32 to vector<256x128xi32>
    %eq3A_2396 = arith.cmpi eq, %and3A_2393, %eq3A_2395 : vector<256x128xi32>
    %xor3A_2397 = arith.xori %ne3A_2388, %eq3A_2396 : vector<256x128xi1>
    %gt3A_2398 = arith.cmpi sgt, %select_n3A_2373, %select_n3A_2389 : vector<256x128xi32>
    %eq3A_2399 = arith.cmpi eq, %select_n3A_2373, %select_n3A_2389 : vector<256x128xi32>
    %lt3A_2400 = arith.cmpi slt, %select_n3A_2374, %select_n3A_2390 : vector<256x128xi32>
    %and3A_2401 = arith.andi %eq3A_2399, %lt3A_2400 : vector<256x128xi1>
    %or3A_2402 = arith.ori %gt3A_2398, %and3A_2401 : vector<256x128xi1>
    %eq3A_2403 = arith.xori %or3A_2402, %xor3A_2397 : vector<256x128xi1>
    %eq3A_2404 = arith.constant dense<true> : vector<256x128xi1>
    %eq3A_2405 = arith.xori %eq3A_2403, %eq3A_2404 : vector<256x128xi1>
    %select_n3A_2406 = arith.select %eq3A_2405, %select_n3A_2373, %select_n3A_2389 : vector<256x128xi1>, vector<256x128xi32>
    %select_n3A_2407 = arith.select %eq3A_2405, %select_n3A_2374, %select_n3A_2390 : vector<256x128xi1>, vector<256x128xi32>
    %roll3A_2408 = arith.constant 112 : i32
    %roll3A_2409 = tpu.dynamic_rotate %select_n3A_2406 by %roll3A_2408 dim 1 : vector<256x128xi32>, i32 -> vector<256x128xi32>
    %roll3A_2410 = arith.constant 16 : i32
    %roll3A_2411 = tpu.dynamic_rotate %select_n3A_2406 by %roll3A_2410 dim 1 : vector<256x128xi32>, i32 -> vector<256x128xi32>
    %roll3A_2412 = arith.constant 112 : i32
    %roll3A_2413 = tpu.dynamic_rotate %select_n3A_2407 by %roll3A_2412 dim 1 : vector<256x128xi32>, i32 -> vector<256x128xi32>
    %roll3A_2414 = arith.constant 16 : i32
    %roll3A_2415 = tpu.dynamic_rotate %select_n3A_2407 by %roll3A_2414 dim 1 : vector<256x128xi32>, i32 -> vector<256x128xi32>
    %and3A_2416 = arith.constant 16 : i32
    %and3A_2417 = vector.broadcast %and3A_2416 : i32 to vector<256x128xi32>
    %and3A_2418 = arith.andi %add3A, %and3A_2417 : vector<256x128xi32>
    %ne3A_2419 = arith.constant 0 : i32
    %ne3A_2420 = vector.broadcast %ne3A_2419 : i32 to vector<256x128xi32>
    %ne3A_2421 = arith.cmpi ne, %and3A_2418, %ne3A_2420 : vector<256x128xi32>
    %select_n3A_2422 = arith.select %ne3A_2421, %roll3A_2411, %roll3A_2409 : vector<256x128xi1>, vector<256x128xi32>
    %select_n3A_2423 = arith.select %ne3A_2421, %roll3A_2415, %roll3A_2413 : vector<256x128xi1>, vector<256x128xi32>
    %and3A_2424 = arith.constant 4096 : i32
    %and3A_2425 = vector.broadcast %and3A_2424 : i32 to vector<256x128xi32>
    %and3A_2426 = arith.andi %add3A, %and3A_2425 : vector<256x128xi32>
    %eq3A_2427 = arith.constant 0 : i32
    %eq3A_2428 = vector.broadcast %eq3A_2427 : i32 to vector<256x128xi32>
    %eq3A_2429 = arith.cmpi eq, %and3A_2426, %eq3A_2428 : vector<256x128xi32>
    %xor3A_2430 = arith.xori %ne3A_2421, %eq3A_2429 : vector<256x128xi1>
    %gt3A_2431 = arith.cmpi sgt, %select_n3A_2406, %select_n3A_2422 : vector<256x128xi32>
    %eq3A_2432 = arith.cmpi eq, %select_n3A_2406, %select_n3A_2422 : vector<256x128xi32>
    %lt3A_2433 = arith.cmpi slt, %select_n3A_2407, %select_n3A_2423 : vector<256x128xi32>
    %and3A_2434 = arith.andi %eq3A_2432, %lt3A_2433 : vector<256x128xi1>
    %or3A_2435 = arith.ori %gt3A_2431, %and3A_2434 : vector<256x128xi1>
    %eq3A_2436 = arith.xori %or3A_2435, %xor3A_2430 : vector<256x128xi1>
    %eq3A_2437 = arith.constant dense<true> : vector<256x128xi1>
    %eq3A_2438 = arith.xori %eq3A_2436, %eq3A_2437 : vector<256x128xi1>
    %select_n3A_2439 = arith.select %eq3A_2438, %select_n3A_2406, %select_n3A_2422 : vector<256x128xi1>, vector<256x128xi32>
    %select_n3A_2440 = arith.select %eq3A_2438, %select_n3A_2407, %select_n3A_2423 : vector<256x128xi1>, vector<256x128xi32>
    %roll3A_2441 = arith.constant 120 : i32
    %roll3A_2442 = tpu.dynamic_rotate %select_n3A_2439 by %roll3A_2441 dim 1 : vector<256x128xi32>, i32 -> vector<256x128xi32>
    %roll3A_2443 = arith.constant 8 : i32
    %roll3A_2444 = tpu.dynamic_rotate %select_n3A_2439 by %roll3A_2443 dim 1 : vector<256x128xi32>, i32 -> vector<256x128xi32>
    %roll3A_2445 = arith.constant 120 : i32
    %roll3A_2446 = tpu.dynamic_rotate %select_n3A_2440 by %roll3A_2445 dim 1 : vector<256x128xi32>, i32 -> vector<256x128xi32>
    %roll3A_2447 = arith.constant 8 : i32
    %roll3A_2448 = tpu.dynamic_rotate %select_n3A_2440 by %roll3A_2447 dim 1 : vector<256x128xi32>, i32 -> vector<256x128xi32>
    %and3A_2449 = arith.constant 8 : i32
    %and3A_2450 = vector.broadcast %and3A_2449 : i32 to vector<256x128xi32>
    %and3A_2451 = arith.andi %add3A, %and3A_2450 : vector<256x128xi32>
    %ne3A_2452 = arith.constant 0 : i32
    %ne3A_2453 = vector.broadcast %ne3A_2452 : i32 to vector<256x128xi32>
    %ne3A_2454 = arith.cmpi ne, %and3A_2451, %ne3A_2453 : vector<256x128xi32>
    %select_n3A_2455 = arith.select %ne3A_2454, %roll3A_2444, %roll3A_2442 : vector<256x128xi1>, vector<256x128xi32>
    %select_n3A_2456 = arith.select %ne3A_2454, %roll3A_2448, %roll3A_2446 : vector<256x128xi1>, vector<256x128xi32>
    %and3A_2457 = arith.constant 4096 : i32
    %and3A_2458 = vector.broadcast %and3A_2457 : i32 to vector<256x128xi32>
    %and3A_2459 = arith.andi %add3A, %and3A_2458 : vector<256x128xi32>
    %eq3A_2460 = arith.constant 0 : i32
    %eq3A_2461 = vector.broadcast %eq3A_2460 : i32 to vector<256x128xi32>
    %eq3A_2462 = arith.cmpi eq, %and3A_2459, %eq3A_2461 : vector<256x128xi32>
    %xor3A_2463 = arith.xori %ne3A_2454, %eq3A_2462 : vector<256x128xi1>
    %gt3A_2464 = arith.cmpi sgt, %select_n3A_2439, %select_n3A_2455 : vector<256x128xi32>
    %eq3A_2465 = arith.cmpi eq, %select_n3A_2439, %select_n3A_2455 : vector<256x128xi32>
    %lt3A_2466 = arith.cmpi slt, %select_n3A_2440, %select_n3A_2456 : vector<256x128xi32>
    %and3A_2467 = arith.andi %eq3A_2465, %lt3A_2466 : vector<256x128xi1>
    %or3A_2468 = arith.ori %gt3A_2464, %and3A_2467 : vector<256x128xi1>
    %eq3A_2469 = arith.xori %or3A_2468, %xor3A_2463 : vector<256x128xi1>
    %eq3A_2470 = arith.constant dense<true> : vector<256x128xi1>
    %eq3A_2471 = arith.xori %eq3A_2469, %eq3A_2470 : vector<256x128xi1>
    %select_n3A_2472 = arith.select %eq3A_2471, %select_n3A_2439, %select_n3A_2455 : vector<256x128xi1>, vector<256x128xi32>
    %select_n3A_2473 = arith.select %eq3A_2471, %select_n3A_2440, %select_n3A_2456 : vector<256x128xi1>, vector<256x128xi32>
    %roll3A_2474 = arith.constant 124 : i32
    %roll3A_2475 = tpu.dynamic_rotate %select_n3A_2472 by %roll3A_2474 dim 1 : vector<256x128xi32>, i32 -> vector<256x128xi32>
    %roll3A_2476 = arith.constant 4 : i32
    %roll3A_2477 = tpu.dynamic_rotate %select_n3A_2472 by %roll3A_2476 dim 1 : vector<256x128xi32>, i32 -> vector<256x128xi32>
    %roll3A_2478 = arith.constant 124 : i32
    %roll3A_2479 = tpu.dynamic_rotate %select_n3A_2473 by %roll3A_2478 dim 1 : vector<256x128xi32>, i32 -> vector<256x128xi32>
    %roll3A_2480 = arith.constant 4 : i32
    %roll3A_2481 = tpu.dynamic_rotate %select_n3A_2473 by %roll3A_2480 dim 1 : vector<256x128xi32>, i32 -> vector<256x128xi32>
    %and3A_2482 = arith.constant 4 : i32
    %and3A_2483 = vector.broadcast %and3A_2482 : i32 to vector<256x128xi32>
    %and3A_2484 = arith.andi %add3A, %and3A_2483 : vector<256x128xi32>
    %ne3A_2485 = arith.constant 0 : i32
    %ne3A_2486 = vector.broadcast %ne3A_2485 : i32 to vector<256x128xi32>
    %ne3A_2487 = arith.cmpi ne, %and3A_2484, %ne3A_2486 : vector<256x128xi32>
    %select_n3A_2488 = arith.select %ne3A_2487, %roll3A_2477, %roll3A_2475 : vector<256x128xi1>, vector<256x128xi32>
    %select_n3A_2489 = arith.select %ne3A_2487, %roll3A_2481, %roll3A_2479 : vector<256x128xi1>, vector<256x128xi32>
    %and3A_2490 = arith.constant 4096 : i32
    %and3A_2491 = vector.broadcast %and3A_2490 : i32 to vector<256x128xi32>
    %and3A_2492 = arith.andi %add3A, %and3A_2491 : vector<256x128xi32>
    %eq3A_2493 = arith.constant 0 : i32
    %eq3A_2494 = vector.broadcast %eq3A_2493 : i32 to vector<256x128xi32>
    %eq3A_2495 = arith.cmpi eq, %and3A_2492, %eq3A_2494 : vector<256x128xi32>
    %xor3A_2496 = arith.xori %ne3A_2487, %eq3A_2495 : vector<256x128xi1>
    %gt3A_2497 = arith.cmpi sgt, %select_n3A_2472, %select_n3A_2488 : vector<256x128xi32>
    %eq3A_2498 = arith.cmpi eq, %select_n3A_2472, %select_n3A_2488 : vector<256x128xi32>
    %lt3A_2499 = arith.cmpi slt, %select_n3A_2473, %select_n3A_2489 : vector<256x128xi32>
    %and3A_2500 = arith.andi %eq3A_2498, %lt3A_2499 : vector<256x128xi1>
    %or3A_2501 = arith.ori %gt3A_2497, %and3A_2500 : vector<256x128xi1>
    %eq3A_2502 = arith.xori %or3A_2501, %xor3A_2496 : vector<256x128xi1>
    %eq3A_2503 = arith.constant dense<true> : vector<256x128xi1>
    %eq3A_2504 = arith.xori %eq3A_2502, %eq3A_2503 : vector<256x128xi1>
    %select_n3A_2505 = arith.select %eq3A_2504, %select_n3A_2472, %select_n3A_2488 : vector<256x128xi1>, vector<256x128xi32>
    %select_n3A_2506 = arith.select %eq3A_2504, %select_n3A_2473, %select_n3A_2489 : vector<256x128xi1>, vector<256x128xi32>
    %roll3A_2507 = arith.constant 126 : i32
    %roll3A_2508 = tpu.dynamic_rotate %select_n3A_2505 by %roll3A_2507 dim 1 : vector<256x128xi32>, i32 -> vector<256x128xi32>
    %roll3A_2509 = arith.constant 2 : i32
    %roll3A_2510 = tpu.dynamic_rotate %select_n3A_2505 by %roll3A_2509 dim 1 : vector<256x128xi32>, i32 -> vector<256x128xi32>
    %roll3A_2511 = arith.constant 126 : i32
    %roll3A_2512 = tpu.dynamic_rotate %select_n3A_2506 by %roll3A_2511 dim 1 : vector<256x128xi32>, i32 -> vector<256x128xi32>
    %roll3A_2513 = arith.constant 2 : i32
    %roll3A_2514 = tpu.dynamic_rotate %select_n3A_2506 by %roll3A_2513 dim 1 : vector<256x128xi32>, i32 -> vector<256x128xi32>
    %and3A_2515 = arith.constant 2 : i32
    %and3A_2516 = vector.broadcast %and3A_2515 : i32 to vector<256x128xi32>
    %and3A_2517 = arith.andi %add3A, %and3A_2516 : vector<256x128xi32>
    %ne3A_2518 = arith.constant 0 : i32
    %ne3A_2519 = vector.broadcast %ne3A_2518 : i32 to vector<256x128xi32>
    %ne3A_2520 = arith.cmpi ne, %and3A_2517, %ne3A_2519 : vector<256x128xi32>
    %select_n3A_2521 = arith.select %ne3A_2520, %roll3A_2510, %roll3A_2508 : vector<256x128xi1>, vector<256x128xi32>
    %select_n3A_2522 = arith.select %ne3A_2520, %roll3A_2514, %roll3A_2512 : vector<256x128xi1>, vector<256x128xi32>
    %and3A_2523 = arith.constant 4096 : i32
    %and3A_2524 = vector.broadcast %and3A_2523 : i32 to vector<256x128xi32>
    %and3A_2525 = arith.andi %add3A, %and3A_2524 : vector<256x128xi32>
    %eq3A_2526 = arith.constant 0 : i32
    %eq3A_2527 = vector.broadcast %eq3A_2526 : i32 to vector<256x128xi32>
    %eq3A_2528 = arith.cmpi eq, %and3A_2525, %eq3A_2527 : vector<256x128xi32>
    %xor3A_2529 = arith.xori %ne3A_2520, %eq3A_2528 : vector<256x128xi1>
    %gt3A_2530 = arith.cmpi sgt, %select_n3A_2505, %select_n3A_2521 : vector<256x128xi32>
    %eq3A_2531 = arith.cmpi eq, %select_n3A_2505, %select_n3A_2521 : vector<256x128xi32>
    %lt3A_2532 = arith.cmpi slt, %select_n3A_2506, %select_n3A_2522 : vector<256x128xi32>
    %and3A_2533 = arith.andi %eq3A_2531, %lt3A_2532 : vector<256x128xi1>
    %or3A_2534 = arith.ori %gt3A_2530, %and3A_2533 : vector<256x128xi1>
    %eq3A_2535 = arith.xori %or3A_2534, %xor3A_2529 : vector<256x128xi1>
    %eq3A_2536 = arith.constant dense<true> : vector<256x128xi1>
    %eq3A_2537 = arith.xori %eq3A_2535, %eq3A_2536 : vector<256x128xi1>
    %select_n3A_2538 = arith.select %eq3A_2537, %select_n3A_2505, %select_n3A_2521 : vector<256x128xi1>, vector<256x128xi32>
    %select_n3A_2539 = arith.select %eq3A_2537, %select_n3A_2506, %select_n3A_2522 : vector<256x128xi1>, vector<256x128xi32>
    %roll3A_2540 = arith.constant 127 : i32
    %roll3A_2541 = tpu.dynamic_rotate %select_n3A_2538 by %roll3A_2540 dim 1 : vector<256x128xi32>, i32 -> vector<256x128xi32>
    %roll3A_2542 = arith.constant 1 : i32
    %roll3A_2543 = tpu.dynamic_rotate %select_n3A_2538 by %roll3A_2542 dim 1 : vector<256x128xi32>, i32 -> vector<256x128xi32>
    %roll3A_2544 = arith.constant 127 : i32
    %roll3A_2545 = tpu.dynamic_rotate %select_n3A_2539 by %roll3A_2544 dim 1 : vector<256x128xi32>, i32 -> vector<256x128xi32>
    %roll3A_2546 = arith.constant 1 : i32
    %roll3A_2547 = tpu.dynamic_rotate %select_n3A_2539 by %roll3A_2546 dim 1 : vector<256x128xi32>, i32 -> vector<256x128xi32>
    %and3A_2548 = arith.constant 1 : i32
    %and3A_2549 = vector.broadcast %and3A_2548 : i32 to vector<256x128xi32>
    %and3A_2550 = arith.andi %add3A, %and3A_2549 : vector<256x128xi32>
    %ne3A_2551 = arith.constant 0 : i32
    %ne3A_2552 = vector.broadcast %ne3A_2551 : i32 to vector<256x128xi32>
    %ne3A_2553 = arith.cmpi ne, %and3A_2550, %ne3A_2552 : vector<256x128xi32>
    %select_n3A_2554 = arith.select %ne3A_2553, %roll3A_2543, %roll3A_2541 : vector<256x128xi1>, vector<256x128xi32>
    %select_n3A_2555 = arith.select %ne3A_2553, %roll3A_2547, %roll3A_2545 : vector<256x128xi1>, vector<256x128xi32>
    %and3A_2556 = arith.constant 4096 : i32
    %and3A_2557 = vector.broadcast %and3A_2556 : i32 to vector<256x128xi32>
    %and3A_2558 = arith.andi %add3A, %and3A_2557 : vector<256x128xi32>
    %eq3A_2559 = arith.constant 0 : i32
    %eq3A_2560 = vector.broadcast %eq3A_2559 : i32 to vector<256x128xi32>
    %eq3A_2561 = arith.cmpi eq, %and3A_2558, %eq3A_2560 : vector<256x128xi32>
    %xor3A_2562 = arith.xori %ne3A_2553, %eq3A_2561 : vector<256x128xi1>
    %gt3A_2563 = arith.cmpi sgt, %select_n3A_2538, %select_n3A_2554 : vector<256x128xi32>
    %eq3A_2564 = arith.cmpi eq, %select_n3A_2538, %select_n3A_2554 : vector<256x128xi32>
    %lt3A_2565 = arith.cmpi slt, %select_n3A_2539, %select_n3A_2555 : vector<256x128xi32>
    %and3A_2566 = arith.andi %eq3A_2564, %lt3A_2565 : vector<256x128xi1>
    %or3A_2567 = arith.ori %gt3A_2563, %and3A_2566 : vector<256x128xi1>
    %eq3A_2568 = arith.xori %or3A_2567, %xor3A_2562 : vector<256x128xi1>
    %eq3A_2569 = arith.constant dense<true> : vector<256x128xi1>
    %eq3A_2570 = arith.xori %eq3A_2568, %eq3A_2569 : vector<256x128xi1>
    %select_n3A_2571 = arith.select %eq3A_2570, %select_n3A_2538, %select_n3A_2554 : vector<256x128xi1>, vector<256x128xi32>
    %select_n3A_2572 = arith.select %eq3A_2570, %select_n3A_2539, %select_n3A_2555 : vector<256x128xi1>, vector<256x128xi32>
    %roll3A_2573 = arith.constant 224 : i32
    %roll3A_2574 = tpu.dynamic_rotate %select_n3A_2571 by %roll3A_2573 dim 0 : vector<256x128xi32>, i32 -> vector<256x128xi32>
    %roll3A_2575 = arith.constant 32 : i32
    %roll3A_2576 = tpu.dynamic_rotate %select_n3A_2571 by %roll3A_2575 dim 0 : vector<256x128xi32>, i32 -> vector<256x128xi32>
    %roll3A_2577 = arith.constant 224 : i32
    %roll3A_2578 = tpu.dynamic_rotate %select_n3A_2572 by %roll3A_2577 dim 0 : vector<256x128xi32>, i32 -> vector<256x128xi32>
    %roll3A_2579 = arith.constant 32 : i32
    %roll3A_2580 = tpu.dynamic_rotate %select_n3A_2572 by %roll3A_2579 dim 0 : vector<256x128xi32>, i32 -> vector<256x128xi32>
    %and3A_2581 = arith.constant 4096 : i32
    %and3A_2582 = vector.broadcast %and3A_2581 : i32 to vector<256x128xi32>
    %and3A_2583 = arith.andi %add3A, %and3A_2582 : vector<256x128xi32>
    %ne3A_2584 = arith.constant 0 : i32
    %ne3A_2585 = vector.broadcast %ne3A_2584 : i32 to vector<256x128xi32>
    %ne3A_2586 = arith.cmpi ne, %and3A_2583, %ne3A_2585 : vector<256x128xi32>
    %select_n3A_2587 = arith.select %ne3A_2586, %roll3A_2576, %roll3A_2574 : vector<256x128xi1>, vector<256x128xi32>
    %select_n3A_2588 = arith.select %ne3A_2586, %roll3A_2580, %roll3A_2578 : vector<256x128xi1>, vector<256x128xi32>
    %and3A_2589 = arith.constant 8192 : i32
    %and3A_2590 = vector.broadcast %and3A_2589 : i32 to vector<256x128xi32>
    %and3A_2591 = arith.andi %add3A, %and3A_2590 : vector<256x128xi32>
    %eq3A_2592 = arith.constant 0 : i32
    %eq3A_2593 = vector.broadcast %eq3A_2592 : i32 to vector<256x128xi32>
    %eq3A_2594 = arith.cmpi eq, %and3A_2591, %eq3A_2593 : vector<256x128xi32>
    %xor3A_2595 = arith.xori %ne3A_2586, %eq3A_2594 : vector<256x128xi1>
    %gt3A_2596 = arith.cmpi sgt, %select_n3A_2571, %select_n3A_2587 : vector<256x128xi32>
    %eq3A_2597 = arith.cmpi eq, %select_n3A_2571, %select_n3A_2587 : vector<256x128xi32>
    %lt3A_2598 = arith.cmpi slt, %select_n3A_2572, %select_n3A_2588 : vector<256x128xi32>
    %and3A_2599 = arith.andi %eq3A_2597, %lt3A_2598 : vector<256x128xi1>
    %or3A_2600 = arith.ori %gt3A_2596, %and3A_2599 : vector<256x128xi1>
    %eq3A_2601 = arith.xori %or3A_2600, %xor3A_2595 : vector<256x128xi1>
    %eq3A_2602 = arith.constant dense<true> : vector<256x128xi1>
    %eq3A_2603 = arith.xori %eq3A_2601, %eq3A_2602 : vector<256x128xi1>
    %select_n3A_2604 = arith.select %eq3A_2603, %select_n3A_2571, %select_n3A_2587 : vector<256x128xi1>, vector<256x128xi32>
    %select_n3A_2605 = arith.select %eq3A_2603, %select_n3A_2572, %select_n3A_2588 : vector<256x128xi1>, vector<256x128xi32>
    %roll3A_2606 = arith.constant 240 : i32
    %roll3A_2607 = tpu.dynamic_rotate %select_n3A_2604 by %roll3A_2606 dim 0 : vector<256x128xi32>, i32 -> vector<256x128xi32>
    %roll3A_2608 = arith.constant 16 : i32
    %roll3A_2609 = tpu.dynamic_rotate %select_n3A_2604 by %roll3A_2608 dim 0 : vector<256x128xi32>, i32 -> vector<256x128xi32>
    %roll3A_2610 = arith.constant 240 : i32
    %roll3A_2611 = tpu.dynamic_rotate %select_n3A_2605 by %roll3A_2610 dim 0 : vector<256x128xi32>, i32 -> vector<256x128xi32>
    %roll3A_2612 = arith.constant 16 : i32
    %roll3A_2613 = tpu.dynamic_rotate %select_n3A_2605 by %roll3A_2612 dim 0 : vector<256x128xi32>, i32 -> vector<256x128xi32>
    %and3A_2614 = arith.constant 2048 : i32
    %and3A_2615 = vector.broadcast %and3A_2614 : i32 to vector<256x128xi32>
    %and3A_2616 = arith.andi %add3A, %and3A_2615 : vector<256x128xi32>
    %ne3A_2617 = arith.constant 0 : i32
    %ne3A_2618 = vector.broadcast %ne3A_2617 : i32 to vector<256x128xi32>
    %ne3A_2619 = arith.cmpi ne, %and3A_2616, %ne3A_2618 : vector<256x128xi32>
    %select_n3A_2620 = arith.select %ne3A_2619, %roll3A_2609, %roll3A_2607 : vector<256x128xi1>, vector<256x128xi32>
    %select_n3A_2621 = arith.select %ne3A_2619, %roll3A_2613, %roll3A_2611 : vector<256x128xi1>, vector<256x128xi32>
    %and3A_2622 = arith.constant 8192 : i32
    %and3A_2623 = vector.broadcast %and3A_2622 : i32 to vector<256x128xi32>
    %and3A_2624 = arith.andi %add3A, %and3A_2623 : vector<256x128xi32>
    %eq3A_2625 = arith.constant 0 : i32
    %eq3A_2626 = vector.broadcast %eq3A_2625 : i32 to vector<256x128xi32>
    %eq3A_2627 = arith.cmpi eq, %and3A_2624, %eq3A_2626 : vector<256x128xi32>
    %xor3A_2628 = arith.xori %ne3A_2619, %eq3A_2627 : vector<256x128xi1>
    %gt3A_2629 = arith.cmpi sgt, %select_n3A_2604, %select_n3A_2620 : vector<256x128xi32>
    %eq3A_2630 = arith.cmpi eq, %select_n3A_2604, %select_n3A_2620 : vector<256x128xi32>
    %lt3A_2631 = arith.cmpi slt, %select_n3A_2605, %select_n3A_2621 : vector<256x128xi32>
    %and3A_2632 = arith.andi %eq3A_2630, %lt3A_2631 : vector<256x128xi1>
    %or3A_2633 = arith.ori %gt3A_2629, %and3A_2632 : vector<256x128xi1>
    %eq3A_2634 = arith.xori %or3A_2633, %xor3A_2628 : vector<256x128xi1>
    %eq3A_2635 = arith.constant dense<true> : vector<256x128xi1>
    %eq3A_2636 = arith.xori %eq3A_2634, %eq3A_2635 : vector<256x128xi1>
    %select_n3A_2637 = arith.select %eq3A_2636, %select_n3A_2604, %select_n3A_2620 : vector<256x128xi1>, vector<256x128xi32>
    %select_n3A_2638 = arith.select %eq3A_2636, %select_n3A_2605, %select_n3A_2621 : vector<256x128xi1>, vector<256x128xi32>
    %roll3A_2639 = arith.constant 248 : i32
    %roll3A_2640 = tpu.dynamic_rotate %select_n3A_2637 by %roll3A_2639 dim 0 : vector<256x128xi32>, i32 -> vector<256x128xi32>
    %roll3A_2641 = arith.constant 8 : i32
    %roll3A_2642 = tpu.dynamic_rotate %select_n3A_2637 by %roll3A_2641 dim 0 : vector<256x128xi32>, i32 -> vector<256x128xi32>
    %roll3A_2643 = arith.constant 248 : i32
    %roll3A_2644 = tpu.dynamic_rotate %select_n3A_2638 by %roll3A_2643 dim 0 : vector<256x128xi32>, i32 -> vector<256x128xi32>
    %roll3A_2645 = arith.constant 8 : i32
    %roll3A_2646 = tpu.dynamic_rotate %select_n3A_2638 by %roll3A_2645 dim 0 : vector<256x128xi32>, i32 -> vector<256x128xi32>
    %and3A_2647 = arith.constant 1024 : i32
    %and3A_2648 = vector.broadcast %and3A_2647 : i32 to vector<256x128xi32>
    %and3A_2649 = arith.andi %add3A, %and3A_2648 : vector<256x128xi32>
    %ne3A_2650 = arith.constant 0 : i32
    %ne3A_2651 = vector.broadcast %ne3A_2650 : i32 to vector<256x128xi32>
    %ne3A_2652 = arith.cmpi ne, %and3A_2649, %ne3A_2651 : vector<256x128xi32>
    %select_n3A_2653 = arith.select %ne3A_2652, %roll3A_2642, %roll3A_2640 : vector<256x128xi1>, vector<256x128xi32>
    %select_n3A_2654 = arith.select %ne3A_2652, %roll3A_2646, %roll3A_2644 : vector<256x128xi1>, vector<256x128xi32>
    %and3A_2655 = arith.constant 8192 : i32
    %and3A_2656 = vector.broadcast %and3A_2655 : i32 to vector<256x128xi32>
    %and3A_2657 = arith.andi %add3A, %and3A_2656 : vector<256x128xi32>
    %eq3A_2658 = arith.constant 0 : i32
    %eq3A_2659 = vector.broadcast %eq3A_2658 : i32 to vector<256x128xi32>
    %eq3A_2660 = arith.cmpi eq, %and3A_2657, %eq3A_2659 : vector<256x128xi32>
    %xor3A_2661 = arith.xori %ne3A_2652, %eq3A_2660 : vector<256x128xi1>
    %gt3A_2662 = arith.cmpi sgt, %select_n3A_2637, %select_n3A_2653 : vector<256x128xi32>
    %eq3A_2663 = arith.cmpi eq, %select_n3A_2637, %select_n3A_2653 : vector<256x128xi32>
    %lt3A_2664 = arith.cmpi slt, %select_n3A_2638, %select_n3A_2654 : vector<256x128xi32>
    %and3A_2665 = arith.andi %eq3A_2663, %lt3A_2664 : vector<256x128xi1>
    %or3A_2666 = arith.ori %gt3A_2662, %and3A_2665 : vector<256x128xi1>
    %eq3A_2667 = arith.xori %or3A_2666, %xor3A_2661 : vector<256x128xi1>
    %eq3A_2668 = arith.constant dense<true> : vector<256x128xi1>
    %eq3A_2669 = arith.xori %eq3A_2667, %eq3A_2668 : vector<256x128xi1>
    %select_n3A_2670 = arith.select %eq3A_2669, %select_n3A_2637, %select_n3A_2653 : vector<256x128xi1>, vector<256x128xi32>
    %select_n3A_2671 = arith.select %eq3A_2669, %select_n3A_2638, %select_n3A_2654 : vector<256x128xi1>, vector<256x128xi32>
    %roll3A_2672 = arith.constant 252 : i32
    %roll3A_2673 = tpu.dynamic_rotate %select_n3A_2670 by %roll3A_2672 dim 0 : vector<256x128xi32>, i32 -> vector<256x128xi32>
    %roll3A_2674 = arith.constant 4 : i32
    %roll3A_2675 = tpu.dynamic_rotate %select_n3A_2670 by %roll3A_2674 dim 0 : vector<256x128xi32>, i32 -> vector<256x128xi32>
    %roll3A_2676 = arith.constant 252 : i32
    %roll3A_2677 = tpu.dynamic_rotate %select_n3A_2671 by %roll3A_2676 dim 0 : vector<256x128xi32>, i32 -> vector<256x128xi32>
    %roll3A_2678 = arith.constant 4 : i32
    %roll3A_2679 = tpu.dynamic_rotate %select_n3A_2671 by %roll3A_2678 dim 0 : vector<256x128xi32>, i32 -> vector<256x128xi32>
    %and3A_2680 = arith.constant 512 : i32
    %and3A_2681 = vector.broadcast %and3A_2680 : i32 to vector<256x128xi32>
    %and3A_2682 = arith.andi %add3A, %and3A_2681 : vector<256x128xi32>
    %ne3A_2683 = arith.constant 0 : i32
    %ne3A_2684 = vector.broadcast %ne3A_2683 : i32 to vector<256x128xi32>
    %ne3A_2685 = arith.cmpi ne, %and3A_2682, %ne3A_2684 : vector<256x128xi32>
    %select_n3A_2686 = arith.select %ne3A_2685, %roll3A_2675, %roll3A_2673 : vector<256x128xi1>, vector<256x128xi32>
    %select_n3A_2687 = arith.select %ne3A_2685, %roll3A_2679, %roll3A_2677 : vector<256x128xi1>, vector<256x128xi32>
    %and3A_2688 = arith.constant 8192 : i32
    %and3A_2689 = vector.broadcast %and3A_2688 : i32 to vector<256x128xi32>
    %and3A_2690 = arith.andi %add3A, %and3A_2689 : vector<256x128xi32>
    %eq3A_2691 = arith.constant 0 : i32
    %eq3A_2692 = vector.broadcast %eq3A_2691 : i32 to vector<256x128xi32>
    %eq3A_2693 = arith.cmpi eq, %and3A_2690, %eq3A_2692 : vector<256x128xi32>
    %xor3A_2694 = arith.xori %ne3A_2685, %eq3A_2693 : vector<256x128xi1>
    %gt3A_2695 = arith.cmpi sgt, %select_n3A_2670, %select_n3A_2686 : vector<256x128xi32>
    %eq3A_2696 = arith.cmpi eq, %select_n3A_2670, %select_n3A_2686 : vector<256x128xi32>
    %lt3A_2697 = arith.cmpi slt, %select_n3A_2671, %select_n3A_2687 : vector<256x128xi32>
    %and3A_2698 = arith.andi %eq3A_2696, %lt3A_2697 : vector<256x128xi1>
    %or3A_2699 = arith.ori %gt3A_2695, %and3A_2698 : vector<256x128xi1>
    %eq3A_2700 = arith.xori %or3A_2699, %xor3A_2694 : vector<256x128xi1>
    %eq3A_2701 = arith.constant dense<true> : vector<256x128xi1>
    %eq3A_2702 = arith.xori %eq3A_2700, %eq3A_2701 : vector<256x128xi1>
    %select_n3A_2703 = arith.select %eq3A_2702, %select_n3A_2670, %select_n3A_2686 : vector<256x128xi1>, vector<256x128xi32>
    %select_n3A_2704 = arith.select %eq3A_2702, %select_n3A_2671, %select_n3A_2687 : vector<256x128xi1>, vector<256x128xi32>
    %roll3A_2705 = arith.constant 254 : i32
    %roll3A_2706 = tpu.dynamic_rotate %select_n3A_2703 by %roll3A_2705 dim 0 : vector<256x128xi32>, i32 -> vector<256x128xi32>
    %roll3A_2707 = arith.constant 2 : i32
    %roll3A_2708 = tpu.dynamic_rotate %select_n3A_2703 by %roll3A_2707 dim 0 : vector<256x128xi32>, i32 -> vector<256x128xi32>
    %roll3A_2709 = arith.constant 254 : i32
    %roll3A_2710 = tpu.dynamic_rotate %select_n3A_2704 by %roll3A_2709 dim 0 : vector<256x128xi32>, i32 -> vector<256x128xi32>
    %roll3A_2711 = arith.constant 2 : i32
    %roll3A_2712 = tpu.dynamic_rotate %select_n3A_2704 by %roll3A_2711 dim 0 : vector<256x128xi32>, i32 -> vector<256x128xi32>
    %and3A_2713 = arith.constant 256 : i32
    %and3A_2714 = vector.broadcast %and3A_2713 : i32 to vector<256x128xi32>
    %and3A_2715 = arith.andi %add3A, %and3A_2714 : vector<256x128xi32>
    %ne3A_2716 = arith.constant 0 : i32
    %ne3A_2717 = vector.broadcast %ne3A_2716 : i32 to vector<256x128xi32>
    %ne3A_2718 = arith.cmpi ne, %and3A_2715, %ne3A_2717 : vector<256x128xi32>
    %select_n3A_2719 = arith.select %ne3A_2718, %roll3A_2708, %roll3A_2706 : vector<256x128xi1>, vector<256x128xi32>
    %select_n3A_2720 = arith.select %ne3A_2718, %roll3A_2712, %roll3A_2710 : vector<256x128xi1>, vector<256x128xi32>
    %and3A_2721 = arith.constant 8192 : i32
    %and3A_2722 = vector.broadcast %and3A_2721 : i32 to vector<256x128xi32>
    %and3A_2723 = arith.andi %add3A, %and3A_2722 : vector<256x128xi32>
    %eq3A_2724 = arith.constant 0 : i32
    %eq3A_2725 = vector.broadcast %eq3A_2724 : i32 to vector<256x128xi32>
    %eq3A_2726 = arith.cmpi eq, %and3A_2723, %eq3A_2725 : vector<256x128xi32>
    %xor3A_2727 = arith.xori %ne3A_2718, %eq3A_2726 : vector<256x128xi1>
    %gt3A_2728 = arith.cmpi sgt, %select_n3A_2703, %select_n3A_2719 : vector<256x128xi32>
    %eq3A_2729 = arith.cmpi eq, %select_n3A_2703, %select_n3A_2719 : vector<256x128xi32>
    %lt3A_2730 = arith.cmpi slt, %select_n3A_2704, %select_n3A_2720 : vector<256x128xi32>
    %and3A_2731 = arith.andi %eq3A_2729, %lt3A_2730 : vector<256x128xi1>
    %or3A_2732 = arith.ori %gt3A_2728, %and3A_2731 : vector<256x128xi1>
    %eq3A_2733 = arith.xori %or3A_2732, %xor3A_2727 : vector<256x128xi1>
    %eq3A_2734 = arith.constant dense<true> : vector<256x128xi1>
    %eq3A_2735 = arith.xori %eq3A_2733, %eq3A_2734 : vector<256x128xi1>
    %select_n3A_2736 = arith.select %eq3A_2735, %select_n3A_2703, %select_n3A_2719 : vector<256x128xi1>, vector<256x128xi32>
    %select_n3A_2737 = arith.select %eq3A_2735, %select_n3A_2704, %select_n3A_2720 : vector<256x128xi1>, vector<256x128xi32>
    %roll3A_2738 = arith.constant 255 : i32
    %roll3A_2739 = tpu.dynamic_rotate %select_n3A_2736 by %roll3A_2738 dim 0 : vector<256x128xi32>, i32 -> vector<256x128xi32>
    %roll3A_2740 = arith.constant 1 : i32
    %roll3A_2741 = tpu.dynamic_rotate %select_n3A_2736 by %roll3A_2740 dim 0 : vector<256x128xi32>, i32 -> vector<256x128xi32>
    %roll3A_2742 = arith.constant 255 : i32
    %roll3A_2743 = tpu.dynamic_rotate %select_n3A_2737 by %roll3A_2742 dim 0 : vector<256x128xi32>, i32 -> vector<256x128xi32>
    %roll3A_2744 = arith.constant 1 : i32
    %roll3A_2745 = tpu.dynamic_rotate %select_n3A_2737 by %roll3A_2744 dim 0 : vector<256x128xi32>, i32 -> vector<256x128xi32>
    %and3A_2746 = arith.constant 128 : i32
    %and3A_2747 = vector.broadcast %and3A_2746 : i32 to vector<256x128xi32>
    %and3A_2748 = arith.andi %add3A, %and3A_2747 : vector<256x128xi32>
    %ne3A_2749 = arith.constant 0 : i32
    %ne3A_2750 = vector.broadcast %ne3A_2749 : i32 to vector<256x128xi32>
    %ne3A_2751 = arith.cmpi ne, %and3A_2748, %ne3A_2750 : vector<256x128xi32>
    %select_n3A_2752 = arith.select %ne3A_2751, %roll3A_2741, %roll3A_2739 : vector<256x128xi1>, vector<256x128xi32>
    %select_n3A_2753 = arith.select %ne3A_2751, %roll3A_2745, %roll3A_2743 : vector<256x128xi1>, vector<256x128xi32>
    %and3A_2754 = arith.constant 8192 : i32
    %and3A_2755 = vector.broadcast %and3A_2754 : i32 to vector<256x128xi32>
    %and3A_2756 = arith.andi %add3A, %and3A_2755 : vector<256x128xi32>
    %eq3A_2757 = arith.constant 0 : i32
    %eq3A_2758 = vector.broadcast %eq3A_2757 : i32 to vector<256x128xi32>
    %eq3A_2759 = arith.cmpi eq, %and3A_2756, %eq3A_2758 : vector<256x128xi32>
    %xor3A_2760 = arith.xori %ne3A_2751, %eq3A_2759 : vector<256x128xi1>
    %gt3A_2761 = arith.cmpi sgt, %select_n3A_2736, %select_n3A_2752 : vector<256x128xi32>
    %eq3A_2762 = arith.cmpi eq, %select_n3A_2736, %select_n3A_2752 : vector<256x128xi32>
    %lt3A_2763 = arith.cmpi slt, %select_n3A_2737, %select_n3A_2753 : vector<256x128xi32>
    %and3A_2764 = arith.andi %eq3A_2762, %lt3A_2763 : vector<256x128xi1>
    %or3A_2765 = arith.ori %gt3A_2761, %and3A_2764 : vector<256x128xi1>
    %eq3A_2766 = arith.xori %or3A_2765, %xor3A_2760 : vector<256x128xi1>
    %eq3A_2767 = arith.constant dense<true> : vector<256x128xi1>
    %eq3A_2768 = arith.xori %eq3A_2766, %eq3A_2767 : vector<256x128xi1>
    %select_n3A_2769 = arith.select %eq3A_2768, %select_n3A_2736, %select_n3A_2752 : vector<256x128xi1>, vector<256x128xi32>
    %select_n3A_2770 = arith.select %eq3A_2768, %select_n3A_2737, %select_n3A_2753 : vector<256x128xi1>, vector<256x128xi32>
    %roll3A_2771 = arith.constant 64 : i32
    %roll3A_2772 = tpu.dynamic_rotate %select_n3A_2769 by %roll3A_2771 dim 1 : vector<256x128xi32>, i32 -> vector<256x128xi32>
    %roll3A_2773 = arith.constant 64 : i32
    %roll3A_2774 = tpu.dynamic_rotate %select_n3A_2769 by %roll3A_2773 dim 1 : vector<256x128xi32>, i32 -> vector<256x128xi32>
    %roll3A_2775 = arith.constant 64 : i32
    %roll3A_2776 = tpu.dynamic_rotate %select_n3A_2770 by %roll3A_2775 dim 1 : vector<256x128xi32>, i32 -> vector<256x128xi32>
    %roll3A_2777 = arith.constant 64 : i32
    %roll3A_2778 = tpu.dynamic_rotate %select_n3A_2770 by %roll3A_2777 dim 1 : vector<256x128xi32>, i32 -> vector<256x128xi32>
    %and3A_2779 = arith.constant 64 : i32
    %and3A_2780 = vector.broadcast %and3A_2779 : i32 to vector<256x128xi32>
    %and3A_2781 = arith.andi %add3A, %and3A_2780 : vector<256x128xi32>
    %ne3A_2782 = arith.constant 0 : i32
    %ne3A_2783 = vector.broadcast %ne3A_2782 : i32 to vector<256x128xi32>
    %ne3A_2784 = arith.cmpi ne, %and3A_2781, %ne3A_2783 : vector<256x128xi32>
    %select_n3A_2785 = arith.select %ne3A_2784, %roll3A_2774, %roll3A_2772 : vector<256x128xi1>, vector<256x128xi32>
    %select_n3A_2786 = arith.select %ne3A_2784, %roll3A_2778, %roll3A_2776 : vector<256x128xi1>, vector<256x128xi32>
    %and3A_2787 = arith.constant 8192 : i32
    %and3A_2788 = vector.broadcast %and3A_2787 : i32 to vector<256x128xi32>
    %and3A_2789 = arith.andi %add3A, %and3A_2788 : vector<256x128xi32>
    %eq3A_2790 = arith.constant 0 : i32
    %eq3A_2791 = vector.broadcast %eq3A_2790 : i32 to vector<256x128xi32>
    %eq3A_2792 = arith.cmpi eq, %and3A_2789, %eq3A_2791 : vector<256x128xi32>
    %xor3A_2793 = arith.xori %ne3A_2784, %eq3A_2792 : vector<256x128xi1>
    %gt3A_2794 = arith.cmpi sgt, %select_n3A_2769, %select_n3A_2785 : vector<256x128xi32>
    %eq3A_2795 = arith.cmpi eq, %select_n3A_2769, %select_n3A_2785 : vector<256x128xi32>
    %lt3A_2796 = arith.cmpi slt, %select_n3A_2770, %select_n3A_2786 : vector<256x128xi32>
    %and3A_2797 = arith.andi %eq3A_2795, %lt3A_2796 : vector<256x128xi1>
    %or3A_2798 = arith.ori %gt3A_2794, %and3A_2797 : vector<256x128xi1>
    %eq3A_2799 = arith.xori %or3A_2798, %xor3A_2793 : vector<256x128xi1>
    %eq3A_2800 = arith.constant dense<true> : vector<256x128xi1>
    %eq3A_2801 = arith.xori %eq3A_2799, %eq3A_2800 : vector<256x128xi1>
    %select_n3A_2802 = arith.select %eq3A_2801, %select_n3A_2769, %select_n3A_2785 : vector<256x128xi1>, vector<256x128xi32>
    %select_n3A_2803 = arith.select %eq3A_2801, %select_n3A_2770, %select_n3A_2786 : vector<256x128xi1>, vector<256x128xi32>
    %roll3A_2804 = arith.constant 96 : i32
    %roll3A_2805 = tpu.dynamic_rotate %select_n3A_2802 by %roll3A_2804 dim 1 : vector<256x128xi32>, i32 -> vector<256x128xi32>
    %roll3A_2806 = arith.constant 32 : i32
    %roll3A_2807 = tpu.dynamic_rotate %select_n3A_2802 by %roll3A_2806 dim 1 : vector<256x128xi32>, i32 -> vector<256x128xi32>
    %roll3A_2808 = arith.constant 96 : i32
    %roll3A_2809 = tpu.dynamic_rotate %select_n3A_2803 by %roll3A_2808 dim 1 : vector<256x128xi32>, i32 -> vector<256x128xi32>
    %roll3A_2810 = arith.constant 32 : i32
    %roll3A_2811 = tpu.dynamic_rotate %select_n3A_2803 by %roll3A_2810 dim 1 : vector<256x128xi32>, i32 -> vector<256x128xi32>
    %and3A_2812 = arith.constant 32 : i32
    %and3A_2813 = vector.broadcast %and3A_2812 : i32 to vector<256x128xi32>
    %and3A_2814 = arith.andi %add3A, %and3A_2813 : vector<256x128xi32>
    %ne3A_2815 = arith.constant 0 : i32
    %ne3A_2816 = vector.broadcast %ne3A_2815 : i32 to vector<256x128xi32>
    %ne3A_2817 = arith.cmpi ne, %and3A_2814, %ne3A_2816 : vector<256x128xi32>
    %select_n3A_2818 = arith.select %ne3A_2817, %roll3A_2807, %roll3A_2805 : vector<256x128xi1>, vector<256x128xi32>
    %select_n3A_2819 = arith.select %ne3A_2817, %roll3A_2811, %roll3A_2809 : vector<256x128xi1>, vector<256x128xi32>
    %and3A_2820 = arith.constant 8192 : i32
    %and3A_2821 = vector.broadcast %and3A_2820 : i32 to vector<256x128xi32>
    %and3A_2822 = arith.andi %add3A, %and3A_2821 : vector<256x128xi32>
    %eq3A_2823 = arith.constant 0 : i32
    %eq3A_2824 = vector.broadcast %eq3A_2823 : i32 to vector<256x128xi32>
    %eq3A_2825 = arith.cmpi eq, %and3A_2822, %eq3A_2824 : vector<256x128xi32>
    %xor3A_2826 = arith.xori %ne3A_2817, %eq3A_2825 : vector<256x128xi1>
    %gt3A_2827 = arith.cmpi sgt, %select_n3A_2802, %select_n3A_2818 : vector<256x128xi32>
    %eq3A_2828 = arith.cmpi eq, %select_n3A_2802, %select_n3A_2818 : vector<256x128xi32>
    %lt3A_2829 = arith.cmpi slt, %select_n3A_2803, %select_n3A_2819 : vector<256x128xi32>
    %and3A_2830 = arith.andi %eq3A_2828, %lt3A_2829 : vector<256x128xi1>
    %or3A_2831 = arith.ori %gt3A_2827, %and3A_2830 : vector<256x128xi1>
    %eq3A_2832 = arith.xori %or3A_2831, %xor3A_2826 : vector<256x128xi1>
    %eq3A_2833 = arith.constant dense<true> : vector<256x128xi1>
    %eq3A_2834 = arith.xori %eq3A_2832, %eq3A_2833 : vector<256x128xi1>
    %select_n3A_2835 = arith.select %eq3A_2834, %select_n3A_2802, %select_n3A_2818 : vector<256x128xi1>, vector<256x128xi32>
    %select_n3A_2836 = arith.select %eq3A_2834, %select_n3A_2803, %select_n3A_2819 : vector<256x128xi1>, vector<256x128xi32>
    %roll3A_2837 = arith.constant 112 : i32
    %roll3A_2838 = tpu.dynamic_rotate %select_n3A_2835 by %roll3A_2837 dim 1 : vector<256x128xi32>, i32 -> vector<256x128xi32>
    %roll3A_2839 = arith.constant 16 : i32
    %roll3A_2840 = tpu.dynamic_rotate %select_n3A_2835 by %roll3A_2839 dim 1 : vector<256x128xi32>, i32 -> vector<256x128xi32>
    %roll3A_2841 = arith.constant 112 : i32
    %roll3A_2842 = tpu.dynamic_rotate %select_n3A_2836 by %roll3A_2841 dim 1 : vector<256x128xi32>, i32 -> vector<256x128xi32>
    %roll3A_2843 = arith.constant 16 : i32
    %roll3A_2844 = tpu.dynamic_rotate %select_n3A_2836 by %roll3A_2843 dim 1 : vector<256x128xi32>, i32 -> vector<256x128xi32>
    %and3A_2845 = arith.constant 16 : i32
    %and3A_2846 = vector.broadcast %and3A_2845 : i32 to vector<256x128xi32>
    %and3A_2847 = arith.andi %add3A, %and3A_2846 : vector<256x128xi32>
    %ne3A_2848 = arith.constant 0 : i32
    %ne3A_2849 = vector.broadcast %ne3A_2848 : i32 to vector<256x128xi32>
    %ne3A_2850 = arith.cmpi ne, %and3A_2847, %ne3A_2849 : vector<256x128xi32>
    %select_n3A_2851 = arith.select %ne3A_2850, %roll3A_2840, %roll3A_2838 : vector<256x128xi1>, vector<256x128xi32>
    %select_n3A_2852 = arith.select %ne3A_2850, %roll3A_2844, %roll3A_2842 : vector<256x128xi1>, vector<256x128xi32>
    %and3A_2853 = arith.constant 8192 : i32
    %and3A_2854 = vector.broadcast %and3A_2853 : i32 to vector<256x128xi32>
    %and3A_2855 = arith.andi %add3A, %and3A_2854 : vector<256x128xi32>
    %eq3A_2856 = arith.constant 0 : i32
    %eq3A_2857 = vector.broadcast %eq3A_2856 : i32 to vector<256x128xi32>
    %eq3A_2858 = arith.cmpi eq, %and3A_2855, %eq3A_2857 : vector<256x128xi32>
    %xor3A_2859 = arith.xori %ne3A_2850, %eq3A_2858 : vector<256x128xi1>
    %gt3A_2860 = arith.cmpi sgt, %select_n3A_2835, %select_n3A_2851 : vector<256x128xi32>
    %eq3A_2861 = arith.cmpi eq, %select_n3A_2835, %select_n3A_2851 : vector<256x128xi32>
    %lt3A_2862 = arith.cmpi slt, %select_n3A_2836, %select_n3A_2852 : vector<256x128xi32>
    %and3A_2863 = arith.andi %eq3A_2861, %lt3A_2862 : vector<256x128xi1>
    %or3A_2864 = arith.ori %gt3A_2860, %and3A_2863 : vector<256x128xi1>
    %eq3A_2865 = arith.xori %or3A_2864, %xor3A_2859 : vector<256x128xi1>
    %eq3A_2866 = arith.constant dense<true> : vector<256x128xi1>
    %eq3A_2867 = arith.xori %eq3A_2865, %eq3A_2866 : vector<256x128xi1>
    %select_n3A_2868 = arith.select %eq3A_2867, %select_n3A_2835, %select_n3A_2851 : vector<256x128xi1>, vector<256x128xi32>
    %select_n3A_2869 = arith.select %eq3A_2867, %select_n3A_2836, %select_n3A_2852 : vector<256x128xi1>, vector<256x128xi32>
    %roll3A_2870 = arith.constant 120 : i32
    %roll3A_2871 = tpu.dynamic_rotate %select_n3A_2868 by %roll3A_2870 dim 1 : vector<256x128xi32>, i32 -> vector<256x128xi32>
    %roll3A_2872 = arith.constant 8 : i32
    %roll3A_2873 = tpu.dynamic_rotate %select_n3A_2868 by %roll3A_2872 dim 1 : vector<256x128xi32>, i32 -> vector<256x128xi32>
    %roll3A_2874 = arith.constant 120 : i32
    %roll3A_2875 = tpu.dynamic_rotate %select_n3A_2869 by %roll3A_2874 dim 1 : vector<256x128xi32>, i32 -> vector<256x128xi32>
    %roll3A_2876 = arith.constant 8 : i32
    %roll3A_2877 = tpu.dynamic_rotate %select_n3A_2869 by %roll3A_2876 dim 1 : vector<256x128xi32>, i32 -> vector<256x128xi32>
    %and3A_2878 = arith.constant 8 : i32
    %and3A_2879 = vector.broadcast %and3A_2878 : i32 to vector<256x128xi32>
    %and3A_2880 = arith.andi %add3A, %and3A_2879 : vector<256x128xi32>
    %ne3A_2881 = arith.constant 0 : i32
    %ne3A_2882 = vector.broadcast %ne3A_2881 : i32 to vector<256x128xi32>
    %ne3A_2883 = arith.cmpi ne, %and3A_2880, %ne3A_2882 : vector<256x128xi32>
    %select_n3A_2884 = arith.select %ne3A_2883, %roll3A_2873, %roll3A_2871 : vector<256x128xi1>, vector<256x128xi32>
    %select_n3A_2885 = arith.select %ne3A_2883, %roll3A_2877, %roll3A_2875 : vector<256x128xi1>, vector<256x128xi32>
    %and3A_2886 = arith.constant 8192 : i32
    %and3A_2887 = vector.broadcast %and3A_2886 : i32 to vector<256x128xi32>
    %and3A_2888 = arith.andi %add3A, %and3A_2887 : vector<256x128xi32>
    %eq3A_2889 = arith.constant 0 : i32
    %eq3A_2890 = vector.broadcast %eq3A_2889 : i32 to vector<256x128xi32>
    %eq3A_2891 = arith.cmpi eq, %and3A_2888, %eq3A_2890 : vector<256x128xi32>
    %xor3A_2892 = arith.xori %ne3A_2883, %eq3A_2891 : vector<256x128xi1>
    %gt3A_2893 = arith.cmpi sgt, %select_n3A_2868, %select_n3A_2884 : vector<256x128xi32>
    %eq3A_2894 = arith.cmpi eq, %select_n3A_2868, %select_n3A_2884 : vector<256x128xi32>
    %lt3A_2895 = arith.cmpi slt, %select_n3A_2869, %select_n3A_2885 : vector<256x128xi32>
    %and3A_2896 = arith.andi %eq3A_2894, %lt3A_2895 : vector<256x128xi1>
    %or3A_2897 = arith.ori %gt3A_2893, %and3A_2896 : vector<256x128xi1>
    %eq3A_2898 = arith.xori %or3A_2897, %xor3A_2892 : vector<256x128xi1>
    %eq3A_2899 = arith.constant dense<true> : vector<256x128xi1>
    %eq3A_2900 = arith.xori %eq3A_2898, %eq3A_2899 : vector<256x128xi1>
    %select_n3A_2901 = arith.select %eq3A_2900, %select_n3A_2868, %select_n3A_2884 : vector<256x128xi1>, vector<256x128xi32>
    %select_n3A_2902 = arith.select %eq3A_2900, %select_n3A_2869, %select_n3A_2885 : vector<256x128xi1>, vector<256x128xi32>
    %roll3A_2903 = arith.constant 124 : i32
    %roll3A_2904 = tpu.dynamic_rotate %select_n3A_2901 by %roll3A_2903 dim 1 : vector<256x128xi32>, i32 -> vector<256x128xi32>
    %roll3A_2905 = arith.constant 4 : i32
    %roll3A_2906 = tpu.dynamic_rotate %select_n3A_2901 by %roll3A_2905 dim 1 : vector<256x128xi32>, i32 -> vector<256x128xi32>
    %roll3A_2907 = arith.constant 124 : i32
    %roll3A_2908 = tpu.dynamic_rotate %select_n3A_2902 by %roll3A_2907 dim 1 : vector<256x128xi32>, i32 -> vector<256x128xi32>
    %roll3A_2909 = arith.constant 4 : i32
    %roll3A_2910 = tpu.dynamic_rotate %select_n3A_2902 by %roll3A_2909 dim 1 : vector<256x128xi32>, i32 -> vector<256x128xi32>
    %and3A_2911 = arith.constant 4 : i32
    %and3A_2912 = vector.broadcast %and3A_2911 : i32 to vector<256x128xi32>
    %and3A_2913 = arith.andi %add3A, %and3A_2912 : vector<256x128xi32>
    %ne3A_2914 = arith.constant 0 : i32
    %ne3A_2915 = vector.broadcast %ne3A_2914 : i32 to vector<256x128xi32>
    %ne3A_2916 = arith.cmpi ne, %and3A_2913, %ne3A_2915 : vector<256x128xi32>
    %select_n3A_2917 = arith.select %ne3A_2916, %roll3A_2906, %roll3A_2904 : vector<256x128xi1>, vector<256x128xi32>
    %select_n3A_2918 = arith.select %ne3A_2916, %roll3A_2910, %roll3A_2908 : vector<256x128xi1>, vector<256x128xi32>
    %and3A_2919 = arith.constant 8192 : i32
    %and3A_2920 = vector.broadcast %and3A_2919 : i32 to vector<256x128xi32>
    %and3A_2921 = arith.andi %add3A, %and3A_2920 : vector<256x128xi32>
    %eq3A_2922 = arith.constant 0 : i32
    %eq3A_2923 = vector.broadcast %eq3A_2922 : i32 to vector<256x128xi32>
    %eq3A_2924 = arith.cmpi eq, %and3A_2921, %eq3A_2923 : vector<256x128xi32>
    %xor3A_2925 = arith.xori %ne3A_2916, %eq3A_2924 : vector<256x128xi1>
    %gt3A_2926 = arith.cmpi sgt, %select_n3A_2901, %select_n3A_2917 : vector<256x128xi32>
    %eq3A_2927 = arith.cmpi eq, %select_n3A_2901, %select_n3A_2917 : vector<256x128xi32>
    %lt3A_2928 = arith.cmpi slt, %select_n3A_2902, %select_n3A_2918 : vector<256x128xi32>
    %and3A_2929 = arith.andi %eq3A_2927, %lt3A_2928 : vector<256x128xi1>
    %or3A_2930 = arith.ori %gt3A_2926, %and3A_2929 : vector<256x128xi1>
    %eq3A_2931 = arith.xori %or3A_2930, %xor3A_2925 : vector<256x128xi1>
    %eq3A_2932 = arith.constant dense<true> : vector<256x128xi1>
    %eq3A_2933 = arith.xori %eq3A_2931, %eq3A_2932 : vector<256x128xi1>
    %select_n3A_2934 = arith.select %eq3A_2933, %select_n3A_2901, %select_n3A_2917 : vector<256x128xi1>, vector<256x128xi32>
    %select_n3A_2935 = arith.select %eq3A_2933, %select_n3A_2902, %select_n3A_2918 : vector<256x128xi1>, vector<256x128xi32>
    %roll3A_2936 = arith.constant 126 : i32
    %roll3A_2937 = tpu.dynamic_rotate %select_n3A_2934 by %roll3A_2936 dim 1 : vector<256x128xi32>, i32 -> vector<256x128xi32>
    %roll3A_2938 = arith.constant 2 : i32
    %roll3A_2939 = tpu.dynamic_rotate %select_n3A_2934 by %roll3A_2938 dim 1 : vector<256x128xi32>, i32 -> vector<256x128xi32>
    %roll3A_2940 = arith.constant 126 : i32
    %roll3A_2941 = tpu.dynamic_rotate %select_n3A_2935 by %roll3A_2940 dim 1 : vector<256x128xi32>, i32 -> vector<256x128xi32>
    %roll3A_2942 = arith.constant 2 : i32
    %roll3A_2943 = tpu.dynamic_rotate %select_n3A_2935 by %roll3A_2942 dim 1 : vector<256x128xi32>, i32 -> vector<256x128xi32>
    %and3A_2944 = arith.constant 2 : i32
    %and3A_2945 = vector.broadcast %and3A_2944 : i32 to vector<256x128xi32>
    %and3A_2946 = arith.andi %add3A, %and3A_2945 : vector<256x128xi32>
    %ne3A_2947 = arith.constant 0 : i32
    %ne3A_2948 = vector.broadcast %ne3A_2947 : i32 to vector<256x128xi32>
    %ne3A_2949 = arith.cmpi ne, %and3A_2946, %ne3A_2948 : vector<256x128xi32>
    %select_n3A_2950 = arith.select %ne3A_2949, %roll3A_2939, %roll3A_2937 : vector<256x128xi1>, vector<256x128xi32>
    %select_n3A_2951 = arith.select %ne3A_2949, %roll3A_2943, %roll3A_2941 : vector<256x128xi1>, vector<256x128xi32>
    %and3A_2952 = arith.constant 8192 : i32
    %and3A_2953 = vector.broadcast %and3A_2952 : i32 to vector<256x128xi32>
    %and3A_2954 = arith.andi %add3A, %and3A_2953 : vector<256x128xi32>
    %eq3A_2955 = arith.constant 0 : i32
    %eq3A_2956 = vector.broadcast %eq3A_2955 : i32 to vector<256x128xi32>
    %eq3A_2957 = arith.cmpi eq, %and3A_2954, %eq3A_2956 : vector<256x128xi32>
    %xor3A_2958 = arith.xori %ne3A_2949, %eq3A_2957 : vector<256x128xi1>
    %gt3A_2959 = arith.cmpi sgt, %select_n3A_2934, %select_n3A_2950 : vector<256x128xi32>
    %eq3A_2960 = arith.cmpi eq, %select_n3A_2934, %select_n3A_2950 : vector<256x128xi32>
    %lt3A_2961 = arith.cmpi slt, %select_n3A_2935, %select_n3A_2951 : vector<256x128xi32>
    %and3A_2962 = arith.andi %eq3A_2960, %lt3A_2961 : vector<256x128xi1>
    %or3A_2963 = arith.ori %gt3A_2959, %and3A_2962 : vector<256x128xi1>
    %eq3A_2964 = arith.xori %or3A_2963, %xor3A_2958 : vector<256x128xi1>
    %eq3A_2965 = arith.constant dense<true> : vector<256x128xi1>
    %eq3A_2966 = arith.xori %eq3A_2964, %eq3A_2965 : vector<256x128xi1>
    %select_n3A_2967 = arith.select %eq3A_2966, %select_n3A_2934, %select_n3A_2950 : vector<256x128xi1>, vector<256x128xi32>
    %select_n3A_2968 = arith.select %eq3A_2966, %select_n3A_2935, %select_n3A_2951 : vector<256x128xi1>, vector<256x128xi32>
    %roll3A_2969 = arith.constant 127 : i32
    %roll3A_2970 = tpu.dynamic_rotate %select_n3A_2967 by %roll3A_2969 dim 1 : vector<256x128xi32>, i32 -> vector<256x128xi32>
    %roll3A_2971 = arith.constant 1 : i32
    %roll3A_2972 = tpu.dynamic_rotate %select_n3A_2967 by %roll3A_2971 dim 1 : vector<256x128xi32>, i32 -> vector<256x128xi32>
    %roll3A_2973 = arith.constant 127 : i32
    %roll3A_2974 = tpu.dynamic_rotate %select_n3A_2968 by %roll3A_2973 dim 1 : vector<256x128xi32>, i32 -> vector<256x128xi32>
    %roll3A_2975 = arith.constant 1 : i32
    %roll3A_2976 = tpu.dynamic_rotate %select_n3A_2968 by %roll3A_2975 dim 1 : vector<256x128xi32>, i32 -> vector<256x128xi32>
    %and3A_2977 = arith.constant 1 : i32
    %and3A_2978 = vector.broadcast %and3A_2977 : i32 to vector<256x128xi32>
    %and3A_2979 = arith.andi %add3A, %and3A_2978 : vector<256x128xi32>
    %ne3A_2980 = arith.constant 0 : i32
    %ne3A_2981 = vector.broadcast %ne3A_2980 : i32 to vector<256x128xi32>
    %ne3A_2982 = arith.cmpi ne, %and3A_2979, %ne3A_2981 : vector<256x128xi32>
    %select_n3A_2983 = arith.select %ne3A_2982, %roll3A_2972, %roll3A_2970 : vector<256x128xi1>, vector<256x128xi32>
    %select_n3A_2984 = arith.select %ne3A_2982, %roll3A_2976, %roll3A_2974 : vector<256x128xi1>, vector<256x128xi32>
    %and3A_2985 = arith.constant 8192 : i32
    %and3A_2986 = vector.broadcast %and3A_2985 : i32 to vector<256x128xi32>
    %and3A_2987 = arith.andi %add3A, %and3A_2986 : vector<256x128xi32>
    %eq3A_2988 = arith.constant 0 : i32
    %eq3A_2989 = vector.broadcast %eq3A_2988 : i32 to vector<256x128xi32>
    %eq3A_2990 = arith.cmpi eq, %and3A_2987, %eq3A_2989 : vector<256x128xi32>
    %xor3A_2991 = arith.xori %ne3A_2982, %eq3A_2990 : vector<256x128xi1>
    %gt3A_2992 = arith.cmpi sgt, %select_n3A_2967, %select_n3A_2983 : vector<256x128xi32>
    %eq3A_2993 = arith.cmpi eq, %select_n3A_2967, %select_n3A_2983 : vector<256x128xi32>
    %lt3A_2994 = arith.cmpi slt, %select_n3A_2968, %select_n3A_2984 : vector<256x128xi32>
    %and3A_2995 = arith.andi %eq3A_2993, %lt3A_2994 : vector<256x128xi1>
    %or3A_2996 = arith.ori %gt3A_2992, %and3A_2995 : vector<256x128xi1>
    %eq3A_2997 = arith.xori %or3A_2996, %xor3A_2991 : vector<256x128xi1>
    %eq3A_2998 = arith.constant dense<true> : vector<256x128xi1>
    %eq3A_2999 = arith.xori %eq3A_2997, %eq3A_2998 : vector<256x128xi1>
    %select_n3A_3000 = arith.select %eq3A_2999, %select_n3A_2967, %select_n3A_2983 : vector<256x128xi1>, vector<256x128xi32>
    %select_n3A_3001 = arith.select %eq3A_2999, %select_n3A_2968, %select_n3A_2984 : vector<256x128xi1>, vector<256x128xi32>
    %roll3A_3002 = arith.constant 192 : i32
    %roll3A_3003 = tpu.dynamic_rotate %select_n3A_3000 by %roll3A_3002 dim 0 : vector<256x128xi32>, i32 -> vector<256x128xi32>
    %roll3A_3004 = arith.constant 64 : i32
    %roll3A_3005 = tpu.dynamic_rotate %select_n3A_3000 by %roll3A_3004 dim 0 : vector<256x128xi32>, i32 -> vector<256x128xi32>
    %roll3A_3006 = arith.constant 192 : i32
    %roll3A_3007 = tpu.dynamic_rotate %select_n3A_3001 by %roll3A_3006 dim 0 : vector<256x128xi32>, i32 -> vector<256x128xi32>
    %roll3A_3008 = arith.constant 64 : i32
    %roll3A_3009 = tpu.dynamic_rotate %select_n3A_3001 by %roll3A_3008 dim 0 : vector<256x128xi32>, i32 -> vector<256x128xi32>
    %and3A_3010 = arith.constant 8192 : i32
    %and3A_3011 = vector.broadcast %and3A_3010 : i32 to vector<256x128xi32>
    %and3A_3012 = arith.andi %add3A, %and3A_3011 : vector<256x128xi32>
    %ne3A_3013 = arith.constant 0 : i32
    %ne3A_3014 = vector.broadcast %ne3A_3013 : i32 to vector<256x128xi32>
    %ne3A_3015 = arith.cmpi ne, %and3A_3012, %ne3A_3014 : vector<256x128xi32>
    %select_n3A_3016 = arith.select %ne3A_3015, %roll3A_3005, %roll3A_3003 : vector<256x128xi1>, vector<256x128xi32>
    %select_n3A_3017 = arith.select %ne3A_3015, %roll3A_3009, %roll3A_3007 : vector<256x128xi1>, vector<256x128xi32>
    %and3A_3018 = arith.constant 16384 : i32
    %and3A_3019 = vector.broadcast %and3A_3018 : i32 to vector<256x128xi32>
    %and3A_3020 = arith.andi %add3A, %and3A_3019 : vector<256x128xi32>
    %eq3A_3021 = arith.constant 0 : i32
    %eq3A_3022 = vector.broadcast %eq3A_3021 : i32 to vector<256x128xi32>
    %eq3A_3023 = arith.cmpi eq, %and3A_3020, %eq3A_3022 : vector<256x128xi32>
    %xor3A_3024 = arith.xori %ne3A_3015, %eq3A_3023 : vector<256x128xi1>
    %gt3A_3025 = arith.cmpi sgt, %select_n3A_3000, %select_n3A_3016 : vector<256x128xi32>
    %eq3A_3026 = arith.cmpi eq, %select_n3A_3000, %select_n3A_3016 : vector<256x128xi32>
    %lt3A_3027 = arith.cmpi slt, %select_n3A_3001, %select_n3A_3017 : vector<256x128xi32>
    %and3A_3028 = arith.andi %eq3A_3026, %lt3A_3027 : vector<256x128xi1>
    %or3A_3029 = arith.ori %gt3A_3025, %and3A_3028 : vector<256x128xi1>
    %eq3A_3030 = arith.xori %or3A_3029, %xor3A_3024 : vector<256x128xi1>
    %eq3A_3031 = arith.constant dense<true> : vector<256x128xi1>
    %eq3A_3032 = arith.xori %eq3A_3030, %eq3A_3031 : vector<256x128xi1>
    %select_n3A_3033 = arith.select %eq3A_3032, %select_n3A_3000, %select_n3A_3016 : vector<256x128xi1>, vector<256x128xi32>
    %select_n3A_3034 = arith.select %eq3A_3032, %select_n3A_3001, %select_n3A_3017 : vector<256x128xi1>, vector<256x128xi32>
    %roll3A_3035 = arith.constant 224 : i32
    %roll3A_3036 = tpu.dynamic_rotate %select_n3A_3033 by %roll3A_3035 dim 0 : vector<256x128xi32>, i32 -> vector<256x128xi32>
    %roll3A_3037 = arith.constant 32 : i32
    %roll3A_3038 = tpu.dynamic_rotate %select_n3A_3033 by %roll3A_3037 dim 0 : vector<256x128xi32>, i32 -> vector<256x128xi32>
    %roll3A_3039 = arith.constant 224 : i32
    %roll3A_3040 = tpu.dynamic_rotate %select_n3A_3034 by %roll3A_3039 dim 0 : vector<256x128xi32>, i32 -> vector<256x128xi32>
    %roll3A_3041 = arith.constant 32 : i32
    %roll3A_3042 = tpu.dynamic_rotate %select_n3A_3034 by %roll3A_3041 dim 0 : vector<256x128xi32>, i32 -> vector<256x128xi32>
    %and3A_3043 = arith.constant 4096 : i32
    %and3A_3044 = vector.broadcast %and3A_3043 : i32 to vector<256x128xi32>
    %and3A_3045 = arith.andi %add3A, %and3A_3044 : vector<256x128xi32>
    %ne3A_3046 = arith.constant 0 : i32
    %ne3A_3047 = vector.broadcast %ne3A_3046 : i32 to vector<256x128xi32>
    %ne3A_3048 = arith.cmpi ne, %and3A_3045, %ne3A_3047 : vector<256x128xi32>
    %select_n3A_3049 = arith.select %ne3A_3048, %roll3A_3038, %roll3A_3036 : vector<256x128xi1>, vector<256x128xi32>
    %select_n3A_3050 = arith.select %ne3A_3048, %roll3A_3042, %roll3A_3040 : vector<256x128xi1>, vector<256x128xi32>
    %and3A_3051 = arith.constant 16384 : i32
    %and3A_3052 = vector.broadcast %and3A_3051 : i32 to vector<256x128xi32>
    %and3A_3053 = arith.andi %add3A, %and3A_3052 : vector<256x128xi32>
    %eq3A_3054 = arith.constant 0 : i32
    %eq3A_3055 = vector.broadcast %eq3A_3054 : i32 to vector<256x128xi32>
    %eq3A_3056 = arith.cmpi eq, %and3A_3053, %eq3A_3055 : vector<256x128xi32>
    %xor3A_3057 = arith.xori %ne3A_3048, %eq3A_3056 : vector<256x128xi1>
    %gt3A_3058 = arith.cmpi sgt, %select_n3A_3033, %select_n3A_3049 : vector<256x128xi32>
    %eq3A_3059 = arith.cmpi eq, %select_n3A_3033, %select_n3A_3049 : vector<256x128xi32>
    %lt3A_3060 = arith.cmpi slt, %select_n3A_3034, %select_n3A_3050 : vector<256x128xi32>
    %and3A_3061 = arith.andi %eq3A_3059, %lt3A_3060 : vector<256x128xi1>
    %or3A_3062 = arith.ori %gt3A_3058, %and3A_3061 : vector<256x128xi1>
    %eq3A_3063 = arith.xori %or3A_3062, %xor3A_3057 : vector<256x128xi1>
    %eq3A_3064 = arith.constant dense<true> : vector<256x128xi1>
    %eq3A_3065 = arith.xori %eq3A_3063, %eq3A_3064 : vector<256x128xi1>
    %select_n3A_3066 = arith.select %eq3A_3065, %select_n3A_3033, %select_n3A_3049 : vector<256x128xi1>, vector<256x128xi32>
    %select_n3A_3067 = arith.select %eq3A_3065, %select_n3A_3034, %select_n3A_3050 : vector<256x128xi1>, vector<256x128xi32>
    %roll3A_3068 = arith.constant 240 : i32
    %roll3A_3069 = tpu.dynamic_rotate %select_n3A_3066 by %roll3A_3068 dim 0 : vector<256x128xi32>, i32 -> vector<256x128xi32>
    %roll3A_3070 = arith.constant 16 : i32
    %roll3A_3071 = tpu.dynamic_rotate %select_n3A_3066 by %roll3A_3070 dim 0 : vector<256x128xi32>, i32 -> vector<256x128xi32>
    %roll3A_3072 = arith.constant 240 : i32
    %roll3A_3073 = tpu.dynamic_rotate %select_n3A_3067 by %roll3A_3072 dim 0 : vector<256x128xi32>, i32 -> vector<256x128xi32>
    %roll3A_3074 = arith.constant 16 : i32
    %roll3A_3075 = tpu.dynamic_rotate %select_n3A_3067 by %roll3A_3074 dim 0 : vector<256x128xi32>, i32 -> vector<256x128xi32>
    %and3A_3076 = arith.constant 2048 : i32
    %and3A_3077 = vector.broadcast %and3A_3076 : i32 to vector<256x128xi32>
    %and3A_3078 = arith.andi %add3A, %and3A_3077 : vector<256x128xi32>
    %ne3A_3079 = arith.constant 0 : i32
    %ne3A_3080 = vector.broadcast %ne3A_3079 : i32 to vector<256x128xi32>
    %ne3A_3081 = arith.cmpi ne, %and3A_3078, %ne3A_3080 : vector<256x128xi32>
    %select_n3A_3082 = arith.select %ne3A_3081, %roll3A_3071, %roll3A_3069 : vector<256x128xi1>, vector<256x128xi32>
    %select_n3A_3083 = arith.select %ne3A_3081, %roll3A_3075, %roll3A_3073 : vector<256x128xi1>, vector<256x128xi32>
    %and3A_3084 = arith.constant 16384 : i32
    %and3A_3085 = vector.broadcast %and3A_3084 : i32 to vector<256x128xi32>
    %and3A_3086 = arith.andi %add3A, %and3A_3085 : vector<256x128xi32>
    %eq3A_3087 = arith.constant 0 : i32
    %eq3A_3088 = vector.broadcast %eq3A_3087 : i32 to vector<256x128xi32>
    %eq3A_3089 = arith.cmpi eq, %and3A_3086, %eq3A_3088 : vector<256x128xi32>
    %xor3A_3090 = arith.xori %ne3A_3081, %eq3A_3089 : vector<256x128xi1>
    %gt3A_3091 = arith.cmpi sgt, %select_n3A_3066, %select_n3A_3082 : vector<256x128xi32>
    %eq3A_3092 = arith.cmpi eq, %select_n3A_3066, %select_n3A_3082 : vector<256x128xi32>
    %lt3A_3093 = arith.cmpi slt, %select_n3A_3067, %select_n3A_3083 : vector<256x128xi32>
    %and3A_3094 = arith.andi %eq3A_3092, %lt3A_3093 : vector<256x128xi1>
    %or3A_3095 = arith.ori %gt3A_3091, %and3A_3094 : vector<256x128xi1>
    %eq3A_3096 = arith.xori %or3A_3095, %xor3A_3090 : vector<256x128xi1>
    %eq3A_3097 = arith.constant dense<true> : vector<256x128xi1>
    %eq3A_3098 = arith.xori %eq3A_3096, %eq3A_3097 : vector<256x128xi1>
    %select_n3A_3099 = arith.select %eq3A_3098, %select_n3A_3066, %select_n3A_3082 : vector<256x128xi1>, vector<256x128xi32>
    %select_n3A_3100 = arith.select %eq3A_3098, %select_n3A_3067, %select_n3A_3083 : vector<256x128xi1>, vector<256x128xi32>
    %roll3A_3101 = arith.constant 248 : i32
    %roll3A_3102 = tpu.dynamic_rotate %select_n3A_3099 by %roll3A_3101 dim 0 : vector<256x128xi32>, i32 -> vector<256x128xi32>
    %roll3A_3103 = arith.constant 8 : i32
    %roll3A_3104 = tpu.dynamic_rotate %select_n3A_3099 by %roll3A_3103 dim 0 : vector<256x128xi32>, i32 -> vector<256x128xi32>
    %roll3A_3105 = arith.constant 248 : i32
    %roll3A_3106 = tpu.dynamic_rotate %select_n3A_3100 by %roll3A_3105 dim 0 : vector<256x128xi32>, i32 -> vector<256x128xi32>
    %roll3A_3107 = arith.constant 8 : i32
    %roll3A_3108 = tpu.dynamic_rotate %select_n3A_3100 by %roll3A_3107 dim 0 : vector<256x128xi32>, i32 -> vector<256x128xi32>
    %and3A_3109 = arith.constant 1024 : i32
    %and3A_3110 = vector.broadcast %and3A_3109 : i32 to vector<256x128xi32>
    %and3A_3111 = arith.andi %add3A, %and3A_3110 : vector<256x128xi32>
    %ne3A_3112 = arith.constant 0 : i32
    %ne3A_3113 = vector.broadcast %ne3A_3112 : i32 to vector<256x128xi32>
    %ne3A_3114 = arith.cmpi ne, %and3A_3111, %ne3A_3113 : vector<256x128xi32>
    %select_n3A_3115 = arith.select %ne3A_3114, %roll3A_3104, %roll3A_3102 : vector<256x128xi1>, vector<256x128xi32>
    %select_n3A_3116 = arith.select %ne3A_3114, %roll3A_3108, %roll3A_3106 : vector<256x128xi1>, vector<256x128xi32>
    %and3A_3117 = arith.constant 16384 : i32
    %and3A_3118 = vector.broadcast %and3A_3117 : i32 to vector<256x128xi32>
    %and3A_3119 = arith.andi %add3A, %and3A_3118 : vector<256x128xi32>
    %eq3A_3120 = arith.constant 0 : i32
    %eq3A_3121 = vector.broadcast %eq3A_3120 : i32 to vector<256x128xi32>
    %eq3A_3122 = arith.cmpi eq, %and3A_3119, %eq3A_3121 : vector<256x128xi32>
    %xor3A_3123 = arith.xori %ne3A_3114, %eq3A_3122 : vector<256x128xi1>
    %gt3A_3124 = arith.cmpi sgt, %select_n3A_3099, %select_n3A_3115 : vector<256x128xi32>
    %eq3A_3125 = arith.cmpi eq, %select_n3A_3099, %select_n3A_3115 : vector<256x128xi32>
    %lt3A_3126 = arith.cmpi slt, %select_n3A_3100, %select_n3A_3116 : vector<256x128xi32>
    %and3A_3127 = arith.andi %eq3A_3125, %lt3A_3126 : vector<256x128xi1>
    %or3A_3128 = arith.ori %gt3A_3124, %and3A_3127 : vector<256x128xi1>
    %eq3A_3129 = arith.xori %or3A_3128, %xor3A_3123 : vector<256x128xi1>
    %eq3A_3130 = arith.constant dense<true> : vector<256x128xi1>
    %eq3A_3131 = arith.xori %eq3A_3129, %eq3A_3130 : vector<256x128xi1>
    %select_n3A_3132 = arith.select %eq3A_3131, %select_n3A_3099, %select_n3A_3115 : vector<256x128xi1>, vector<256x128xi32>
    %select_n3A_3133 = arith.select %eq3A_3131, %select_n3A_3100, %select_n3A_3116 : vector<256x128xi1>, vector<256x128xi32>
    %roll3A_3134 = arith.constant 252 : i32
    %roll3A_3135 = tpu.dynamic_rotate %select_n3A_3132 by %roll3A_3134 dim 0 : vector<256x128xi32>, i32 -> vector<256x128xi32>
    %roll3A_3136 = arith.constant 4 : i32
    %roll3A_3137 = tpu.dynamic_rotate %select_n3A_3132 by %roll3A_3136 dim 0 : vector<256x128xi32>, i32 -> vector<256x128xi32>
    %roll3A_3138 = arith.constant 252 : i32
    %roll3A_3139 = tpu.dynamic_rotate %select_n3A_3133 by %roll3A_3138 dim 0 : vector<256x128xi32>, i32 -> vector<256x128xi32>
    %roll3A_3140 = arith.constant 4 : i32
    %roll3A_3141 = tpu.dynamic_rotate %select_n3A_3133 by %roll3A_3140 dim 0 : vector<256x128xi32>, i32 -> vector<256x128xi32>
    %and3A_3142 = arith.constant 512 : i32
    %and3A_3143 = vector.broadcast %and3A_3142 : i32 to vector<256x128xi32>
    %and3A_3144 = arith.andi %add3A, %and3A_3143 : vector<256x128xi32>
    %ne3A_3145 = arith.constant 0 : i32
    %ne3A_3146 = vector.broadcast %ne3A_3145 : i32 to vector<256x128xi32>
    %ne3A_3147 = arith.cmpi ne, %and3A_3144, %ne3A_3146 : vector<256x128xi32>
    %select_n3A_3148 = arith.select %ne3A_3147, %roll3A_3137, %roll3A_3135 : vector<256x128xi1>, vector<256x128xi32>
    %select_n3A_3149 = arith.select %ne3A_3147, %roll3A_3141, %roll3A_3139 : vector<256x128xi1>, vector<256x128xi32>
    %and3A_3150 = arith.constant 16384 : i32
    %and3A_3151 = vector.broadcast %and3A_3150 : i32 to vector<256x128xi32>
    %and3A_3152 = arith.andi %add3A, %and3A_3151 : vector<256x128xi32>
    %eq3A_3153 = arith.constant 0 : i32
    %eq3A_3154 = vector.broadcast %eq3A_3153 : i32 to vector<256x128xi32>
    %eq3A_3155 = arith.cmpi eq, %and3A_3152, %eq3A_3154 : vector<256x128xi32>
    %xor3A_3156 = arith.xori %ne3A_3147, %eq3A_3155 : vector<256x128xi1>
    %gt3A_3157 = arith.cmpi sgt, %select_n3A_3132, %select_n3A_3148 : vector<256x128xi32>
    %eq3A_3158 = arith.cmpi eq, %select_n3A_3132, %select_n3A_3148 : vector<256x128xi32>
    %lt3A_3159 = arith.cmpi slt, %select_n3A_3133, %select_n3A_3149 : vector<256x128xi32>
    %and3A_3160 = arith.andi %eq3A_3158, %lt3A_3159 : vector<256x128xi1>
    %or3A_3161 = arith.ori %gt3A_3157, %and3A_3160 : vector<256x128xi1>
    %eq3A_3162 = arith.xori %or3A_3161, %xor3A_3156 : vector<256x128xi1>
    %eq3A_3163 = arith.constant dense<true> : vector<256x128xi1>
    %eq3A_3164 = arith.xori %eq3A_3162, %eq3A_3163 : vector<256x128xi1>
    %select_n3A_3165 = arith.select %eq3A_3164, %select_n3A_3132, %select_n3A_3148 : vector<256x128xi1>, vector<256x128xi32>
    %select_n3A_3166 = arith.select %eq3A_3164, %select_n3A_3133, %select_n3A_3149 : vector<256x128xi1>, vector<256x128xi32>
    %roll3A_3167 = arith.constant 254 : i32
    %roll3A_3168 = tpu.dynamic_rotate %select_n3A_3165 by %roll3A_3167 dim 0 : vector<256x128xi32>, i32 -> vector<256x128xi32>
    %roll3A_3169 = arith.constant 2 : i32
    %roll3A_3170 = tpu.dynamic_rotate %select_n3A_3165 by %roll3A_3169 dim 0 : vector<256x128xi32>, i32 -> vector<256x128xi32>
    %roll3A_3171 = arith.constant 254 : i32
    %roll3A_3172 = tpu.dynamic_rotate %select_n3A_3166 by %roll3A_3171 dim 0 : vector<256x128xi32>, i32 -> vector<256x128xi32>
    %roll3A_3173 = arith.constant 2 : i32
    %roll3A_3174 = tpu.dynamic_rotate %select_n3A_3166 by %roll3A_3173 dim 0 : vector<256x128xi32>, i32 -> vector<256x128xi32>
    %and3A_3175 = arith.constant 256 : i32
    %and3A_3176 = vector.broadcast %and3A_3175 : i32 to vector<256x128xi32>
    %and3A_3177 = arith.andi %add3A, %and3A_3176 : vector<256x128xi32>
    %ne3A_3178 = arith.constant 0 : i32
    %ne3A_3179 = vector.broadcast %ne3A_3178 : i32 to vector<256x128xi32>
    %ne3A_3180 = arith.cmpi ne, %and3A_3177, %ne3A_3179 : vector<256x128xi32>
    %select_n3A_3181 = arith.select %ne3A_3180, %roll3A_3170, %roll3A_3168 : vector<256x128xi1>, vector<256x128xi32>
    %select_n3A_3182 = arith.select %ne3A_3180, %roll3A_3174, %roll3A_3172 : vector<256x128xi1>, vector<256x128xi32>
    %and3A_3183 = arith.constant 16384 : i32
    %and3A_3184 = vector.broadcast %and3A_3183 : i32 to vector<256x128xi32>
    %and3A_3185 = arith.andi %add3A, %and3A_3184 : vector<256x128xi32>
    %eq3A_3186 = arith.constant 0 : i32
    %eq3A_3187 = vector.broadcast %eq3A_3186 : i32 to vector<256x128xi32>
    %eq3A_3188 = arith.cmpi eq, %and3A_3185, %eq3A_3187 : vector<256x128xi32>
    %xor3A_3189 = arith.xori %ne3A_3180, %eq3A_3188 : vector<256x128xi1>
    %gt3A_3190 = arith.cmpi sgt, %select_n3A_3165, %select_n3A_3181 : vector<256x128xi32>
    %eq3A_3191 = arith.cmpi eq, %select_n3A_3165, %select_n3A_3181 : vector<256x128xi32>
    %lt3A_3192 = arith.cmpi slt, %select_n3A_3166, %select_n3A_3182 : vector<256x128xi32>
    %and3A_3193 = arith.andi %eq3A_3191, %lt3A_3192 : vector<256x128xi1>
    %or3A_3194 = arith.ori %gt3A_3190, %and3A_3193 : vector<256x128xi1>
    %eq3A_3195 = arith.xori %or3A_3194, %xor3A_3189 : vector<256x128xi1>
    %eq3A_3196 = arith.constant dense<true> : vector<256x128xi1>
    %eq3A_3197 = arith.xori %eq3A_3195, %eq3A_3196 : vector<256x128xi1>
    %select_n3A_3198 = arith.select %eq3A_3197, %select_n3A_3165, %select_n3A_3181 : vector<256x128xi1>, vector<256x128xi32>
    %select_n3A_3199 = arith.select %eq3A_3197, %select_n3A_3166, %select_n3A_3182 : vector<256x128xi1>, vector<256x128xi32>
    %roll3A_3200 = arith.constant 255 : i32
    %roll3A_3201 = tpu.dynamic_rotate %select_n3A_3198 by %roll3A_3200 dim 0 : vector<256x128xi32>, i32 -> vector<256x128xi32>
    %roll3A_3202 = arith.constant 1 : i32
    %roll3A_3203 = tpu.dynamic_rotate %select_n3A_3198 by %roll3A_3202 dim 0 : vector<256x128xi32>, i32 -> vector<256x128xi32>
    %roll3A_3204 = arith.constant 255 : i32
    %roll3A_3205 = tpu.dynamic_rotate %select_n3A_3199 by %roll3A_3204 dim 0 : vector<256x128xi32>, i32 -> vector<256x128xi32>
    %roll3A_3206 = arith.constant 1 : i32
    %roll3A_3207 = tpu.dynamic_rotate %select_n3A_3199 by %roll3A_3206 dim 0 : vector<256x128xi32>, i32 -> vector<256x128xi32>
    %and3A_3208 = arith.constant 128 : i32
    %and3A_3209 = vector.broadcast %and3A_3208 : i32 to vector<256x128xi32>
    %and3A_3210 = arith.andi %add3A, %and3A_3209 : vector<256x128xi32>
    %ne3A_3211 = arith.constant 0 : i32
    %ne3A_3212 = vector.broadcast %ne3A_3211 : i32 to vector<256x128xi32>
    %ne3A_3213 = arith.cmpi ne, %and3A_3210, %ne3A_3212 : vector<256x128xi32>
    %select_n3A_3214 = arith.select %ne3A_3213, %roll3A_3203, %roll3A_3201 : vector<256x128xi1>, vector<256x128xi32>
    %select_n3A_3215 = arith.select %ne3A_3213, %roll3A_3207, %roll3A_3205 : vector<256x128xi1>, vector<256x128xi32>
    %and3A_3216 = arith.constant 16384 : i32
    %and3A_3217 = vector.broadcast %and3A_3216 : i32 to vector<256x128xi32>
    %and3A_3218 = arith.andi %add3A, %and3A_3217 : vector<256x128xi32>
    %eq3A_3219 = arith.constant 0 : i32
    %eq3A_3220 = vector.broadcast %eq3A_3219 : i32 to vector<256x128xi32>
    %eq3A_3221 = arith.cmpi eq, %and3A_3218, %eq3A_3220 : vector<256x128xi32>
    %xor3A_3222 = arith.xori %ne3A_3213, %eq3A_3221 : vector<256x128xi1>
    %gt3A_3223 = arith.cmpi sgt, %select_n3A_3198, %select_n3A_3214 : vector<256x128xi32>
    %eq3A_3224 = arith.cmpi eq, %select_n3A_3198, %select_n3A_3214 : vector<256x128xi32>
    %lt3A_3225 = arith.cmpi slt, %select_n3A_3199, %select_n3A_3215 : vector<256x128xi32>
    %and3A_3226 = arith.andi %eq3A_3224, %lt3A_3225 : vector<256x128xi1>
    %or3A_3227 = arith.ori %gt3A_3223, %and3A_3226 : vector<256x128xi1>
    %eq3A_3228 = arith.xori %or3A_3227, %xor3A_3222 : vector<256x128xi1>
    %eq3A_3229 = arith.constant dense<true> : vector<256x128xi1>
    %eq3A_3230 = arith.xori %eq3A_3228, %eq3A_3229 : vector<256x128xi1>
    %select_n3A_3231 = arith.select %eq3A_3230, %select_n3A_3198, %select_n3A_3214 : vector<256x128xi1>, vector<256x128xi32>
    %select_n3A_3232 = arith.select %eq3A_3230, %select_n3A_3199, %select_n3A_3215 : vector<256x128xi1>, vector<256x128xi32>
    %roll3A_3233 = arith.constant 64 : i32
    %roll3A_3234 = tpu.dynamic_rotate %select_n3A_3231 by %roll3A_3233 dim 1 : vector<256x128xi32>, i32 -> vector<256x128xi32>
    %roll3A_3235 = arith.constant 64 : i32
    %roll3A_3236 = tpu.dynamic_rotate %select_n3A_3231 by %roll3A_3235 dim 1 : vector<256x128xi32>, i32 -> vector<256x128xi32>
    %roll3A_3237 = arith.constant 64 : i32
    %roll3A_3238 = tpu.dynamic_rotate %select_n3A_3232 by %roll3A_3237 dim 1 : vector<256x128xi32>, i32 -> vector<256x128xi32>
    %roll3A_3239 = arith.constant 64 : i32
    %roll3A_3240 = tpu.dynamic_rotate %select_n3A_3232 by %roll3A_3239 dim 1 : vector<256x128xi32>, i32 -> vector<256x128xi32>
    %and3A_3241 = arith.constant 64 : i32
    %and3A_3242 = vector.broadcast %and3A_3241 : i32 to vector<256x128xi32>
    %and3A_3243 = arith.andi %add3A, %and3A_3242 : vector<256x128xi32>
    %ne3A_3244 = arith.constant 0 : i32
    %ne3A_3245 = vector.broadcast %ne3A_3244 : i32 to vector<256x128xi32>
    %ne3A_3246 = arith.cmpi ne, %and3A_3243, %ne3A_3245 : vector<256x128xi32>
    %select_n3A_3247 = arith.select %ne3A_3246, %roll3A_3236, %roll3A_3234 : vector<256x128xi1>, vector<256x128xi32>
    %select_n3A_3248 = arith.select %ne3A_3246, %roll3A_3240, %roll3A_3238 : vector<256x128xi1>, vector<256x128xi32>
    %and3A_3249 = arith.constant 16384 : i32
    %and3A_3250 = vector.broadcast %and3A_3249 : i32 to vector<256x128xi32>
    %and3A_3251 = arith.andi %add3A, %and3A_3250 : vector<256x128xi32>
    %eq3A_3252 = arith.constant 0 : i32
    %eq3A_3253 = vector.broadcast %eq3A_3252 : i32 to vector<256x128xi32>
    %eq3A_3254 = arith.cmpi eq, %and3A_3251, %eq3A_3253 : vector<256x128xi32>
    %xor3A_3255 = arith.xori %ne3A_3246, %eq3A_3254 : vector<256x128xi1>
    %gt3A_3256 = arith.cmpi sgt, %select_n3A_3231, %select_n3A_3247 : vector<256x128xi32>
    %eq3A_3257 = arith.cmpi eq, %select_n3A_3231, %select_n3A_3247 : vector<256x128xi32>
    %lt3A_3258 = arith.cmpi slt, %select_n3A_3232, %select_n3A_3248 : vector<256x128xi32>
    %and3A_3259 = arith.andi %eq3A_3257, %lt3A_3258 : vector<256x128xi1>
    %or3A_3260 = arith.ori %gt3A_3256, %and3A_3259 : vector<256x128xi1>
    %eq3A_3261 = arith.xori %or3A_3260, %xor3A_3255 : vector<256x128xi1>
    %eq3A_3262 = arith.constant dense<true> : vector<256x128xi1>
    %eq3A_3263 = arith.xori %eq3A_3261, %eq3A_3262 : vector<256x128xi1>
    %select_n3A_3264 = arith.select %eq3A_3263, %select_n3A_3231, %select_n3A_3247 : vector<256x128xi1>, vector<256x128xi32>
    %select_n3A_3265 = arith.select %eq3A_3263, %select_n3A_3232, %select_n3A_3248 : vector<256x128xi1>, vector<256x128xi32>
    %roll3A_3266 = arith.constant 96 : i32
    %roll3A_3267 = tpu.dynamic_rotate %select_n3A_3264 by %roll3A_3266 dim 1 : vector<256x128xi32>, i32 -> vector<256x128xi32>
    %roll3A_3268 = arith.constant 32 : i32
    %roll3A_3269 = tpu.dynamic_rotate %select_n3A_3264 by %roll3A_3268 dim 1 : vector<256x128xi32>, i32 -> vector<256x128xi32>
    %roll3A_3270 = arith.constant 96 : i32
    %roll3A_3271 = tpu.dynamic_rotate %select_n3A_3265 by %roll3A_3270 dim 1 : vector<256x128xi32>, i32 -> vector<256x128xi32>
    %roll3A_3272 = arith.constant 32 : i32
    %roll3A_3273 = tpu.dynamic_rotate %select_n3A_3265 by %roll3A_3272 dim 1 : vector<256x128xi32>, i32 -> vector<256x128xi32>
    %and3A_3274 = arith.constant 32 : i32
    %and3A_3275 = vector.broadcast %and3A_3274 : i32 to vector<256x128xi32>
    %and3A_3276 = arith.andi %add3A, %and3A_3275 : vector<256x128xi32>
    %ne3A_3277 = arith.constant 0 : i32
    %ne3A_3278 = vector.broadcast %ne3A_3277 : i32 to vector<256x128xi32>
    %ne3A_3279 = arith.cmpi ne, %and3A_3276, %ne3A_3278 : vector<256x128xi32>
    %select_n3A_3280 = arith.select %ne3A_3279, %roll3A_3269, %roll3A_3267 : vector<256x128xi1>, vector<256x128xi32>
    %select_n3A_3281 = arith.select %ne3A_3279, %roll3A_3273, %roll3A_3271 : vector<256x128xi1>, vector<256x128xi32>
    %and3A_3282 = arith.constant 16384 : i32
    %and3A_3283 = vector.broadcast %and3A_3282 : i32 to vector<256x128xi32>
    %and3A_3284 = arith.andi %add3A, %and3A_3283 : vector<256x128xi32>
    %eq3A_3285 = arith.constant 0 : i32
    %eq3A_3286 = vector.broadcast %eq3A_3285 : i32 to vector<256x128xi32>
    %eq3A_3287 = arith.cmpi eq, %and3A_3284, %eq3A_3286 : vector<256x128xi32>
    %xor3A_3288 = arith.xori %ne3A_3279, %eq3A_3287 : vector<256x128xi1>
    %gt3A_3289 = arith.cmpi sgt, %select_n3A_3264, %select_n3A_3280 : vector<256x128xi32>
    %eq3A_3290 = arith.cmpi eq, %select_n3A_3264, %select_n3A_3280 : vector<256x128xi32>
    %lt3A_3291 = arith.cmpi slt, %select_n3A_3265, %select_n3A_3281 : vector<256x128xi32>
    %and3A_3292 = arith.andi %eq3A_3290, %lt3A_3291 : vector<256x128xi1>
    %or3A_3293 = arith.ori %gt3A_3289, %and3A_3292 : vector<256x128xi1>
    %eq3A_3294 = arith.xori %or3A_3293, %xor3A_3288 : vector<256x128xi1>
    %eq3A_3295 = arith.constant dense<true> : vector<256x128xi1>
    %eq3A_3296 = arith.xori %eq3A_3294, %eq3A_3295 : vector<256x128xi1>
    %select_n3A_3297 = arith.select %eq3A_3296, %select_n3A_3264, %select_n3A_3280 : vector<256x128xi1>, vector<256x128xi32>
    %select_n3A_3298 = arith.select %eq3A_3296, %select_n3A_3265, %select_n3A_3281 : vector<256x128xi1>, vector<256x128xi32>
    %roll3A_3299 = arith.constant 112 : i32
    %roll3A_3300 = tpu.dynamic_rotate %select_n3A_3297 by %roll3A_3299 dim 1 : vector<256x128xi32>, i32 -> vector<256x128xi32>
    %roll3A_3301 = arith.constant 16 : i32
    %roll3A_3302 = tpu.dynamic_rotate %select_n3A_3297 by %roll3A_3301 dim 1 : vector<256x128xi32>, i32 -> vector<256x128xi32>
    %roll3A_3303 = arith.constant 112 : i32
    %roll3A_3304 = tpu.dynamic_rotate %select_n3A_3298 by %roll3A_3303 dim 1 : vector<256x128xi32>, i32 -> vector<256x128xi32>
    %roll3A_3305 = arith.constant 16 : i32
    %roll3A_3306 = tpu.dynamic_rotate %select_n3A_3298 by %roll3A_3305 dim 1 : vector<256x128xi32>, i32 -> vector<256x128xi32>
    %and3A_3307 = arith.constant 16 : i32
    %and3A_3308 = vector.broadcast %and3A_3307 : i32 to vector<256x128xi32>
    %and3A_3309 = arith.andi %add3A, %and3A_3308 : vector<256x128xi32>
    %ne3A_3310 = arith.constant 0 : i32
    %ne3A_3311 = vector.broadcast %ne3A_3310 : i32 to vector<256x128xi32>
    %ne3A_3312 = arith.cmpi ne, %and3A_3309, %ne3A_3311 : vector<256x128xi32>
    %select_n3A_3313 = arith.select %ne3A_3312, %roll3A_3302, %roll3A_3300 : vector<256x128xi1>, vector<256x128xi32>
    %select_n3A_3314 = arith.select %ne3A_3312, %roll3A_3306, %roll3A_3304 : vector<256x128xi1>, vector<256x128xi32>
    %and3A_3315 = arith.constant 16384 : i32
    %and3A_3316 = vector.broadcast %and3A_3315 : i32 to vector<256x128xi32>
    %and3A_3317 = arith.andi %add3A, %and3A_3316 : vector<256x128xi32>
    %eq3A_3318 = arith.constant 0 : i32
    %eq3A_3319 = vector.broadcast %eq3A_3318 : i32 to vector<256x128xi32>
    %eq3A_3320 = arith.cmpi eq, %and3A_3317, %eq3A_3319 : vector<256x128xi32>
    %xor3A_3321 = arith.xori %ne3A_3312, %eq3A_3320 : vector<256x128xi1>
    %gt3A_3322 = arith.cmpi sgt, %select_n3A_3297, %select_n3A_3313 : vector<256x128xi32>
    %eq3A_3323 = arith.cmpi eq, %select_n3A_3297, %select_n3A_3313 : vector<256x128xi32>
    %lt3A_3324 = arith.cmpi slt, %select_n3A_3298, %select_n3A_3314 : vector<256x128xi32>
    %and3A_3325 = arith.andi %eq3A_3323, %lt3A_3324 : vector<256x128xi1>
    %or3A_3326 = arith.ori %gt3A_3322, %and3A_3325 : vector<256x128xi1>
    %eq3A_3327 = arith.xori %or3A_3326, %xor3A_3321 : vector<256x128xi1>
    %eq3A_3328 = arith.constant dense<true> : vector<256x128xi1>
    %eq3A_3329 = arith.xori %eq3A_3327, %eq3A_3328 : vector<256x128xi1>
    %select_n3A_3330 = arith.select %eq3A_3329, %select_n3A_3297, %select_n3A_3313 : vector<256x128xi1>, vector<256x128xi32>
    %select_n3A_3331 = arith.select %eq3A_3329, %select_n3A_3298, %select_n3A_3314 : vector<256x128xi1>, vector<256x128xi32>
    %roll3A_3332 = arith.constant 120 : i32
    %roll3A_3333 = tpu.dynamic_rotate %select_n3A_3330 by %roll3A_3332 dim 1 : vector<256x128xi32>, i32 -> vector<256x128xi32>
    %roll3A_3334 = arith.constant 8 : i32
    %roll3A_3335 = tpu.dynamic_rotate %select_n3A_3330 by %roll3A_3334 dim 1 : vector<256x128xi32>, i32 -> vector<256x128xi32>
    %roll3A_3336 = arith.constant 120 : i32
    %roll3A_3337 = tpu.dynamic_rotate %select_n3A_3331 by %roll3A_3336 dim 1 : vector<256x128xi32>, i32 -> vector<256x128xi32>
    %roll3A_3338 = arith.constant 8 : i32
    %roll3A_3339 = tpu.dynamic_rotate %select_n3A_3331 by %roll3A_3338 dim 1 : vector<256x128xi32>, i32 -> vector<256x128xi32>
    %and3A_3340 = arith.constant 8 : i32
    %and3A_3341 = vector.broadcast %and3A_3340 : i32 to vector<256x128xi32>
    %and3A_3342 = arith.andi %add3A, %and3A_3341 : vector<256x128xi32>
    %ne3A_3343 = arith.constant 0 : i32
    %ne3A_3344 = vector.broadcast %ne3A_3343 : i32 to vector<256x128xi32>
    %ne3A_3345 = arith.cmpi ne, %and3A_3342, %ne3A_3344 : vector<256x128xi32>
    %select_n3A_3346 = arith.select %ne3A_3345, %roll3A_3335, %roll3A_3333 : vector<256x128xi1>, vector<256x128xi32>
    %select_n3A_3347 = arith.select %ne3A_3345, %roll3A_3339, %roll3A_3337 : vector<256x128xi1>, vector<256x128xi32>
    %and3A_3348 = arith.constant 16384 : i32
    %and3A_3349 = vector.broadcast %and3A_3348 : i32 to vector<256x128xi32>
    %and3A_3350 = arith.andi %add3A, %and3A_3349 : vector<256x128xi32>
    %eq3A_3351 = arith.constant 0 : i32
    %eq3A_3352 = vector.broadcast %eq3A_3351 : i32 to vector<256x128xi32>
    %eq3A_3353 = arith.cmpi eq, %and3A_3350, %eq3A_3352 : vector<256x128xi32>
    %xor3A_3354 = arith.xori %ne3A_3345, %eq3A_3353 : vector<256x128xi1>
    %gt3A_3355 = arith.cmpi sgt, %select_n3A_3330, %select_n3A_3346 : vector<256x128xi32>
    %eq3A_3356 = arith.cmpi eq, %select_n3A_3330, %select_n3A_3346 : vector<256x128xi32>
    %lt3A_3357 = arith.cmpi slt, %select_n3A_3331, %select_n3A_3347 : vector<256x128xi32>
    %and3A_3358 = arith.andi %eq3A_3356, %lt3A_3357 : vector<256x128xi1>
    %or3A_3359 = arith.ori %gt3A_3355, %and3A_3358 : vector<256x128xi1>
    %eq3A_3360 = arith.xori %or3A_3359, %xor3A_3354 : vector<256x128xi1>
    %eq3A_3361 = arith.constant dense<true> : vector<256x128xi1>
    %eq3A_3362 = arith.xori %eq3A_3360, %eq3A_3361 : vector<256x128xi1>
    %select_n3A_3363 = arith.select %eq3A_3362, %select_n3A_3330, %select_n3A_3346 : vector<256x128xi1>, vector<256x128xi32>
    %select_n3A_3364 = arith.select %eq3A_3362, %select_n3A_3331, %select_n3A_3347 : vector<256x128xi1>, vector<256x128xi32>
    %roll3A_3365 = arith.constant 124 : i32
    %roll3A_3366 = tpu.dynamic_rotate %select_n3A_3363 by %roll3A_3365 dim 1 : vector<256x128xi32>, i32 -> vector<256x128xi32>
    %roll3A_3367 = arith.constant 4 : i32
    %roll3A_3368 = tpu.dynamic_rotate %select_n3A_3363 by %roll3A_3367 dim 1 : vector<256x128xi32>, i32 -> vector<256x128xi32>
    %roll3A_3369 = arith.constant 124 : i32
    %roll3A_3370 = tpu.dynamic_rotate %select_n3A_3364 by %roll3A_3369 dim 1 : vector<256x128xi32>, i32 -> vector<256x128xi32>
    %roll3A_3371 = arith.constant 4 : i32
    %roll3A_3372 = tpu.dynamic_rotate %select_n3A_3364 by %roll3A_3371 dim 1 : vector<256x128xi32>, i32 -> vector<256x128xi32>
    %and3A_3373 = arith.constant 4 : i32
    %and3A_3374 = vector.broadcast %and3A_3373 : i32 to vector<256x128xi32>
    %and3A_3375 = arith.andi %add3A, %and3A_3374 : vector<256x128xi32>
    %ne3A_3376 = arith.constant 0 : i32
    %ne3A_3377 = vector.broadcast %ne3A_3376 : i32 to vector<256x128xi32>
    %ne3A_3378 = arith.cmpi ne, %and3A_3375, %ne3A_3377 : vector<256x128xi32>
    %select_n3A_3379 = arith.select %ne3A_3378, %roll3A_3368, %roll3A_3366 : vector<256x128xi1>, vector<256x128xi32>
    %select_n3A_3380 = arith.select %ne3A_3378, %roll3A_3372, %roll3A_3370 : vector<256x128xi1>, vector<256x128xi32>
    %and3A_3381 = arith.constant 16384 : i32
    %and3A_3382 = vector.broadcast %and3A_3381 : i32 to vector<256x128xi32>
    %and3A_3383 = arith.andi %add3A, %and3A_3382 : vector<256x128xi32>
    %eq3A_3384 = arith.constant 0 : i32
    %eq3A_3385 = vector.broadcast %eq3A_3384 : i32 to vector<256x128xi32>
    %eq3A_3386 = arith.cmpi eq, %and3A_3383, %eq3A_3385 : vector<256x128xi32>
    %xor3A_3387 = arith.xori %ne3A_3378, %eq3A_3386 : vector<256x128xi1>
    %gt3A_3388 = arith.cmpi sgt, %select_n3A_3363, %select_n3A_3379 : vector<256x128xi32>
    %eq3A_3389 = arith.cmpi eq, %select_n3A_3363, %select_n3A_3379 : vector<256x128xi32>
    %lt3A_3390 = arith.cmpi slt, %select_n3A_3364, %select_n3A_3380 : vector<256x128xi32>
    %and3A_3391 = arith.andi %eq3A_3389, %lt3A_3390 : vector<256x128xi1>
    %or3A_3392 = arith.ori %gt3A_3388, %and3A_3391 : vector<256x128xi1>
    %eq3A_3393 = arith.xori %or3A_3392, %xor3A_3387 : vector<256x128xi1>
    %eq3A_3394 = arith.constant dense<true> : vector<256x128xi1>
    %eq3A_3395 = arith.xori %eq3A_3393, %eq3A_3394 : vector<256x128xi1>
    %select_n3A_3396 = arith.select %eq3A_3395, %select_n3A_3363, %select_n3A_3379 : vector<256x128xi1>, vector<256x128xi32>
    %select_n3A_3397 = arith.select %eq3A_3395, %select_n3A_3364, %select_n3A_3380 : vector<256x128xi1>, vector<256x128xi32>
    %roll3A_3398 = arith.constant 126 : i32
    %roll3A_3399 = tpu.dynamic_rotate %select_n3A_3396 by %roll3A_3398 dim 1 : vector<256x128xi32>, i32 -> vector<256x128xi32>
    %roll3A_3400 = arith.constant 2 : i32
    %roll3A_3401 = tpu.dynamic_rotate %select_n3A_3396 by %roll3A_3400 dim 1 : vector<256x128xi32>, i32 -> vector<256x128xi32>
    %roll3A_3402 = arith.constant 126 : i32
    %roll3A_3403 = tpu.dynamic_rotate %select_n3A_3397 by %roll3A_3402 dim 1 : vector<256x128xi32>, i32 -> vector<256x128xi32>
    %roll3A_3404 = arith.constant 2 : i32
    %roll3A_3405 = tpu.dynamic_rotate %select_n3A_3397 by %roll3A_3404 dim 1 : vector<256x128xi32>, i32 -> vector<256x128xi32>
    %and3A_3406 = arith.constant 2 : i32
    %and3A_3407 = vector.broadcast %and3A_3406 : i32 to vector<256x128xi32>
    %and3A_3408 = arith.andi %add3A, %and3A_3407 : vector<256x128xi32>
    %ne3A_3409 = arith.constant 0 : i32
    %ne3A_3410 = vector.broadcast %ne3A_3409 : i32 to vector<256x128xi32>
    %ne3A_3411 = arith.cmpi ne, %and3A_3408, %ne3A_3410 : vector<256x128xi32>
    %select_n3A_3412 = arith.select %ne3A_3411, %roll3A_3401, %roll3A_3399 : vector<256x128xi1>, vector<256x128xi32>
    %select_n3A_3413 = arith.select %ne3A_3411, %roll3A_3405, %roll3A_3403 : vector<256x128xi1>, vector<256x128xi32>
    %and3A_3414 = arith.constant 16384 : i32
    %and3A_3415 = vector.broadcast %and3A_3414 : i32 to vector<256x128xi32>
    %and3A_3416 = arith.andi %add3A, %and3A_3415 : vector<256x128xi32>
    %eq3A_3417 = arith.constant 0 : i32
    %eq3A_3418 = vector.broadcast %eq3A_3417 : i32 to vector<256x128xi32>
    %eq3A_3419 = arith.cmpi eq, %and3A_3416, %eq3A_3418 : vector<256x128xi32>
    %xor3A_3420 = arith.xori %ne3A_3411, %eq3A_3419 : vector<256x128xi1>
    %gt3A_3421 = arith.cmpi sgt, %select_n3A_3396, %select_n3A_3412 : vector<256x128xi32>
    %eq3A_3422 = arith.cmpi eq, %select_n3A_3396, %select_n3A_3412 : vector<256x128xi32>
    %lt3A_3423 = arith.cmpi slt, %select_n3A_3397, %select_n3A_3413 : vector<256x128xi32>
    %and3A_3424 = arith.andi %eq3A_3422, %lt3A_3423 : vector<256x128xi1>
    %or3A_3425 = arith.ori %gt3A_3421, %and3A_3424 : vector<256x128xi1>
    %eq3A_3426 = arith.xori %or3A_3425, %xor3A_3420 : vector<256x128xi1>
    %eq3A_3427 = arith.constant dense<true> : vector<256x128xi1>
    %eq3A_3428 = arith.xori %eq3A_3426, %eq3A_3427 : vector<256x128xi1>
    %select_n3A_3429 = arith.select %eq3A_3428, %select_n3A_3396, %select_n3A_3412 : vector<256x128xi1>, vector<256x128xi32>
    %select_n3A_3430 = arith.select %eq3A_3428, %select_n3A_3397, %select_n3A_3413 : vector<256x128xi1>, vector<256x128xi32>
    %roll3A_3431 = arith.constant 127 : i32
    %roll3A_3432 = tpu.dynamic_rotate %select_n3A_3429 by %roll3A_3431 dim 1 : vector<256x128xi32>, i32 -> vector<256x128xi32>
    %roll3A_3433 = arith.constant 1 : i32
    %roll3A_3434 = tpu.dynamic_rotate %select_n3A_3429 by %roll3A_3433 dim 1 : vector<256x128xi32>, i32 -> vector<256x128xi32>
    %roll3A_3435 = arith.constant 127 : i32
    %roll3A_3436 = tpu.dynamic_rotate %select_n3A_3430 by %roll3A_3435 dim 1 : vector<256x128xi32>, i32 -> vector<256x128xi32>
    %roll3A_3437 = arith.constant 1 : i32
    %roll3A_3438 = tpu.dynamic_rotate %select_n3A_3430 by %roll3A_3437 dim 1 : vector<256x128xi32>, i32 -> vector<256x128xi32>
    %and3A_3439 = arith.constant 1 : i32
    %and3A_3440 = vector.broadcast %and3A_3439 : i32 to vector<256x128xi32>
    %and3A_3441 = arith.andi %add3A, %and3A_3440 : vector<256x128xi32>
    %ne3A_3442 = arith.constant 0 : i32
    %ne3A_3443 = vector.broadcast %ne3A_3442 : i32 to vector<256x128xi32>
    %ne3A_3444 = arith.cmpi ne, %and3A_3441, %ne3A_3443 : vector<256x128xi32>
    %select_n3A_3445 = arith.select %ne3A_3444, %roll3A_3434, %roll3A_3432 : vector<256x128xi1>, vector<256x128xi32>
    %select_n3A_3446 = arith.select %ne3A_3444, %roll3A_3438, %roll3A_3436 : vector<256x128xi1>, vector<256x128xi32>
    %and3A_3447 = arith.constant 16384 : i32
    %and3A_3448 = vector.broadcast %and3A_3447 : i32 to vector<256x128xi32>
    %and3A_3449 = arith.andi %add3A, %and3A_3448 : vector<256x128xi32>
    %eq3A_3450 = arith.constant 0 : i32
    %eq3A_3451 = vector.broadcast %eq3A_3450 : i32 to vector<256x128xi32>
    %eq3A_3452 = arith.cmpi eq, %and3A_3449, %eq3A_3451 : vector<256x128xi32>
    %xor3A_3453 = arith.xori %ne3A_3444, %eq3A_3452 : vector<256x128xi1>
    %gt3A_3454 = arith.cmpi sgt, %select_n3A_3429, %select_n3A_3445 : vector<256x128xi32>
    %eq3A_3455 = arith.cmpi eq, %select_n3A_3429, %select_n3A_3445 : vector<256x128xi32>
    %lt3A_3456 = arith.cmpi slt, %select_n3A_3430, %select_n3A_3446 : vector<256x128xi32>
    %and3A_3457 = arith.andi %eq3A_3455, %lt3A_3456 : vector<256x128xi1>
    %or3A_3458 = arith.ori %gt3A_3454, %and3A_3457 : vector<256x128xi1>
    %eq3A_3459 = arith.xori %or3A_3458, %xor3A_3453 : vector<256x128xi1>
    %eq3A_3460 = arith.constant dense<true> : vector<256x128xi1>
    %eq3A_3461 = arith.xori %eq3A_3459, %eq3A_3460 : vector<256x128xi1>
    %select_n3A_3462 = arith.select %eq3A_3461, %select_n3A_3429, %select_n3A_3445 : vector<256x128xi1>, vector<256x128xi32>
    %select_n3A_3463 = arith.select %eq3A_3461, %select_n3A_3430, %select_n3A_3446 : vector<256x128xi1>, vector<256x128xi32>
    %roll3A_3464 = arith.constant 128 : i32
    %roll3A_3465 = tpu.dynamic_rotate %select_n3A_3462 by %roll3A_3464 dim 0 : vector<256x128xi32>, i32 -> vector<256x128xi32>
    %roll3A_3466 = arith.constant 128 : i32
    %roll3A_3467 = tpu.dynamic_rotate %select_n3A_3462 by %roll3A_3466 dim 0 : vector<256x128xi32>, i32 -> vector<256x128xi32>
    %roll3A_3468 = arith.constant 128 : i32
    %roll3A_3469 = tpu.dynamic_rotate %select_n3A_3463 by %roll3A_3468 dim 0 : vector<256x128xi32>, i32 -> vector<256x128xi32>
    %roll3A_3470 = arith.constant 128 : i32
    %roll3A_3471 = tpu.dynamic_rotate %select_n3A_3463 by %roll3A_3470 dim 0 : vector<256x128xi32>, i32 -> vector<256x128xi32>
    %and3A_3472 = arith.constant 16384 : i32
    %and3A_3473 = vector.broadcast %and3A_3472 : i32 to vector<256x128xi32>
    %and3A_3474 = arith.andi %add3A, %and3A_3473 : vector<256x128xi32>
    %ne3A_3475 = arith.constant 0 : i32
    %ne3A_3476 = vector.broadcast %ne3A_3475 : i32 to vector<256x128xi32>
    %ne3A_3477 = arith.cmpi ne, %and3A_3474, %ne3A_3476 : vector<256x128xi32>
    %select_n3A_3478 = arith.select %ne3A_3477, %roll3A_3467, %roll3A_3465 : vector<256x128xi1>, vector<256x128xi32>
    %select_n3A_3479 = arith.select %ne3A_3477, %roll3A_3471, %roll3A_3469 : vector<256x128xi1>, vector<256x128xi32>
    %and3A_3480 = arith.constant 32768 : i32
    %and3A_3481 = vector.broadcast %and3A_3480 : i32 to vector<256x128xi32>
    %and3A_3482 = arith.andi %add3A, %and3A_3481 : vector<256x128xi32>
    %eq3A_3483 = arith.constant 0 : i32
    %eq3A_3484 = vector.broadcast %eq3A_3483 : i32 to vector<256x128xi32>
    %eq3A_3485 = arith.cmpi eq, %and3A_3482, %eq3A_3484 : vector<256x128xi32>
    %xor3A_3486 = arith.xori %ne3A_3477, %eq3A_3485 : vector<256x128xi1>
    %gt3A_3487 = arith.cmpi sgt, %select_n3A_3462, %select_n3A_3478 : vector<256x128xi32>
    %eq3A_3488 = arith.cmpi eq, %select_n3A_3462, %select_n3A_3478 : vector<256x128xi32>
    %lt3A_3489 = arith.cmpi slt, %select_n3A_3463, %select_n3A_3479 : vector<256x128xi32>
    %and3A_3490 = arith.andi %eq3A_3488, %lt3A_3489 : vector<256x128xi1>
    %or3A_3491 = arith.ori %gt3A_3487, %and3A_3490 : vector<256x128xi1>
    %eq3A_3492 = arith.xori %or3A_3491, %xor3A_3486 : vector<256x128xi1>
    %eq3A_3493 = arith.constant dense<true> : vector<256x128xi1>
    %eq3A_3494 = arith.xori %eq3A_3492, %eq3A_3493 : vector<256x128xi1>
    %select_n3A_3495 = arith.select %eq3A_3494, %select_n3A_3462, %select_n3A_3478 : vector<256x128xi1>, vector<256x128xi32>
    %select_n3A_3496 = arith.select %eq3A_3494, %select_n3A_3463, %select_n3A_3479 : vector<256x128xi1>, vector<256x128xi32>
    %roll3A_3497 = arith.constant 192 : i32
    %roll3A_3498 = tpu.dynamic_rotate %select_n3A_3495 by %roll3A_3497 dim 0 : vector<256x128xi32>, i32 -> vector<256x128xi32>
    %roll3A_3499 = arith.constant 64 : i32
    %roll3A_3500 = tpu.dynamic_rotate %select_n3A_3495 by %roll3A_3499 dim 0 : vector<256x128xi32>, i32 -> vector<256x128xi32>
    %roll3A_3501 = arith.constant 192 : i32
    %roll3A_3502 = tpu.dynamic_rotate %select_n3A_3496 by %roll3A_3501 dim 0 : vector<256x128xi32>, i32 -> vector<256x128xi32>
    %roll3A_3503 = arith.constant 64 : i32
    %roll3A_3504 = tpu.dynamic_rotate %select_n3A_3496 by %roll3A_3503 dim 0 : vector<256x128xi32>, i32 -> vector<256x128xi32>
    %and3A_3505 = arith.constant 8192 : i32
    %and3A_3506 = vector.broadcast %and3A_3505 : i32 to vector<256x128xi32>
    %and3A_3507 = arith.andi %add3A, %and3A_3506 : vector<256x128xi32>
    %ne3A_3508 = arith.constant 0 : i32
    %ne3A_3509 = vector.broadcast %ne3A_3508 : i32 to vector<256x128xi32>
    %ne3A_3510 = arith.cmpi ne, %and3A_3507, %ne3A_3509 : vector<256x128xi32>
    %select_n3A_3511 = arith.select %ne3A_3510, %roll3A_3500, %roll3A_3498 : vector<256x128xi1>, vector<256x128xi32>
    %select_n3A_3512 = arith.select %ne3A_3510, %roll3A_3504, %roll3A_3502 : vector<256x128xi1>, vector<256x128xi32>
    %and3A_3513 = arith.constant 32768 : i32
    %and3A_3514 = vector.broadcast %and3A_3513 : i32 to vector<256x128xi32>
    %and3A_3515 = arith.andi %add3A, %and3A_3514 : vector<256x128xi32>
    %eq3A_3516 = arith.constant 0 : i32
    %eq3A_3517 = vector.broadcast %eq3A_3516 : i32 to vector<256x128xi32>
    %eq3A_3518 = arith.cmpi eq, %and3A_3515, %eq3A_3517 : vector<256x128xi32>
    %xor3A_3519 = arith.xori %ne3A_3510, %eq3A_3518 : vector<256x128xi1>
    %gt3A_3520 = arith.cmpi sgt, %select_n3A_3495, %select_n3A_3511 : vector<256x128xi32>
    %eq3A_3521 = arith.cmpi eq, %select_n3A_3495, %select_n3A_3511 : vector<256x128xi32>
    %lt3A_3522 = arith.cmpi slt, %select_n3A_3496, %select_n3A_3512 : vector<256x128xi32>
    %and3A_3523 = arith.andi %eq3A_3521, %lt3A_3522 : vector<256x128xi1>
    %or3A_3524 = arith.ori %gt3A_3520, %and3A_3523 : vector<256x128xi1>
    %eq3A_3525 = arith.xori %or3A_3524, %xor3A_3519 : vector<256x128xi1>
    %eq3A_3526 = arith.constant dense<true> : vector<256x128xi1>
    %eq3A_3527 = arith.xori %eq3A_3525, %eq3A_3526 : vector<256x128xi1>
    %select_n3A_3528 = arith.select %eq3A_3527, %select_n3A_3495, %select_n3A_3511 : vector<256x128xi1>, vector<256x128xi32>
    %select_n3A_3529 = arith.select %eq3A_3527, %select_n3A_3496, %select_n3A_3512 : vector<256x128xi1>, vector<256x128xi32>
    %roll3A_3530 = arith.constant 224 : i32
    %roll3A_3531 = tpu.dynamic_rotate %select_n3A_3528 by %roll3A_3530 dim 0 : vector<256x128xi32>, i32 -> vector<256x128xi32>
    %roll3A_3532 = arith.constant 32 : i32
    %roll3A_3533 = tpu.dynamic_rotate %select_n3A_3528 by %roll3A_3532 dim 0 : vector<256x128xi32>, i32 -> vector<256x128xi32>
    %roll3A_3534 = arith.constant 224 : i32
    %roll3A_3535 = tpu.dynamic_rotate %select_n3A_3529 by %roll3A_3534 dim 0 : vector<256x128xi32>, i32 -> vector<256x128xi32>
    %roll3A_3536 = arith.constant 32 : i32
    %roll3A_3537 = tpu.dynamic_rotate %select_n3A_3529 by %roll3A_3536 dim 0 : vector<256x128xi32>, i32 -> vector<256x128xi32>
    %and3A_3538 = arith.constant 4096 : i32
    %and3A_3539 = vector.broadcast %and3A_3538 : i32 to vector<256x128xi32>
    %and3A_3540 = arith.andi %add3A, %and3A_3539 : vector<256x128xi32>
    %ne3A_3541 = arith.constant 0 : i32
    %ne3A_3542 = vector.broadcast %ne3A_3541 : i32 to vector<256x128xi32>
    %ne3A_3543 = arith.cmpi ne, %and3A_3540, %ne3A_3542 : vector<256x128xi32>
    %select_n3A_3544 = arith.select %ne3A_3543, %roll3A_3533, %roll3A_3531 : vector<256x128xi1>, vector<256x128xi32>
    %select_n3A_3545 = arith.select %ne3A_3543, %roll3A_3537, %roll3A_3535 : vector<256x128xi1>, vector<256x128xi32>
    %and3A_3546 = arith.constant 32768 : i32
    %and3A_3547 = vector.broadcast %and3A_3546 : i32 to vector<256x128xi32>
    %and3A_3548 = arith.andi %add3A, %and3A_3547 : vector<256x128xi32>
    %eq3A_3549 = arith.constant 0 : i32
    %eq3A_3550 = vector.broadcast %eq3A_3549 : i32 to vector<256x128xi32>
    %eq3A_3551 = arith.cmpi eq, %and3A_3548, %eq3A_3550 : vector<256x128xi32>
    %xor3A_3552 = arith.xori %ne3A_3543, %eq3A_3551 : vector<256x128xi1>
    %gt3A_3553 = arith.cmpi sgt, %select_n3A_3528, %select_n3A_3544 : vector<256x128xi32>
    %eq3A_3554 = arith.cmpi eq, %select_n3A_3528, %select_n3A_3544 : vector<256x128xi32>
    %lt3A_3555 = arith.cmpi slt, %select_n3A_3529, %select_n3A_3545 : vector<256x128xi32>
    %and3A_3556 = arith.andi %eq3A_3554, %lt3A_3555 : vector<256x128xi1>
    %or3A_3557 = arith.ori %gt3A_3553, %and3A_3556 : vector<256x128xi1>
    %eq3A_3558 = arith.xori %or3A_3557, %xor3A_3552 : vector<256x128xi1>
    %eq3A_3559 = arith.constant dense<true> : vector<256x128xi1>
    %eq3A_3560 = arith.xori %eq3A_3558, %eq3A_3559 : vector<256x128xi1>
    %select_n3A_3561 = arith.select %eq3A_3560, %select_n3A_3528, %select_n3A_3544 : vector<256x128xi1>, vector<256x128xi32>
    %select_n3A_3562 = arith.select %eq3A_3560, %select_n3A_3529, %select_n3A_3545 : vector<256x128xi1>, vector<256x128xi32>
    %roll3A_3563 = arith.constant 240 : i32
    %roll3A_3564 = tpu.dynamic_rotate %select_n3A_3561 by %roll3A_3563 dim 0 : vector<256x128xi32>, i32 -> vector<256x128xi32>
    %roll3A_3565 = arith.constant 16 : i32
    %roll3A_3566 = tpu.dynamic_rotate %select_n3A_3561 by %roll3A_3565 dim 0 : vector<256x128xi32>, i32 -> vector<256x128xi32>
    %roll3A_3567 = arith.constant 240 : i32
    %roll3A_3568 = tpu.dynamic_rotate %select_n3A_3562 by %roll3A_3567 dim 0 : vector<256x128xi32>, i32 -> vector<256x128xi32>
    %roll3A_3569 = arith.constant 16 : i32
    %roll3A_3570 = tpu.dynamic_rotate %select_n3A_3562 by %roll3A_3569 dim 0 : vector<256x128xi32>, i32 -> vector<256x128xi32>
    %and3A_3571 = arith.constant 2048 : i32
    %and3A_3572 = vector.broadcast %and3A_3571 : i32 to vector<256x128xi32>
    %and3A_3573 = arith.andi %add3A, %and3A_3572 : vector<256x128xi32>
    %ne3A_3574 = arith.constant 0 : i32
    %ne3A_3575 = vector.broadcast %ne3A_3574 : i32 to vector<256x128xi32>
    %ne3A_3576 = arith.cmpi ne, %and3A_3573, %ne3A_3575 : vector<256x128xi32>
    %select_n3A_3577 = arith.select %ne3A_3576, %roll3A_3566, %roll3A_3564 : vector<256x128xi1>, vector<256x128xi32>
    %select_n3A_3578 = arith.select %ne3A_3576, %roll3A_3570, %roll3A_3568 : vector<256x128xi1>, vector<256x128xi32>
    %and3A_3579 = arith.constant 32768 : i32
    %and3A_3580 = vector.broadcast %and3A_3579 : i32 to vector<256x128xi32>
    %and3A_3581 = arith.andi %add3A, %and3A_3580 : vector<256x128xi32>
    %eq3A_3582 = arith.constant 0 : i32
    %eq3A_3583 = vector.broadcast %eq3A_3582 : i32 to vector<256x128xi32>
    %eq3A_3584 = arith.cmpi eq, %and3A_3581, %eq3A_3583 : vector<256x128xi32>
    %xor3A_3585 = arith.xori %ne3A_3576, %eq3A_3584 : vector<256x128xi1>
    %gt3A_3586 = arith.cmpi sgt, %select_n3A_3561, %select_n3A_3577 : vector<256x128xi32>
    %eq3A_3587 = arith.cmpi eq, %select_n3A_3561, %select_n3A_3577 : vector<256x128xi32>
    %lt3A_3588 = arith.cmpi slt, %select_n3A_3562, %select_n3A_3578 : vector<256x128xi32>
    %and3A_3589 = arith.andi %eq3A_3587, %lt3A_3588 : vector<256x128xi1>
    %or3A_3590 = arith.ori %gt3A_3586, %and3A_3589 : vector<256x128xi1>
    %eq3A_3591 = arith.xori %or3A_3590, %xor3A_3585 : vector<256x128xi1>
    %eq3A_3592 = arith.constant dense<true> : vector<256x128xi1>
    %eq3A_3593 = arith.xori %eq3A_3591, %eq3A_3592 : vector<256x128xi1>
    %select_n3A_3594 = arith.select %eq3A_3593, %select_n3A_3561, %select_n3A_3577 : vector<256x128xi1>, vector<256x128xi32>
    %select_n3A_3595 = arith.select %eq3A_3593, %select_n3A_3562, %select_n3A_3578 : vector<256x128xi1>, vector<256x128xi32>
    %roll3A_3596 = arith.constant 248 : i32
    %roll3A_3597 = tpu.dynamic_rotate %select_n3A_3594 by %roll3A_3596 dim 0 : vector<256x128xi32>, i32 -> vector<256x128xi32>
    %roll3A_3598 = arith.constant 8 : i32
    %roll3A_3599 = tpu.dynamic_rotate %select_n3A_3594 by %roll3A_3598 dim 0 : vector<256x128xi32>, i32 -> vector<256x128xi32>
    %roll3A_3600 = arith.constant 248 : i32
    %roll3A_3601 = tpu.dynamic_rotate %select_n3A_3595 by %roll3A_3600 dim 0 : vector<256x128xi32>, i32 -> vector<256x128xi32>
    %roll3A_3602 = arith.constant 8 : i32
    %roll3A_3603 = tpu.dynamic_rotate %select_n3A_3595 by %roll3A_3602 dim 0 : vector<256x128xi32>, i32 -> vector<256x128xi32>
    %and3A_3604 = arith.constant 1024 : i32
    %and3A_3605 = vector.broadcast %and3A_3604 : i32 to vector<256x128xi32>
    %and3A_3606 = arith.andi %add3A, %and3A_3605 : vector<256x128xi32>
    %ne3A_3607 = arith.constant 0 : i32
    %ne3A_3608 = vector.broadcast %ne3A_3607 : i32 to vector<256x128xi32>
    %ne3A_3609 = arith.cmpi ne, %and3A_3606, %ne3A_3608 : vector<256x128xi32>
    %select_n3A_3610 = arith.select %ne3A_3609, %roll3A_3599, %roll3A_3597 : vector<256x128xi1>, vector<256x128xi32>
    %select_n3A_3611 = arith.select %ne3A_3609, %roll3A_3603, %roll3A_3601 : vector<256x128xi1>, vector<256x128xi32>
    %and3A_3612 = arith.constant 32768 : i32
    %and3A_3613 = vector.broadcast %and3A_3612 : i32 to vector<256x128xi32>
    %and3A_3614 = arith.andi %add3A, %and3A_3613 : vector<256x128xi32>
    %eq3A_3615 = arith.constant 0 : i32
    %eq3A_3616 = vector.broadcast %eq3A_3615 : i32 to vector<256x128xi32>
    %eq3A_3617 = arith.cmpi eq, %and3A_3614, %eq3A_3616 : vector<256x128xi32>
    %xor3A_3618 = arith.xori %ne3A_3609, %eq3A_3617 : vector<256x128xi1>
    %gt3A_3619 = arith.cmpi sgt, %select_n3A_3594, %select_n3A_3610 : vector<256x128xi32>
    %eq3A_3620 = arith.cmpi eq, %select_n3A_3594, %select_n3A_3610 : vector<256x128xi32>
    %lt3A_3621 = arith.cmpi slt, %select_n3A_3595, %select_n3A_3611 : vector<256x128xi32>
    %and3A_3622 = arith.andi %eq3A_3620, %lt3A_3621 : vector<256x128xi1>
    %or3A_3623 = arith.ori %gt3A_3619, %and3A_3622 : vector<256x128xi1>
    %eq3A_3624 = arith.xori %or3A_3623, %xor3A_3618 : vector<256x128xi1>
    %eq3A_3625 = arith.constant dense<true> : vector<256x128xi1>
    %eq3A_3626 = arith.xori %eq3A_3624, %eq3A_3625 : vector<256x128xi1>
    %select_n3A_3627 = arith.select %eq3A_3626, %select_n3A_3594, %select_n3A_3610 : vector<256x128xi1>, vector<256x128xi32>
    %select_n3A_3628 = arith.select %eq3A_3626, %select_n3A_3595, %select_n3A_3611 : vector<256x128xi1>, vector<256x128xi32>
    %roll3A_3629 = arith.constant 252 : i32
    %roll3A_3630 = tpu.dynamic_rotate %select_n3A_3627 by %roll3A_3629 dim 0 : vector<256x128xi32>, i32 -> vector<256x128xi32>
    %roll3A_3631 = arith.constant 4 : i32
    %roll3A_3632 = tpu.dynamic_rotate %select_n3A_3627 by %roll3A_3631 dim 0 : vector<256x128xi32>, i32 -> vector<256x128xi32>
    %roll3A_3633 = arith.constant 252 : i32
    %roll3A_3634 = tpu.dynamic_rotate %select_n3A_3628 by %roll3A_3633 dim 0 : vector<256x128xi32>, i32 -> vector<256x128xi32>
    %roll3A_3635 = arith.constant 4 : i32
    %roll3A_3636 = tpu.dynamic_rotate %select_n3A_3628 by %roll3A_3635 dim 0 : vector<256x128xi32>, i32 -> vector<256x128xi32>
    %and3A_3637 = arith.constant 512 : i32
    %and3A_3638 = vector.broadcast %and3A_3637 : i32 to vector<256x128xi32>
    %and3A_3639 = arith.andi %add3A, %and3A_3638 : vector<256x128xi32>
    %ne3A_3640 = arith.constant 0 : i32
    %ne3A_3641 = vector.broadcast %ne3A_3640 : i32 to vector<256x128xi32>
    %ne3A_3642 = arith.cmpi ne, %and3A_3639, %ne3A_3641 : vector<256x128xi32>
    %select_n3A_3643 = arith.select %ne3A_3642, %roll3A_3632, %roll3A_3630 : vector<256x128xi1>, vector<256x128xi32>
    %select_n3A_3644 = arith.select %ne3A_3642, %roll3A_3636, %roll3A_3634 : vector<256x128xi1>, vector<256x128xi32>
    %and3A_3645 = arith.constant 32768 : i32
    %and3A_3646 = vector.broadcast %and3A_3645 : i32 to vector<256x128xi32>
    %and3A_3647 = arith.andi %add3A, %and3A_3646 : vector<256x128xi32>
    %eq3A_3648 = arith.constant 0 : i32
    %eq3A_3649 = vector.broadcast %eq3A_3648 : i32 to vector<256x128xi32>
    %eq3A_3650 = arith.cmpi eq, %and3A_3647, %eq3A_3649 : vector<256x128xi32>
    %xor3A_3651 = arith.xori %ne3A_3642, %eq3A_3650 : vector<256x128xi1>
    %gt3A_3652 = arith.cmpi sgt, %select_n3A_3627, %select_n3A_3643 : vector<256x128xi32>
    %eq3A_3653 = arith.cmpi eq, %select_n3A_3627, %select_n3A_3643 : vector<256x128xi32>
    %lt3A_3654 = arith.cmpi slt, %select_n3A_3628, %select_n3A_3644 : vector<256x128xi32>
    %and3A_3655 = arith.andi %eq3A_3653, %lt3A_3654 : vector<256x128xi1>
    %or3A_3656 = arith.ori %gt3A_3652, %and3A_3655 : vector<256x128xi1>
    %eq3A_3657 = arith.xori %or3A_3656, %xor3A_3651 : vector<256x128xi1>
    %eq3A_3658 = arith.constant dense<true> : vector<256x128xi1>
    %eq3A_3659 = arith.xori %eq3A_3657, %eq3A_3658 : vector<256x128xi1>
    %select_n3A_3660 = arith.select %eq3A_3659, %select_n3A_3627, %select_n3A_3643 : vector<256x128xi1>, vector<256x128xi32>
    %select_n3A_3661 = arith.select %eq3A_3659, %select_n3A_3628, %select_n3A_3644 : vector<256x128xi1>, vector<256x128xi32>
    %roll3A_3662 = arith.constant 254 : i32
    %roll3A_3663 = tpu.dynamic_rotate %select_n3A_3660 by %roll3A_3662 dim 0 : vector<256x128xi32>, i32 -> vector<256x128xi32>
    %roll3A_3664 = arith.constant 2 : i32
    %roll3A_3665 = tpu.dynamic_rotate %select_n3A_3660 by %roll3A_3664 dim 0 : vector<256x128xi32>, i32 -> vector<256x128xi32>
    %roll3A_3666 = arith.constant 254 : i32
    %roll3A_3667 = tpu.dynamic_rotate %select_n3A_3661 by %roll3A_3666 dim 0 : vector<256x128xi32>, i32 -> vector<256x128xi32>
    %roll3A_3668 = arith.constant 2 : i32
    %roll3A_3669 = tpu.dynamic_rotate %select_n3A_3661 by %roll3A_3668 dim 0 : vector<256x128xi32>, i32 -> vector<256x128xi32>
    %and3A_3670 = arith.constant 256 : i32
    %and3A_3671 = vector.broadcast %and3A_3670 : i32 to vector<256x128xi32>
    %and3A_3672 = arith.andi %add3A, %and3A_3671 : vector<256x128xi32>
    %ne3A_3673 = arith.constant 0 : i32
    %ne3A_3674 = vector.broadcast %ne3A_3673 : i32 to vector<256x128xi32>
    %ne3A_3675 = arith.cmpi ne, %and3A_3672, %ne3A_3674 : vector<256x128xi32>
    %select_n3A_3676 = arith.select %ne3A_3675, %roll3A_3665, %roll3A_3663 : vector<256x128xi1>, vector<256x128xi32>
    %select_n3A_3677 = arith.select %ne3A_3675, %roll3A_3669, %roll3A_3667 : vector<256x128xi1>, vector<256x128xi32>
    %and3A_3678 = arith.constant 32768 : i32
    %and3A_3679 = vector.broadcast %and3A_3678 : i32 to vector<256x128xi32>
    %and3A_3680 = arith.andi %add3A, %and3A_3679 : vector<256x128xi32>
    %eq3A_3681 = arith.constant 0 : i32
    %eq3A_3682 = vector.broadcast %eq3A_3681 : i32 to vector<256x128xi32>
    %eq3A_3683 = arith.cmpi eq, %and3A_3680, %eq3A_3682 : vector<256x128xi32>
    %xor3A_3684 = arith.xori %ne3A_3675, %eq3A_3683 : vector<256x128xi1>
    %gt3A_3685 = arith.cmpi sgt, %select_n3A_3660, %select_n3A_3676 : vector<256x128xi32>
    %eq3A_3686 = arith.cmpi eq, %select_n3A_3660, %select_n3A_3676 : vector<256x128xi32>
    %lt3A_3687 = arith.cmpi slt, %select_n3A_3661, %select_n3A_3677 : vector<256x128xi32>
    %and3A_3688 = arith.andi %eq3A_3686, %lt3A_3687 : vector<256x128xi1>
    %or3A_3689 = arith.ori %gt3A_3685, %and3A_3688 : vector<256x128xi1>
    %eq3A_3690 = arith.xori %or3A_3689, %xor3A_3684 : vector<256x128xi1>
    %eq3A_3691 = arith.constant dense<true> : vector<256x128xi1>
    %eq3A_3692 = arith.xori %eq3A_3690, %eq3A_3691 : vector<256x128xi1>
    %select_n3A_3693 = arith.select %eq3A_3692, %select_n3A_3660, %select_n3A_3676 : vector<256x128xi1>, vector<256x128xi32>
    %select_n3A_3694 = arith.select %eq3A_3692, %select_n3A_3661, %select_n3A_3677 : vector<256x128xi1>, vector<256x128xi32>
    %roll3A_3695 = arith.constant 255 : i32
    %roll3A_3696 = tpu.dynamic_rotate %select_n3A_3693 by %roll3A_3695 dim 0 : vector<256x128xi32>, i32 -> vector<256x128xi32>
    %roll3A_3697 = arith.constant 1 : i32
    %roll3A_3698 = tpu.dynamic_rotate %select_n3A_3693 by %roll3A_3697 dim 0 : vector<256x128xi32>, i32 -> vector<256x128xi32>
    %roll3A_3699 = arith.constant 255 : i32
    %roll3A_3700 = tpu.dynamic_rotate %select_n3A_3694 by %roll3A_3699 dim 0 : vector<256x128xi32>, i32 -> vector<256x128xi32>
    %roll3A_3701 = arith.constant 1 : i32
    %roll3A_3702 = tpu.dynamic_rotate %select_n3A_3694 by %roll3A_3701 dim 0 : vector<256x128xi32>, i32 -> vector<256x128xi32>
    %and3A_3703 = arith.constant 128 : i32
    %and3A_3704 = vector.broadcast %and3A_3703 : i32 to vector<256x128xi32>
    %and3A_3705 = arith.andi %add3A, %and3A_3704 : vector<256x128xi32>
    %ne3A_3706 = arith.constant 0 : i32
    %ne3A_3707 = vector.broadcast %ne3A_3706 : i32 to vector<256x128xi32>
    %ne3A_3708 = arith.cmpi ne, %and3A_3705, %ne3A_3707 : vector<256x128xi32>
    %select_n3A_3709 = arith.select %ne3A_3708, %roll3A_3698, %roll3A_3696 : vector<256x128xi1>, vector<256x128xi32>
    %select_n3A_3710 = arith.select %ne3A_3708, %roll3A_3702, %roll3A_3700 : vector<256x128xi1>, vector<256x128xi32>
    %and3A_3711 = arith.constant 32768 : i32
    %and3A_3712 = vector.broadcast %and3A_3711 : i32 to vector<256x128xi32>
    %and3A_3713 = arith.andi %add3A, %and3A_3712 : vector<256x128xi32>
    %eq3A_3714 = arith.constant 0 : i32
    %eq3A_3715 = vector.broadcast %eq3A_3714 : i32 to vector<256x128xi32>
    %eq3A_3716 = arith.cmpi eq, %and3A_3713, %eq3A_3715 : vector<256x128xi32>
    %xor3A_3717 = arith.xori %ne3A_3708, %eq3A_3716 : vector<256x128xi1>
    %gt3A_3718 = arith.cmpi sgt, %select_n3A_3693, %select_n3A_3709 : vector<256x128xi32>
    %eq3A_3719 = arith.cmpi eq, %select_n3A_3693, %select_n3A_3709 : vector<256x128xi32>
    %lt3A_3720 = arith.cmpi slt, %select_n3A_3694, %select_n3A_3710 : vector<256x128xi32>
    %and3A_3721 = arith.andi %eq3A_3719, %lt3A_3720 : vector<256x128xi1>
    %or3A_3722 = arith.ori %gt3A_3718, %and3A_3721 : vector<256x128xi1>
    %eq3A_3723 = arith.xori %or3A_3722, %xor3A_3717 : vector<256x128xi1>
    %eq3A_3724 = arith.constant dense<true> : vector<256x128xi1>
    %eq3A_3725 = arith.xori %eq3A_3723, %eq3A_3724 : vector<256x128xi1>
    %select_n3A_3726 = arith.select %eq3A_3725, %select_n3A_3693, %select_n3A_3709 : vector<256x128xi1>, vector<256x128xi32>
    %select_n3A_3727 = arith.select %eq3A_3725, %select_n3A_3694, %select_n3A_3710 : vector<256x128xi1>, vector<256x128xi32>
    %roll3A_3728 = arith.constant 64 : i32
    %roll3A_3729 = tpu.dynamic_rotate %select_n3A_3726 by %roll3A_3728 dim 1 : vector<256x128xi32>, i32 -> vector<256x128xi32>
    %roll3A_3730 = arith.constant 64 : i32
    %roll3A_3731 = tpu.dynamic_rotate %select_n3A_3726 by %roll3A_3730 dim 1 : vector<256x128xi32>, i32 -> vector<256x128xi32>
    %roll3A_3732 = arith.constant 64 : i32
    %roll3A_3733 = tpu.dynamic_rotate %select_n3A_3727 by %roll3A_3732 dim 1 : vector<256x128xi32>, i32 -> vector<256x128xi32>
    %roll3A_3734 = arith.constant 64 : i32
    %roll3A_3735 = tpu.dynamic_rotate %select_n3A_3727 by %roll3A_3734 dim 1 : vector<256x128xi32>, i32 -> vector<256x128xi32>
    %and3A_3736 = arith.constant 64 : i32
    %and3A_3737 = vector.broadcast %and3A_3736 : i32 to vector<256x128xi32>
    %and3A_3738 = arith.andi %add3A, %and3A_3737 : vector<256x128xi32>
    %ne3A_3739 = arith.constant 0 : i32
    %ne3A_3740 = vector.broadcast %ne3A_3739 : i32 to vector<256x128xi32>
    %ne3A_3741 = arith.cmpi ne, %and3A_3738, %ne3A_3740 : vector<256x128xi32>
    %select_n3A_3742 = arith.select %ne3A_3741, %roll3A_3731, %roll3A_3729 : vector<256x128xi1>, vector<256x128xi32>
    %select_n3A_3743 = arith.select %ne3A_3741, %roll3A_3735, %roll3A_3733 : vector<256x128xi1>, vector<256x128xi32>
    %and3A_3744 = arith.constant 32768 : i32
    %and3A_3745 = vector.broadcast %and3A_3744 : i32 to vector<256x128xi32>
    %and3A_3746 = arith.andi %add3A, %and3A_3745 : vector<256x128xi32>
    %eq3A_3747 = arith.constant 0 : i32
    %eq3A_3748 = vector.broadcast %eq3A_3747 : i32 to vector<256x128xi32>
    %eq3A_3749 = arith.cmpi eq, %and3A_3746, %eq3A_3748 : vector<256x128xi32>
    %xor3A_3750 = arith.xori %ne3A_3741, %eq3A_3749 : vector<256x128xi1>
    %gt3A_3751 = arith.cmpi sgt, %select_n3A_3726, %select_n3A_3742 : vector<256x128xi32>
    %eq3A_3752 = arith.cmpi eq, %select_n3A_3726, %select_n3A_3742 : vector<256x128xi32>
    %lt3A_3753 = arith.cmpi slt, %select_n3A_3727, %select_n3A_3743 : vector<256x128xi32>
    %and3A_3754 = arith.andi %eq3A_3752, %lt3A_3753 : vector<256x128xi1>
    %or3A_3755 = arith.ori %gt3A_3751, %and3A_3754 : vector<256x128xi1>
    %eq3A_3756 = arith.xori %or3A_3755, %xor3A_3750 : vector<256x128xi1>
    %eq3A_3757 = arith.constant dense<true> : vector<256x128xi1>
    %eq3A_3758 = arith.xori %eq3A_3756, %eq3A_3757 : vector<256x128xi1>
    %select_n3A_3759 = arith.select %eq3A_3758, %select_n3A_3726, %select_n3A_3742 : vector<256x128xi1>, vector<256x128xi32>
    %select_n3A_3760 = arith.select %eq3A_3758, %select_n3A_3727, %select_n3A_3743 : vector<256x128xi1>, vector<256x128xi32>
    %roll3A_3761 = arith.constant 96 : i32
    %roll3A_3762 = tpu.dynamic_rotate %select_n3A_3759 by %roll3A_3761 dim 1 : vector<256x128xi32>, i32 -> vector<256x128xi32>
    %roll3A_3763 = arith.constant 32 : i32
    %roll3A_3764 = tpu.dynamic_rotate %select_n3A_3759 by %roll3A_3763 dim 1 : vector<256x128xi32>, i32 -> vector<256x128xi32>
    %roll3A_3765 = arith.constant 96 : i32
    %roll3A_3766 = tpu.dynamic_rotate %select_n3A_3760 by %roll3A_3765 dim 1 : vector<256x128xi32>, i32 -> vector<256x128xi32>
    %roll3A_3767 = arith.constant 32 : i32
    %roll3A_3768 = tpu.dynamic_rotate %select_n3A_3760 by %roll3A_3767 dim 1 : vector<256x128xi32>, i32 -> vector<256x128xi32>
    %and3A_3769 = arith.constant 32 : i32
    %and3A_3770 = vector.broadcast %and3A_3769 : i32 to vector<256x128xi32>
    %and3A_3771 = arith.andi %add3A, %and3A_3770 : vector<256x128xi32>
    %ne3A_3772 = arith.constant 0 : i32
    %ne3A_3773 = vector.broadcast %ne3A_3772 : i32 to vector<256x128xi32>
    %ne3A_3774 = arith.cmpi ne, %and3A_3771, %ne3A_3773 : vector<256x128xi32>
    %select_n3A_3775 = arith.select %ne3A_3774, %roll3A_3764, %roll3A_3762 : vector<256x128xi1>, vector<256x128xi32>
    %select_n3A_3776 = arith.select %ne3A_3774, %roll3A_3768, %roll3A_3766 : vector<256x128xi1>, vector<256x128xi32>
    %and3A_3777 = arith.constant 32768 : i32
    %and3A_3778 = vector.broadcast %and3A_3777 : i32 to vector<256x128xi32>
    %and3A_3779 = arith.andi %add3A, %and3A_3778 : vector<256x128xi32>
    %eq3A_3780 = arith.constant 0 : i32
    %eq3A_3781 = vector.broadcast %eq3A_3780 : i32 to vector<256x128xi32>
    %eq3A_3782 = arith.cmpi eq, %and3A_3779, %eq3A_3781 : vector<256x128xi32>
    %xor3A_3783 = arith.xori %ne3A_3774, %eq3A_3782 : vector<256x128xi1>
    %gt3A_3784 = arith.cmpi sgt, %select_n3A_3759, %select_n3A_3775 : vector<256x128xi32>
    %eq3A_3785 = arith.cmpi eq, %select_n3A_3759, %select_n3A_3775 : vector<256x128xi32>
    %lt3A_3786 = arith.cmpi slt, %select_n3A_3760, %select_n3A_3776 : vector<256x128xi32>
    %and3A_3787 = arith.andi %eq3A_3785, %lt3A_3786 : vector<256x128xi1>
    %or3A_3788 = arith.ori %gt3A_3784, %and3A_3787 : vector<256x128xi1>
    %eq3A_3789 = arith.xori %or3A_3788, %xor3A_3783 : vector<256x128xi1>
    %eq3A_3790 = arith.constant dense<true> : vector<256x128xi1>
    %eq3A_3791 = arith.xori %eq3A_3789, %eq3A_3790 : vector<256x128xi1>
    %select_n3A_3792 = arith.select %eq3A_3791, %select_n3A_3759, %select_n3A_3775 : vector<256x128xi1>, vector<256x128xi32>
    %select_n3A_3793 = arith.select %eq3A_3791, %select_n3A_3760, %select_n3A_3776 : vector<256x128xi1>, vector<256x128xi32>
    %roll3A_3794 = arith.constant 112 : i32
    %roll3A_3795 = tpu.dynamic_rotate %select_n3A_3792 by %roll3A_3794 dim 1 : vector<256x128xi32>, i32 -> vector<256x128xi32>
    %roll3A_3796 = arith.constant 16 : i32
    %roll3A_3797 = tpu.dynamic_rotate %select_n3A_3792 by %roll3A_3796 dim 1 : vector<256x128xi32>, i32 -> vector<256x128xi32>
    %roll3A_3798 = arith.constant 112 : i32
    %roll3A_3799 = tpu.dynamic_rotate %select_n3A_3793 by %roll3A_3798 dim 1 : vector<256x128xi32>, i32 -> vector<256x128xi32>
    %roll3A_3800 = arith.constant 16 : i32
    %roll3A_3801 = tpu.dynamic_rotate %select_n3A_3793 by %roll3A_3800 dim 1 : vector<256x128xi32>, i32 -> vector<256x128xi32>
    %and3A_3802 = arith.constant 16 : i32
    %and3A_3803 = vector.broadcast %and3A_3802 : i32 to vector<256x128xi32>
    %and3A_3804 = arith.andi %add3A, %and3A_3803 : vector<256x128xi32>
    %ne3A_3805 = arith.constant 0 : i32
    %ne3A_3806 = vector.broadcast %ne3A_3805 : i32 to vector<256x128xi32>
    %ne3A_3807 = arith.cmpi ne, %and3A_3804, %ne3A_3806 : vector<256x128xi32>
    %select_n3A_3808 = arith.select %ne3A_3807, %roll3A_3797, %roll3A_3795 : vector<256x128xi1>, vector<256x128xi32>
    %select_n3A_3809 = arith.select %ne3A_3807, %roll3A_3801, %roll3A_3799 : vector<256x128xi1>, vector<256x128xi32>
    %and3A_3810 = arith.constant 32768 : i32
    %and3A_3811 = vector.broadcast %and3A_3810 : i32 to vector<256x128xi32>
    %and3A_3812 = arith.andi %add3A, %and3A_3811 : vector<256x128xi32>
    %eq3A_3813 = arith.constant 0 : i32
    %eq3A_3814 = vector.broadcast %eq3A_3813 : i32 to vector<256x128xi32>
    %eq3A_3815 = arith.cmpi eq, %and3A_3812, %eq3A_3814 : vector<256x128xi32>
    %xor3A_3816 = arith.xori %ne3A_3807, %eq3A_3815 : vector<256x128xi1>
    %gt3A_3817 = arith.cmpi sgt, %select_n3A_3792, %select_n3A_3808 : vector<256x128xi32>
    %eq3A_3818 = arith.cmpi eq, %select_n3A_3792, %select_n3A_3808 : vector<256x128xi32>
    %lt3A_3819 = arith.cmpi slt, %select_n3A_3793, %select_n3A_3809 : vector<256x128xi32>
    %and3A_3820 = arith.andi %eq3A_3818, %lt3A_3819 : vector<256x128xi1>
    %or3A_3821 = arith.ori %gt3A_3817, %and3A_3820 : vector<256x128xi1>
    %eq3A_3822 = arith.xori %or3A_3821, %xor3A_3816 : vector<256x128xi1>
    %eq3A_3823 = arith.constant dense<true> : vector<256x128xi1>
    %eq3A_3824 = arith.xori %eq3A_3822, %eq3A_3823 : vector<256x128xi1>
    %select_n3A_3825 = arith.select %eq3A_3824, %select_n3A_3792, %select_n3A_3808 : vector<256x128xi1>, vector<256x128xi32>
    %select_n3A_3826 = arith.select %eq3A_3824, %select_n3A_3793, %select_n3A_3809 : vector<256x128xi1>, vector<256x128xi32>
    %roll3A_3827 = arith.constant 120 : i32
    %roll3A_3828 = tpu.dynamic_rotate %select_n3A_3825 by %roll3A_3827 dim 1 : vector<256x128xi32>, i32 -> vector<256x128xi32>
    %roll3A_3829 = arith.constant 8 : i32
    %roll3A_3830 = tpu.dynamic_rotate %select_n3A_3825 by %roll3A_3829 dim 1 : vector<256x128xi32>, i32 -> vector<256x128xi32>
    %roll3A_3831 = arith.constant 120 : i32
    %roll3A_3832 = tpu.dynamic_rotate %select_n3A_3826 by %roll3A_3831 dim 1 : vector<256x128xi32>, i32 -> vector<256x128xi32>
    %roll3A_3833 = arith.constant 8 : i32
    %roll3A_3834 = tpu.dynamic_rotate %select_n3A_3826 by %roll3A_3833 dim 1 : vector<256x128xi32>, i32 -> vector<256x128xi32>
    %and3A_3835 = arith.constant 8 : i32
    %and3A_3836 = vector.broadcast %and3A_3835 : i32 to vector<256x128xi32>
    %and3A_3837 = arith.andi %add3A, %and3A_3836 : vector<256x128xi32>
    %ne3A_3838 = arith.constant 0 : i32
    %ne3A_3839 = vector.broadcast %ne3A_3838 : i32 to vector<256x128xi32>
    %ne3A_3840 = arith.cmpi ne, %and3A_3837, %ne3A_3839 : vector<256x128xi32>
    %select_n3A_3841 = arith.select %ne3A_3840, %roll3A_3830, %roll3A_3828 : vector<256x128xi1>, vector<256x128xi32>
    %select_n3A_3842 = arith.select %ne3A_3840, %roll3A_3834, %roll3A_3832 : vector<256x128xi1>, vector<256x128xi32>
    %and3A_3843 = arith.constant 32768 : i32
    %and3A_3844 = vector.broadcast %and3A_3843 : i32 to vector<256x128xi32>
    %and3A_3845 = arith.andi %add3A, %and3A_3844 : vector<256x128xi32>
    %eq3A_3846 = arith.constant 0 : i32
    %eq3A_3847 = vector.broadcast %eq3A_3846 : i32 to vector<256x128xi32>
    %eq3A_3848 = arith.cmpi eq, %and3A_3845, %eq3A_3847 : vector<256x128xi32>
    %xor3A_3849 = arith.xori %ne3A_3840, %eq3A_3848 : vector<256x128xi1>
    %gt3A_3850 = arith.cmpi sgt, %select_n3A_3825, %select_n3A_3841 : vector<256x128xi32>
    %eq3A_3851 = arith.cmpi eq, %select_n3A_3825, %select_n3A_3841 : vector<256x128xi32>
    %lt3A_3852 = arith.cmpi slt, %select_n3A_3826, %select_n3A_3842 : vector<256x128xi32>
    %and3A_3853 = arith.andi %eq3A_3851, %lt3A_3852 : vector<256x128xi1>
    %or3A_3854 = arith.ori %gt3A_3850, %and3A_3853 : vector<256x128xi1>
    %eq3A_3855 = arith.xori %or3A_3854, %xor3A_3849 : vector<256x128xi1>
    %eq3A_3856 = arith.constant dense<true> : vector<256x128xi1>
    %eq3A_3857 = arith.xori %eq3A_3855, %eq3A_3856 : vector<256x128xi1>
    %select_n3A_3858 = arith.select %eq3A_3857, %select_n3A_3825, %select_n3A_3841 : vector<256x128xi1>, vector<256x128xi32>
    %select_n3A_3859 = arith.select %eq3A_3857, %select_n3A_3826, %select_n3A_3842 : vector<256x128xi1>, vector<256x128xi32>
    %roll3A_3860 = arith.constant 124 : i32
    %roll3A_3861 = tpu.dynamic_rotate %select_n3A_3858 by %roll3A_3860 dim 1 : vector<256x128xi32>, i32 -> vector<256x128xi32>
    %roll3A_3862 = arith.constant 4 : i32
    %roll3A_3863 = tpu.dynamic_rotate %select_n3A_3858 by %roll3A_3862 dim 1 : vector<256x128xi32>, i32 -> vector<256x128xi32>
    %roll3A_3864 = arith.constant 124 : i32
    %roll3A_3865 = tpu.dynamic_rotate %select_n3A_3859 by %roll3A_3864 dim 1 : vector<256x128xi32>, i32 -> vector<256x128xi32>
    %roll3A_3866 = arith.constant 4 : i32
    %roll3A_3867 = tpu.dynamic_rotate %select_n3A_3859 by %roll3A_3866 dim 1 : vector<256x128xi32>, i32 -> vector<256x128xi32>
    %and3A_3868 = arith.constant 4 : i32
    %and3A_3869 = vector.broadcast %and3A_3868 : i32 to vector<256x128xi32>
    %and3A_3870 = arith.andi %add3A, %and3A_3869 : vector<256x128xi32>
    %ne3A_3871 = arith.constant 0 : i32
    %ne3A_3872 = vector.broadcast %ne3A_3871 : i32 to vector<256x128xi32>
    %ne3A_3873 = arith.cmpi ne, %and3A_3870, %ne3A_3872 : vector<256x128xi32>
    %select_n3A_3874 = arith.select %ne3A_3873, %roll3A_3863, %roll3A_3861 : vector<256x128xi1>, vector<256x128xi32>
    %select_n3A_3875 = arith.select %ne3A_3873, %roll3A_3867, %roll3A_3865 : vector<256x128xi1>, vector<256x128xi32>
    %and3A_3876 = arith.constant 32768 : i32
    %and3A_3877 = vector.broadcast %and3A_3876 : i32 to vector<256x128xi32>
    %and3A_3878 = arith.andi %add3A, %and3A_3877 : vector<256x128xi32>
    %eq3A_3879 = arith.constant 0 : i32
    %eq3A_3880 = vector.broadcast %eq3A_3879 : i32 to vector<256x128xi32>
    %eq3A_3881 = arith.cmpi eq, %and3A_3878, %eq3A_3880 : vector<256x128xi32>
    %xor3A_3882 = arith.xori %ne3A_3873, %eq3A_3881 : vector<256x128xi1>
    %gt3A_3883 = arith.cmpi sgt, %select_n3A_3858, %select_n3A_3874 : vector<256x128xi32>
    %eq3A_3884 = arith.cmpi eq, %select_n3A_3858, %select_n3A_3874 : vector<256x128xi32>
    %lt3A_3885 = arith.cmpi slt, %select_n3A_3859, %select_n3A_3875 : vector<256x128xi32>
    %and3A_3886 = arith.andi %eq3A_3884, %lt3A_3885 : vector<256x128xi1>
    %or3A_3887 = arith.ori %gt3A_3883, %and3A_3886 : vector<256x128xi1>
    %eq3A_3888 = arith.xori %or3A_3887, %xor3A_3882 : vector<256x128xi1>
    %eq3A_3889 = arith.constant dense<true> : vector<256x128xi1>
    %eq3A_3890 = arith.xori %eq3A_3888, %eq3A_3889 : vector<256x128xi1>
    %select_n3A_3891 = arith.select %eq3A_3890, %select_n3A_3858, %select_n3A_3874 : vector<256x128xi1>, vector<256x128xi32>
    %select_n3A_3892 = arith.select %eq3A_3890, %select_n3A_3859, %select_n3A_3875 : vector<256x128xi1>, vector<256x128xi32>
    %roll3A_3893 = arith.constant 126 : i32
    %roll3A_3894 = tpu.dynamic_rotate %select_n3A_3891 by %roll3A_3893 dim 1 : vector<256x128xi32>, i32 -> vector<256x128xi32>
    %roll3A_3895 = arith.constant 2 : i32
    %roll3A_3896 = tpu.dynamic_rotate %select_n3A_3891 by %roll3A_3895 dim 1 : vector<256x128xi32>, i32 -> vector<256x128xi32>
    %roll3A_3897 = arith.constant 126 : i32
    %roll3A_3898 = tpu.dynamic_rotate %select_n3A_3892 by %roll3A_3897 dim 1 : vector<256x128xi32>, i32 -> vector<256x128xi32>
    %roll3A_3899 = arith.constant 2 : i32
    %roll3A_3900 = tpu.dynamic_rotate %select_n3A_3892 by %roll3A_3899 dim 1 : vector<256x128xi32>, i32 -> vector<256x128xi32>
    %and3A_3901 = arith.constant 2 : i32
    %and3A_3902 = vector.broadcast %and3A_3901 : i32 to vector<256x128xi32>
    %and3A_3903 = arith.andi %add3A, %and3A_3902 : vector<256x128xi32>
    %ne3A_3904 = arith.constant 0 : i32
    %ne3A_3905 = vector.broadcast %ne3A_3904 : i32 to vector<256x128xi32>
    %ne3A_3906 = arith.cmpi ne, %and3A_3903, %ne3A_3905 : vector<256x128xi32>
    %select_n3A_3907 = arith.select %ne3A_3906, %roll3A_3896, %roll3A_3894 : vector<256x128xi1>, vector<256x128xi32>
    %select_n3A_3908 = arith.select %ne3A_3906, %roll3A_3900, %roll3A_3898 : vector<256x128xi1>, vector<256x128xi32>
    %and3A_3909 = arith.constant 32768 : i32
    %and3A_3910 = vector.broadcast %and3A_3909 : i32 to vector<256x128xi32>
    %and3A_3911 = arith.andi %add3A, %and3A_3910 : vector<256x128xi32>
    %eq3A_3912 = arith.constant 0 : i32
    %eq3A_3913 = vector.broadcast %eq3A_3912 : i32 to vector<256x128xi32>
    %eq3A_3914 = arith.cmpi eq, %and3A_3911, %eq3A_3913 : vector<256x128xi32>
    %xor3A_3915 = arith.xori %ne3A_3906, %eq3A_3914 : vector<256x128xi1>
    %gt3A_3916 = arith.cmpi sgt, %select_n3A_3891, %select_n3A_3907 : vector<256x128xi32>
    %eq3A_3917 = arith.cmpi eq, %select_n3A_3891, %select_n3A_3907 : vector<256x128xi32>
    %lt3A_3918 = arith.cmpi slt, %select_n3A_3892, %select_n3A_3908 : vector<256x128xi32>
    %and3A_3919 = arith.andi %eq3A_3917, %lt3A_3918 : vector<256x128xi1>
    %or3A_3920 = arith.ori %gt3A_3916, %and3A_3919 : vector<256x128xi1>
    %eq3A_3921 = arith.xori %or3A_3920, %xor3A_3915 : vector<256x128xi1>
    %eq3A_3922 = arith.constant dense<true> : vector<256x128xi1>
    %eq3A_3923 = arith.xori %eq3A_3921, %eq3A_3922 : vector<256x128xi1>
    %select_n3A_3924 = arith.select %eq3A_3923, %select_n3A_3891, %select_n3A_3907 : vector<256x128xi1>, vector<256x128xi32>
    %select_n3A_3925 = arith.select %eq3A_3923, %select_n3A_3892, %select_n3A_3908 : vector<256x128xi1>, vector<256x128xi32>
    %roll3A_3926 = arith.constant 127 : i32
    %roll3A_3927 = tpu.dynamic_rotate %select_n3A_3924 by %roll3A_3926 dim 1 : vector<256x128xi32>, i32 -> vector<256x128xi32>
    %roll3A_3928 = arith.constant 1 : i32
    %roll3A_3929 = tpu.dynamic_rotate %select_n3A_3924 by %roll3A_3928 dim 1 : vector<256x128xi32>, i32 -> vector<256x128xi32>
    %roll3A_3930 = arith.constant 127 : i32
    %roll3A_3931 = tpu.dynamic_rotate %select_n3A_3925 by %roll3A_3930 dim 1 : vector<256x128xi32>, i32 -> vector<256x128xi32>
    %roll3A_3932 = arith.constant 1 : i32
    %roll3A_3933 = tpu.dynamic_rotate %select_n3A_3925 by %roll3A_3932 dim 1 : vector<256x128xi32>, i32 -> vector<256x128xi32>
    %and3A_3934 = arith.constant 1 : i32
    %and3A_3935 = vector.broadcast %and3A_3934 : i32 to vector<256x128xi32>
    %and3A_3936 = arith.andi %add3A, %and3A_3935 : vector<256x128xi32>
    %ne3A_3937 = arith.constant 0 : i32
    %ne3A_3938 = vector.broadcast %ne3A_3937 : i32 to vector<256x128xi32>
    %ne3A_3939 = arith.cmpi ne, %and3A_3936, %ne3A_3938 : vector<256x128xi32>
    %select_n3A_3940 = arith.select %ne3A_3939, %roll3A_3929, %roll3A_3927 : vector<256x128xi1>, vector<256x128xi32>
    %select_n3A_3941 = arith.select %ne3A_3939, %roll3A_3933, %roll3A_3931 : vector<256x128xi1>, vector<256x128xi32>
    %and3A_3942 = arith.constant 32768 : i32
    %and3A_3943 = vector.broadcast %and3A_3942 : i32 to vector<256x128xi32>
    %and3A_3944 = arith.andi %add3A, %and3A_3943 : vector<256x128xi32>
    %eq3A_3945 = arith.constant 0 : i32
    %eq3A_3946 = vector.broadcast %eq3A_3945 : i32 to vector<256x128xi32>
    %eq3A_3947 = arith.cmpi eq, %and3A_3944, %eq3A_3946 : vector<256x128xi32>
    %xor3A_3948 = arith.xori %ne3A_3939, %eq3A_3947 : vector<256x128xi1>
    %gt3A_3949 = arith.cmpi sgt, %select_n3A_3924, %select_n3A_3940 : vector<256x128xi32>
    %eq3A_3950 = arith.cmpi eq, %select_n3A_3924, %select_n3A_3940 : vector<256x128xi32>
    %lt3A_3951 = arith.cmpi slt, %select_n3A_3925, %select_n3A_3941 : vector<256x128xi32>
    %and3A_3952 = arith.andi %eq3A_3950, %lt3A_3951 : vector<256x128xi1>
    %or3A_3953 = arith.ori %gt3A_3949, %and3A_3952 : vector<256x128xi1>
    %eq3A_3954 = arith.xori %or3A_3953, %xor3A_3948 : vector<256x128xi1>
    %eq3A_3955 = arith.constant dense<true> : vector<256x128xi1>
    %eq3A_3956 = arith.xori %eq3A_3954, %eq3A_3955 : vector<256x128xi1>
    %select_n3A_3957 = arith.select %eq3A_3956, %select_n3A_3925, %select_n3A_3941 : vector<256x128xi1>, vector<256x128xi32>
    %swap3A = arith.constant 0 : index
    %swap3A_3958 = arith.constant 0 : index
    %swap3A_3959 = vector.load %arg2[%swap3A, %swap3A_3958] : memref<256x128xi32, #tpu.memory_space<vmem>>, vector<256x128xi32>
    tpu.vector_store %arg2[%swap3A, %swap3A_3958], %select_n3A_3957 {strides = array<i32>} : memref<256x128xi32, #tpu.memory_space<vmem>>, vector<256x128xi32>,
    return
  }
}

</mosaic_0001>

<sc_bundles>
// kernel: kernel.5.cloned.1.call-start
scs
__scs_entry_jumppad:
0x0: {  	(pc) =	sbr.rel $0x88, $3  }
0x1: {  	(tag) =	ssettag $0x0;
	lr =	simm.s32 $0x1  }
0x2: {  	[smem:$0x3F9F] =	sst lr;
	_ =	strace $0xD0000000  }
0x3: {  	_ = 	snop  }
0x4: {  	_ = 	snop  }
0x5: {  	_ = 	snop  }
0x6: {  	_ = 	snop  }
0x7: {  	_ = 	snop  }
__scs_overlays_trampoline_lowered:
0x8: {  	[smem:$0x3FAE] =	sst s0  }
0x9: {  	[smem:$0x3FAF] =	sst s1  }
0xa: {  	[smem:$0x3FB0] =	sst s2  }
0xb: {  	[smem:$0x3FB1] =	sst s3  }
0xc: {  	[smem:$0x3FB2] =	sst s4  }
0xd: {  	[smem:$0x3FB3] =	sst s5  }
0xe: {  	[smem:$0x3FB4] =	sst s6  }
0xf: {  	[smem:$0x3FB5] =	sst s7  }
0x10: {  	[smem:$0x3FB6] =	sst s8  }
0x11: {  	[smem:$0x3FB7] =	sst s9;
	s0 =	simm.s32 @!p0 $0x0  }
0x12: {  	s1 =	sld [smem:$0x3F9D];
	s0 =	simm.s32 @p0 $0x1  }
0x13: {  	[smem:$0x3FB8] =	sst s0;
	s0 =	simm.s32 @!p1 $0x0  }
0x14: {  	s2 =	sld [smem:$0x3F9C];
	s0 =	simm.s32 @p1 $0x1  }
0x15: {  	[smem:$0x3FB9] =	sst s0;
	s0 =	simm.s32 @!p2 $0x0  }
0x16: {  	s3 =	sld [smem:$0x3FDB];
	s0 =	simm.s32 @p2 $0x1  }
0x17: {  	s4 =	simm.s32 $0x1BF5;
	[smem:$0x3FBB] =	sst s0  }
0x18: {  	s0 =	sld [smem:$0x3F9E];
	_ =	swait.ge [sflag:s4], $0x0  }
0x19: {  	s7 =	sld [smem:$0x3F9F]  }
0x1a: {  	s8 =	sadd.s32 $0xFFFFE003, lr  }
0x1b: {  	s9 =	sadd.s32 $0xFFFFFEF7, lr;
	s5 =	simm.s32 $0xFFFFFFFF;
	p2 =	slt.u32 s8, $0xFFFFF086  }
0x1c: {  	p1 =	slt.u32 s9, $0xF7A;
	s5 =	simm.s32 @!p2 $0x0  }
0x1d: {  	s5 =	simm.s32 @p1 $0x1;
	p0 =	seq.s32 s7, s2  }
0x1e: {  	s7 =	smul.u32 @!p0 $0xF7A, s2;
	p2 =	seq.s32 @!p0 s5, $0x0  }
0x1f: {  	s9 =	smul.u32 $0xF7A, s1;
	s8 =	simm.s32 @!p0 $0x1BF5;
	p2 =	por !p2, p0  }
0x20: {  	[sflag:s8] =	ssyncset.s32 @!p0 $0xFFFFF086;
	s6 =	sadd.s32 @!p0 s3, s7;
	s7 =	simm.s32 @!p0 $0x108  }
0x21: {  	s3 =	sadd.s32 s3, s9;
	s6 =	sadd.s32 @!p0 $0x88, s6;
	s7 =	simm.s32 @p2 $0x1082  }
0x22: {  	[simem:s7], [sflag:s8] =	dma.local @!p0 [hbm:s6], $0xF7A  }
0x23: {  	s9 =	sor.u32 $0xD0000000, s2;
	s6 =	simm.s32 $0x108;
	_ =	swait.ge @!p0 [sflag:s8], $0x0  }
0x24: {  	s3 =	sadd.s32 $0x88, s3;
	s6 =	simm.s32 @!p1 $0x1082;
	[sflag:s4] =	ssyncset.s32 $0xFFFFF086  }
0x25: {  	[simem:s6], [sflag:s4] =	dma.local [hbm:s3], $0xF7A  }
0x26: {  	[smem:$0x3F9F] =	sst s1;
	(tag) =	ssettag s2;
	_ =	strace s9  }
0x27: {  	s1 =	sld [smem:$0x3FAF]  }
0x28: {  	s2 =	sld [smem:$0x3FB0]  }
0x29: {  	s4 =	sld [smem:$0x3FB2]  }
0x2a: {  	p0 =	seq.s32 s5, $0x0;
	s5 =	sld [smem:$0x3FB3]  }
0x2b: {  	s6 =	sld [smem:$0x3FB4]  }
0x2c: {  	s7 =	sld [smem:$0x3FB5]  }
0x2d: {  	s3 =	simm.s32 $0x108;
	s8 =	sld [smem:$0x3FB6]  }
0x2e: {  	s3 =	simm.s32 @!p0 $0x1082;
	s9 =	sld [smem:$0x3FB7]  }
0x2f: {  	lr =	sadd.s32 s0, s3;
	s0 =	sld [smem:$0x3FAE]  }
0x30: {  	s3 =	sld [smem:$0x3FB1]  }
0x31: {  	[smem:$0x3FBA] =	sst s10  }
0x32: {  	s10 =	sld [smem:$0x3FB8];
	_ =	sdelay $0x3  }
0x33: {  	p0 =	seq.s32 s10, $0x1;
	s10 =	sld [smem:$0x3FBA];
	_ =	sdelay $0x3  }
0x34: {  	[smem:$0x3FBA] =	sst s10  }
0x35: {  	s10 =	sld [smem:$0x3FB9];
	_ =	sdelay $0x3  }
0x36: {  	p1 =	seq.s32 s10, $0x1;
	s10 =	sld [smem:$0x3FBA];
	_ =	sdelay $0x3  }
0x37: {  	[smem:$0x3FBA] =	sst s10  }
0x38: {  	s10 =	sld [smem:$0x3FBB]  }
0x39: {  	_ = 	snop;
	(pc) =	sbr.ind lr, $3  }
0x3a: {  	_ = 	snop  }
0x3b: {  	_ = 	snop  }
0x3c: {  	p2 =	seq.s32 s10, $0x1;
	s10 =	sld [smem:$0x3FBA]  }
0x3d: {  	_ =	shalt  }
0x3e: {  	_ =	shalt  }
0x3f: {  	_ =	shalt  }
0x40: {  	_ =	shalt  }
0x41: {  	_ =	shalt  }
0x42: {  	_ =	shalt  }
0x43: {  	_ =	shalt  }
0x44: {  	_ =	shalt  }
0x45: {  	_ =	shalt  }
0x46: {  	_ =	shalt  }
0x47: {  	_ =	shalt  }
0x48: {  	_ =	shalt  }
0x49: {  	_ =	shalt  }
0x4a: {  	_ =	shalt  }
0x4b: {  	_ =	shalt  }
0x4c: {  	_ =	shalt  }
0x4d: {  	_ =	shalt  }
0x4e: {  	_ =	shalt  }
0x4f: {  	_ =	shalt  }
0x50: {  	_ =	shalt  }
0x51: {  	_ =	shalt  }
0x52: {  	_ =	shalt  }
0x53: {  	_ =	shalt  }
0x54: {  	_ =	shalt  }
0x55: {  	_ =	shalt  }
0x56: {  	_ =	shalt  }
0x57: {  	_ =	shalt  }
0x58: {  	_ =	shalt  }
0x59: {  	_ =	shalt  }
0x5a: {  	_ =	shalt  }
0x5b: {  	_ =	shalt  }
0x5c: {  	_ =	shalt  }
0x5d: {  	_ =	shalt  }
0x5e: {  	_ =	shalt  }
0x5f: {  	_ =	shalt  }
0x60: {  	_ =	shalt  }
0x61: {  	_ =	shalt  }
0x62: {  	_ =	shalt  }
0x63: {  	_ =	shalt  }
0x64: {  	_ =	shalt  }
0x65: {  	_ =	shalt  }
0x66: {  	_ =	shalt  }
0x67: {  	_ =	shalt  }
0x68: {  	_ =	shalt  }
0x69: {  	_ =	shalt  }
0x6a: {  	_ =	shalt  }
0x6b: {  	_ =	shalt  }
0x6c: {  	_ =	shalt  }
0x6d: {  	_ =	shalt  }
0x6e: {  	_ =	shalt  }
0x6f: {  	_ =	shalt  }
0x70: {  	_ =	shalt  }
0x71: {  	_ =	shalt  }
0x72: {  	_ =	shalt  }
0x73: {  	_ =	shalt  }
0x74: {  	_ =	shalt  }
0x75: {  	_ =	shalt  }
0x76: {  	_ =	shalt  }
0x77: {  	_ =	shalt  }
0x78: {  	_ =	shalt  }
0x79: {  	_ =	shalt  }
0x7a: {  	_ =	shalt  }
0x7b: {  	_ =	shalt  }
0x7c: {  	_ =	shalt  }
0x7d: {  	_ =	shalt  }
0x7e: {  	_ =	shalt  }
0x7f: {  	_ =	shalt  }
0x80: {  	_ =	shalt  }
0x81: {  	_ =	shalt  }
0x82: {  	_ =	shalt  }
0x83: {  	_ =	shalt  }
0x84: {  	_ =	shalt  }
0x85: {  	_ =	shalt  }
0x86: {  	_ =	shalt  }
0x87: {  	_ =	shalt  }
.Lfunc_end0:
.L_simem_size_0:
called_computation_lowered:
.L_overlay_start_0:
0x88: {  	s2 =	sld [smem:$0x3FD9]  }
0x89: {  	s3 =	sld [smem:$0x3FFE];
	_ =	sdelay $0x1  }
0x8a: {  	s1 =	srdreg.scid  }
0x8b: {  	s0 =	sand.u32 $0x1, s1  }
0x8c: {  	s14 =	sshll.u32 s0, $0xA;
	s2 =	sadd.s32 s3, s2  }
0x8d: {  	s2 =	sadd.s32 s2, s14  }
0x8e: {  	[smem:$0x3FC6] =	sst s2  }
0x8f: {  	_ = 	snop  }
0x90: {  	s2 =	sld [smem:$0x3FD0];
	_ =	sdelay $0x2  }
0x91: {  	s15 =	simm.s32 $0xA;
	s4 =	simm.s32 $0x10  }
0x92: {  	[smem:s4], [sflag:s15] =	dma.local [hbm:s2], $0x1  }
0x93: {  	_ =	swait.eq [sflag:s15], $0x1  }
0x94: {  	s16 =	sld [smem:$0x10];
	[sflag:s15] =	ssyncset.done $0x0  }
0x95: {  	s17 =	sld [smem:$0x11];
	[sflag:s15] =	ssyncadd.s32 $0xFFFFFFFF  }
0x96: {  	s18 =	sld [smem:$0x12];
	(tm) =	ssettm $0x1  }
0x97: {  	s5 =	sld [smem:$0x3FFB];
	_ =	sdelay $0x3  }
0x98: {  	_ =	strace s5  }
0x99: {  	s5 =	sld [smem:$0x3FFC];
	_ =	sdelay $0x3  }
0x9a: {  	_ =	strace s5  }
0x9b: {  	s5 =	sld [smem:$0x3FFD];
	_ =	sdelay $0x3  }
0x9c: {  	_ =	strace s5  }
0x9d: {  	_ =	strace $0x8FFFFFFF  }
0x9e: {  	s19 =	sld [smem:$0x3FDB];
	_ =	sdelay $0x1  }
0x9f: {  	s6 =	simm.s32 $_scs_section_size  }
0xa0: {  	s7 =	simm.s32 $_size__tile_overlayer_lowered;
	s8 =	simm.s32 $_tile_overlayer_lowered  }
0xa1: {  	s22 =	simm.s32 $0x1BFF;
	s21 =	sshll.u32 s8, $0x1;
	s5 =	sadd.s32 s6, s19  }
0xa2: {  	s9 =	simm.s32 $0x0;
	s20 =	sshll.u32 s7, $0x1;
	s7 =	sadd.s32 s21, s5  }
0xa3: {  	[timem:s9], [sflag:s22] =	dma.local [hbm:s7], s20  }
0xa4: {  	_ =	swait.ge [sflag:s22], s20  }
0xa5: {  	s6 =	ssub.s32 $0x0, s20;
	[sflag:s22] =	ssyncset.done $0x0  }
0xa6: {  	[sflag:s22] =	ssyncadd.s32 s6;
	_ =	sdelay $0x1  }
0xa7: {  	s23 =	simm.s32 $0x1B8B  }
0xa8: {  	_ =	swait.ge [sflag:s23], $0x1  }
0xa9: {  	[sflag:s23] =	ssyncset.done $0x0  }
0xaa: {  	s25 =	simm.s32 $0x1B8E;
	s24 =	sld [smem:$0x3FFE];
	[sflag:s23] =	ssyncadd.s32 $0xFFFFFFFF  }
0xab: {  	s26 =	simm.s32 $execute0_lowered;
	[smem:$0x3FD2] =	sst s25  }
0xac: {  	s7 =	sshll.u32 s26, $0x1;
	_ =	strace $0x80000046;
	[dreg:$0x1] =	wrdreg $0xFFFFFFFF  }
0xad: {  	s28 =	simm.s32 $_size_execute0_lowered;
	s5 =	sadd.s32 s5, s7;
	[dreg:$0x0] =	wrdreg $0x0  }
0xae: {  	s7 =	sshll.u32 s28, $0x1;
	[dreg:$0x2] =	wrdreg s5  }
0xaf: {  	[dreg:$0x3] =	wrdreg s7  }
0xb0: {  	[dreg:$0x4] =	wrdreg $0xC0  }
0xb1: {  	_ =	task [dreg:s9], $0x5FFFF  }
0xb2: {  	[dreg:$0x1] =	wrdreg $0xFFFFFFFF  }
0xb3: {  	[dreg:$0x0] =	wrdreg $0x60  }
0xb4: {  	[dreg:$0x2] =	wrdreg s24  }
0xb5: {  	[dreg:$0x3] =	wrdreg s17  }
0xb6: {  	[dreg:$0x4] =	wrdreg s16  }
0xb7: {  	[dreg:$0x5] =	wrdreg s18  }
0xb8: {  	[dreg:$0x6] =	wrdreg $0x9  }
0xb9: {  	_ =	task.clear_ibuf [dreg:s9], $0x7FFFF;
	_ =	strace $0x90000046  }
0xba: {  	s29 =	simm.s32 $0x9;
	_ =	strace $0x80000048  }
0xbb: {  	_ =	swait.ge [sflag:s29], $0x1  }
0xbc: {  	[sflag:s29] =	ssyncadd.s32 $0xFFFFFFFF  }
0xbd: {  	_ =	strace $0x90000048  }
0xbe: {  	_ =	sfence  }
0xbf: {  	s30 =	sld [smem:$0x0];
	_ =	sdelay $0x2  }
0xc0: {  	s31 =	sshll.u32 s1, $0xD;
	s1 =	sshrl.u32 s1, $0x2  }
0xc1: {  	s3 =	sand.u32 $0x4000, s31;
	s1 =	sadd.s32 s1, s30  }
0xc2: {  	s0 =	sor.u32 s3, s0;
	s1 =	sshll.u32 s1, $0x11  }
0xc3: {  	s0 =	sor.u32 s1, s0  }
0xc4: {  	s0 =	sadd.s32 $0x8F2B, s0  }
0xc5: {  	[sflag:s0] =	ssyncadd.remote.s32 $0x1  }
0xc6: {  	_ =	sfence.sel $0xFFFF  }
0xc7: {  	[dreg:$0x0] =	wrdreg $0xFFFFFFFF;
	(pc) =	sbr.abs _section_cstart, $3  }
0xc8: {  	[dreg:$0x1] =	wrdreg $0xFFFFFFFF  }
0xc9: {  	_ =	task.clear_ibuf [dreg:s9], $0x2FFFF;
	_ =	strace $0x9FFFFFFF  }
0xca: {  	(tm) =	ssettm $0x7FFFFFFF  }
0xcb: {  	_ =	shalt  }
tec
execute0_lowered:
.L_overlay_start_1:
0x0: {  	(tag) =	ssettag $0x1  }
0x1: {  	s7 =	rddreg [dreg:$0x0]  }
0x2: {  	s8 =	rddreg [dreg:$0x1]  }
0x3: {  	s0 =	srdreg.scid;
	s11 =	rddreg [dreg:$0x2]  }
0x4: {  	s10 =	rddreg [dreg:$0x3];
	s28 =	stileid.u32  }
0x5: {  	s2 =	simm.s32 $0x0;
	s17 =	simm.s32 $0x10880;
	s18 =	simm.s32 $0x10900  }
0x6: {  	s19 =	simm.s32 $0x1;
	s20 =	simm.s32 $0x10000;
	s22 =	simm.s32 $0x0  }
0x7: {  	s3 =	sand.u32 $0x1, s0;
	[smem:$0x7FF] =	sst s2;
	s30 =	sshll.u32 s28, $0x7  }
0x8: {  	s4 =	sshll.u32 s3, $0x4;
	_ =	strace $0x80000047;
	s29 =	ssub.s32 $0x2, s3  }
0x9: {  	s3 =	sadd.s32 $0x21800, s7;
	s16 =	sand.u32 $0x380, s30;
	s21 =	sor.u32 s28, s4  }
0xa: {  	s5 =	sshrl.u32 s29, $0x1;
	s12 =	sshll.u32 s21, $0xC;
	s13 =	sshll.u32 s21, $0x7  }
0xb: {  	s15 =	ssub.s32 s29, s5;
	s4 =	sshll.u32 s21, $0xF;
	s31 =	sshll.u32 s21, $0xA  }
0xc: {  	p0 =	sgt.u32 s21, $0x1D;
	s6 =	sadd.s32 s12, s7;
	s14 =	sadd.s32 s13, s7  }
0xd: {  	s9 =	sand.u32 $0xC00, s13;
	s7 =	sadd.s32 $0x21810, s7;
	s11 =	sadd.s32 s11, s13  }
0xe: {  	v0 =	vmov s31;
	s13 =	smax.u32 s15, $0x1;
	s15 =	simm.s32 $0x10800;
	p1 =	sne.s32 @p0 s21, $0x1E  }
0xf: {  	s21 =	simm.s32 $0x10400;
	s5 =	sadd.s32 $0x21A00, s6;
	s9 =	sor.u32 s16, s9;
	v0 =	vor.u32 $0x100000, v0  }
0x10: {  	s6 =	sadd.s32 $0x1800, s6;
	s16 =	simm.s32 $0x2;
	s9 =	sshrl.u32 s9, $0x3;
	v1 =	vbroadcast v0, $0x0  }
0x11: {  	v3 =	vimm.s32 $0x80000000;
	v4 =	vimm.s32 $0x0;
	p1 =	por p1, !p0;
	v0 =	vlaneseq.u32;
	s8 =	sadd.s32 s8, s9;
	s9 =	sadd.s32 $0x1E000, s10  }
0x12: {  	v5 =	vimm.f32 $0.0e+00;
	v2 =	vmov s4;
	s10 =	sadd.s32 s10, s12;
	s12 =	sadd.s32 $0x41A00, s14;
	s14 =	simm.s32 $0x8000;
	v1 =	vor.u32 v0, v1  }
.LBB2_1:
0x13: {  	[tilespmem:s2], [sflag:$0x1] =	stream.linear.gather [hbm4b:s5+s2], $0x8000, $0x38;
	[tilespmem:$0x10980] =	vst v63  }
0x14: {  	_ = 	snop  }
0x15: {  	[tilespmem:s14], [sflag:$0x1] =	stream.linear.gather [hbm4b:s6+s2], $0x8000, $0x38;
	[tilespmem:$0x10980] =	vst v63  }
0x16: {  	_ = 	snop  }
0x17: {  	[tilespmem:s15], [sflag:$0x2] =	stream.linear.gather [hbm4b:s3+s2], $0x80, $0x38;
	[tilespmem:$0x10980] =	vst v63  }
0x18: {  	_ =	swait.ge [sflag:s16], $0x80  }
0x19: {  	[sflag:s16] =	ssyncset.done $0x0  }
0x1a: {  	[sflag:s16] =	ssyncadd.s32 $0xFFFFFF80  }
0x1b: {  	[tilespmem:s17], [sflag:$0x2] =	stream.linear.gather [hbm4b:s7+s2], $0x80, $0x38;
	[tilespmem:$0x10980] =	vst v63  }
0x1c: {  	_ =	swait.ge [sflag:s16], $0x80  }
0x1d: {  	[sflag:s16] =	ssyncset.done $0x0  }
0x1e: {  	[sflag:s16] =	ssyncadd.s32 $0xFFFFFF80  }
0x1f: {  	[tilespmem:s18], [sflag:$0x2] =	stream.linear.gather [hbm4b:s8+s2], $0x80, $0x38;
	[tilespmem:$0x10980] =	vst v63  }
0x20: {  	_ =	swait.ge [sflag:s16], $0x80  }
0x21: {  	[sflag:s16] =	ssyncset.done $0x0  }
0x22: {  	[sflag:s16] =	ssyncadd.s32 $0xFFFFFF80  }
0x23: {  	v7 =	vld [tilespmem:$0x10800]  }
0x24: {  	s23 =	simm.s32 $0x10040;
	v6 =	vld [tilespmem:$0x10880]  }
0x25: {  	v8 =	vld [tilespmem:$0x10900];
	[tilespmem:s23+$0xFFFFFFD0] =	vst v3  }
0x26: {  	[tilespmem:s23+$0xFFFFFFC0] =	vst v3  }
0x27: {  	[tilespmem:s23+$0xFFFFFFE0] =	vst v3  }
0x28: {  	[tilespmem:s23+$0xFFFFFFF0] =	vst v3  }
0x29: {  	[tilespmem:s23+$0x0] =	vst v3  }
0x2a: {  	[tilespmem:s23+$0x10] =	vst v3  }
0x2b: {  	[tilespmem:s23+$0x20] =	vst v3  }
0x2c: {  	s24 =	simm.s32 $0x10440;
	[tilespmem:s23+$0x30] =	vst v3  }
0x2d: {  	v9 =	vadd.s32 $0x70, v1;
	[tilespmem:s24+$0xFFFFFFC0] =	vst v1  }
0x2e: {  	v10 =	vadd.s32 $0x60, v1;
	[tilespmem:s24+$0x30] =	vst v9  }
0x2f: {  	v9 =	vadd.s32 $0x50, v1;
	[tilespmem:s24+$0x20] =	vst v10  }
0x30: {  	v11 =	vadd.s32 $0x20, v1;
	[tilespmem:s24+$0x10] =	vst v9;
	v9 =	vadd.s32 $0x30, v1  }
0x31: {  	v10 =	vadd.s32 $0x40, v1;
	[tilespmem:s24+$0xFFFFFFE0] =	vst v11  }
0x32: {  	[tilespmem:s24+$0x0] =	vst v10  }
0x33: {  	s25 =	simm.s32 $0x0;
	v10 =	vadd.s32 $0x10, v1;
	[tilespmem:s24+$0xFFFFFFF0] =	vst v9;
	v9 =	vmov v1  }
.LBB2_2:
0x34: {  	s25 =	sadd.s32 $0x8, s25;
	[tilespmem:s24+$0xFFFFFFD0] =	vst v10;
	v9 =	vadd.s32 $0x80, v9;
	s23 =	sadd.s32 $0x80, s23;
	s24 =	sadd.s32 $0x80, s24  }
0x35: {  	[tilespmem:s23+$0xFFFFFFD0] =	vst v3;
	p2 =	slt.u32 s25, $0x38  }
0x36: {  	[tilespmem:s23+$0xFFFFFFC0] =	vst v3  }
0x37: {  	[tilespmem:s24+$0xFFFFFFC0] =	vst v9  }
0x38: {  	[tilespmem:s23+$0xFFFFFFE0] =	vst v3  }
0x39: {  	[tilespmem:s23+$0xFFFFFFF0] =	vst v3  }
0x3a: {  	[tilespmem:s23+$0x0] =	vst v3  }
0x3b: {  	[tilespmem:s23+$0x10] =	vst v3  }
0x3c: {  	[tilespmem:s23+$0x20] =	vst v3  }
0x3d: {  	v10 =	vadd.s32 $0x70, v9;
	[tilespmem:s23+$0x30] =	vst v3  }
0x3e: {  	v11 =	vadd.s32 $0x60, v9;
	[tilespmem:s24+$0x30] =	vst v10  }
.Ltmp0:
0x3f: {  	v10 =	vadd.s32 $0x50, v9;
	[tilespmem:s24+$0x20] =	vst v11;
	(pc) =	sbr.rel @p2 .LBB2_2-.Ltmp0, $4  }
0x40: {  	v11 =	vadd.s32 $0x40, v9;
	[tilespmem:s24+$0x10] =	vst v10  }
0x41: {  	v10 =	vadd.s32 $0x30, v9;
	[tilespmem:s24+$0x0] =	vst v11  }
0x42: {  	v11 =	vadd.s32 $0x20, v9;
	[tilespmem:s24+$0xFFFFFFF0] =	vst v10  }
0x43: {  	v10 =	vadd.s32 $0x10, v9;
	[tilespmem:s24+$0xFFFFFFE0] =	vst v11  }
0x44: {  	[tilespmem:s24+$0xFFFFFFD0] =	vst v10  }
0x45: {  	_ =	swait.ge [sflag:s19], $0x8000  }
0x46: {  	[sflag:s19] =	ssyncset.done $0x0  }
0x47: {  	[sflag:s19] =	ssyncadd.s32 $0xFFFF8000  }
0x48: {  	_ =	swait.ge [sflag:s19], $0x8000  }
0x49: {  	[sflag:s19] =	ssyncset.done $0x0  }
0x4a: {  	s25 =	simm.s32 $0x40;
	[sflag:s19] =	ssyncadd.s32 $0xFFFF8000  }
0x4b: {  	v14 =	vld [tilespmem:s25+$0xFFFFFFC0]  }
0x4c: {  	v15 =	vld [tilespmem:s25+$0xFFFFFFD0]  }
0x4d: {  	v25 =	vld [tilespmem:s25+$0xFFFFFFE0]  }
0x4e: {  	v12 =	vld [tilespmem:s25+$0xFFFFFFF0]  }
0x4f: {  	s31 =	sadd.s32 $0x70, s4;
	v11 =	vld [tilespmem:s25+$0x0]  }
0x50: {  	s26 =	sadd.s32 $0xFFFFFF90, s31;
	v10 =	vld [tilespmem:s25+$0x10]  }
0x51: {  	v13 =	vimm.s32 $0x0;
	s28 =	sadd.s32 $0xFFFFFFA0, s31;
	v37 =	vor.u32 s31, v0;
	s29 =	sadd.s32 $0xFFFFFFC0, s31;
	s30 =	sadd.s32 $0xFFFFFFD0, s31;
	v16 =	vor.u32 s26, v0;
	v9 =	vld [tilespmem:s25+$0x20]  }
0x52: {  	v17 =	vor.u32 s28, v0;
	v38 =	vor.u32 s29, v0;
	v41 =	vor.u32 s30, v0;
	v21 =	vld [tilespmem:s25+$0x30]  }
0x53: {  	vm7 =	vge.s32 v14, v7;
	vm5 =	vge.s32 v15, v7;
	vm3 =	vge.s32 v25, v7  }
0x54: {  	vm2 =	vge.s32 v12, v7;
	vm1 =	vge.s32 v11, v7;
	v18 =	vsel vm7, $0x1, v4  }
0x55: {  	vm0 =	vge.s32 v10, v7;
	v19 =	vmpcnt.ones.xlane vm7;
	v20 =	vsel vm5, $0x1, v4;
	(xrf0) =	vadd.scan.msk.s32 $0xffff, v18  }
0x56: {  	vm4 =	vge.s32 v9, v7;
	vm13 =	vgt.s32 v14, v7;
	v22 =	vmpcnt.ones.xlane vm5;
	(xrf0) =	vadd.scan.msk.s32 $0xffff, v20  }
0x57: {  	vm6 =	vge.s32 v21, v7;
	v18 =	vadd.s32 v13, v19;
	v19 =	vmpcnt.ones.xlane vm3  }
0x58: {  	vm14 =	vgt.s32 v15, v7;
	v20 =	vadd.s32 v18, v22;
	v22 =	vmpcnt.ones.xlane vm2  }
0x59: {  	vm8 =	vgt.s32 v25, v7;
	v23 =	vmpcnt.ones.xlane vm1;
	v19 =	vadd.s32 v20, v19  }
0x5a: {  	v24 =	vmpcnt.ones.xlane vm0;
	v27 =	vsel vm3, $0x1, v4;
	v22 =	vadd.s32 v19, v22  }
0x5b: {  	v26 =	vmpcnt.ones.xlane vm4;
	v30 =	vsel vm2, $0x1, v4;
	v23 =	vadd.s32 v22, v23;
	v29, _, _ =	vpop (xrf0);
	(xrf0) =	vadd.scan.msk.s32 $0xffff, v27  }
0x5c: {  	v28 =	vmpcnt.ones.xlane vm6;
	v31 =	vsel vm1, $0x1, v4;
	v24 =	vadd.s32 v23, v24;
	v32, _, _ =	vpop (xrf0);
	(xrf0) =	vadd.scan.msk.s32 $0xffff, v30  }
0x5d: {  	v33 =	vsel vm0, $0x1, v4;
	v27 =	vadd.s32 v24, v26;
	v13 =	vadd.s32 v29, v13;
	(xrf0) =	vadd.scan.msk.s32 $0xffff, v31  }
0x5e: {  	v26 =	vadd.s32 v27, v28;
	v28 =	vsel vm6, $0x1, v4;
	v13 =	vadd.s32 $0xFFFFFFFF, v13  }
0x5f: {  	v34 =	vsel vm4, $0x1, v4;
	v18 =	vadd.s32 v32, v18;
	(xrf0) =	vadd.scan.msk.s32 $0xffff, v33;
	vm9 =	vlt.s32 v13, $0x3FF  }
0x60: {  	vm11 =	vgt.s32 v11, v7;
	v18 =	vadd.s32 $0xFFFFFFFF, v18;
	(xrf0) =	vadd.scan.msk.s32 $0xffff, v34;
	v13 =	vnsel vm9, $0x3FF, v13  }
0x61: {  	vm12 =	vgt.s32 v9, v7;
	v29 =	vsel vm13, $0x3F800000, v5;
	vm10 =	vlt.s32 v18, $0x3FF;
	(xrf0) =	vadd.scan.msk.s32 $0xffff, v28;
	v28, _, _ =	vpop (xrf0)  }
0x62: {  	v30 =	vsel vm14, $0x3F800000, v5;
	v18 =	vnsel vm10, $0x3FF, v18;
	v20 =	vadd.s32 v28, v20;
	v28, _, _ =	vpop (xrf0)  }
0x63: {  	s0 =	simm.s32 $0xC0;
	vm9 =	vgt.s32 v10, v7;
	vm10 =	vgt.s32 v12, v7;
	v19 =	vadd.s32 v28, v19;
	v28, _, _ =	vpop (xrf0)  }
0x64: {  	v35 =	vld [tilespmem:s0+$0xFFFFFFC0];
	v20 =	vadd.s32 $0xFFFFFFFF, v20;
	v19 =	vadd.s32 $0xFFFFFFFF, v19;
	v22 =	vadd.s32 v28, v22  }
0x65: {  	vm13 =	vlt.s32 v20, $0x3FF;
	v28, _, _ =	vpop (xrf0);
	[tilespmem:v13+s20+$0x0] =	vst.idx.msk vm7, v14;
	vm14 =	vlt.s32 v19, $0x3FF;
	v14 =	vadd.s32 $0xFFFFFFFF, v22  }
0x66: {  	v22 =	vadd.s32 v28, v23;
	[tilespmem:v13+s21+$0x0] =	vst.idx.msk vm7, v16;
	v13, _, _ =	vpop (xrf0);
	v28 =	vnsel vm13, $0x3FF, v20;
	vm7 =	vlt.s32 v14, $0x3FF  }
0x67: {  	[tilespmem:v18+s20+$0x0] =	vst.idx.msk vm5, v15;
	v16 =	vadd.s32 $0xFFFFFFFF, v22;
	v13 =	vadd.s32 v13, v24;
	v56 =	vnsel vm14, $0x3FF, v19  }
0x68: {  	[tilespmem:v18+s21+$0x0] =	vst.idx.msk vm5, v17;
	v19 =	vsel vm8, $0x3F800000, v5;
	v18 =	vsel vm11, $0x3F800000, v5;
	v17 =	vsel vm12, $0x3F800000, v5  }
0x69: {  	v36 =	vld [tilespmem:s0+$0xFFFFFFD0];
	v20, _, _ =	vpop (xrf0);
	vm8 =	vmmov vm4;
	vm11 =	vge.s32 v35, v7;
	vm12 =	vgt.s32 v35, v7  }
0x6a: {  	v45 =	vld [tilespmem:s0+$0x30];
	vm13 =	vlt.s32 v16, $0x3FF;
	v13 =	vadd.s32 $0xFFFFFFFF, v13;
	v15 =	vadd.s32 v20, v27  }
0x6b: {  	s23 =	simm.s32 $0x8040;
	v31 =	vld [tilespmem:s0+$0xFFFFFFF0];
	v27 =	vnsel vm7, $0x3FF, v14;
	vm7 =	vgt.s32 v21, v7;
	v43 =	vmpcnt.ones.xlane vm11  }
0x6c: {  	v22 =	vld [tilespmem:s23+$0xFFFFFFC0];
	v55 =	vsel vm12, $0x3F800000, v5;
	vm5 =	vlt.s32 v13, $0x3FF;
	v14 =	vadd.s32 $0xFFFFFFFF, v15  }
0x6d: {  	v33 =	vnsel vm13, $0x3FF, v16;
	v15 =	vsel vm10, $0x3F800000, v5;
	v20 =	vsel vm7, $0x3F800000, v5  }
0x6e: {  	v23 =	vld [tilespmem:s23+$0xFFFFFFD0];
	vm10 =	vge.s32 v36, v7;
	v13 =	vnsel vm5, $0x3FF, v13;
	vm5 =	vlt.s32 v14, $0x3FF  }
0x6f: {  	vm13 =	vgt.s32 v36, v7;
	v44 =	vmpcnt.ones.xlane vm10;
	v57 =	vnsel vm5, $0x3FF, v14  }
0x70: {  	s28 =	sadd.s32 $0xFFFFFFB0, s31;
	v16 =	vld [tilespmem:s0+$0xFFFFFFE0];
	v14 =	vsel vm9, $0x3F800000, v5;
	[tilespmem:v28+s20+$0x0] =	vst.idx.msk vm3, v25;
	v25 =	vsel vm11, $0x1, v4;
	vm5 =	vge.s32 v31, v7  }
0x71: {  	vm9 =	vge.s32 v45, v7;
	v22 =	vadd.f32 v22, v29;
	v29 =	vor.u32 s28, v0;
	(xrf0) =	vadd.scan.msk.s32 $0xffff, v25  }
0x72: {  	s1 =	sadd.s32 $0xF0, s4;
	v25 =	vadd.s32 v26, v43;
	v59 =	vmpcnt.ones.xlane vm5;
	[tilespmem:v56+s20+$0x0] =	vst.idx.msk vm2, v12;
	v47 =	vsel vm5, $0x1, v4  }
0x73: {  	s28 =	sadd.s32 $0xFFFFFF90, s1;
	v49 =	vmpcnt.ones.xlane vm9;
	v53 =	vsel vm9, $0x1, v4;
	v24 =	vadd.f32 v23, v30;
	v23 =	vld [tilespmem:s0+$0x0];
	[tilespmem:v28+s21+$0x0] =	vst.idx.msk vm3, v29  }
0x74: {  	v39 =	vor.u32 s28, v0;
	s28 =	sadd.s32 $0xFFFFFFA0, s1;
	v30 =	vld [tilespmem:s0+$0x10];
	v28 =	vsel vm10, $0x1, v4;
	[tilespmem:v56+s21+$0x0] =	vst.idx.msk vm2, v38;
	v56 =	vsel vm13, $0x3F800000, v5  }
0x75: {  	v29 =	vld [tilespmem:s0+$0x20];
	v40 =	vor.u32 s28, v0;
	s28 =	sadd.s32 $0xFFFFFFE0, s31;
	vm7 =	vge.s32 v16, v7;
	(xrf0) =	vadd.scan.msk.s32 $0xffff, v28;
	[tilespmem:v33+s20+$0x0] =	vst.idx.msk vm0, v10  }
0x76: {  	s24 =	sadd.s32 $0xFFFFFFF0, s31;
	s25 =	sadd.s32 $0x170, s4;
	v28 =	vadd.s32 v25, v44;
	[tilespmem:s23+$0xFFFFFFC0] =	vst v22;
	s31 =	sadd.s32 $0xFFFFFFB0, s1;
	v42 =	vor.u32 s28, v0;
	v58 =	vmpcnt.ones.xlane vm7  }
0x77: {  	s29 =	sadd.s32 $0xFFFFFF90, s25;
	v62 =	vsel vm7, $0x1, v4;
	v22 =	vor.u32 s31, v0;
	[tilespmem:v57+s20+$0x0] =	vst.idx.msk vm6, v21;
	v21 =	vor.u32 s24, v0  }
0x78: {  	(xrf0) =	vadd.scan.msk.s32 $0xffff, v62;
	[tilespmem:v33+s21+$0x0] =	vst.idx.msk vm0, v42;
	v33 =	vor.u32 s29, v0;
	s29 =	sadd.s32 $0xFFFFFFA0, s25;
	v43 =	vadd.s32 v28, v58  }
0x79: {  	[tilespmem:v57+s21+$0x0] =	vst.idx.msk vm6, v37;
	v32 =	vor.u32 s29, v0;
	vm4 =	vge.s32 v23, v7;
	vm3 =	vge.s32 v30, v7  }
0x7a: {  	(xrf0) =	vadd.scan.msk.s32 $0xffff, v47;
	v61 =	vadd.s32 v43, v59;
	vm6 =	vge.s32 v29, v7;
	v48 =	vsel vm4, $0x1, v4  }
0x7b: {  	v63, _, _ =	vpop (xrf0);
	v60 =	vmpcnt.ones.xlane vm4;
	v12 =	vmpcnt.ones.xlane vm3;
	v51 =	vsel vm3, $0x1, v4;
	(xrf0) =	vadd.scan.msk.s32 $0xffff, v48  }
0x7c: {  	v46 =	vmpcnt.ones.xlane vm6;
	v26 =	vadd.s32 v63, v26;
	v52 =	vsel vm6, $0x1, v4;
	(xrf0) =	vadd.scan.msk.s32 $0xffff, v51  }
0x7d: {  	[tilespmem:v27+s20+$0x0] =	vst.idx.msk vm1, v11;
	vm6 =	vmmov vm6;
	v50, _, _ =	vpop (xrf0);
	v26 =	vadd.s32 $0xFFFFFFFF, v26;
	v34 =	vadd.s32 v61, v60  }
0x7e: {  	[tilespmem:v27+s21+$0x0] =	vst.idx.msk vm1, v41;
	v25 =	vadd.s32 v50, v25;
	vm2 =	vlt.s32 v26, $0x3FF;
	v12 =	vadd.s32 v34, v12  }
0x7f: {  	s26 =	sadd.s32 $0xFFFFFFF0, s1;
	v25 =	vadd.s32 $0xFFFFFFFF, v25;
	v26 =	vnsel vm2, $0x3FF, v26;
	(xrf0) =	vadd.scan.msk.s32 $0xffff, v52;
	v54, _, _ =	vpop (xrf0);
	v46 =	vadd.s32 v12, v46  }
0x80: {  	vm2 =	vlt.s32 v25, $0x3FF;
	(xrf0) =	vadd.scan.msk.s32 $0xffff, v53;
	v11 =	vadd.s32 v54, v28;
	v28, _, _ =	vpop (xrf0);
	v53 =	vor.u32 s26, v0  }
0x81: {  	[tilespmem:v13+s20+$0x0] =	vst.idx.msk vm8, v9;
	v25 =	vnsel vm2, $0x3FF, v25;
	v11 =	vadd.s32 $0xFFFFFFFF, v11;
	v27 =	vadd.s32 v28, v43;
	v28, _, _ =	vpop (xrf0)  }
0x82: {  	[tilespmem:v13+s21+$0x0] =	vst.idx.msk vm8, v21;
	v21 =	vld [tilespmem:s23+$0x0];
	vm1 =	vlt.s32 v11, $0x3FF;
	v10 =	vadd.s32 $0xFFFFFFFF, v27;
	v27 =	vadd.s32 v28, v61;
	v28, _, _ =	vpop (xrf0)  }
0x83: {  	v42 =	vld [tilespmem:s23+$0x10];
	v57 =	vnsel vm1, $0x3FF, v11;
	v11 =	vadd.s32 $0xFFFFFFFF, v27;
	v27 =	vadd.s32 v28, v34  }
0x84: {  	[tilespmem:s23+$0xFFFFFFD0] =	vst v24;
	v58 =	vld [tilespmem:s23+$0x30];
	v38 =	vadd.s32 v46, v49;
	vm2 =	vgt.s32 v16, v7;
	vm0 =	vlt.s32 v10, $0x3FF  }
0x85: {  	v51 =	vld [tilespmem:s23+$0x20];
	v9 =	vsel vm2, $0x3F800000, v5;
	vm2 =	vgt.s32 v30, v7;
	[tilespmem:v26+s20+$0x0] =	vst.idx.msk vm11, v35;
	v59 =	vnsel vm0, $0x3FF, v10;
	v28, _, _ =	vpop (xrf0)  }
0x86: {  	v61 =	vld [tilespmem:s23+$0xFFFFFFF0];
	[tilespmem:v26+s21+$0x0] =	vst.idx.msk vm11, v39;
	vm0 =	vlt.s32 v11, $0x3FF;
	v10 =	vadd.s32 $0xFFFFFFFF, v27;
	v12 =	vadd.s32 v28, v12;
	v27, _, _ =	vpop (xrf0)  }
0x87: {  	s28 =	simm.s32 $0x140;
	v26 =	vld [tilespmem:s23+$0xFFFFFFE0];
	[tilespmem:v25+s20+$0x0] =	vst.idx.msk vm10, v36;
	v60 =	vnsel vm0, $0x3FF, v11;
	v11 =	vadd.s32 $0xFFFFFFFF, v12;
	v12 =	vadd.s32 v27, v46  }
0x88: {  	v28 =	vld [tilespmem:s28+$0xFFFFFFC0];
	vm0 =	vlt.s32 v10, $0x3FF;
	[tilespmem:v25+s21+$0x0] =	vst.idx.msk vm10, v40;
	vm1 =	vlt.s32 v11, $0x3FF;
	v12 =	vadd.s32 $0xFFFFFFFF, v12  }
0x89: {  	s24 =	simm.s32 $0x80C0;
	v37 =	vld [tilespmem:s28+$0x20];
	v62 =	vnsel vm0, $0x3FF, v10;
	[tilespmem:v57+s20+$0x0] =	vst.idx.msk vm7, v16;
	v63 =	vnsel vm1, $0x3FF, v11;
	vm1 =	vlt.s32 v12, $0x3FF  }
0x8a: {  	s30 =	sadd.s32 $0xFFFFFFC0, s1;
	vm0 =	vgt.s32 v31, v7;
	v25 =	vld [tilespmem:s24+$0xFFFFFFD0];
	v46 =	vadd.f32 v58, v20;
	[tilespmem:v57+s21+$0x0] =	vst.idx.msk vm7, v22;
	v50 =	vnsel vm1, $0x3FF, v12  }
0x8b: {  	v27 =	vld [tilespmem:s24+$0xFFFFFFC0];
	v20 =	vadd.f32 v21, v18;
	v21 =	vadd.f32 v51, v17;
	v17 =	vor.u32 s30, v0;
	[tilespmem:v59+s20+$0x0] =	vst.idx.msk vm5, v31  }
0x8c: {  	s29 =	sadd.s32 $0xFFFFFFD0, s1;
	v10 =	vsel vm2, $0x3F800000, v5;
	v22 =	vor.u32 s1, v0;
	v18 =	vld [tilespmem:s28+$0x0];
	v24 =	vadd.f32 v26, v19;
	[tilespmem:v59+s21+$0x0] =	vst.idx.msk vm5, v17  }
0x8d: {  	s30 =	sadd.s32 $0xFFFFFFE0, s1;
	v31 =	vor.u32 s29, v0;
	v19 =	vld [tilespmem:s28+$0xFFFFFFD0];
	v26 =	vadd.f32 v61, v15;
	vm8 =	vge.s32 v28, v7;
	[tilespmem:v60+s20+$0x0] =	vst.idx.msk vm4, v23  }
0x8e: {  	v15 =	vld [tilespmem:s28+$0xFFFFFFE0];
	v52 =	vor.u32 s30, v0;
	vm5 =	vgt.s32 v28, v7;
	vm1 =	vgt.s32 v23, v7;
	[tilespmem:v60+s21+$0x0] =	vst.idx.msk vm4, v31  }
0x8f: {  	v12 =	vsel vm0, $0x3F800000, v5;
	vm0 =	vgt.s32 v29, v7;
	v54 =	vsel vm8, $0x1, v4;
	[tilespmem:v50+s20+$0x0] =	vst.idx.msk vm9, v45  }
0x90: {  	v13 =	vsel vm1, $0x3F800000, v5;
	vm1 =	vgt.s32 v45, v7;
	[tilespmem:v50+s21+$0x0] =	vst.idx.msk vm9, v22;
	v22 =	vadd.f32 v42, v14;
	v14 =	vld [tilespmem:s28+$0xFFFFFFF0]  }
0x91: {  	v17 =	vld [tilespmem:s28+$0x10];
	v11 =	vsel vm0, $0x3F800000, v5;
	v25 =	vadd.f32 v25, v56;
	[tilespmem:v62+s20+$0x0] =	vst.idx.msk vm3, v30;
	v27 =	vadd.f32 v27, v55  }
0x92: {  	v16 =	vsel vm1, $0x3F800000, v5;
	v55 =	vmpcnt.ones.xlane vm8;
	vm1 =	vge.s32 v18, v7;
	[tilespmem:v62+s21+$0x0] =	vst.idx.msk vm3, v52  }
0x93: {  	vm3 =	vge.s32 v37, v7;
	vm7 =	vge.s32 v19, v7;
	vm4 =	vge.s32 v15, v7  }
0x94: {  	v23 =	vld [tilespmem:s28+$0x30];
	(xrf0) =	vadd.scan.msk.s32 $0xffff, v54;
	v30 =	vmpcnt.ones.xlane vm1;
	v31 =	vsel vm7, $0x1, v4;
	v56 =	vmpcnt.ones.xlane vm7  }
0x95: {  	v57 =	vadd.s32 v38, v55;
	v58 =	vmpcnt.ones.xlane vm4;
	(xrf0) =	vadd.scan.msk.s32 $0xffff, v31;
	vm2 =	vge.s32 v14, v7  }
0x96: {  	vm10 =	vge.s32 v17, v7;
	v45 =	vadd.s32 v57, v56;
	v59 =	vmpcnt.ones.xlane vm2  }
0x97: {  	[tilespmem:v63+s20+$0x0] =	vst.idx.msk vm6, v29;
	v29 =	vld [tilespmem:s24+$0xFFFFFFE0];
	v61 =	vmpcnt.ones.xlane vm3;
	v51 =	vsel vm1, $0x1, v4;
	v43 =	vadd.s32 v45, v58  }
0x98: {  	[tilespmem:s23+$0x30] =	vst v46;
	v34 =	vld [tilespmem:s24+$0x0];
	v47 =	vsel vm3, $0x1, v4;
	v60 =	vmpcnt.ones.xlane vm10;
	v44 =	vadd.s32 v43, v59  }
0x99: {  	[tilespmem:v63+s21+$0x0] =	vst.idx.msk vm6, v53;
	v35 =	vld [tilespmem:s24+$0x10];
	v62 =	vsel vm4, $0x1, v4;
	vm6 =	vge.s32 v23, v7;
	v41 =	vadd.s32 v44, v30  }
0x9a: {  	v36 =	vld [tilespmem:s24+$0x20];
	v63 =	vmpcnt.ones.xlane vm6;
	(xrf0) =	vadd.scan.msk.s32 $0xffff, v62;
	v49, _, _ =	vpop (xrf0);
	v50 =	vsel vm2, $0x1, v4;
	v42 =	vadd.s32 v41, v60  }
0x9b: {  	v40 =	vsel vm10, $0x1, v4;
	v48 =	vsel vm6, $0x1, v4;
	v31 =	vld [tilespmem:s24+$0x30];
	v52, _, _ =	vpop (xrf0);
	(xrf0) =	vadd.scan.msk.s32 $0xffff, v50;
	v46 =	vadd.s32 v42, v61  }
0x9c: {  	s26 =	simm.s32 $0x80C0;
	s29 =	simm.s32 $0x10;
	s30 =	simm.s32 $0x170;
	v49 =	vadd.s32 v49, v38;
	v38 =	vadd.s32 v52, v57;
	(xrf0) =	vadd.scan.msk.s32 $0xffff, v51;
	v30 =	vld [tilespmem:s24+$0xFFFFFFF0];
	v39 =	vadd.s32 v46, v63  }
.LBB2_4:
0x9d: {  	[tilespmem:s24+$0xFFFFFFC0] =	vst v27  }
0x9e: {  	v50 =	vimm.s32 $0x0;
	v49 =	vadd.s32 $0xFFFFFFFF, v49;
	v58 =	vadd.s32 $0xFFFFFFFF, v38;
	[tilespmem:s24+$0xFFFFFFD0] =	vst v25  }
0x9f: {  	vm14 =	vgt.s32 v19, v7;
	(xrf0) =	vadd.scan.msk.s32 $0xffff, v40;
	vm9 =	vgt.s32 v15, v7;
	[tilespmem:s23+$0xFFFFFFE0] =	vst v24  }
0xa0: {  	vm12 =	vgt.s32 v14, v7;
	vm13 =	vgt.s32 v18, v7;
	v27 =	vsel vm5, $0x3F800000, v5;
	[tilespmem:s23+$0xFFFFFFF0] =	vst v26  }
0xa1: {  	v40 =	vmovc v37;
	vm5 =	vgt.s32 v23, v7;
	[tilespmem:s23+$0x0] =	vst v20;
	v50 =	vsel vm10, $0xFFFFFFFF, v50;
	vm10 =	vlt.s32 v49, $0x3FF  }
0xa2: {  	[tilespmem:s23+$0x10] =	vst v22;
	s31 =	sadd.s32 $0xFFFFFFB0, s25;
	vm11 =	vlt.s32 v58, $0x3FF;
	v25 =	vsel vm14, $0x3F800000, v5;
	v59 =	vnsel vm10, $0x3FF, v49;
	v61, _, _ =	vpop (xrf0)  }
0xa3: {  	(xrf0) =	vadd.scan.msk.s32 $0xffff, v47;
	v20 =	vor.u32 s31, v0;
	v60 =	vnsel vm11, $0x3FF, v58;
	vm10 =	vgt.s32 v17, v7;
	v62, _, _ =	vpop (xrf0)  }
0xa4: {  	[tilespmem:s23+$0x20] =	vst v21;
	vm11 =	vgt.s32 v40, v7;
	v45 =	vadd.s32 v61, v45;
	v43 =	vadd.s32 v62, v43  }
0xa5: {  	(xrf0) =	vadd.scan.msk.s32 $0xffff, v48;
	v61 =	vsel vm13, $0x3F800000, v5;
	v22 =	vadd.f32 v35, v10;
	v24 =	vadd.s32 $0xFFFFFFFF, v43  }
0xa6: {  	[tilespmem:$0x1FFF0] =	vst v50;
	v21 =	vadd.f32 v36, v11;
	v45 =	vadd.s32 $0xFFFFFFFF, v45;
	v63, _, _ =	vpop (xrf0);
	vm15 =	vlt.s32 v24, $0x3FF  }
0xa7: {  	v62 =	vsel vm10, $0x3F800000, v5;
	v49 =	vadd.s32 v63, v44;
	[tilespmem:v59+s20+$0x0] =	vst.idx.msk vm8, v28;
	v58 =	vnsel vm15, $0x3FF, v24  }
0xa8: {  	s28 =	sadd.s32 $0x80, s28;
	vm14 =	vlt.s32 v45, $0x3FF;
	v50, _, _ =	vpop (xrf0);
	v63 =	vsel vm11, $0x3F800000, v5;
	v26 =	vadd.s32 $0xFFFFFFFF, v49;
	[tilespmem:v60+s20+$0x0] =	vst.idx.msk vm7, v19  }
0xa9: {  	v37 =	vld [tilespmem:s28+$0x20];
	v28 =	vadd.s32 v50, v41;
	v51, _, _ =	vpop (xrf0);
	v56 =	vnsel vm14, $0x3FF, v45;
	[tilespmem:v59+s21+$0x0] =	vst.idx.msk vm8, v33;
	vm8 =	vlt.s32 v26, $0x3FF  }
0xaa: {  	s24 =	sadd.s32 $0x80, s24;
	v50 =	vld [tilespmem:s28+$0x10];
	v28 =	vadd.s32 $0xFFFFFFFF, v28;
	v52 =	vadd.s32 v51, v42;
	[tilespmem:v60+s21+$0x0] =	vst.idx.msk vm7, v32;
	v60 =	vsel vm12, $0x3F800000, v5  }
0xab: {  	s1 =	sadd.s32 $0xFFFFFFC0, s25;
	v53, _, _ =	vpop (xrf0);
	v51 =	vsel vm5, $0x3F800000, v5;
	v24 =	vadd.f32 v29, v9;
	v54 =	vld [tilespmem:s24+$0xFFFFFFC0];
	vm0 =	vlt.s32 v28, $0x3FF  }
0xac: {  	v29 =	vor.u32 s1, v0;
	v55 =	vadd.s32 v53, v46;
	v44 =	vnsel vm0, $0x3FF, v28;
	v28 =	vld [tilespmem:s28+$0xFFFFFFC0];
	[tilespmem:v58+s20+$0x0] =	vst.idx.msk vm2, v14  }
0xad: {  	v19 =	vadd.s32 $0xFFFFFFFF, v52;
	v43 =	vnsel vm8, $0x3FF, v26;
	v33 =	vadd.s32 $0xFFFFFFFF, v55;
	v14 =	vld [tilespmem:s28+$0xFFFFFFF0]  }
0xae: {  	s30 =	sadd.s32 $0x80, s30;
	v52 =	vadd.f32 v31, v16;
	vm7 =	vlt.s32 v19, $0x3FF;
	vm8 =	vlt.s32 v33, $0x3FF;
	[tilespmem:v58+s21+$0x0] =	vst.idx.msk vm2, v29;
	v58 =	vld [tilespmem:$0x1FFF0]  }
0xaf: {  	s31 =	sadd.s32 s4, s30;
	s1 =	sadd.s32 $0xFFFFFFE0, s25;
	v57 =	vld [tilespmem:s24+$0xFFFFFFD0];
	v46 =	vnsel vm7, $0x3FF, v19;
	v19 =	vsel vm9, $0x3F800000, v5;
	v59 =	vnsel vm8, $0x3FF, v33  }
0xb0: {  	s0 =	sadd.s32 $0xFFFFFF90, s31;
	v16 =	vor.u32 s25, v0;
	v26 =	vadd.f32 v30, v12;
	v55 =	vor.u32 s1, v0;
	[tilespmem:v56+s20+$0x0] =	vst.idx.msk vm4, v15;
	v9 =	vmovc v19;
	v19 =	vld [tilespmem:s28+$0xFFFFFFD0]  }
0xb1: {  	vm9 =	vmmov vm3;
	vm3 =	vge.s32 v37, v7;
	v33 =	vor.u32 s0, v0;
	[tilespmem:v56+s21+$0x0] =	vst.idx.msk vm4, v20  }
0xb2: {  	v12 =	vmovc v60;
	s0 =	sadd.s32 $0xFFFFFFA0, s31;
	vm10 =	vge.s32 v50, v7;
	v60 =	vmpcnt.ones.xlane vm3;
	v20 =	vadd.f32 v34, v13;
	v15 =	vld [tilespmem:s28+$0xFFFFFFE0]  }
0xb3: {  	v48 =	vld [tilespmem:s28+$0x0];
	v32 =	vor.u32 s0, v0;
	[tilespmem:v43+s20+$0x0] =	vst.idx.msk vm1, v18;
	vm8 =	vge.s32 v28, v7;
	vm0 =	vnez.u8 v58  }
0xb4: {  	s0 =	sadd.s32 $0xFFFFFFD0, s25;
	v27 =	vadd.f32 v54, v27;
	v25 =	vadd.f32 v57, v25;
	v29 =	vsel vm8, $0x1, v4;
	[tilespmem:v59+s20+$0x0] =	vst.idx.msk vm6, v23  }
0xb5: {  	v38 =	vmovc v39;
	s1 =	sadd.s32 $0xFFFFFFF0, s25;
	v30 =	vmpcnt.ones.xlane vm8;
	v23 =	vor.u32 s0, v0;
	vm7 =	vge.s32 v19, v7;
	[tilespmem:v59+s21+$0x0] =	vst.idx.msk vm6, v16  }
0xb6: {  	v10 =	vmovc v62;
	v18 =	vor.u32 s1, v0;
	(xrf0) =	vadd.scan.msk.s32 $0xffff, v29;
	[tilespmem:v43+s21+$0x0] =	vst.idx.msk vm1, v23;
	v31 =	vsel vm7, $0x1, v4  }
0xb7: {  	v16 =	vmovc v51;
	v56 =	vmpcnt.ones.xlane vm7;
	v51 =	vadd.s32 v39, v30;
	vm4 =	vge.s32 v15, v7;
	v23 =	vld [tilespmem:s28+$0x30];
	(xrf0) =	vadd.scan.msk.s32 $0xffff, v31  }
0xb8: {  	[tilespmem:v46+s20+$0x0] =	vst.idx.msk vm9, v40;
	vm1 =	vge.s32 v48, v7;
	vm2 =	vge.s32 v14, v7;
	v30 =	vmpcnt.ones.xlane vm4  }
0xb9: {  	s29 =	sadd.s32 $0x8, s29;
	v11 =	vmovc v63;
	v45 =	vadd.s32 v51, v56;
	v57 =	vmpcnt.ones.xlane vm2;
	[tilespmem:v44+s20+$0x0] =	vst.idx.msk vm0, v17;
	v17 =	vmpcnt.ones.xlane vm1  }
0xba: {  	p2 =	slt.u32 s29, $0x7F8;
	v47 =	vsel vm3, $0x1, v4;
	vm5 =	vgt.s32 v28, v7;
	v29 =	vld [tilespmem:s24+$0xFFFFFFE0];
	[tilespmem:v46+s21+$0x0] =	vst.idx.msk vm9, v18;
	v43 =	vadd.s32 v45, v30  }
.Ltmp1:
0xbb: {  	s23 =	smov.u32 s26;
	v13 =	vmovc v61;
	v40 =	vsel vm10, $0x1, v4;
	v59 =	vmpcnt.ones.xlane vm10;
	v31 =	vld [tilespmem:s24+$0x30];
	[tilespmem:v44+s21+$0x0] =	vst.idx.msk vm0, v55;
	v44 =	vadd.s32 v43, v57;
	(pc) =	sbr.rel @p2 .LBB2_4-.Ltmp1, $4  }
0xbc: {  	v34 =	vld [tilespmem:s24+$0x0];
	[tilespmem:s23+$0x30] =	vst v52;
	v54 =	vsel vm4, $0x1, v4;
	v62, _, _ =	vpop (xrf0);
	vm6 =	vge.s32 v23, v7;
	v41 =	vadd.s32 v44, v17  }
0xbd: {  	v36 =	vld [tilespmem:s24+$0x20];
	v63 =	vsel vm2, $0x1, v4;
	v61 =	vmpcnt.ones.xlane vm6;
	v42 =	vadd.s32 v41, v59;
	v17, _, _ =	vpop (xrf0);
	(xrf0) =	vadd.scan.msk.s32 $0xffff, v54  }
0xbe: {  	v18 =	vmovc v48;
	v53 =	vsel vm1, $0x1, v4;
	v30 =	vld [tilespmem:s24+$0xFFFFFFF0];
	v49 =	vadd.s32 v62, v38;
	v46 =	vadd.s32 v42, v60;
	(xrf0) =	vadd.scan.msk.s32 $0xffff, v63  }
0xbf: {  	s26 =	smov.u32 s24;
	s25 =	smov.u32 s31;
	v48 =	vsel vm6, $0x1, v4;
	v35 =	vld [tilespmem:s24+$0x10];
	v39 =	vadd.s32 v46, v61;
	v38 =	vadd.s32 v17, v51;
	v17 =	vmovc v50;
	(xrf0) =	vadd.scan.msk.s32 $0xffff, v53  }
0xc0: {  	[tilespmem:s24+$0xFFFFFFC0] =	vst v27  }
0xc1: {  	[tilespmem:s24+$0xFFFFFFD0] =	vst v25  }
0xc2: {  	(xrf0) =	vadd.scan.msk.s32 $0xffff, v40;
	[tilespmem:s23+$0xFFFFFFE0] =	vst v24  }
0xc3: {  	[tilespmem:s23+$0xFFFFFFF0] =	vst v26;
	(xrf0) =	vadd.scan.msk.s32 $0xffff, v47  }
0xc4: {  	[tilespmem:s23+$0x0] =	vst v20;
	(xrf0) =	vadd.scan.msk.s32 $0xffff, v48  }
0xc5: {  	v39 =	vadd.s32 $0xFFFFFFFF, v49;
	[tilespmem:s23+$0x10] =	vst v22;
	v16 =	vadd.f32 v31, v16;
	v58, _, _ =	vpop (xrf0)  }
0xc6: {  	[tilespmem:s23+$0x20] =	vst v21;
	v9 =	vadd.f32 v29, v9;
	vm0 =	vlt.s32 v39, $0x3FF;
	v59, _, _ =	vpop (xrf0)  }
0xc7: {  	v13 =	vadd.f32 v34, v13;
	v39 =	vnsel vm0, $0x3FF, v39;
	[tilespmem:s26+$0x30] =	vst v16;
	v60, _, _ =	vpop (xrf0)  }
0xc8: {  	v38 =	vadd.s32 $0xFFFFFFFF, v38;
	[tilespmem:s26+$0xFFFFFFE0] =	vst v9;
	v11 =	vadd.f32 v36, v11;
	v61, _, _ =	vpop (xrf0)  }
0xc9: {  	vm0 =	vlt.s32 v38, $0x3FF;
	v12 =	vadd.f32 v30, v12;
	[tilespmem:s26+$0x0] =	vst v13;
	v40 =	vadd.s32 v58, v45;
	v62, _, _ =	vpop (xrf0)  }
0xca: {  	v38 =	vnsel vm0, $0x3FF, v38;
	[tilespmem:s26+$0x20] =	vst v11;
	v40 =	vadd.s32 $0xFFFFFFFF, v40;
	v50, _, _ =	vpop (xrf0)  }
0xcb: {  	[tilespmem:s26+$0xFFFFFFF0] =	vst v12;
	vm0 =	vlt.s32 v40, $0x3FF;
	v46 =	vadd.s32 v50, v46  }
0xcc: {  	v9 =	vadd.f32 v35, v10;
	v40 =	vnsel vm0, $0x3FF, v40;
	[tilespmem:v39+s20+$0x0] =	vst.idx.msk vm8, v28;
	v63 =	vadd.s32 $0xFFFFFFFF, v46  }
0xcd: {  	[tilespmem:v39+s21+$0x0] =	vst.idx.msk vm8, v33;
	v39 =	vadd.s32 v59, v43;
	vm0 =	vlt.s32 v63, $0x3FF  }
0xce: {  	[tilespmem:s26+$0x10] =	vst v9;
	v27 =	vadd.s32 $0xFFFFFFFF, v39;
	v28 =	vnsel vm0, $0x3FF, v63  }
0xcf: {  	v44 =	vadd.s32 v60, v44;
	[tilespmem:v38+s20+$0x0] =	vst.idx.msk vm7, v19;
	vm0 =	vlt.s32 v27, $0x3FF  }
0xd0: {  	s0 =	sadd.s32 $0xFFFFFFB0, s25;
	[tilespmem:v38+s21+$0x0] =	vst.idx.msk vm7, v32;
	v46 =	vadd.s32 $0xFFFFFFFF, v44;
	v27 =	vnsel vm0, $0x3FF, v27  }
0xd1: {  	v49 =	vadd.s32 v61, v41;
	v43 =	vor.u32 s0, v0;
	[tilespmem:v40+s20+$0x0] =	vst.idx.msk vm4, v15;
	vm0 =	vlt.s32 v46, $0x3FF  }
0xd2: {  	v24 =	vadd.s32 $0xFFFFFFFF, v49;
	[tilespmem:v40+s21+$0x0] =	vst.idx.msk vm4, v43;
	v48 =	vnsel vm0, $0x3FF, v46  }
0xd3: {  	v47 =	vor.u32 s25, v0;
	v51 =	vadd.s32 v62, v42;
	vm0 =	vlt.s32 v24, $0x3FF;
	[tilespmem:v28+s20+$0x0] =	vst.idx.msk vm6, v23  }
0xd4: {  	s1 =	sadd.s32 $0xFFFFFFC0, s25;
	v52 =	vadd.s32 $0xFFFFFFFF, v51;
	v24 =	vnsel vm0, $0x3FF, v24;
	[tilespmem:v28+s21+$0x0] =	vst.idx.msk vm6, v47  }
0xd5: {  	s29 =	sadd.s32 $0x80, s24;
	v50 =	vor.u32 s1, v0;
	vm0 =	vlt.s32 v52, $0x3FF;
	[tilespmem:v27+s20+$0x0] =	vst.idx.msk vm2, v14  }
0xd6: {  	s28 =	sadd.s32 $0xFFFFFFD0, s25;
	v54 =	vld [tilespmem:s29+$0xFFFFFFC0];
	v25 =	vnsel vm0, $0x3FF, v52;
	[tilespmem:v27+s21+$0x0] =	vst.idx.msk vm2, v50  }
0xd7: {  	v53 =	vor.u32 s28, v0;
	v55 =	vld [tilespmem:s29+$0xFFFFFFD0];
	[tilespmem:v48+s20+$0x0] =	vst.idx.msk vm1, v18  }
0xd8: {  	s1 =	sadd.s32 $0xFFFFFFE0, s25;
	v62 =	vld [tilespmem:s29+$0xFFFFFFE0];
	[tilespmem:v48+s21+$0x0] =	vst.idx.msk vm1, v53  }
0xd9: {  	v57 =	vsel vm5, $0x3F800000, v5;
	s30 =	sadd.s32 $0xFFFFFFF0, s25;
	v56 =	vor.u32 s1, v0;
	vm0 =	vgt.s32 v19, v7;
	v61 =	vld [tilespmem:s29+$0x30];
	[tilespmem:v24+s20+$0x0] =	vst.idx.msk vm10, v17  }
0xda: {  	v58 =	vor.u32 s30, v0;
	v59 =	vsel vm0, $0x3F800000, v5;
	vm0 =	vgt.s32 v23, v7;
	v63 =	vld [tilespmem:s29+$0xFFFFFFF0];
	[tilespmem:v24+s21+$0x0] =	vst.idx.msk vm10, v56  }
0xdb: {  	v20 =	vadd.f32 v54, v57;
	v12 =	vsel vm0, $0x3F800000, v5;
	vm0 =	vgt.s32 v15, v7;
	[tilespmem:v25+s20+$0x0] =	vst.idx.msk vm3, v37;
	v10 =	vld [tilespmem:s29+$0x0]  }
0xdc: {  	v60 =	vadd.f32 v55, v59;
	v13 =	vsel vm0, $0x3F800000, v5;
	[tilespmem:v25+s21+$0x0] =	vst.idx.msk vm3, v58;
	v15 =	vld [tilespmem:s29+$0x10]  }
0xdd: {  	[tilespmem:s29+$0xFFFFFFC0] =	vst v20;
	vm0 =	vgt.s32 v14, v7;
	v11 =	vadd.f32 v62, v13;
	v14 =	vld [tilespmem:s29+$0x20]  }
0xde: {  	[tilespmem:s29+$0xFFFFFFD0] =	vst v60;
	v9 =	vadd.f32 v61, v12;
	v12 =	vsel vm0, $0x3F800000, v5;
	vm0 =	vgt.s32 v18, v7  }
0xdf: {  	[tilespmem:s29+$0xFFFFFFE0] =	vst v11;
	v13 =	vsel vm0, $0x3F800000, v5;
	vm0 =	vgt.s32 v17, v7;
	v12 =	vadd.f32 v63, v12  }
0xe0: {  	[tilespmem:s29+$0x30] =	vst v9;
	v9 =	vsel vm0, $0x3F800000, v5;
	vm0 =	vgt.s32 v37, v7;
	v10 =	vadd.f32 v10, v13  }
0xe1: {  	v11 =	vsel vm0, $0x3F800000, v5;
	v9 =	vadd.f32 v15, v9;
	[tilespmem:s29+$0xFFFFFFF0] =	vst v12  }
0xe2: {  	v11 =	vadd.f32 v14, v11;
	[tilespmem:s29+$0x0] =	vst v10  }
0xe3: {  	[tilespmem:s29+$0x10] =	vst v9  }
0xe4: {  	s31 =	simm.s32 $0x0;
	[tilespmem:s29+$0x20] =	vst v11  }
0xe5: {  	v10 =	vld [tilespmem:s31+$0x10000];
	_ =	sdelay $0x3  }
0xe6: {  	vm1 =	vmmov vm3  }
0xe7: {  	vm1 =	veq.s32 v10, v7  }
0xe8: {  	v10 =	vsel vm1, $0x1, v4  }
0xe9: {  	(xrf0) =	vadd.scan.msk.s32 $0xffff, v10;
	_ =	sdelay $0x1  }
0xea: {  	v10 =	vld [tilespmem:s31+$0x10400];
	_ =	sdelay $0x2  }
0xeb: {  	v8 =	vadd.s32 $0xFFFFFFFF, v8;
	v9 =	vimm.s32 $0x0  }
0xec: {  	v11 =	vadd.s32 v9, v8;
	v12, _, _ =	vpop (xrf0)  }
0xed: {  	v10 =	vsub.s32 v10, v2;
	v11 =	vadd.s32 v12, v11  }
0xee: {  	vm2 =	vgt.s32 v10, $0x0;
	vm0 =	vlt.s32 v11, v6  }
0xef: {  	v10 =	vnsel vm2, $0x0, v10;
	vm0 =	vmand vm1, vm0  }
0xf0: {  	v11 =	vmin.u32 v10, $0x7FFF;
	_ =	sdelay $0x4  }
0xf1: {  	v12 =	vld.idx.msk [tilespmem:v11+s14+$0x0], vm0;
	_ =	sdelay $0x1  }
0xf2: {  	v10 =	vmpcnt.ones.xlane vm1;
	_ =	sdelay $0x1  }
0xf3: {  	v10 =	vadd.s32 v9, v10  }
0xf4: {  	s23 =	simm.s32 $0x40;
	s24 =	simm.s32 $0x80;
	v9 =	vmov v10;
	v12 =	vadd.f32 $1.000000000e+00, v12  }
.LBB2_6:
0xf5: {  	p2 =	sne.s32 s24, $0xFC0  }
0xf6: {  	s0 =	sshra.s32 s23, $0x2;
	s23 =	smov.u32 s24;
	s24 =	sadd.s32 $0x40, s24;
	[tilespmem:v11+s14+$0x0] =	vst.idx.msk vm0, v12  }
0xf7: {  	v11 =	vld [tilespmem:s0+$0x10000];
	_ =	sdelay $0x4  }
0xf8: {  	vm0 =	veq.s32 v11, v7  }
0xf9: {  	v11 =	vsel vm0, $0x1, v4;
	v12 =	vmpcnt.ones.xlane vm0  }
0xfa: {  	(xrf0) =	vadd.scan.msk.s32 $0xffff, v11  }
0xfb: {  	v10 =	vadd.s32 v10, v12  }
0xfc: {  	v11 =	vld [tilespmem:s0+$0x10400];
	_ =	sdelay $0x3  }
0xfd: {  	v12 =	vadd.s32 v9, v8;
	v9 =	vmov v10;
	v13, _, _ =	vpop (xrf0)  }
0xfe: {  	v12 =	vadd.s32 v13, v12;
	v11 =	vsub.s32 v11, v2  }
0xff: {  	vm1 =	vlt.s32 v12, v6;
	vm2 =	vgt.s32 v11, $0x0  }
0x100: {  	vm0 =	vmand vm0, vm1;
	v11 =	vnsel vm2, $0x0, v11  }
0x101: {  	v11 =	vmin.u32 v11, $0x7FFF;
	_ =	sdelay $0x4  }
0x102: {  	v12 =	vld.idx.msk [tilespmem:v11+s14+$0x0], vm0;
	_ =	sdelay $0x1  }
.Ltmp2:
0x103: {  	(pc) =	sbr.rel @p2 .LBB2_6-.Ltmp2, $2  }
0x104: {  	_ =	sdelay $0x2  }
0x105: {  	v12 =	vadd.f32 $1.000000000e+00, v12  }
0x106: {  	_ =	sdelay $0x4  }
0x107: {  	s0 =	sshra.s32 s23, $0x2;
	[tilespmem:v11+s14+$0x0] =	vst.idx.msk vm0, v12  }
0x108: {  	v10 =	vld [tilespmem:s0+$0x10000];
	_ =	sdelay $0x4  }
0x109: {  	vm15 =	veq.s32 v10, v7  }
0x10a: {  	v7 =	vsel vm15, $0x1, v4  }
0x10b: {  	(xrf0) =	vadd.scan.msk.s32 $0xffff, v7;
	_ =	sdelay $0x1  }
0x10c: {  	v7 =	vld [tilespmem:s0+$0x10400];
	_ =	sdelay $0x3  }
0x10d: {  	v8 =	vadd.s32 v9, v8;
	v63, _, _ =	vpop (xrf0)  }
0x10e: {  	v7 =	vsub.s32 v7, v2;
	v8 =	vadd.s32 v63, v8  }
0x10f: {  	vm2 =	vgt.s32 v7, $0x0;
	vm1 =	vlt.s32 v8, v6  }
0x110: {  	v6 =	vnsel vm2, $0x0, v7;
	vm0 =	vmand vm15, vm1  }
0x111: {  	v6 =	vmin.u32 v6, $0x7FFF;
	_ =	sdelay $0x4  }
0x112: {  	v7 =	vld.idx.msk [tilespmem:v6+s14+$0x0], vm0;
	_ =	sdelay $0x4  }
0x113: {  	v7 =	vadd.f32 $1.000000000e+00, v7;
	_ =	sdelay $0x1  }
0x114: {  	s1 =	simm.s32 @!p1 $0x8000;
	s0 =	simm.s32 @!p1 $0x0;
	[tilespmem:v6+s14+$0x0] =	vst.idx.msk vm0, v7  }
0x115: {  	[hbm4b:s9+s0] =	stream.linear.scatter @!p1 [tilespmem:s1], [sflag:$0x2], $0x4240, $0x38;
	[tilespmem:$0x10980] =	vst v63  }
0x116: {  	s0 =	simm.s32 @!p1 $0x2  }
0x117: {  	_ =	swait.ge @!p1 [sflag:s0], $0x4240  }
0x118: {  	[sflag:s0] =	ssyncset.done @!p1 $0x0  }
0x119: {  	s1 =	simm.s32 @!p0 $0x8000;
	[sflag:s0] =	ssyncadd.s32 @!p1 $0xFFFFBDC0;
	s0 =	simm.s32 @!p0 $0x0  }
0x11a: {  	[hbm4b:s10+s0] =	stream.linear.scatter @!p0 [tilespmem:s1], [sflag:$0x2], $0x8000, $0x38;
	[tilespmem:$0x10980] =	vst v63  }
0x11b: {  	s0 =	simm.s32 @!p0 $0x2  }
0x11c: {  	_ =	swait.ge @!p0 [sflag:s0], $0x8000  }
0x11d: {  	[sflag:s0] =	ssyncset.done @!p0 $0x0  }
0x11e: {  	[sflag:s0] =	ssyncadd.s32 @!p0 $0xFFFF8000  }
0x11f: {  	[hbm4b:s11+s2] =	stream.linear.scatter [tilespmem:s20], [sflag:$0x2], $0x400, $0x38;
	[tilespmem:$0x10980] =	vst v63  }
0x120: {  	s22 =	sadd.s32 $0x1, s22;
	_ =	swait.ge [sflag:s16], $0x400  }
0x121: {  	p2 =	sne.s32 s22, s13;
	[sflag:s16] =	ssyncset.done $0x0  }
.Ltmp3:
0x122: {  	[sflag:s16] =	ssyncadd.s32 $0xFFFFFC00;
	(pc) =	sbr.rel @p2 .LBB2_1-.Ltmp3, $4  }
0x123: {  	[hbm4b:s12+s2] =	stream.linear.scatter [tilespmem:s21], [sflag:$0x2], $0x400, $0x38;
	[tilespmem:$0x10980] =	vst v63  }
0x124: {  	_ =	swait.ge [sflag:s16], $0x400  }
0x125: {  	[sflag:s16] =	ssyncset.done $0x0  }
0x126: {  	[sflag:s16] =	ssyncadd.s32 $0xFFFFFC00  }
0x127: {  	_ =	sfence.sel $0x180000  }
0x128: {  	[bflag:$0x0] =	sbarrier.arrive $0xFFFF  }
0x129: {  	_ =	strace $0x90000047  }
0x12a: {  	s0 =	stileid.u32;
	[bflag:$0x2] =	sbarrier.arrive $0xFFFF  }
0x12b: {  	p0 =	sne.s32 s0, $0x0;
	s0 =	rddreg [dreg:$0x4]  }
0x12c: {  	s0 =	sadd.s32 @!p0 $0x100000, s0  }
0x12d: {  	[sflag:s0] =	ssyncadd.tile.s32 @!p0 $0x1;
	_ =	shalt  }
.Lfunc_end2:
_tile_overlayer_lowered:
.L_overlay_start_2:
0x12e: {  	(tag) =	ssettag $0x2  }
0x12f: {  	s0 =	rddreg [dreg:$0x0];
	s2 =	stileid.u32  }
0x130: {  	s1 =	rddreg [dreg:$0x1];
	p0 =	sne.s32 s2, $0x0  }
0x131: {  	s3 =	rddreg [dreg:$0x2];
	[bflag:$0x3] =	sbarrier.arrive $0xFFFF;
	s2 =	simm.s32 @!p0 $0x1C02  }
0x132: {  	[timem:s3], [sflag:s2] =	dma.local @!p0 [hbm:s0], s1  }
0x133: {  	s0 =	simm.s32 @!p0 $0x2  }
0x134: {  	_ =	swait.ge @!p0 [sflag:s0], s1  }
0x135: {  	s1 =	ssub.s32 @!p0 $0x0, s1;
	[sflag:s0] =	ssyncset.done @!p0 $0x0  }
0x136: {  	[sflag:s0] =	ssyncadd.s32 @!p0 s1  }
0x137: {  	[bflag:$0x3] =	sbarrier.arrive $0xFFFF  }
0x138: {  	_ =	shalt  }

</sc_bundles>
